<compile_context>
chip_gen: v7x
topology: tpu7x:2x2x1
jax: 0.10.2.dev20260603
libtpu: 0.0.44.dev20260713+nightly
codegen_flags: <defaults>
</compile_context>

<pallas_src>
import jax
import jax.numpy as jnp
from jax import lax
from jax.experimental import pallas as pl
from jax.experimental.pallas import tpu as pltpu
from jax.experimental.pallas import tpu_sc as plsc

_B, _P, _C, _G = 32, 8732, 21, 10
_R = 70
_L = 128
_PP = _R * _L
_THR = 0.5
_NEGPOS = 3.0

_NC, _NS, _SL = 2, 16, 16


def _body_tc(tgt_ref, anch_ref, locp_ref, conf_ref, stats_ref, clsl_ref):
    b = pl.program_id(0)
    f32 = jnp.float32

    a_x = anch_ref[0]
    a_y = anch_ref[1]
    a_w = anch_ref[2]
    a_h = anch_ref[3]
    ax2 = a_x + a_w
    ay2 = a_y + a_h
    area_a = a_w * a_h

    p_idx = (
        jax.lax.broadcasted_iota(jnp.int32, (_R, _L), 0) * _L
        + jax.lax.broadcasted_iota(jnp.int32, (_R, _L), 1)
    )
    valid = p_idx < _P

    bto = jnp.full((_R, _L), -1.0, f32)
    bti = jnp.zeros((_R, _L), jnp.int32)
    ibp = jnp.zeros((_R, _L), jnp.bool_)
    t_forced = jnp.zeros((_R, _L), jnp.int32)
    tr = []
    for g in range(_G):
        t1x = tgt_ref[b, g, 0]
        t1y = tgt_ref[b, g, 1]
        t2x = tgt_ref[b, g, 2]
        t2y = tgt_ref[b, g, 3]
        tc = tgt_ref[b, g, 4]
        tw = t2x - t1x
        th = t2y - t1y
        tr.append((t1x, t1y, tw, th, tc))
        iw = jnp.maximum(jnp.minimum(t2x, ax2) - jnp.maximum(t1x, a_x), 0.0)
        ih = jnp.maximum(jnp.minimum(t2y, ay2) - jnp.maximum(t1y, a_y), 0.0)
        inter = iw * ih
        iou = inter / (tw * th + area_a - inter)
        upd = iou > bto
        bto = jnp.where(upd, iou, bto)
        bti = jnp.where(upd, g, bti)
        m_g = jnp.max(iou, axis=(0, 1), keepdims=True)
        idx_g = jnp.min(
            jnp.where(iou == m_g, p_idx, _PP), axis=(0, 1), keepdims=True
        )
        hit = p_idx == idx_g
        ibp = jnp.logical_or(ibp, hit)
        t_forced = jnp.where(hit, g, t_forced)

    over_t = bto > _THR
    pos = jnp.logical_or(over_t, ibp)
    posf = pos.astype(f32)
    tsel = jnp.where(over_t, bti, t_forced)

    g1x = jnp.zeros((_R, _L), f32)
    g1y = jnp.zeros((_R, _L), f32)
    gw = jnp.ones((_R, _L), f32)
    gh = jnp.ones((_R, _L), f32)
    gcls = jnp.zeros((_R, _L), f32)
    for g in range(_G):
        sel = tsel == g
        t1x, t1y, tw, th, tc = tr[g]
        g1x = jnp.where(sel, t1x, g1x)
        g1y = jnp.where(sel, t1y, g1y)
        gw = jnp.where(sel, tw, gw)
        gh = jnp.where(sel, th, gh)
        gcls = jnp.where(sel, tc, gcls)

    e_x = (g1x - a_x) / a_w
    e_y = (g1y - a_y) / a_h
    e_w = jnp.log(gw) - jnp.log(a_w)
    e_h = jnp.log(gh) - jnp.log(a_h)

    loc_loss = jnp.zeros((), f32)
    for i, e in enumerate((e_x, e_y, e_w, e_h)):
        d = (locp_ref[0, i] - e) * posf
        ad = jnp.abs(d)
        loc_loss += jnp.sum(jnp.where(ad < 1.0, 0.5 * ad * ad, ad - 0.5))

    num_pos = jnp.sum(posf)
    k = jnp.minimum(_NEGPOS * num_pos, float(_P - 1))

    cls_i = jnp.where(pos, gcls, 0.0).astype(jnp.int32)
    x0 = conf_ref[0, 0]
    s = jnp.exp(x0)
    xsel = jnp.where(cls_i == 0, x0, 0.0)
    for c in range(1, _C):
        xc = conf_ref[0, c]
        s += jnp.exp(xc)
        xsel += jnp.where(cls_i == c, xc, 0.0)
    lse = jnp.log(s)
    cls_pos = jnp.sum((lse - xsel) * posf)

    cls_l = jnp.where(valid, (lse - x0) * (1.0 - posf), 0.0)
    clsl_ref[0] = cls_l

    stats_ref[0, 0, 0] = loc_loss
    stats_ref[0, 0, 1] = cls_pos
    stats_ref[0, 0, 2] = num_pos
    stats_ref[0, 0, 3] = k
    for i in range(4, 16):
        stats_ref[0, 0, i] = 0.0
    for i in range(16):
        stats_ref[0, 1, i] = k


def _splat(vec_val):
    return jnp.full((_SL,), jnp.max(vec_val, axis=0))


def _suffix_search(hist_ref, kf, iota):
    acc = jnp.zeros((_SL,), jnp.float32)
    emax = jnp.full((_SL,), -1, jnp.int32)
    for g in range(15, -1, -1):
        cnt_g = hist_ref[pl.ds(16 * g, 16)]
        sfx = lax.rev(plsc.cumsum(lax.rev(cnt_g, (0,))), (0,)) + acc
        cond = sfx >= kf
        cand = jnp.where(cond, 16 * g + iota, -1)
        emax = jnp.maximum(emax, cand)
        acc = jnp.full((_SL,), jnp.max(sfx, axis=0))
    return jnp.full((_SL,), jnp.max(emax, axis=0))


def _body_sc(clsl_hbm, stats_hbm, out_hbm, buf, svec, h1c, h1s, h2c, h2s, vout):
    f32 = jnp.float32
    i32 = jnp.int32
    wid = lax.axis_index("s") * _NC + lax.axis_index("c")

    pltpu.sync_copy(clsl_hbm.at[wid], buf)
    pltpu.sync_copy(stats_hbm.at[wid], svec)

    iota = jax.lax.broadcasted_iota(i32, (_SL,), 0)
    ones = jnp.ones((_SL,), f32)
    zeros = jnp.zeros((_SL,), f32)

    kf = svec[1, pl.ds(0, 16)]

    def zero_hists(j, carry):
        h1c[pl.ds(16 * j, 16)] = zeros
        h1s[pl.ds(16 * j, 16)] = zeros
        h2c[pl.ds(16 * j, 16)] = zeros
        h2s[pl.ds(16 * j, 16)] = zeros
        return carry

    lax.fori_loop(0, 16, zero_hists, 0)

    def p1(i, nz):
        r = i // 8
        c = i % 8
        v = buf[r, pl.ds(16 * c, 16)]
        key = jnp.minimum((v * 16.0).astype(i32), 255)
        plsc.addupdate_scatter(h1c, [key], ones)
        plsc.addupdate_scatter(h1s, [key], v)
        return nz + jnp.where(v > 0.0, 1.0, 0.0)

    nzv = lax.fori_loop(0, _R * 8, p1, jnp.zeros((_SL,), f32))
    cnt_nz = _splat(plsc.cumsum(nzv))

    estar = _suffix_search(h1c, kf, iota)

    acc_c = jnp.zeros((_SL,), f32)
    acc_s = jnp.zeros((_SL,), f32)
    for g in range(16):
        idxs = 16 * g + iota
        m = idxs > estar
        acc_c = acc_c + jnp.where(m, h1c[pl.ds(16 * g, 16)], 0.0)
        acc_s = acc_s + jnp.where(m, h1s[pl.ds(16 * g, 16)], 0.0)
    cnt_above = _splat(plsc.cumsum(acc_c))
    sum_above = _splat(plsc.cumsum(acc_s))

    estar_f = estar.astype(f32)

    def p2(i, carry):
        r = i // 8
        c = i % 8
        v = buf[r, pl.ds(16 * c, 16)]
        v16 = v * 16.0
        inbin = jnp.minimum(v16.astype(i32), 255) == estar
        key2 = jnp.clip((v16 - estar_f) * 256.0, 0.0, 255.0).astype(i32)
        plsc.addupdate_scatter(h2c, [key2], ones, mask=inbin)
        plsc.addupdate_scatter(h2s, [key2], v, mask=inbin)
        return carry

    lax.fori_loop(0, _R * 8, p2, 0)

    k2 = jnp.maximum(kf - cnt_above, 0.0)
    mstar = _suffix_search(h2c, k2, iota)

    acc_c2 = jnp.zeros((_SL,), f32)
    acc_s2 = jnp.zeros((_SL,), f32)
    acc_cb = jnp.zeros((_SL,), f32)
    acc_sb = jnp.zeros((_SL,), f32)
    for g in range(16):
        idxs = 16 * g + iota
        m = idxs > mstar
        meq = idxs == mstar
        hc = h2c[pl.ds(16 * g, 16)]
        hs = h2s[pl.ds(16 * g, 16)]
        acc_c2 = acc_c2 + jnp.where(m, hc, 0.0)
        acc_s2 = acc_s2 + jnp.where(m, hs, 0.0)
        acc_cb = acc_cb + jnp.where(meq, hc, 0.0)
        acc_sb = acc_sb + jnp.where(meq, hs, 0.0)
    cnt2_above = _splat(plsc.cumsum(acc_c2))
    sum2_above = _splat(plsc.cumsum(acc_s2))
    cbin = _splat(plsc.cumsum(acc_cb))
    sbin = _splat(plsc.cumsum(acc_sb))
    avg = sbin / jnp.maximum(cbin, 1.0)

    r = jnp.maximum(kf - cnt_above - cnt2_above, 0.0)
    s_neg = sum_above + sum2_above + r * avg
    s_neg = jnp.where(kf > 0.5, s_neg, 0.0)

    minkn = jnp.minimum(kf, cnt_nz)

    out = jnp.where(iota == 0, s_neg, jnp.where(iota == 1, minkn, 0.0))
    vout[...] = out
    pltpu.sync_copy(vout, out_hbm.at[wid, 0])


@jax.jit
def kernel(loc_pred, conf_pred, targets, anchors):
    pad = _PP - _P
    conf_t = jnp.pad(
        jnp.transpose(conf_pred, (0, 2, 1)), ((0, 0), (0, 0), (0, pad))
    ).reshape(_B, _C, _R, _L)
    locp_t = jnp.pad(
        jnp.transpose(loc_pred, (0, 2, 1)), ((0, 0), (0, 0), (0, pad))
    ).reshape(_B, 4, _R, _L)
    anch_pad = jnp.concatenate(
        [jnp.full((pad, 2), 2.0), jnp.full((pad, 2), 0.01)], axis=1
    ).astype(jnp.float32)
    anch_t = (
        jnp.transpose(jnp.concatenate([anchors, anch_pad], axis=0), (1, 0))
        .reshape(4, _R, _L)
    )

    stats, cls_l = _tc_call(targets, anch_t, locp_t, conf_t)
    sc_out = _sc_call(cls_l, stats)

    loc_loss = jnp.sum(stats[:, 0, 0])
    cls_pos = jnp.sum(stats[:, 0, 1])
    n = jnp.sum(stats[:, 0, 2])
    s_neg = jnp.sum(sc_out[:, 0, 0])
    num_sel = n + jnp.sum(sc_out[:, 0, 1])
    cls_loss = cls_pos + s_neg + (_B * _P - num_sel) * jnp.log(jnp.float32(_C))
    return (loc_loss / n, cls_loss / n)


def _tc_call(targets, anch_t, locp_t, conf_t):
    return pl.pallas_call(
        _body_tc,
        grid=(_B,),
        in_specs=[
            pl.BlockSpec(memory_space=pltpu.SMEM),
            pl.BlockSpec((4, _R, _L), lambda b: (0, 0, 0)),
            pl.BlockSpec((1, 4, _R, _L), lambda b: (b, 0, 0, 0)),
            pl.BlockSpec((1, _C, _R, _L), lambda b: (b, 0, 0, 0)),
        ],
        out_specs=[
            pl.BlockSpec(
                (1, 2, 16), lambda b: (b, 0, 0), memory_space=pltpu.SMEM
            ),
            pl.BlockSpec((1, _R, _L), lambda b: (b, 0, 0)),
        ],
        out_shape=[
            jax.ShapeDtypeStruct((_B, 2, 16), jnp.float32),
            jax.ShapeDtypeStruct((_B, _R, _L), jnp.float32),
        ],
        compiler_params=pltpu.CompilerParams(
            dimension_semantics=("parallel",),
        ),
    )(targets, anch_t, locp_t, conf_t)


def _sc_call(cls_l, stats):
    mesh = plsc.VectorSubcoreMesh(
        core_axis_name="c", subcore_axis_name="s",
        num_cores=_NC, num_subcores=_NS,
    )
    return pl.kernel(
        _body_sc,
        mesh=mesh,
        compiler_params=pltpu.CompilerParams(needs_layout_passes=False),
        out_type=jax.ShapeDtypeStruct((_B, 1, _SL), jnp.float32),
        scratch_types=[
            pltpu.VMEM((_R, _L), jnp.float32),
            pltpu.VMEM((2, _SL), jnp.float32),
            pltpu.VMEM((256,), jnp.float32),
            pltpu.VMEM((256,), jnp.float32),
            pltpu.VMEM((256,), jnp.float32),
            pltpu.VMEM((256,), jnp.float32),
            pltpu.VMEM((_SL,), jnp.float32),
        ],
    )(cls_l, stats)

# --- scband reference (transcript-rebuilt; emitter-appended) ---
"""Pipeline reference for scband-multibox-loss-57578331571031 (READ-ONLY COPY).

The authoritative reference and input builder live on the scoring server;
editing this copy changes nothing except your own understanding.
"""

import jax, jax.numpy as jnp
import numpy as np

NEGPOS_RATIO = 3.0
THRESHOLD = 0.5
B, P, C, G = 32, 8732, 21, 10


def _box_xywh_to_xyxy(b):
    return jnp.concatenate([b[:, :2], b[:, :2] + b[:, 2:]], axis=1)


def _box_xyxy_to_xywh(b):
    return jnp.concatenate([b[:, :2], b[:, 2:] - b[:, :2]], axis=1)


def _box_iou(a, b):
    area_a = (a[:, 2] - a[:, 0]) * (a[:, 3] - a[:, 1])
    area_b = (b[:, 2] - b[:, 0]) * (b[:, 3] - b[:, 1])
    lt = jnp.maximum(a[:, None, :2], b[None, :, :2])
    rb = jnp.minimum(a[:, None, 2:], b[None, :, 2:])
    wh = jnp.clip(rb - lt, 0.0, None)
    inter = wh[..., 0] * wh[..., 1]
    return inter / (area_a[:, None] + area_b[None, :] - inter)


def _encode(matched, priors):
    g_cxcy = (matched[:, :2] - priors[:, :2]) / priors[:, 2:]
    g_wh = jnp.log(matched[:, 2:]) - jnp.log(priors[:, 2:])
    return jnp.concatenate([g_cxcy, g_wh], axis=1)


def _match(truths, anchors, threshold):
    overlaps = _box_iou(truths[:, :-1], _box_xywh_to_xyxy(anchors))
    tmp_truths = _box_xyxy_to_xywh(truths[:, :-1])
    best_prior_idx = jnp.argmax(overlaps, axis=1)
    first = _encode(tmp_truths, anchors[best_prior_idx])
    ph = jnp.zeros((anchors.shape[0], 5), jnp.float32)
    ph = ph.at[best_prior_idx].set(jnp.concatenate([first, truths[:, 4:5]], axis=1))
    best_truth_overlap = jnp.max(overlaps, axis=0)
    best_truth_idx = jnp.argmax(overlaps, axis=0)
    over_t = best_truth_overlap > threshold
    second = _encode(tmp_truths[best_truth_idx], anchors)
    cand = jnp.concatenate([second, truths[best_truth_idx][:, 4:5]], axis=1)
    ph = jnp.where(over_t[:, None], cand, ph)
    return ph


def setup_inputs(seed: int = 0) -> dict:
    key = jax.random.key(seed)
    k1, k2, k3, k4, k5, k6, k7 = jax.random.split(key, 7)
    loc_pred = jax.random.normal(k1, (B, P, 4), jnp.float32)
    conf_pred = jax.random.normal(k2, (B, P, C), jnp.float32)
    cxy = jax.random.uniform(k3, (B, G, 2), minval=0.15, maxval=0.85)
    wh = jax.random.uniform(k4, (B, G, 2), minval=0.05, maxval=0.25)
    cls = jax.random.randint(k5, (B, G, 1), 1, C).astype(jnp.float32)
    targets = jnp.concatenate([cxy - wh / 2.0, cxy + wh / 2.0, cls], axis=2)
    axy = jax.random.uniform(k6, (P, 2), minval=0.0, maxval=0.9)
    awh = jax.random.uniform(k7, (P, 2), minval=0.05, maxval=0.3)
    anchors = jnp.concatenate([axy, awh], axis=1)
    return {"loc_pred": loc_pred, "conf_pred": conf_pred, "targets": targets, "anchors": anchors}


def reference(loc_pred, conf_pred, targets, anchors):
    batch_size, num_priors, _ = loc_pred.shape
    num_classes = conf_pred.shape[2]
    ph = jnp.stack([_match(targets[b], anchors, THRESHOLD) for b in range(batch_size)])
    pos = ph[:, :, 4] > 0
    num_pos = jnp.sum(pos.astype(jnp.int32), axis=1, keepdims=True)
    num_neg = jnp.clip(NEGPOS_RATIO * num_pos.astype(jnp.float32), None, num_priors - 1)
    posf = pos.astype(jnp.float32)[..., None]
    diff = loc_pred * posf - ph[:, :, :4] * posf
    absd = jnp.abs(diff)
    loc_loss = jnp.sum(jnp.where(absd < 1.0, 0.5 * absd * absd, absd - 0.5))
    # hard negative mining
    batch_conf = conf_pred.reshape(-1, num_classes)
    lse = jax.nn.logsumexp(batch_conf, axis=1)
    tgt_all = ph[:, :, 4].reshape(-1).astype(jnp.int32)
    cls_l = lse - batch_conf[jnp.arange(batch_size * num_priors), tgt_all]
    cls_l = cls_l.reshape(batch_size, num_priors) * (1.0 - pos.astype(jnp.float32))
    loss_idx = jnp.argsort(-cls_l, axis=1)
    idx_rank = jnp.argsort(loss_idx, axis=1)
    neg = idx_rank < num_neg
    final = jnp.logical_or(pos, neg)
    logits = (conf_pred * final.astype(jnp.float32)[..., None]).reshape(-1, num_classes)
    tgt = (ph[:, :, 4] * final.astype(jnp.float32)).reshape(-1).astype(jnp.int32)
    logZ = jax.nn.logsumexp(logits, axis=1)
    cls_loss = jnp.sum(logZ - logits[jnp.arange(batch_size * num_priors), tgt])
    N = jnp.sum(num_pos).astype(jnp.float32)
    return (loc_loss / N, cls_loss / N)

if __name__ == "__main__":
    import jax
    _d = setup_inputs()
    print(jax.jit(kernel)(*tuple(_d.values())))

</pallas_src>

<mosaic_0001>
#map = affine_map<(d0, d1) -> (0, 0, 0)>
module attributes {stable_mosaic.version = 14 : i64} {
  func.func @_body_sc(%arg0: i32, %arg1: i32, %arg2: memref<32x70x128xf32, #tpu.memory_space<hbm>>, %arg3: memref<32x2x16xf32, #tpu.memory_space<hbm>>, %arg4: memref<32x1x16xf32, #tpu.memory_space<hbm>>, %arg5: memref<70x128xf32, #tpu.memory_space<vmem>>, %arg6: memref<2x16xf32, #tpu.memory_space<vmem>>, %arg7: memref<256xf32, #tpu.memory_space<vmem>>, %arg8: memref<256xf32, #tpu.memory_space<vmem>>, %arg9: memref<256xf32, #tpu.memory_space<vmem>>, %arg10: memref<256xf32, #tpu.memory_space<vmem>>, %arg11: memref<16xf32, #tpu.memory_space<vmem>>) attributes {dimension_semantics = [#tpu.dimension_semantics<core_parallel>, #tpu.dimension_semantics<subcore_parallel>], iteration_bounds = array<i64: 2, 16>, scalar_prefetch = 0 : i64, scratch_operands = 7 : i64, tpu.core_type = #tpu.core_type<sc_vector_subcore>, window_params = [{transform_indices = #map}, {transform_indices = #map}, {transform_indices = #map}]} {
    %mul3A = arith.constant 2 : i32
    %mul3A_0 = arith.muli %arg1, %mul3A : i32
    %add3A = arith.addi %mul3A_0, %arg0 : i32
    "tpu.region"() ({
      %run_scoped3A_1726 = tpu.sem_alloc : memref<!tpu.dma_semaphore, #tpu.memory_space<semaphore_mem>>
      %dma_start3A = arith.constant 0 : i32
      %dma_start3A_1727 = arith.constant 0 : i32
      %dma_start3A_1728 = tpu.memref_slice %arg2[%add3A, %dma_start3A, %dma_start3A_1727] : memref<32x70x128xf32, #tpu.memory_space<hbm>> -> memref<1x70x128xf32, #tpu.memory_space<hbm>>
      %dma_start3A_1729 = tpu.memref_squeeze %dma_start3A_1728 : memref<1x70x128xf32, #tpu.memory_space<hbm>> -> memref<70x128xf32, #tpu.memory_space<hbm>>
      %dma_start3A_1730 = arith.constant 0 : i32
      %dma_start3A_1731 = arith.constant 0 : i32
      %dma_start3A_1732 = tpu.memref_slice %arg2[%add3A, %dma_start3A_1730, %dma_start3A_1731] : memref<32x70x128xf32, #tpu.memory_space<hbm>> -> memref<1x70x128xf32, #tpu.memory_space<hbm>>
      %dma_start3A_1733 = tpu.memref_squeeze %dma_start3A_1732 : memref<1x70x128xf32, #tpu.memory_space<hbm>> -> memref<70x128xf32, #tpu.memory_space<hbm>>
      tpu.enqueue_dma source(%dma_start3A_1733 : memref<70x128xf32, #tpu.memory_space<hbm>>) target(%arg5 : memref<70x128xf32, #tpu.memory_space<vmem>>) target_semaphore(%run_scoped3A_1726 : memref<!tpu.dma_semaphore, #tpu.memory_space<semaphore_mem>>)
      %dma_wait3A = arith.constant 0 : i32
      %dma_wait3A_1734 = arith.constant 0 : i32
      %dma_wait3A_1735 = tpu.memref_slice %arg2[%add3A, %dma_wait3A, %dma_wait3A_1734] : memref<32x70x128xf32, #tpu.memory_space<hbm>> -> memref<1x70x128xf32, #tpu.memory_space<hbm>>
      %dma_wait3A_1736 = tpu.memref_squeeze %dma_wait3A_1735 : memref<1x70x128xf32, #tpu.memory_space<hbm>> -> memref<70x128xf32, #tpu.memory_space<hbm>>
      %dma_wait3A_1737 = arith.constant 0 : i32
      %dma_wait3A_1738 = arith.constant 0 : i32
      %dma_wait3A_1739 = tpu.memref_slice %arg2[%add3A, %dma_wait3A_1737, %dma_wait3A_1738] : memref<32x70x128xf32, #tpu.memory_space<hbm>> -> memref<1x70x128xf32, #tpu.memory_space<hbm>>
      %dma_wait3A_1740 = tpu.memref_squeeze %dma_wait3A_1739 : memref<1x70x128xf32, #tpu.memory_space<hbm>> -> memref<70x128xf32, #tpu.memory_space<hbm>>
      tpu.wait_dma2 semaphore(%run_scoped3A_1726 : memref<!tpu.dma_semaphore, #tpu.memory_space<semaphore_mem>>) src(%dma_wait3A_1740 : memref<70x128xf32, #tpu.memory_space<hbm>>) dst(%arg5 : memref<70x128xf32, #tpu.memory_space<vmem>>)
      tpu.yield
    }) : () -> ()
    "tpu.region"() ({
      %run_scoped3A_1726 = tpu.sem_alloc : memref<!tpu.dma_semaphore, #tpu.memory_space<semaphore_mem>>
      %dma_start3A = arith.constant 0 : i32
      %dma_start3A_1727 = arith.constant 0 : i32
      %dma_start3A_1728 = tpu.memref_slice %arg3[%add3A, %dma_start3A, %dma_start3A_1727] : memref<32x2x16xf32, #tpu.memory_space<hbm>> -> memref<1x2x16xf32, #tpu.memory_space<hbm>>
      %dma_start3A_1729 = tpu.memref_squeeze %dma_start3A_1728 : memref<1x2x16xf32, #tpu.memory_space<hbm>> -> memref<2x16xf32, #tpu.memory_space<hbm>>
      %dma_start3A_1730 = arith.constant 0 : i32
      %dma_start3A_1731 = arith.constant 0 : i32
      %dma_start3A_1732 = tpu.memref_slice %arg3[%add3A, %dma_start3A_1730, %dma_start3A_1731] : memref<32x2x16xf32, #tpu.memory_space<hbm>> -> memref<1x2x16xf32, #tpu.memory_space<hbm>>
      %dma_start3A_1733 = tpu.memref_squeeze %dma_start3A_1732 : memref<1x2x16xf32, #tpu.memory_space<hbm>> -> memref<2x16xf32, #tpu.memory_space<hbm>>
      tpu.enqueue_dma source(%dma_start3A_1733 : memref<2x16xf32, #tpu.memory_space<hbm>>) target(%arg6 : memref<2x16xf32, #tpu.memory_space<vmem>>) target_semaphore(%run_scoped3A_1726 : memref<!tpu.dma_semaphore, #tpu.memory_space<semaphore_mem>>)
      %dma_wait3A = arith.constant 0 : i32
      %dma_wait3A_1734 = arith.constant 0 : i32
      %dma_wait3A_1735 = tpu.memref_slice %arg3[%add3A, %dma_wait3A, %dma_wait3A_1734] : memref<32x2x16xf32, #tpu.memory_space<hbm>> -> memref<1x2x16xf32, #tpu.memory_space<hbm>>
      %dma_wait3A_1736 = tpu.memref_squeeze %dma_wait3A_1735 : memref<1x2x16xf32, #tpu.memory_space<hbm>> -> memref<2x16xf32, #tpu.memory_space<hbm>>
      %dma_wait3A_1737 = arith.constant 0 : i32
      %dma_wait3A_1738 = arith.constant 0 : i32
      %dma_wait3A_1739 = tpu.memref_slice %arg3[%add3A, %dma_wait3A_1737, %dma_wait3A_1738] : memref<32x2x16xf32, #tpu.memory_space<hbm>> -> memref<1x2x16xf32, #tpu.memory_space<hbm>>
      %dma_wait3A_1740 = tpu.memref_squeeze %dma_wait3A_1739 : memref<1x2x16xf32, #tpu.memory_space<hbm>> -> memref<2x16xf32, #tpu.memory_space<hbm>>
      tpu.wait_dma2 semaphore(%run_scoped3A_1726 : memref<!tpu.dma_semaphore, #tpu.memory_space<semaphore_mem>>) src(%dma_wait3A_1740 : memref<2x16xf32, #tpu.memory_space<hbm>>) dst(%arg6 : memref<2x16xf32, #tpu.memory_space<vmem>>)
      tpu.yield
    }) : () -> ()
    %iota3A = tpu.iota {dimensions = array<i32: 0>} : vector<16xi32>
    %broadcast_in_dim3A = arith.constant 1.000000e+00 : f32
    %broadcast_in_dim3A_1 = vector.broadcast %broadcast_in_dim3A : f32 to vector<16xf32>
    %broadcast_in_dim3A_2 = arith.constant 0.000000e+00 : f32
    %broadcast_in_dim3A_3 = vector.broadcast %broadcast_in_dim3A_2 : f32 to vector<16xf32>
    %get3A = arith.constant 1 : i32
    %get3A_4 = arith.index_cast %get3A : i32 to index
    %get3A_5 = arith.constant 0 : index
    %get3A_6 = tpu.vector_load %arg6[%get3A_4, %get3A_5] {strides = array<i32>} : memref<2x16xf32, #tpu.memory_space<vmem>>, vector<16xf32>,
    %scan3A = arith.constant 0 : i32
    %scan3A_7 = arith.constant 0 : i32
    %scan3A_8 = arith.constant 16 : i32
    %scan3A_9 = arith.addi %scan3A_7, %scan3A_8 : i32
    %scan3A_10 = arith.constant 1 : i32
    scf.for %scan3A_1726 = %scan3A_7 to %scan3A_9 step %scan3A_10  : i32 {
      %mul3A_1727 = arith.constant 16 : i32
      %mul3A_1728 = arith.muli %mul3A_1727, %scan3A_1726 : i32
      %swap3A_1729 = arith.index_cast %mul3A_1728 : i32 to index
      %swap3A_1730 = tpu.vector_load %arg7[%swap3A_1729] {strides = array<i32>} : memref<256xf32, #tpu.memory_space<vmem>>, vector<16xf32>,
      tpu.vector_store %arg7[%swap3A_1729], %broadcast_in_dim3A_3 {strides = array<i32>} : memref<256xf32, #tpu.memory_space<vmem>>, vector<16xf32>,
      %mul3A_1731 = arith.constant 16 : i32
      %mul3A_1732 = arith.muli %mul3A_1731, %scan3A_1726 : i32
      %swap3A_1733 = arith.index_cast %mul3A_1732 : i32 to index
      %swap3A_1734 = tpu.vector_load %arg8[%swap3A_1733] {strides = array<i32>} : memref<256xf32, #tpu.memory_space<vmem>>, vector<16xf32>,
      tpu.vector_store %arg8[%swap3A_1733], %broadcast_in_dim3A_3 {strides = array<i32>} : memref<256xf32, #tpu.memory_space<vmem>>, vector<16xf32>,
      %mul3A_1735 = arith.constant 16 : i32
      %mul3A_1736 = arith.muli %mul3A_1735, %scan3A_1726 : i32
      %swap3A_1737 = arith.index_cast %mul3A_1736 : i32 to index
      %swap3A_1738 = tpu.vector_load %arg9[%swap3A_1737] {strides = array<i32>} : memref<256xf32, #tpu.memory_space<vmem>>, vector<16xf32>,
      tpu.vector_store %arg9[%swap3A_1737], %broadcast_in_dim3A_3 {strides = array<i32>} : memref<256xf32, #tpu.memory_space<vmem>>, vector<16xf32>,
      %mul3A_1739 = arith.constant 16 : i32
      %mul3A_1740 = arith.muli %mul3A_1739, %scan3A_1726 : i32
      %swap3A_1741 = arith.index_cast %mul3A_1740 : i32 to index
      %swap3A_1742 = tpu.vector_load %arg10[%swap3A_1741] {strides = array<i32>} : memref<256xf32, #tpu.memory_space<vmem>>, vector<16xf32>,
      tpu.vector_store %arg10[%swap3A_1741], %broadcast_in_dim3A_3 {strides = array<i32>} : memref<256xf32, #tpu.memory_space<vmem>>, vector<16xf32>,
    }
    %scan3A_11 = arith.constant 16 : i32
    %broadcast_in_dim3A_12 = arith.constant 0.000000e+00 : f32
    %broadcast_in_dim3A_13 = vector.broadcast %broadcast_in_dim3A_12 : f32 to vector<16xf32>
    %scan3A_14 = arith.constant 0 : i32
    %scan3A_15 = arith.constant 560 : i32
    %scan3A_16 = arith.addi %scan3A_14, %scan3A_15 : i32
    %scan3A_17 = arith.constant 1 : i32
    %scan3A_18 = scf.for %scan3A_1726 = %scan3A_14 to %scan3A_16 step %scan3A_17 iter_args(%scan3A_1727 = %broadcast_in_dim3A_13) -> (vector<16xf32>)  : i32 {
      %jit3A_1728 = arith.constant 8 : i32
      %div3A_1729 = arith.divsi %scan3A_1726, %jit3A_1728 : i32
      %sign3A = arith.constant 0 : i32
      %sign3A_1730 = arith.cmpi sgt, %scan3A_1726, %sign3A : i32
      %sign3A_1731 = arith.extui %sign3A_1730 : i1 to i32
      %sign3A_1732 = arith.constant 0 : i32
      %sign3A_1733 = arith.cmpi slt, %scan3A_1726, %sign3A_1732 : i32
      %sign3A_1734 = arith.extui %sign3A_1733 : i1 to i32
      %sign3A_1735 = arith.subi %sign3A_1731, %sign3A_1734 : i32
      %sign3A_1736 = arith.constant 0 : i32
      %sign3A_1737 = arith.cmpi sgt, %jit3A_1728, %sign3A_1736 : i32
      %sign3A_1738 = arith.extui %sign3A_1737 : i1 to i32
      %sign3A_1739 = arith.constant 0 : i32
      %sign3A_1740 = arith.cmpi slt, %jit3A_1728, %sign3A_1739 : i32
      %sign3A_1741 = arith.extui %sign3A_1740 : i1 to i32
      %sign3A_1742 = arith.subi %sign3A_1738, %sign3A_1741 : i32
      %ne3A = arith.cmpi ne, %sign3A_1735, %sign3A_1742 : i32
      %rem3A = arith.remsi %scan3A_1726, %jit3A_1728 : i32
      %ne3A_1743 = arith.constant 0 : i32
      %ne3A_1744 = arith.cmpi ne, %rem3A, %ne3A_1743 : i32
      %and3A = arith.andi %ne3A, %ne3A_1744 : i1
      %sub3A_1745 = arith.constant 1 : i32
      %sub3A_1746 = arith.subi %div3A_1729, %sub3A_1745 : i32
      %select_n3A_1747 = arith.select %and3A, %sub3A_1746, %div3A_1729 : i32
      %jit3A_1748 = arith.constant 8 : i32
      %eq3A_1749 = arith.constant 0 : i32
      %eq3A_1750 = arith.cmpi eq, %jit3A_1748, %eq3A_1749 : i32
      %jit3A_1751 = arith.constant 1 : i32
      %select_n3A_1752 = arith.select %eq3A_1750, %jit3A_1751, %jit3A_1748 : i32
      %rem3A_1753 = arith.remsi %scan3A_1726, %select_n3A_1752 : i32
      %ne3A_1754 = arith.constant 0 : i32
      %ne3A_1755 = arith.cmpi ne, %rem3A_1753, %ne3A_1754 : i32
      %lt3A = arith.constant 0 : i32
      %lt3A_1756 = arith.cmpi slt, %rem3A_1753, %lt3A : i32
      %lt3A_1757 = arith.constant 0 : i32
      %lt3A_1758 = arith.cmpi slt, %select_n3A_1752, %lt3A_1757 : i32
      %ne3A_1759 = arith.xori %lt3A_1756, %lt3A_1758 : i1
      %and3A_1760 = arith.andi %ne3A_1759, %ne3A_1755 : i1
      %add3A_1761 = arith.addi %rem3A_1753, %select_n3A_1752 : i32
      %select_n3A_1762 = arith.select %and3A_1760, %add3A_1761, %rem3A_1753 : i32
      %mul3A_1763 = arith.constant 16 : i32
      %mul3A_1764 = arith.muli %mul3A_1763, %select_n3A_1762 : i32
      %get3A_1765 = arith.index_cast %select_n3A_1747 : i32 to index
      %get3A_1766 = arith.index_cast %mul3A_1764 : i32 to index
      %get3A_1767 = tpu.vector_load %arg5[%get3A_1765, %get3A_1766] {strides = array<i32>} : memref<70x128xf32, #tpu.memory_space<vmem>>, vector<16xf32>,
      %mul3A_1768 = arith.constant 1.600000e+01 : f32
      %mul3A_1769 = vector.broadcast %mul3A_1768 : f32 to vector<16xf32>
      %mul3A_1770 = arith.mulf %get3A_1767, %mul3A_1769 : vector<16xf32>
      %convert_element_type3A_1771 = arith.fptosi %mul3A_1770 : vector<16xf32> to vector<16xi32>
      %min3A_1772 = arith.constant 255 : i32
      %min3A_1773 = vector.broadcast %min3A_1772 : i32 to vector<16xi32>
      %min3A_1774 = arith.minsi %convert_element_type3A_1771, %min3A_1773 : vector<16xi32>
      tpu.vector_store_idx %arg7[%min3A_1774], %broadcast_in_dim3A_1 {add = true} : memref<256xf32, #tpu.memory_space<vmem>>[vector<16xi32>], vector<16xf32>,
      tpu.vector_store_idx %arg8[%min3A_1774], %get3A_1767 {add = true} : memref<256xf32, #tpu.memory_space<vmem>>[vector<16xi32>], vector<16xf32>,
      %gt3A_1775 = arith.constant 0.000000e+00 : f32
      %gt3A_1776 = vector.broadcast %gt3A_1775 : f32 to vector<16xf32>
      %gt3A_1777 = arith.cmpf ogt, %get3A_1767, %gt3A_1776 : vector<16xf32>
      %jit3A_1778 = arith.constant 1.000000e+00 : f32
      %jit3A_1779 = arith.constant 0.000000e+00 : f32
      %broadcast_in_dim3A_1780 = vector.broadcast %jit3A_1778 : f32 to vector<16xf32>
      %broadcast_in_dim3A_1781 = vector.broadcast %jit3A_1779 : f32 to vector<16xf32>
      %select_n3A_1782 = arith.select %gt3A_1777, %broadcast_in_dim3A_1780, %broadcast_in_dim3A_1781 : vector<16xi1>, vector<16xf32>
      %add3A_1783 = arith.addf %scan3A_1727, %select_n3A_1782 : vector<16xf32>
      scf.yield %add3A_1783 : vector<16xf32>
    }
    %scan3A_19 = arith.constant 560 : i32
    %broadcast_in_dim3A_20 = arith.constant true
    %broadcast_in_dim3A_21 = vector.broadcast %broadcast_in_dim3A_20 : i1 to vector<16xi1>
    %masked_cumsum3A = tpu.scan <sum>, %scan3A_18 masked %broadcast_in_dim3A_21 : vector<16xf32>, vector<16xi1> -> vector<16xf32>
    %reduce_max3A = arith.constant true
    %reduce_max3A_22 = vector.broadcast %reduce_max3A : i1 to vector<16xi1>
    %reduce_max3A_23 = tpu.scan <max>, %masked_cumsum3A masked %reduce_max3A_22 : vector<16xf32>, vector<16xi1> -> vector<16xf32>
    %reduce_max3A_24 = vector.extract %reduce_max3A_23[15] : f32 from vector<16xf32>
    %broadcast_in_dim3A_25 = vector.broadcast %reduce_max3A_24 : f32 to vector<16xf32>
    %broadcast_in_dim3A_26 = arith.constant 0.000000e+00 : f32
    %broadcast_in_dim3A_27 = vector.broadcast %broadcast_in_dim3A_26 : f32 to vector<16xf32>
    %broadcast_in_dim3A_28 = arith.constant -1 : i32
    %broadcast_in_dim3A_29 = vector.broadcast %broadcast_in_dim3A_28 : i32 to vector<16xi32>
    %get3A_30 = arith.constant 240 : index
    %get3A_31 = tpu.vector_load %arg7[%get3A_30] {strides = array<i32>} : memref<256xf32, #tpu.memory_space<vmem>>, vector<16xf32>,
    %rev3A = arith.constant 15 : i32
    %rev3A_32 = vector.broadcast %rev3A : i32 to vector<16xi32>
    %rev3A_33 = tpu.iota {dimensions = array<i32: 0>} : vector<16xi32>
    %rev3A_34 = arith.subi %rev3A_32, %rev3A_33 : vector<16xi32>
    %rev3A_35 = tpu.dynamic_gather %get3A_31[%rev3A_34] in [0] : vector<16xf32>, vector<16xi32> -> vector<16xf32>
    %broadcast_in_dim3A_36 = arith.constant true
    %broadcast_in_dim3A_37 = vector.broadcast %broadcast_in_dim3A_36 : i1 to vector<16xi1>
    %masked_cumsum3A_38 = tpu.scan <sum>, %rev3A_35 masked %broadcast_in_dim3A_37 : vector<16xf32>, vector<16xi1> -> vector<16xf32>
    %rev3A_39 = arith.constant 15 : i32
    %rev3A_40 = vector.broadcast %rev3A_39 : i32 to vector<16xi32>
    %rev3A_41 = tpu.iota {dimensions = array<i32: 0>} : vector<16xi32>
    %rev3A_42 = arith.subi %rev3A_40, %rev3A_41 : vector<16xi32>
    %rev3A_43 = tpu.dynamic_gather %masked_cumsum3A_38[%rev3A_42] in [0] : vector<16xf32>, vector<16xi32> -> vector<16xf32>
    %add3A_44 = arith.addf %rev3A_43, %broadcast_in_dim3A_27 : vector<16xf32>
    %ge3A = arith.cmpf oge, %add3A_44, %get3A_6 : vector<16xf32>
    %add3A_45 = arith.constant 240 : i32
    %add3A_46 = vector.broadcast %add3A_45 : i32 to vector<16xi32>
    %add3A_47 = arith.addi %add3A_46, %iota3A : vector<16xi32>
    %jit3A = arith.constant -1 : i32
    %broadcast_in_dim3A_48 = vector.broadcast %jit3A : i32 to vector<16xi32>
    %select_n3A = arith.select %ge3A, %add3A_47, %broadcast_in_dim3A_48 : vector<16xi1>, vector<16xi32>
    %max3A = arith.maxsi %broadcast_in_dim3A_29, %select_n3A : vector<16xi32>
    %reduce_max3A_49 = arith.constant true
    %reduce_max3A_50 = vector.broadcast %reduce_max3A_49 : i1 to vector<16xi1>
    %reduce_max3A_51 = tpu.scan <max>, %add3A_44 masked %reduce_max3A_50 : vector<16xf32>, vector<16xi1> -> vector<16xf32>
    %reduce_max3A_52 = vector.extract %reduce_max3A_51[15] : f32 from vector<16xf32>
    %broadcast_in_dim3A_53 = vector.broadcast %reduce_max3A_52 : f32 to vector<16xf32>
    %get3A_54 = arith.constant 224 : index
    %get3A_55 = tpu.vector_load %arg7[%get3A_54] {strides = array<i32>} : memref<256xf32, #tpu.memory_space<vmem>>, vector<16xf32>,
    %rev3A_56 = arith.constant 15 : i32
    %rev3A_57 = vector.broadcast %rev3A_56 : i32 to vector<16xi32>
    %rev3A_58 = tpu.iota {dimensions = array<i32: 0>} : vector<16xi32>
    %rev3A_59 = arith.subi %rev3A_57, %rev3A_58 : vector<16xi32>
    %rev3A_60 = tpu.dynamic_gather %get3A_55[%rev3A_59] in [0] : vector<16xf32>, vector<16xi32> -> vector<16xf32>
    %broadcast_in_dim3A_61 = arith.constant true
    %broadcast_in_dim3A_62 = vector.broadcast %broadcast_in_dim3A_61 : i1 to vector<16xi1>
    %masked_cumsum3A_63 = tpu.scan <sum>, %rev3A_60 masked %broadcast_in_dim3A_62 : vector<16xf32>, vector<16xi1> -> vector<16xf32>
    %rev3A_64 = arith.constant 15 : i32
    %rev3A_65 = vector.broadcast %rev3A_64 : i32 to vector<16xi32>
    %rev3A_66 = tpu.iota {dimensions = array<i32: 0>} : vector<16xi32>
    %rev3A_67 = arith.subi %rev3A_65, %rev3A_66 : vector<16xi32>
    %rev3A_68 = tpu.dynamic_gather %masked_cumsum3A_63[%rev3A_67] in [0] : vector<16xf32>, vector<16xi32> -> vector<16xf32>
    %add3A_69 = arith.addf %rev3A_68, %broadcast_in_dim3A_53 : vector<16xf32>
    %ge3A_70 = arith.cmpf oge, %add3A_69, %get3A_6 : vector<16xf32>
    %add3A_71 = arith.constant 224 : i32
    %add3A_72 = vector.broadcast %add3A_71 : i32 to vector<16xi32>
    %add3A_73 = arith.addi %add3A_72, %iota3A : vector<16xi32>
    %jit3A_74 = arith.constant -1 : i32
    %broadcast_in_dim3A_75 = vector.broadcast %jit3A_74 : i32 to vector<16xi32>
    %select_n3A_76 = arith.select %ge3A_70, %add3A_73, %broadcast_in_dim3A_75 : vector<16xi1>, vector<16xi32>
    %max3A_77 = arith.maxsi %max3A, %select_n3A_76 : vector<16xi32>
    %reduce_max3A_78 = arith.constant true
    %reduce_max3A_79 = vector.broadcast %reduce_max3A_78 : i1 to vector<16xi1>
    %reduce_max3A_80 = tpu.scan <max>, %add3A_69 masked %reduce_max3A_79 : vector<16xf32>, vector<16xi1> -> vector<16xf32>
    %reduce_max3A_81 = vector.extract %reduce_max3A_80[15] : f32 from vector<16xf32>
    %broadcast_in_dim3A_82 = vector.broadcast %reduce_max3A_81 : f32 to vector<16xf32>
    %get3A_83 = arith.constant 208 : index
    %get3A_84 = tpu.vector_load %arg7[%get3A_83] {strides = array<i32>} : memref<256xf32, #tpu.memory_space<vmem>>, vector<16xf32>,
    %rev3A_85 = arith.constant 15 : i32
    %rev3A_86 = vector.broadcast %rev3A_85 : i32 to vector<16xi32>
    %rev3A_87 = tpu.iota {dimensions = array<i32: 0>} : vector<16xi32>
    %rev3A_88 = arith.subi %rev3A_86, %rev3A_87 : vector<16xi32>
    %rev3A_89 = tpu.dynamic_gather %get3A_84[%rev3A_88] in [0] : vector<16xf32>, vector<16xi32> -> vector<16xf32>
    %broadcast_in_dim3A_90 = arith.constant true
    %broadcast_in_dim3A_91 = vector.broadcast %broadcast_in_dim3A_90 : i1 to vector<16xi1>
    %masked_cumsum3A_92 = tpu.scan <sum>, %rev3A_89 masked %broadcast_in_dim3A_91 : vector<16xf32>, vector<16xi1> -> vector<16xf32>
    %rev3A_93 = arith.constant 15 : i32
    %rev3A_94 = vector.broadcast %rev3A_93 : i32 to vector<16xi32>
    %rev3A_95 = tpu.iota {dimensions = array<i32: 0>} : vector<16xi32>
    %rev3A_96 = arith.subi %rev3A_94, %rev3A_95 : vector<16xi32>
    %rev3A_97 = tpu.dynamic_gather %masked_cumsum3A_92[%rev3A_96] in [0] : vector<16xf32>, vector<16xi32> -> vector<16xf32>
    %add3A_98 = arith.addf %rev3A_97, %broadcast_in_dim3A_82 : vector<16xf32>
    %ge3A_99 = arith.cmpf oge, %add3A_98, %get3A_6 : vector<16xf32>
    %add3A_100 = arith.constant 208 : i32
    %add3A_101 = vector.broadcast %add3A_100 : i32 to vector<16xi32>
    %add3A_102 = arith.addi %add3A_101, %iota3A : vector<16xi32>
    %jit3A_103 = arith.constant -1 : i32
    %broadcast_in_dim3A_104 = vector.broadcast %jit3A_103 : i32 to vector<16xi32>
    %select_n3A_105 = arith.select %ge3A_99, %add3A_102, %broadcast_in_dim3A_104 : vector<16xi1>, vector<16xi32>
    %max3A_106 = arith.maxsi %max3A_77, %select_n3A_105 : vector<16xi32>
    %reduce_max3A_107 = arith.constant true
    %reduce_max3A_108 = vector.broadcast %reduce_max3A_107 : i1 to vector<16xi1>
    %reduce_max3A_109 = tpu.scan <max>, %add3A_98 masked %reduce_max3A_108 : vector<16xf32>, vector<16xi1> -> vector<16xf32>
    %reduce_max3A_110 = vector.extract %reduce_max3A_109[15] : f32 from vector<16xf32>
    %broadcast_in_dim3A_111 = vector.broadcast %reduce_max3A_110 : f32 to vector<16xf32>
    %get3A_112 = arith.constant 192 : index
    %get3A_113 = tpu.vector_load %arg7[%get3A_112] {strides = array<i32>} : memref<256xf32, #tpu.memory_space<vmem>>, vector<16xf32>,
    %rev3A_114 = arith.constant 15 : i32
    %rev3A_115 = vector.broadcast %rev3A_114 : i32 to vector<16xi32>
    %rev3A_116 = tpu.iota {dimensions = array<i32: 0>} : vector<16xi32>
    %rev3A_117 = arith.subi %rev3A_115, %rev3A_116 : vector<16xi32>
    %rev3A_118 = tpu.dynamic_gather %get3A_113[%rev3A_117] in [0] : vector<16xf32>, vector<16xi32> -> vector<16xf32>
    %broadcast_in_dim3A_119 = arith.constant true
    %broadcast_in_dim3A_120 = vector.broadcast %broadcast_in_dim3A_119 : i1 to vector<16xi1>
    %masked_cumsum3A_121 = tpu.scan <sum>, %rev3A_118 masked %broadcast_in_dim3A_120 : vector<16xf32>, vector<16xi1> -> vector<16xf32>
    %rev3A_122 = arith.constant 15 : i32
    %rev3A_123 = vector.broadcast %rev3A_122 : i32 to vector<16xi32>
    %rev3A_124 = tpu.iota {dimensions = array<i32: 0>} : vector<16xi32>
    %rev3A_125 = arith.subi %rev3A_123, %rev3A_124 : vector<16xi32>
    %rev3A_126 = tpu.dynamic_gather %masked_cumsum3A_121[%rev3A_125] in [0] : vector<16xf32>, vector<16xi32> -> vector<16xf32>
    %add3A_127 = arith.addf %rev3A_126, %broadcast_in_dim3A_111 : vector<16xf32>
    %ge3A_128 = arith.cmpf oge, %add3A_127, %get3A_6 : vector<16xf32>
    %add3A_129 = arith.constant 192 : i32
    %add3A_130 = vector.broadcast %add3A_129 : i32 to vector<16xi32>
    %add3A_131 = arith.addi %add3A_130, %iota3A : vector<16xi32>
    %jit3A_132 = arith.constant -1 : i32
    %broadcast_in_dim3A_133 = vector.broadcast %jit3A_132 : i32 to vector<16xi32>
    %select_n3A_134 = arith.select %ge3A_128, %add3A_131, %broadcast_in_dim3A_133 : vector<16xi1>, vector<16xi32>
    %max3A_135 = arith.maxsi %max3A_106, %select_n3A_134 : vector<16xi32>
    %reduce_max3A_136 = arith.constant true
    %reduce_max3A_137 = vector.broadcast %reduce_max3A_136 : i1 to vector<16xi1>
    %reduce_max3A_138 = tpu.scan <max>, %add3A_127 masked %reduce_max3A_137 : vector<16xf32>, vector<16xi1> -> vector<16xf32>
    %reduce_max3A_139 = vector.extract %reduce_max3A_138[15] : f32 from vector<16xf32>
    %broadcast_in_dim3A_140 = vector.broadcast %reduce_max3A_139 : f32 to vector<16xf32>
    %get3A_141 = arith.constant 176 : index
    %get3A_142 = tpu.vector_load %arg7[%get3A_141] {strides = array<i32>} : memref<256xf32, #tpu.memory_space<vmem>>, vector<16xf32>,
    %rev3A_143 = arith.constant 15 : i32
    %rev3A_144 = vector.broadcast %rev3A_143 : i32 to vector<16xi32>
    %rev3A_145 = tpu.iota {dimensions = array<i32: 0>} : vector<16xi32>
    %rev3A_146 = arith.subi %rev3A_144, %rev3A_145 : vector<16xi32>
    %rev3A_147 = tpu.dynamic_gather %get3A_142[%rev3A_146] in [0] : vector<16xf32>, vector<16xi32> -> vector<16xf32>
    %broadcast_in_dim3A_148 = arith.constant true
    %broadcast_in_dim3A_149 = vector.broadcast %broadcast_in_dim3A_148 : i1 to vector<16xi1>
    %masked_cumsum3A_150 = tpu.scan <sum>, %rev3A_147 masked %broadcast_in_dim3A_149 : vector<16xf32>, vector<16xi1> -> vector<16xf32>
    %rev3A_151 = arith.constant 15 : i32
    %rev3A_152 = vector.broadcast %rev3A_151 : i32 to vector<16xi32>
    %rev3A_153 = tpu.iota {dimensions = array<i32: 0>} : vector<16xi32>
    %rev3A_154 = arith.subi %rev3A_152, %rev3A_153 : vector<16xi32>
    %rev3A_155 = tpu.dynamic_gather %masked_cumsum3A_150[%rev3A_154] in [0] : vector<16xf32>, vector<16xi32> -> vector<16xf32>
    %add3A_156 = arith.addf %rev3A_155, %broadcast_in_dim3A_140 : vector<16xf32>
    %ge3A_157 = arith.cmpf oge, %add3A_156, %get3A_6 : vector<16xf32>
    %add3A_158 = arith.constant 176 : i32
    %add3A_159 = vector.broadcast %add3A_158 : i32 to vector<16xi32>
    %add3A_160 = arith.addi %add3A_159, %iota3A : vector<16xi32>
    %jit3A_161 = arith.constant -1 : i32
    %broadcast_in_dim3A_162 = vector.broadcast %jit3A_161 : i32 to vector<16xi32>
    %select_n3A_163 = arith.select %ge3A_157, %add3A_160, %broadcast_in_dim3A_162 : vector<16xi1>, vector<16xi32>
    %max3A_164 = arith.maxsi %max3A_135, %select_n3A_163 : vector<16xi32>
    %reduce_max3A_165 = arith.constant true
    %reduce_max3A_166 = vector.broadcast %reduce_max3A_165 : i1 to vector<16xi1>
    %reduce_max3A_167 = tpu.scan <max>, %add3A_156 masked %reduce_max3A_166 : vector<16xf32>, vector<16xi1> -> vector<16xf32>
    %reduce_max3A_168 = vector.extract %reduce_max3A_167[15] : f32 from vector<16xf32>
    %broadcast_in_dim3A_169 = vector.broadcast %reduce_max3A_168 : f32 to vector<16xf32>
    %get3A_170 = arith.constant 160 : index
    %get3A_171 = tpu.vector_load %arg7[%get3A_170] {strides = array<i32>} : memref<256xf32, #tpu.memory_space<vmem>>, vector<16xf32>,
    %rev3A_172 = arith.constant 15 : i32
    %rev3A_173 = vector.broadcast %rev3A_172 : i32 to vector<16xi32>
    %rev3A_174 = tpu.iota {dimensions = array<i32: 0>} : vector<16xi32>
    %rev3A_175 = arith.subi %rev3A_173, %rev3A_174 : vector<16xi32>
    %rev3A_176 = tpu.dynamic_gather %get3A_171[%rev3A_175] in [0] : vector<16xf32>, vector<16xi32> -> vector<16xf32>
    %broadcast_in_dim3A_177 = arith.constant true
    %broadcast_in_dim3A_178 = vector.broadcast %broadcast_in_dim3A_177 : i1 to vector<16xi1>
    %masked_cumsum3A_179 = tpu.scan <sum>, %rev3A_176 masked %broadcast_in_dim3A_178 : vector<16xf32>, vector<16xi1> -> vector<16xf32>
    %rev3A_180 = arith.constant 15 : i32
    %rev3A_181 = vector.broadcast %rev3A_180 : i32 to vector<16xi32>
    %rev3A_182 = tpu.iota {dimensions = array<i32: 0>} : vector<16xi32>
    %rev3A_183 = arith.subi %rev3A_181, %rev3A_182 : vector<16xi32>
    %rev3A_184 = tpu.dynamic_gather %masked_cumsum3A_179[%rev3A_183] in [0] : vector<16xf32>, vector<16xi32> -> vector<16xf32>
    %add3A_185 = arith.addf %rev3A_184, %broadcast_in_dim3A_169 : vector<16xf32>
    %ge3A_186 = arith.cmpf oge, %add3A_185, %get3A_6 : vector<16xf32>
    %add3A_187 = arith.constant 160 : i32
    %add3A_188 = vector.broadcast %add3A_187 : i32 to vector<16xi32>
    %add3A_189 = arith.addi %add3A_188, %iota3A : vector<16xi32>
    %jit3A_190 = arith.constant -1 : i32
    %broadcast_in_dim3A_191 = vector.broadcast %jit3A_190 : i32 to vector<16xi32>
    %select_n3A_192 = arith.select %ge3A_186, %add3A_189, %broadcast_in_dim3A_191 : vector<16xi1>, vector<16xi32>
    %max3A_193 = arith.maxsi %max3A_164, %select_n3A_192 : vector<16xi32>
    %reduce_max3A_194 = arith.constant true
    %reduce_max3A_195 = vector.broadcast %reduce_max3A_194 : i1 to vector<16xi1>
    %reduce_max3A_196 = tpu.scan <max>, %add3A_185 masked %reduce_max3A_195 : vector<16xf32>, vector<16xi1> -> vector<16xf32>
    %reduce_max3A_197 = vector.extract %reduce_max3A_196[15] : f32 from vector<16xf32>
    %broadcast_in_dim3A_198 = vector.broadcast %reduce_max3A_197 : f32 to vector<16xf32>
    %get3A_199 = arith.constant 144 : index
    %get3A_200 = tpu.vector_load %arg7[%get3A_199] {strides = array<i32>} : memref<256xf32, #tpu.memory_space<vmem>>, vector<16xf32>,
    %rev3A_201 = arith.constant 15 : i32
    %rev3A_202 = vector.broadcast %rev3A_201 : i32 to vector<16xi32>
    %rev3A_203 = tpu.iota {dimensions = array<i32: 0>} : vector<16xi32>
    %rev3A_204 = arith.subi %rev3A_202, %rev3A_203 : vector<16xi32>
    %rev3A_205 = tpu.dynamic_gather %get3A_200[%rev3A_204] in [0] : vector<16xf32>, vector<16xi32> -> vector<16xf32>
    %broadcast_in_dim3A_206 = arith.constant true
    %broadcast_in_dim3A_207 = vector.broadcast %broadcast_in_dim3A_206 : i1 to vector<16xi1>
    %masked_cumsum3A_208 = tpu.scan <sum>, %rev3A_205 masked %broadcast_in_dim3A_207 : vector<16xf32>, vector<16xi1> -> vector<16xf32>
    %rev3A_209 = arith.constant 15 : i32
    %rev3A_210 = vector.broadcast %rev3A_209 : i32 to vector<16xi32>
    %rev3A_211 = tpu.iota {dimensions = array<i32: 0>} : vector<16xi32>
    %rev3A_212 = arith.subi %rev3A_210, %rev3A_211 : vector<16xi32>
    %rev3A_213 = tpu.dynamic_gather %masked_cumsum3A_208[%rev3A_212] in [0] : vector<16xf32>, vector<16xi32> -> vector<16xf32>
    %add3A_214 = arith.addf %rev3A_213, %broadcast_in_dim3A_198 : vector<16xf32>
    %ge3A_215 = arith.cmpf oge, %add3A_214, %get3A_6 : vector<16xf32>
    %add3A_216 = arith.constant 144 : i32
    %add3A_217 = vector.broadcast %add3A_216 : i32 to vector<16xi32>
    %add3A_218 = arith.addi %add3A_217, %iota3A : vector<16xi32>
    %jit3A_219 = arith.constant -1 : i32
    %broadcast_in_dim3A_220 = vector.broadcast %jit3A_219 : i32 to vector<16xi32>
    %select_n3A_221 = arith.select %ge3A_215, %add3A_218, %broadcast_in_dim3A_220 : vector<16xi1>, vector<16xi32>
    %max3A_222 = arith.maxsi %max3A_193, %select_n3A_221 : vector<16xi32>
    %reduce_max3A_223 = arith.constant true
    %reduce_max3A_224 = vector.broadcast %reduce_max3A_223 : i1 to vector<16xi1>
    %reduce_max3A_225 = tpu.scan <max>, %add3A_214 masked %reduce_max3A_224 : vector<16xf32>, vector<16xi1> -> vector<16xf32>
    %reduce_max3A_226 = vector.extract %reduce_max3A_225[15] : f32 from vector<16xf32>
    %broadcast_in_dim3A_227 = vector.broadcast %reduce_max3A_226 : f32 to vector<16xf32>
    %get3A_228 = arith.constant 128 : index
    %get3A_229 = tpu.vector_load %arg7[%get3A_228] {strides = array<i32>} : memref<256xf32, #tpu.memory_space<vmem>>, vector<16xf32>,
    %rev3A_230 = arith.constant 15 : i32
    %rev3A_231 = vector.broadcast %rev3A_230 : i32 to vector<16xi32>
    %rev3A_232 = tpu.iota {dimensions = array<i32: 0>} : vector<16xi32>
    %rev3A_233 = arith.subi %rev3A_231, %rev3A_232 : vector<16xi32>
    %rev3A_234 = tpu.dynamic_gather %get3A_229[%rev3A_233] in [0] : vector<16xf32>, vector<16xi32> -> vector<16xf32>
    %broadcast_in_dim3A_235 = arith.constant true
    %broadcast_in_dim3A_236 = vector.broadcast %broadcast_in_dim3A_235 : i1 to vector<16xi1>
    %masked_cumsum3A_237 = tpu.scan <sum>, %rev3A_234 masked %broadcast_in_dim3A_236 : vector<16xf32>, vector<16xi1> -> vector<16xf32>
    %rev3A_238 = arith.constant 15 : i32
    %rev3A_239 = vector.broadcast %rev3A_238 : i32 to vector<16xi32>
    %rev3A_240 = tpu.iota {dimensions = array<i32: 0>} : vector<16xi32>
    %rev3A_241 = arith.subi %rev3A_239, %rev3A_240 : vector<16xi32>
    %rev3A_242 = tpu.dynamic_gather %masked_cumsum3A_237[%rev3A_241] in [0] : vector<16xf32>, vector<16xi32> -> vector<16xf32>
    %add3A_243 = arith.addf %rev3A_242, %broadcast_in_dim3A_227 : vector<16xf32>
    %ge3A_244 = arith.cmpf oge, %add3A_243, %get3A_6 : vector<16xf32>
    %add3A_245 = arith.constant 128 : i32
    %add3A_246 = vector.broadcast %add3A_245 : i32 to vector<16xi32>
    %add3A_247 = arith.addi %add3A_246, %iota3A : vector<16xi32>
    %jit3A_248 = arith.constant -1 : i32
    %broadcast_in_dim3A_249 = vector.broadcast %jit3A_248 : i32 to vector<16xi32>
    %select_n3A_250 = arith.select %ge3A_244, %add3A_247, %broadcast_in_dim3A_249 : vector<16xi1>, vector<16xi32>
    %max3A_251 = arith.maxsi %max3A_222, %select_n3A_250 : vector<16xi32>
    %reduce_max3A_252 = arith.constant true
    %reduce_max3A_253 = vector.broadcast %reduce_max3A_252 : i1 to vector<16xi1>
    %reduce_max3A_254 = tpu.scan <max>, %add3A_243 masked %reduce_max3A_253 : vector<16xf32>, vector<16xi1> -> vector<16xf32>
    %reduce_max3A_255 = vector.extract %reduce_max3A_254[15] : f32 from vector<16xf32>
    %broadcast_in_dim3A_256 = vector.broadcast %reduce_max3A_255 : f32 to vector<16xf32>
    %get3A_257 = arith.constant 112 : index
    %get3A_258 = tpu.vector_load %arg7[%get3A_257] {strides = array<i32>} : memref<256xf32, #tpu.memory_space<vmem>>, vector<16xf32>,
    %rev3A_259 = arith.constant 15 : i32
    %rev3A_260 = vector.broadcast %rev3A_259 : i32 to vector<16xi32>
    %rev3A_261 = tpu.iota {dimensions = array<i32: 0>} : vector<16xi32>
    %rev3A_262 = arith.subi %rev3A_260, %rev3A_261 : vector<16xi32>
    %rev3A_263 = tpu.dynamic_gather %get3A_258[%rev3A_262] in [0] : vector<16xf32>, vector<16xi32> -> vector<16xf32>
    %broadcast_in_dim3A_264 = arith.constant true
    %broadcast_in_dim3A_265 = vector.broadcast %broadcast_in_dim3A_264 : i1 to vector<16xi1>
    %masked_cumsum3A_266 = tpu.scan <sum>, %rev3A_263 masked %broadcast_in_dim3A_265 : vector<16xf32>, vector<16xi1> -> vector<16xf32>
    %rev3A_267 = arith.constant 15 : i32
    %rev3A_268 = vector.broadcast %rev3A_267 : i32 to vector<16xi32>
    %rev3A_269 = tpu.iota {dimensions = array<i32: 0>} : vector<16xi32>
    %rev3A_270 = arith.subi %rev3A_268, %rev3A_269 : vector<16xi32>
    %rev3A_271 = tpu.dynamic_gather %masked_cumsum3A_266[%rev3A_270] in [0] : vector<16xf32>, vector<16xi32> -> vector<16xf32>
    %add3A_272 = arith.addf %rev3A_271, %broadcast_in_dim3A_256 : vector<16xf32>
    %ge3A_273 = arith.cmpf oge, %add3A_272, %get3A_6 : vector<16xf32>
    %add3A_274 = arith.constant 112 : i32
    %add3A_275 = vector.broadcast %add3A_274 : i32 to vector<16xi32>
    %add3A_276 = arith.addi %add3A_275, %iota3A : vector<16xi32>
    %jit3A_277 = arith.constant -1 : i32
    %broadcast_in_dim3A_278 = vector.broadcast %jit3A_277 : i32 to vector<16xi32>
    %select_n3A_279 = arith.select %ge3A_273, %add3A_276, %broadcast_in_dim3A_278 : vector<16xi1>, vector<16xi32>
    %max3A_280 = arith.maxsi %max3A_251, %select_n3A_279 : vector<16xi32>
    %reduce_max3A_281 = arith.constant true
    %reduce_max3A_282 = vector.broadcast %reduce_max3A_281 : i1 to vector<16xi1>
    %reduce_max3A_283 = tpu.scan <max>, %add3A_272 masked %reduce_max3A_282 : vector<16xf32>, vector<16xi1> -> vector<16xf32>
    %reduce_max3A_284 = vector.extract %reduce_max3A_283[15] : f32 from vector<16xf32>
    %broadcast_in_dim3A_285 = vector.broadcast %reduce_max3A_284 : f32 to vector<16xf32>
    %get3A_286 = arith.constant 96 : index
    %get3A_287 = tpu.vector_load %arg7[%get3A_286] {strides = array<i32>} : memref<256xf32, #tpu.memory_space<vmem>>, vector<16xf32>,
    %rev3A_288 = arith.constant 15 : i32
    %rev3A_289 = vector.broadcast %rev3A_288 : i32 to vector<16xi32>
    %rev3A_290 = tpu.iota {dimensions = array<i32: 0>} : vector<16xi32>
    %rev3A_291 = arith.subi %rev3A_289, %rev3A_290 : vector<16xi32>
    %rev3A_292 = tpu.dynamic_gather %get3A_287[%rev3A_291] in [0] : vector<16xf32>, vector<16xi32> -> vector<16xf32>
    %broadcast_in_dim3A_293 = arith.constant true
    %broadcast_in_dim3A_294 = vector.broadcast %broadcast_in_dim3A_293 : i1 to vector<16xi1>
    %masked_cumsum3A_295 = tpu.scan <sum>, %rev3A_292 masked %broadcast_in_dim3A_294 : vector<16xf32>, vector<16xi1> -> vector<16xf32>
    %rev3A_296 = arith.constant 15 : i32
    %rev3A_297 = vector.broadcast %rev3A_296 : i32 to vector<16xi32>
    %rev3A_298 = tpu.iota {dimensions = array<i32: 0>} : vector<16xi32>
    %rev3A_299 = arith.subi %rev3A_297, %rev3A_298 : vector<16xi32>
    %rev3A_300 = tpu.dynamic_gather %masked_cumsum3A_295[%rev3A_299] in [0] : vector<16xf32>, vector<16xi32> -> vector<16xf32>
    %add3A_301 = arith.addf %rev3A_300, %broadcast_in_dim3A_285 : vector<16xf32>
    %ge3A_302 = arith.cmpf oge, %add3A_301, %get3A_6 : vector<16xf32>
    %add3A_303 = arith.constant 96 : i32
    %add3A_304 = vector.broadcast %add3A_303 : i32 to vector<16xi32>
    %add3A_305 = arith.addi %add3A_304, %iota3A : vector<16xi32>
    %jit3A_306 = arith.constant -1 : i32
    %broadcast_in_dim3A_307 = vector.broadcast %jit3A_306 : i32 to vector<16xi32>
    %select_n3A_308 = arith.select %ge3A_302, %add3A_305, %broadcast_in_dim3A_307 : vector<16xi1>, vector<16xi32>
    %max3A_309 = arith.maxsi %max3A_280, %select_n3A_308 : vector<16xi32>
    %reduce_max3A_310 = arith.constant true
    %reduce_max3A_311 = vector.broadcast %reduce_max3A_310 : i1 to vector<16xi1>
    %reduce_max3A_312 = tpu.scan <max>, %add3A_301 masked %reduce_max3A_311 : vector<16xf32>, vector<16xi1> -> vector<16xf32>
    %reduce_max3A_313 = vector.extract %reduce_max3A_312[15] : f32 from vector<16xf32>
    %broadcast_in_dim3A_314 = vector.broadcast %reduce_max3A_313 : f32 to vector<16xf32>
    %get3A_315 = arith.constant 80 : index
    %get3A_316 = tpu.vector_load %arg7[%get3A_315] {strides = array<i32>} : memref<256xf32, #tpu.memory_space<vmem>>, vector<16xf32>,
    %rev3A_317 = arith.constant 15 : i32
    %rev3A_318 = vector.broadcast %rev3A_317 : i32 to vector<16xi32>
    %rev3A_319 = tpu.iota {dimensions = array<i32: 0>} : vector<16xi32>
    %rev3A_320 = arith.subi %rev3A_318, %rev3A_319 : vector<16xi32>
    %rev3A_321 = tpu.dynamic_gather %get3A_316[%rev3A_320] in [0] : vector<16xf32>, vector<16xi32> -> vector<16xf32>
    %broadcast_in_dim3A_322 = arith.constant true
    %broadcast_in_dim3A_323 = vector.broadcast %broadcast_in_dim3A_322 : i1 to vector<16xi1>
    %masked_cumsum3A_324 = tpu.scan <sum>, %rev3A_321 masked %broadcast_in_dim3A_323 : vector<16xf32>, vector<16xi1> -> vector<16xf32>
    %rev3A_325 = arith.constant 15 : i32
    %rev3A_326 = vector.broadcast %rev3A_325 : i32 to vector<16xi32>
    %rev3A_327 = tpu.iota {dimensions = array<i32: 0>} : vector<16xi32>
    %rev3A_328 = arith.subi %rev3A_326, %rev3A_327 : vector<16xi32>
    %rev3A_329 = tpu.dynamic_gather %masked_cumsum3A_324[%rev3A_328] in [0] : vector<16xf32>, vector<16xi32> -> vector<16xf32>
    %add3A_330 = arith.addf %rev3A_329, %broadcast_in_dim3A_314 : vector<16xf32>
    %ge3A_331 = arith.cmpf oge, %add3A_330, %get3A_6 : vector<16xf32>
    %add3A_332 = arith.constant 80 : i32
    %add3A_333 = vector.broadcast %add3A_332 : i32 to vector<16xi32>
    %add3A_334 = arith.addi %add3A_333, %iota3A : vector<16xi32>
    %jit3A_335 = arith.constant -1 : i32
    %broadcast_in_dim3A_336 = vector.broadcast %jit3A_335 : i32 to vector<16xi32>
    %select_n3A_337 = arith.select %ge3A_331, %add3A_334, %broadcast_in_dim3A_336 : vector<16xi1>, vector<16xi32>
    %max3A_338 = arith.maxsi %max3A_309, %select_n3A_337 : vector<16xi32>
    %reduce_max3A_339 = arith.constant true
    %reduce_max3A_340 = vector.broadcast %reduce_max3A_339 : i1 to vector<16xi1>
    %reduce_max3A_341 = tpu.scan <max>, %add3A_330 masked %reduce_max3A_340 : vector<16xf32>, vector<16xi1> -> vector<16xf32>
    %reduce_max3A_342 = vector.extract %reduce_max3A_341[15] : f32 from vector<16xf32>
    %broadcast_in_dim3A_343 = vector.broadcast %reduce_max3A_342 : f32 to vector<16xf32>
    %get3A_344 = arith.constant 64 : index
    %get3A_345 = tpu.vector_load %arg7[%get3A_344] {strides = array<i32>} : memref<256xf32, #tpu.memory_space<vmem>>, vector<16xf32>,
    %rev3A_346 = arith.constant 15 : i32
    %rev3A_347 = vector.broadcast %rev3A_346 : i32 to vector<16xi32>
    %rev3A_348 = tpu.iota {dimensions = array<i32: 0>} : vector<16xi32>
    %rev3A_349 = arith.subi %rev3A_347, %rev3A_348 : vector<16xi32>
    %rev3A_350 = tpu.dynamic_gather %get3A_345[%rev3A_349] in [0] : vector<16xf32>, vector<16xi32> -> vector<16xf32>
    %broadcast_in_dim3A_351 = arith.constant true
    %broadcast_in_dim3A_352 = vector.broadcast %broadcast_in_dim3A_351 : i1 to vector<16xi1>
    %masked_cumsum3A_353 = tpu.scan <sum>, %rev3A_350 masked %broadcast_in_dim3A_352 : vector<16xf32>, vector<16xi1> -> vector<16xf32>
    %rev3A_354 = arith.constant 15 : i32
    %rev3A_355 = vector.broadcast %rev3A_354 : i32 to vector<16xi32>
    %rev3A_356 = tpu.iota {dimensions = array<i32: 0>} : vector<16xi32>
    %rev3A_357 = arith.subi %rev3A_355, %rev3A_356 : vector<16xi32>
    %rev3A_358 = tpu.dynamic_gather %masked_cumsum3A_353[%rev3A_357] in [0] : vector<16xf32>, vector<16xi32> -> vector<16xf32>
    %add3A_359 = arith.addf %rev3A_358, %broadcast_in_dim3A_343 : vector<16xf32>
    %ge3A_360 = arith.cmpf oge, %add3A_359, %get3A_6 : vector<16xf32>
    %add3A_361 = arith.constant 64 : i32
    %add3A_362 = vector.broadcast %add3A_361 : i32 to vector<16xi32>
    %add3A_363 = arith.addi %add3A_362, %iota3A : vector<16xi32>
    %jit3A_364 = arith.constant -1 : i32
    %broadcast_in_dim3A_365 = vector.broadcast %jit3A_364 : i32 to vector<16xi32>
    %select_n3A_366 = arith.select %ge3A_360, %add3A_363, %broadcast_in_dim3A_365 : vector<16xi1>, vector<16xi32>
    %max3A_367 = arith.maxsi %max3A_338, %select_n3A_366 : vector<16xi32>
    %reduce_max3A_368 = arith.constant true
    %reduce_max3A_369 = vector.broadcast %reduce_max3A_368 : i1 to vector<16xi1>
    %reduce_max3A_370 = tpu.scan <max>, %add3A_359 masked %reduce_max3A_369 : vector<16xf32>, vector<16xi1> -> vector<16xf32>
    %reduce_max3A_371 = vector.extract %reduce_max3A_370[15] : f32 from vector<16xf32>
    %broadcast_in_dim3A_372 = vector.broadcast %reduce_max3A_371 : f32 to vector<16xf32>
    %get3A_373 = arith.constant 48 : index
    %get3A_374 = tpu.vector_load %arg7[%get3A_373] {strides = array<i32>} : memref<256xf32, #tpu.memory_space<vmem>>, vector<16xf32>,
    %rev3A_375 = arith.constant 15 : i32
    %rev3A_376 = vector.broadcast %rev3A_375 : i32 to vector<16xi32>
    %rev3A_377 = tpu.iota {dimensions = array<i32: 0>} : vector<16xi32>
    %rev3A_378 = arith.subi %rev3A_376, %rev3A_377 : vector<16xi32>
    %rev3A_379 = tpu.dynamic_gather %get3A_374[%rev3A_378] in [0] : vector<16xf32>, vector<16xi32> -> vector<16xf32>
    %broadcast_in_dim3A_380 = arith.constant true
    %broadcast_in_dim3A_381 = vector.broadcast %broadcast_in_dim3A_380 : i1 to vector<16xi1>
    %masked_cumsum3A_382 = tpu.scan <sum>, %rev3A_379 masked %broadcast_in_dim3A_381 : vector<16xf32>, vector<16xi1> -> vector<16xf32>
    %rev3A_383 = arith.constant 15 : i32
    %rev3A_384 = vector.broadcast %rev3A_383 : i32 to vector<16xi32>
    %rev3A_385 = tpu.iota {dimensions = array<i32: 0>} : vector<16xi32>
    %rev3A_386 = arith.subi %rev3A_384, %rev3A_385 : vector<16xi32>
    %rev3A_387 = tpu.dynamic_gather %masked_cumsum3A_382[%rev3A_386] in [0] : vector<16xf32>, vector<16xi32> -> vector<16xf32>
    %add3A_388 = arith.addf %rev3A_387, %broadcast_in_dim3A_372 : vector<16xf32>
    %ge3A_389 = arith.cmpf oge, %add3A_388, %get3A_6 : vector<16xf32>
    %add3A_390 = arith.constant 48 : i32
    %add3A_391 = vector.broadcast %add3A_390 : i32 to vector<16xi32>
    %add3A_392 = arith.addi %add3A_391, %iota3A : vector<16xi32>
    %jit3A_393 = arith.constant -1 : i32
    %broadcast_in_dim3A_394 = vector.broadcast %jit3A_393 : i32 to vector<16xi32>
    %select_n3A_395 = arith.select %ge3A_389, %add3A_392, %broadcast_in_dim3A_394 : vector<16xi1>, vector<16xi32>
    %max3A_396 = arith.maxsi %max3A_367, %select_n3A_395 : vector<16xi32>
    %reduce_max3A_397 = arith.constant true
    %reduce_max3A_398 = vector.broadcast %reduce_max3A_397 : i1 to vector<16xi1>
    %reduce_max3A_399 = tpu.scan <max>, %add3A_388 masked %reduce_max3A_398 : vector<16xf32>, vector<16xi1> -> vector<16xf32>
    %reduce_max3A_400 = vector.extract %reduce_max3A_399[15] : f32 from vector<16xf32>
    %broadcast_in_dim3A_401 = vector.broadcast %reduce_max3A_400 : f32 to vector<16xf32>
    %get3A_402 = arith.constant 32 : index
    %get3A_403 = tpu.vector_load %arg7[%get3A_402] {strides = array<i32>} : memref<256xf32, #tpu.memory_space<vmem>>, vector<16xf32>,
    %rev3A_404 = arith.constant 15 : i32
    %rev3A_405 = vector.broadcast %rev3A_404 : i32 to vector<16xi32>
    %rev3A_406 = tpu.iota {dimensions = array<i32: 0>} : vector<16xi32>
    %rev3A_407 = arith.subi %rev3A_405, %rev3A_406 : vector<16xi32>
    %rev3A_408 = tpu.dynamic_gather %get3A_403[%rev3A_407] in [0] : vector<16xf32>, vector<16xi32> -> vector<16xf32>
    %broadcast_in_dim3A_409 = arith.constant true
    %broadcast_in_dim3A_410 = vector.broadcast %broadcast_in_dim3A_409 : i1 to vector<16xi1>
    %masked_cumsum3A_411 = tpu.scan <sum>, %rev3A_408 masked %broadcast_in_dim3A_410 : vector<16xf32>, vector<16xi1> -> vector<16xf32>
    %rev3A_412 = arith.constant 15 : i32
    %rev3A_413 = vector.broadcast %rev3A_412 : i32 to vector<16xi32>
    %rev3A_414 = tpu.iota {dimensions = array<i32: 0>} : vector<16xi32>
    %rev3A_415 = arith.subi %rev3A_413, %rev3A_414 : vector<16xi32>
    %rev3A_416 = tpu.dynamic_gather %masked_cumsum3A_411[%rev3A_415] in [0] : vector<16xf32>, vector<16xi32> -> vector<16xf32>
    %add3A_417 = arith.addf %rev3A_416, %broadcast_in_dim3A_401 : vector<16xf32>
    %ge3A_418 = arith.cmpf oge, %add3A_417, %get3A_6 : vector<16xf32>
    %add3A_419 = arith.constant 32 : i32
    %add3A_420 = vector.broadcast %add3A_419 : i32 to vector<16xi32>
    %add3A_421 = arith.addi %add3A_420, %iota3A : vector<16xi32>
    %jit3A_422 = arith.constant -1 : i32
    %broadcast_in_dim3A_423 = vector.broadcast %jit3A_422 : i32 to vector<16xi32>
    %select_n3A_424 = arith.select %ge3A_418, %add3A_421, %broadcast_in_dim3A_423 : vector<16xi1>, vector<16xi32>
    %max3A_425 = arith.maxsi %max3A_396, %select_n3A_424 : vector<16xi32>
    %reduce_max3A_426 = arith.constant true
    %reduce_max3A_427 = vector.broadcast %reduce_max3A_426 : i1 to vector<16xi1>
    %reduce_max3A_428 = tpu.scan <max>, %add3A_417 masked %reduce_max3A_427 : vector<16xf32>, vector<16xi1> -> vector<16xf32>
    %reduce_max3A_429 = vector.extract %reduce_max3A_428[15] : f32 from vector<16xf32>
    %broadcast_in_dim3A_430 = vector.broadcast %reduce_max3A_429 : f32 to vector<16xf32>
    %get3A_431 = arith.constant 16 : index
    %get3A_432 = tpu.vector_load %arg7[%get3A_431] {strides = array<i32>} : memref<256xf32, #tpu.memory_space<vmem>>, vector<16xf32>,
    %rev3A_433 = arith.constant 15 : i32
    %rev3A_434 = vector.broadcast %rev3A_433 : i32 to vector<16xi32>
    %rev3A_435 = tpu.iota {dimensions = array<i32: 0>} : vector<16xi32>
    %rev3A_436 = arith.subi %rev3A_434, %rev3A_435 : vector<16xi32>
    %rev3A_437 = tpu.dynamic_gather %get3A_432[%rev3A_436] in [0] : vector<16xf32>, vector<16xi32> -> vector<16xf32>
    %broadcast_in_dim3A_438 = arith.constant true
    %broadcast_in_dim3A_439 = vector.broadcast %broadcast_in_dim3A_438 : i1 to vector<16xi1>
    %masked_cumsum3A_440 = tpu.scan <sum>, %rev3A_437 masked %broadcast_in_dim3A_439 : vector<16xf32>, vector<16xi1> -> vector<16xf32>
    %rev3A_441 = arith.constant 15 : i32
    %rev3A_442 = vector.broadcast %rev3A_441 : i32 to vector<16xi32>
    %rev3A_443 = tpu.iota {dimensions = array<i32: 0>} : vector<16xi32>
    %rev3A_444 = arith.subi %rev3A_442, %rev3A_443 : vector<16xi32>
    %rev3A_445 = tpu.dynamic_gather %masked_cumsum3A_440[%rev3A_444] in [0] : vector<16xf32>, vector<16xi32> -> vector<16xf32>
    %add3A_446 = arith.addf %rev3A_445, %broadcast_in_dim3A_430 : vector<16xf32>
    %ge3A_447 = arith.cmpf oge, %add3A_446, %get3A_6 : vector<16xf32>
    %add3A_448 = arith.constant 16 : i32
    %add3A_449 = vector.broadcast %add3A_448 : i32 to vector<16xi32>
    %add3A_450 = arith.addi %add3A_449, %iota3A : vector<16xi32>
    %jit3A_451 = arith.constant -1 : i32
    %broadcast_in_dim3A_452 = vector.broadcast %jit3A_451 : i32 to vector<16xi32>
    %select_n3A_453 = arith.select %ge3A_447, %add3A_450, %broadcast_in_dim3A_452 : vector<16xi1>, vector<16xi32>
    %max3A_454 = arith.maxsi %max3A_425, %select_n3A_453 : vector<16xi32>
    %reduce_max3A_455 = arith.constant true
    %reduce_max3A_456 = vector.broadcast %reduce_max3A_455 : i1 to vector<16xi1>
    %reduce_max3A_457 = tpu.scan <max>, %add3A_446 masked %reduce_max3A_456 : vector<16xf32>, vector<16xi1> -> vector<16xf32>
    %reduce_max3A_458 = vector.extract %reduce_max3A_457[15] : f32 from vector<16xf32>
    %broadcast_in_dim3A_459 = vector.broadcast %reduce_max3A_458 : f32 to vector<16xf32>
    %get3A_460 = arith.constant 0 : index
    %get3A_461 = tpu.vector_load %arg7[%get3A_460] {strides = array<i32>} : memref<256xf32, #tpu.memory_space<vmem>>, vector<16xf32>,
    %rev3A_462 = arith.constant 15 : i32
    %rev3A_463 = vector.broadcast %rev3A_462 : i32 to vector<16xi32>
    %rev3A_464 = tpu.iota {dimensions = array<i32: 0>} : vector<16xi32>
    %rev3A_465 = arith.subi %rev3A_463, %rev3A_464 : vector<16xi32>
    %rev3A_466 = tpu.dynamic_gather %get3A_461[%rev3A_465] in [0] : vector<16xf32>, vector<16xi32> -> vector<16xf32>
    %broadcast_in_dim3A_467 = arith.constant true
    %broadcast_in_dim3A_468 = vector.broadcast %broadcast_in_dim3A_467 : i1 to vector<16xi1>
    %masked_cumsum3A_469 = tpu.scan <sum>, %rev3A_466 masked %broadcast_in_dim3A_468 : vector<16xf32>, vector<16xi1> -> vector<16xf32>
    %rev3A_470 = arith.constant 15 : i32
    %rev3A_471 = vector.broadcast %rev3A_470 : i32 to vector<16xi32>
    %rev3A_472 = tpu.iota {dimensions = array<i32: 0>} : vector<16xi32>
    %rev3A_473 = arith.subi %rev3A_471, %rev3A_472 : vector<16xi32>
    %rev3A_474 = tpu.dynamic_gather %masked_cumsum3A_469[%rev3A_473] in [0] : vector<16xf32>, vector<16xi32> -> vector<16xf32>
    %add3A_475 = arith.addf %rev3A_474, %broadcast_in_dim3A_459 : vector<16xf32>
    %ge3A_476 = arith.cmpf oge, %add3A_475, %get3A_6 : vector<16xf32>
    %add3A_477 = arith.constant 0 : i32
    %add3A_478 = vector.broadcast %add3A_477 : i32 to vector<16xi32>
    %add3A_479 = arith.addi %add3A_478, %iota3A : vector<16xi32>
    %jit3A_480 = arith.constant -1 : i32
    %broadcast_in_dim3A_481 = vector.broadcast %jit3A_480 : i32 to vector<16xi32>
    %select_n3A_482 = arith.select %ge3A_476, %add3A_479, %broadcast_in_dim3A_481 : vector<16xi1>, vector<16xi32>
    %max3A_483 = arith.maxsi %max3A_454, %select_n3A_482 : vector<16xi32>
    %reduce_max3A_484 = arith.constant true
    %reduce_max3A_485 = vector.broadcast %reduce_max3A_484 : i1 to vector<16xi1>
    %reduce_max3A_486 = tpu.scan <max>, %add3A_475 masked %reduce_max3A_485 : vector<16xf32>, vector<16xi1> -> vector<16xf32>
    %reduce_max3A_487 = vector.extract %reduce_max3A_486[15] : f32 from vector<16xf32>
    %broadcast_in_dim3A_488 = vector.broadcast %reduce_max3A_487 : f32 to vector<16xf32>
    %reduce_max3A_489 = arith.constant true
    %reduce_max3A_490 = vector.broadcast %reduce_max3A_489 : i1 to vector<16xi1>
    %reduce_max3A_491 = arith.constant -2147483648 : i32
    %reduce_max3A_492 = vector.broadcast %reduce_max3A_491 : i32 to vector<16xi32>
    %reduce_max3A_493 = arith.xori %max3A_483, %reduce_max3A_492 : vector<16xi32>
    %reduce_max3A_494 = tpu.scan <max>, %reduce_max3A_493 masked %reduce_max3A_490 : vector<16xi32>, vector<16xi1> -> vector<16xi32>
    %reduce_max3A_495 = arith.xori %reduce_max3A_494, %reduce_max3A_492 : vector<16xi32>
    %reduce_max3A_496 = vector.extract %reduce_max3A_495[15] : i32 from vector<16xi32>
    %broadcast_in_dim3A_497 = vector.broadcast %reduce_max3A_496 : i32 to vector<16xi32>
    %broadcast_in_dim3A_498 = arith.constant 0.000000e+00 : f32
    %broadcast_in_dim3A_499 = vector.broadcast %broadcast_in_dim3A_498 : f32 to vector<16xf32>
    %broadcast_in_dim3A_500 = arith.constant 0.000000e+00 : f32
    %broadcast_in_dim3A_501 = vector.broadcast %broadcast_in_dim3A_500 : f32 to vector<16xf32>
    %add3A_502 = arith.constant 0 : i32
    %add3A_503 = vector.broadcast %add3A_502 : i32 to vector<16xi32>
    %add3A_504 = arith.addi %add3A_503, %iota3A : vector<16xi32>
    %gt3A = arith.cmpi sgt, %add3A_504, %broadcast_in_dim3A_497 : vector<16xi32>
    %get3A_505 = arith.constant 0 : index
    %get3A_506 = tpu.vector_load %arg7[%get3A_505] {strides = array<i32>} : memref<256xf32, #tpu.memory_space<vmem>>, vector<16xf32>,
    %jit3A_507 = arith.constant 0.000000e+00 : f32
    %broadcast_in_dim3A_508 = vector.broadcast %jit3A_507 : f32 to vector<16xf32>
    %select_n3A_509 = arith.select %gt3A, %get3A_506, %broadcast_in_dim3A_508 : vector<16xi1>, vector<16xf32>
    %add3A_510 = arith.addf %broadcast_in_dim3A_499, %select_n3A_509 : vector<16xf32>
    %get3A_511 = arith.constant 0 : index
    %get3A_512 = tpu.vector_load %arg8[%get3A_511] {strides = array<i32>} : memref<256xf32, #tpu.memory_space<vmem>>, vector<16xf32>,
    %jit3A_513 = arith.constant 0.000000e+00 : f32
    %broadcast_in_dim3A_514 = vector.broadcast %jit3A_513 : f32 to vector<16xf32>
    %select_n3A_515 = arith.select %gt3A, %get3A_512, %broadcast_in_dim3A_514 : vector<16xi1>, vector<16xf32>
    %add3A_516 = arith.addf %broadcast_in_dim3A_501, %select_n3A_515 : vector<16xf32>
    %add3A_517 = arith.constant 16 : i32
    %add3A_518 = vector.broadcast %add3A_517 : i32 to vector<16xi32>
    %add3A_519 = arith.addi %add3A_518, %iota3A : vector<16xi32>
    %gt3A_520 = arith.cmpi sgt, %add3A_519, %broadcast_in_dim3A_497 : vector<16xi32>
    %get3A_521 = arith.constant 16 : index
    %get3A_522 = tpu.vector_load %arg7[%get3A_521] {strides = array<i32>} : memref<256xf32, #tpu.memory_space<vmem>>, vector<16xf32>,
    %jit3A_523 = arith.constant 0.000000e+00 : f32
    %broadcast_in_dim3A_524 = vector.broadcast %jit3A_523 : f32 to vector<16xf32>
    %select_n3A_525 = arith.select %gt3A_520, %get3A_522, %broadcast_in_dim3A_524 : vector<16xi1>, vector<16xf32>
    %add3A_526 = arith.addf %add3A_510, %select_n3A_525 : vector<16xf32>
    %get3A_527 = arith.constant 16 : index
    %get3A_528 = tpu.vector_load %arg8[%get3A_527] {strides = array<i32>} : memref<256xf32, #tpu.memory_space<vmem>>, vector<16xf32>,
    %jit3A_529 = arith.constant 0.000000e+00 : f32
    %broadcast_in_dim3A_530 = vector.broadcast %jit3A_529 : f32 to vector<16xf32>
    %select_n3A_531 = arith.select %gt3A_520, %get3A_528, %broadcast_in_dim3A_530 : vector<16xi1>, vector<16xf32>
    %add3A_532 = arith.addf %add3A_516, %select_n3A_531 : vector<16xf32>
    %add3A_533 = arith.constant 32 : i32
    %add3A_534 = vector.broadcast %add3A_533 : i32 to vector<16xi32>
    %add3A_535 = arith.addi %add3A_534, %iota3A : vector<16xi32>
    %gt3A_536 = arith.cmpi sgt, %add3A_535, %broadcast_in_dim3A_497 : vector<16xi32>
    %get3A_537 = arith.constant 32 : index
    %get3A_538 = tpu.vector_load %arg7[%get3A_537] {strides = array<i32>} : memref<256xf32, #tpu.memory_space<vmem>>, vector<16xf32>,
    %jit3A_539 = arith.constant 0.000000e+00 : f32
    %broadcast_in_dim3A_540 = vector.broadcast %jit3A_539 : f32 to vector<16xf32>
    %select_n3A_541 = arith.select %gt3A_536, %get3A_538, %broadcast_in_dim3A_540 : vector<16xi1>, vector<16xf32>
    %add3A_542 = arith.addf %add3A_526, %select_n3A_541 : vector<16xf32>
    %get3A_543 = arith.constant 32 : index
    %get3A_544 = tpu.vector_load %arg8[%get3A_543] {strides = array<i32>} : memref<256xf32, #tpu.memory_space<vmem>>, vector<16xf32>,
    %jit3A_545 = arith.constant 0.000000e+00 : f32
    %broadcast_in_dim3A_546 = vector.broadcast %jit3A_545 : f32 to vector<16xf32>
    %select_n3A_547 = arith.select %gt3A_536, %get3A_544, %broadcast_in_dim3A_546 : vector<16xi1>, vector<16xf32>
    %add3A_548 = arith.addf %add3A_532, %select_n3A_547 : vector<16xf32>
    %add3A_549 = arith.constant 48 : i32
    %add3A_550 = vector.broadcast %add3A_549 : i32 to vector<16xi32>
    %add3A_551 = arith.addi %add3A_550, %iota3A : vector<16xi32>
    %gt3A_552 = arith.cmpi sgt, %add3A_551, %broadcast_in_dim3A_497 : vector<16xi32>
    %get3A_553 = arith.constant 48 : index
    %get3A_554 = tpu.vector_load %arg7[%get3A_553] {strides = array<i32>} : memref<256xf32, #tpu.memory_space<vmem>>, vector<16xf32>,
    %jit3A_555 = arith.constant 0.000000e+00 : f32
    %broadcast_in_dim3A_556 = vector.broadcast %jit3A_555 : f32 to vector<16xf32>
    %select_n3A_557 = arith.select %gt3A_552, %get3A_554, %broadcast_in_dim3A_556 : vector<16xi1>, vector<16xf32>
    %add3A_558 = arith.addf %add3A_542, %select_n3A_557 : vector<16xf32>
    %get3A_559 = arith.constant 48 : index
    %get3A_560 = tpu.vector_load %arg8[%get3A_559] {strides = array<i32>} : memref<256xf32, #tpu.memory_space<vmem>>, vector<16xf32>,
    %jit3A_561 = arith.constant 0.000000e+00 : f32
    %broadcast_in_dim3A_562 = vector.broadcast %jit3A_561 : f32 to vector<16xf32>
    %select_n3A_563 = arith.select %gt3A_552, %get3A_560, %broadcast_in_dim3A_562 : vector<16xi1>, vector<16xf32>
    %add3A_564 = arith.addf %add3A_548, %select_n3A_563 : vector<16xf32>
    %add3A_565 = arith.constant 64 : i32
    %add3A_566 = vector.broadcast %add3A_565 : i32 to vector<16xi32>
    %add3A_567 = arith.addi %add3A_566, %iota3A : vector<16xi32>
    %gt3A_568 = arith.cmpi sgt, %add3A_567, %broadcast_in_dim3A_497 : vector<16xi32>
    %get3A_569 = arith.constant 64 : index
    %get3A_570 = tpu.vector_load %arg7[%get3A_569] {strides = array<i32>} : memref<256xf32, #tpu.memory_space<vmem>>, vector<16xf32>,
    %jit3A_571 = arith.constant 0.000000e+00 : f32
    %broadcast_in_dim3A_572 = vector.broadcast %jit3A_571 : f32 to vector<16xf32>
    %select_n3A_573 = arith.select %gt3A_568, %get3A_570, %broadcast_in_dim3A_572 : vector<16xi1>, vector<16xf32>
    %add3A_574 = arith.addf %add3A_558, %select_n3A_573 : vector<16xf32>
    %get3A_575 = arith.constant 64 : index
    %get3A_576 = tpu.vector_load %arg8[%get3A_575] {strides = array<i32>} : memref<256xf32, #tpu.memory_space<vmem>>, vector<16xf32>,
    %jit3A_577 = arith.constant 0.000000e+00 : f32
    %broadcast_in_dim3A_578 = vector.broadcast %jit3A_577 : f32 to vector<16xf32>
    %select_n3A_579 = arith.select %gt3A_568, %get3A_576, %broadcast_in_dim3A_578 : vector<16xi1>, vector<16xf32>
    %add3A_580 = arith.addf %add3A_564, %select_n3A_579 : vector<16xf32>
    %add3A_581 = arith.constant 80 : i32
    %add3A_582 = vector.broadcast %add3A_581 : i32 to vector<16xi32>
    %add3A_583 = arith.addi %add3A_582, %iota3A : vector<16xi32>
    %gt3A_584 = arith.cmpi sgt, %add3A_583, %broadcast_in_dim3A_497 : vector<16xi32>
    %get3A_585 = arith.constant 80 : index
    %get3A_586 = tpu.vector_load %arg7[%get3A_585] {strides = array<i32>} : memref<256xf32, #tpu.memory_space<vmem>>, vector<16xf32>,
    %jit3A_587 = arith.constant 0.000000e+00 : f32
    %broadcast_in_dim3A_588 = vector.broadcast %jit3A_587 : f32 to vector<16xf32>
    %select_n3A_589 = arith.select %gt3A_584, %get3A_586, %broadcast_in_dim3A_588 : vector<16xi1>, vector<16xf32>
    %add3A_590 = arith.addf %add3A_574, %select_n3A_589 : vector<16xf32>
    %get3A_591 = arith.constant 80 : index
    %get3A_592 = tpu.vector_load %arg8[%get3A_591] {strides = array<i32>} : memref<256xf32, #tpu.memory_space<vmem>>, vector<16xf32>,
    %jit3A_593 = arith.constant 0.000000e+00 : f32
    %broadcast_in_dim3A_594 = vector.broadcast %jit3A_593 : f32 to vector<16xf32>
    %select_n3A_595 = arith.select %gt3A_584, %get3A_592, %broadcast_in_dim3A_594 : vector<16xi1>, vector<16xf32>
    %add3A_596 = arith.addf %add3A_580, %select_n3A_595 : vector<16xf32>
    %add3A_597 = arith.constant 96 : i32
    %add3A_598 = vector.broadcast %add3A_597 : i32 to vector<16xi32>
    %add3A_599 = arith.addi %add3A_598, %iota3A : vector<16xi32>
    %gt3A_600 = arith.cmpi sgt, %add3A_599, %broadcast_in_dim3A_497 : vector<16xi32>
    %get3A_601 = arith.constant 96 : index
    %get3A_602 = tpu.vector_load %arg7[%get3A_601] {strides = array<i32>} : memref<256xf32, #tpu.memory_space<vmem>>, vector<16xf32>,
    %jit3A_603 = arith.constant 0.000000e+00 : f32
    %broadcast_in_dim3A_604 = vector.broadcast %jit3A_603 : f32 to vector<16xf32>
    %select_n3A_605 = arith.select %gt3A_600, %get3A_602, %broadcast_in_dim3A_604 : vector<16xi1>, vector<16xf32>
    %add3A_606 = arith.addf %add3A_590, %select_n3A_605 : vector<16xf32>
    %get3A_607 = arith.constant 96 : index
    %get3A_608 = tpu.vector_load %arg8[%get3A_607] {strides = array<i32>} : memref<256xf32, #tpu.memory_space<vmem>>, vector<16xf32>,
    %jit3A_609 = arith.constant 0.000000e+00 : f32
    %broadcast_in_dim3A_610 = vector.broadcast %jit3A_609 : f32 to vector<16xf32>
    %select_n3A_611 = arith.select %gt3A_600, %get3A_608, %broadcast_in_dim3A_610 : vector<16xi1>, vector<16xf32>
    %add3A_612 = arith.addf %add3A_596, %select_n3A_611 : vector<16xf32>
    %add3A_613 = arith.constant 112 : i32
    %add3A_614 = vector.broadcast %add3A_613 : i32 to vector<16xi32>
    %add3A_615 = arith.addi %add3A_614, %iota3A : vector<16xi32>
    %gt3A_616 = arith.cmpi sgt, %add3A_615, %broadcast_in_dim3A_497 : vector<16xi32>
    %get3A_617 = arith.constant 112 : index
    %get3A_618 = tpu.vector_load %arg7[%get3A_617] {strides = array<i32>} : memref<256xf32, #tpu.memory_space<vmem>>, vector<16xf32>,
    %jit3A_619 = arith.constant 0.000000e+00 : f32
    %broadcast_in_dim3A_620 = vector.broadcast %jit3A_619 : f32 to vector<16xf32>
    %select_n3A_621 = arith.select %gt3A_616, %get3A_618, %broadcast_in_dim3A_620 : vector<16xi1>, vector<16xf32>
    %add3A_622 = arith.addf %add3A_606, %select_n3A_621 : vector<16xf32>
    %get3A_623 = arith.constant 112 : index
    %get3A_624 = tpu.vector_load %arg8[%get3A_623] {strides = array<i32>} : memref<256xf32, #tpu.memory_space<vmem>>, vector<16xf32>,
    %jit3A_625 = arith.constant 0.000000e+00 : f32
    %broadcast_in_dim3A_626 = vector.broadcast %jit3A_625 : f32 to vector<16xf32>
    %select_n3A_627 = arith.select %gt3A_616, %get3A_624, %broadcast_in_dim3A_626 : vector<16xi1>, vector<16xf32>
    %add3A_628 = arith.addf %add3A_612, %select_n3A_627 : vector<16xf32>
    %add3A_629 = arith.constant 128 : i32
    %add3A_630 = vector.broadcast %add3A_629 : i32 to vector<16xi32>
    %add3A_631 = arith.addi %add3A_630, %iota3A : vector<16xi32>
    %gt3A_632 = arith.cmpi sgt, %add3A_631, %broadcast_in_dim3A_497 : vector<16xi32>
    %get3A_633 = arith.constant 128 : index
    %get3A_634 = tpu.vector_load %arg7[%get3A_633] {strides = array<i32>} : memref<256xf32, #tpu.memory_space<vmem>>, vector<16xf32>,
    %jit3A_635 = arith.constant 0.000000e+00 : f32
    %broadcast_in_dim3A_636 = vector.broadcast %jit3A_635 : f32 to vector<16xf32>
    %select_n3A_637 = arith.select %gt3A_632, %get3A_634, %broadcast_in_dim3A_636 : vector<16xi1>, vector<16xf32>
    %add3A_638 = arith.addf %add3A_622, %select_n3A_637 : vector<16xf32>
    %get3A_639 = arith.constant 128 : index
    %get3A_640 = tpu.vector_load %arg8[%get3A_639] {strides = array<i32>} : memref<256xf32, #tpu.memory_space<vmem>>, vector<16xf32>,
    %jit3A_641 = arith.constant 0.000000e+00 : f32
    %broadcast_in_dim3A_642 = vector.broadcast %jit3A_641 : f32 to vector<16xf32>
    %select_n3A_643 = arith.select %gt3A_632, %get3A_640, %broadcast_in_dim3A_642 : vector<16xi1>, vector<16xf32>
    %add3A_644 = arith.addf %add3A_628, %select_n3A_643 : vector<16xf32>
    %add3A_645 = arith.constant 144 : i32
    %add3A_646 = vector.broadcast %add3A_645 : i32 to vector<16xi32>
    %add3A_647 = arith.addi %add3A_646, %iota3A : vector<16xi32>
    %gt3A_648 = arith.cmpi sgt, %add3A_647, %broadcast_in_dim3A_497 : vector<16xi32>
    %get3A_649 = arith.constant 144 : index
    %get3A_650 = tpu.vector_load %arg7[%get3A_649] {strides = array<i32>} : memref<256xf32, #tpu.memory_space<vmem>>, vector<16xf32>,
    %jit3A_651 = arith.constant 0.000000e+00 : f32
    %broadcast_in_dim3A_652 = vector.broadcast %jit3A_651 : f32 to vector<16xf32>
    %select_n3A_653 = arith.select %gt3A_648, %get3A_650, %broadcast_in_dim3A_652 : vector<16xi1>, vector<16xf32>
    %add3A_654 = arith.addf %add3A_638, %select_n3A_653 : vector<16xf32>
    %get3A_655 = arith.constant 144 : index
    %get3A_656 = tpu.vector_load %arg8[%get3A_655] {strides = array<i32>} : memref<256xf32, #tpu.memory_space<vmem>>, vector<16xf32>,
    %jit3A_657 = arith.constant 0.000000e+00 : f32
    %broadcast_in_dim3A_658 = vector.broadcast %jit3A_657 : f32 to vector<16xf32>
    %select_n3A_659 = arith.select %gt3A_648, %get3A_656, %broadcast_in_dim3A_658 : vector<16xi1>, vector<16xf32>
    %add3A_660 = arith.addf %add3A_644, %select_n3A_659 : vector<16xf32>
    %add3A_661 = arith.constant 160 : i32
    %add3A_662 = vector.broadcast %add3A_661 : i32 to vector<16xi32>
    %add3A_663 = arith.addi %add3A_662, %iota3A : vector<16xi32>
    %gt3A_664 = arith.cmpi sgt, %add3A_663, %broadcast_in_dim3A_497 : vector<16xi32>
    %get3A_665 = arith.constant 160 : index
    %get3A_666 = tpu.vector_load %arg7[%get3A_665] {strides = array<i32>} : memref<256xf32, #tpu.memory_space<vmem>>, vector<16xf32>,
    %jit3A_667 = arith.constant 0.000000e+00 : f32
    %broadcast_in_dim3A_668 = vector.broadcast %jit3A_667 : f32 to vector<16xf32>
    %select_n3A_669 = arith.select %gt3A_664, %get3A_666, %broadcast_in_dim3A_668 : vector<16xi1>, vector<16xf32>
    %add3A_670 = arith.addf %add3A_654, %select_n3A_669 : vector<16xf32>
    %get3A_671 = arith.constant 160 : index
    %get3A_672 = tpu.vector_load %arg8[%get3A_671] {strides = array<i32>} : memref<256xf32, #tpu.memory_space<vmem>>, vector<16xf32>,
    %jit3A_673 = arith.constant 0.000000e+00 : f32
    %broadcast_in_dim3A_674 = vector.broadcast %jit3A_673 : f32 to vector<16xf32>
    %select_n3A_675 = arith.select %gt3A_664, %get3A_672, %broadcast_in_dim3A_674 : vector<16xi1>, vector<16xf32>
    %add3A_676 = arith.addf %add3A_660, %select_n3A_675 : vector<16xf32>
    %add3A_677 = arith.constant 176 : i32
    %add3A_678 = vector.broadcast %add3A_677 : i32 to vector<16xi32>
    %add3A_679 = arith.addi %add3A_678, %iota3A : vector<16xi32>
    %gt3A_680 = arith.cmpi sgt, %add3A_679, %broadcast_in_dim3A_497 : vector<16xi32>
    %get3A_681 = arith.constant 176 : index
    %get3A_682 = tpu.vector_load %arg7[%get3A_681] {strides = array<i32>} : memref<256xf32, #tpu.memory_space<vmem>>, vector<16xf32>,
    %jit3A_683 = arith.constant 0.000000e+00 : f32
    %broadcast_in_dim3A_684 = vector.broadcast %jit3A_683 : f32 to vector<16xf32>
    %select_n3A_685 = arith.select %gt3A_680, %get3A_682, %broadcast_in_dim3A_684 : vector<16xi1>, vector<16xf32>
    %add3A_686 = arith.addf %add3A_670, %select_n3A_685 : vector<16xf32>
    %get3A_687 = arith.constant 176 : index
    %get3A_688 = tpu.vector_load %arg8[%get3A_687] {strides = array<i32>} : memref<256xf32, #tpu.memory_space<vmem>>, vector<16xf32>,
    %jit3A_689 = arith.constant 0.000000e+00 : f32
    %broadcast_in_dim3A_690 = vector.broadcast %jit3A_689 : f32 to vector<16xf32>
    %select_n3A_691 = arith.select %gt3A_680, %get3A_688, %broadcast_in_dim3A_690 : vector<16xi1>, vector<16xf32>
    %add3A_692 = arith.addf %add3A_676, %select_n3A_691 : vector<16xf32>
    %add3A_693 = arith.constant 192 : i32
    %add3A_694 = vector.broadcast %add3A_693 : i32 to vector<16xi32>
    %add3A_695 = arith.addi %add3A_694, %iota3A : vector<16xi32>
    %gt3A_696 = arith.cmpi sgt, %add3A_695, %broadcast_in_dim3A_497 : vector<16xi32>
    %get3A_697 = arith.constant 192 : index
    %get3A_698 = tpu.vector_load %arg7[%get3A_697] {strides = array<i32>} : memref<256xf32, #tpu.memory_space<vmem>>, vector<16xf32>,
    %jit3A_699 = arith.constant 0.000000e+00 : f32
    %broadcast_in_dim3A_700 = vector.broadcast %jit3A_699 : f32 to vector<16xf32>
    %select_n3A_701 = arith.select %gt3A_696, %get3A_698, %broadcast_in_dim3A_700 : vector<16xi1>, vector<16xf32>
    %add3A_702 = arith.addf %add3A_686, %select_n3A_701 : vector<16xf32>
    %get3A_703 = arith.constant 192 : index
    %get3A_704 = tpu.vector_load %arg8[%get3A_703] {strides = array<i32>} : memref<256xf32, #tpu.memory_space<vmem>>, vector<16xf32>,
    %jit3A_705 = arith.constant 0.000000e+00 : f32
    %broadcast_in_dim3A_706 = vector.broadcast %jit3A_705 : f32 to vector<16xf32>
    %select_n3A_707 = arith.select %gt3A_696, %get3A_704, %broadcast_in_dim3A_706 : vector<16xi1>, vector<16xf32>
    %add3A_708 = arith.addf %add3A_692, %select_n3A_707 : vector<16xf32>
    %add3A_709 = arith.constant 208 : i32
    %add3A_710 = vector.broadcast %add3A_709 : i32 to vector<16xi32>
    %add3A_711 = arith.addi %add3A_710, %iota3A : vector<16xi32>
    %gt3A_712 = arith.cmpi sgt, %add3A_711, %broadcast_in_dim3A_497 : vector<16xi32>
    %get3A_713 = arith.constant 208 : index
    %get3A_714 = tpu.vector_load %arg7[%get3A_713] {strides = array<i32>} : memref<256xf32, #tpu.memory_space<vmem>>, vector<16xf32>,
    %jit3A_715 = arith.constant 0.000000e+00 : f32
    %broadcast_in_dim3A_716 = vector.broadcast %jit3A_715 : f32 to vector<16xf32>
    %select_n3A_717 = arith.select %gt3A_712, %get3A_714, %broadcast_in_dim3A_716 : vector<16xi1>, vector<16xf32>
    %add3A_718 = arith.addf %add3A_702, %select_n3A_717 : vector<16xf32>
    %get3A_719 = arith.constant 208 : index
    %get3A_720 = tpu.vector_load %arg8[%get3A_719] {strides = array<i32>} : memref<256xf32, #tpu.memory_space<vmem>>, vector<16xf32>,
    %jit3A_721 = arith.constant 0.000000e+00 : f32
    %broadcast_in_dim3A_722 = vector.broadcast %jit3A_721 : f32 to vector<16xf32>
    %select_n3A_723 = arith.select %gt3A_712, %get3A_720, %broadcast_in_dim3A_722 : vector<16xi1>, vector<16xf32>
    %add3A_724 = arith.addf %add3A_708, %select_n3A_723 : vector<16xf32>
    %add3A_725 = arith.constant 224 : i32
    %add3A_726 = vector.broadcast %add3A_725 : i32 to vector<16xi32>
    %add3A_727 = arith.addi %add3A_726, %iota3A : vector<16xi32>
    %gt3A_728 = arith.cmpi sgt, %add3A_727, %broadcast_in_dim3A_497 : vector<16xi32>
    %get3A_729 = arith.constant 224 : index
    %get3A_730 = tpu.vector_load %arg7[%get3A_729] {strides = array<i32>} : memref<256xf32, #tpu.memory_space<vmem>>, vector<16xf32>,
    %jit3A_731 = arith.constant 0.000000e+00 : f32
    %broadcast_in_dim3A_732 = vector.broadcast %jit3A_731 : f32 to vector<16xf32>
    %select_n3A_733 = arith.select %gt3A_728, %get3A_730, %broadcast_in_dim3A_732 : vector<16xi1>, vector<16xf32>
    %add3A_734 = arith.addf %add3A_718, %select_n3A_733 : vector<16xf32>
    %get3A_735 = arith.constant 224 : index
    %get3A_736 = tpu.vector_load %arg8[%get3A_735] {strides = array<i32>} : memref<256xf32, #tpu.memory_space<vmem>>, vector<16xf32>,
    %jit3A_737 = arith.constant 0.000000e+00 : f32
    %broadcast_in_dim3A_738 = vector.broadcast %jit3A_737 : f32 to vector<16xf32>
    %select_n3A_739 = arith.select %gt3A_728, %get3A_736, %broadcast_in_dim3A_738 : vector<16xi1>, vector<16xf32>
    %add3A_740 = arith.addf %add3A_724, %select_n3A_739 : vector<16xf32>
    %add3A_741 = arith.constant 240 : i32
    %add3A_742 = vector.broadcast %add3A_741 : i32 to vector<16xi32>
    %add3A_743 = arith.addi %add3A_742, %iota3A : vector<16xi32>
    %gt3A_744 = arith.cmpi sgt, %add3A_743, %broadcast_in_dim3A_497 : vector<16xi32>
    %get3A_745 = arith.constant 240 : index
    %get3A_746 = tpu.vector_load %arg7[%get3A_745] {strides = array<i32>} : memref<256xf32, #tpu.memory_space<vmem>>, vector<16xf32>,
    %jit3A_747 = arith.constant 0.000000e+00 : f32
    %broadcast_in_dim3A_748 = vector.broadcast %jit3A_747 : f32 to vector<16xf32>
    %select_n3A_749 = arith.select %gt3A_744, %get3A_746, %broadcast_in_dim3A_748 : vector<16xi1>, vector<16xf32>
    %add3A_750 = arith.addf %add3A_734, %select_n3A_749 : vector<16xf32>
    %get3A_751 = arith.constant 240 : index
    %get3A_752 = tpu.vector_load %arg8[%get3A_751] {strides = array<i32>} : memref<256xf32, #tpu.memory_space<vmem>>, vector<16xf32>,
    %jit3A_753 = arith.constant 0.000000e+00 : f32
    %broadcast_in_dim3A_754 = vector.broadcast %jit3A_753 : f32 to vector<16xf32>
    %select_n3A_755 = arith.select %gt3A_744, %get3A_752, %broadcast_in_dim3A_754 : vector<16xi1>, vector<16xf32>
    %add3A_756 = arith.addf %add3A_740, %select_n3A_755 : vector<16xf32>
    %broadcast_in_dim3A_757 = arith.constant true
    %broadcast_in_dim3A_758 = vector.broadcast %broadcast_in_dim3A_757 : i1 to vector<16xi1>
    %masked_cumsum3A_759 = tpu.scan <sum>, %add3A_750 masked %broadcast_in_dim3A_758 : vector<16xf32>, vector<16xi1> -> vector<16xf32>
    %reduce_max3A_760 = arith.constant true
    %reduce_max3A_761 = vector.broadcast %reduce_max3A_760 : i1 to vector<16xi1>
    %reduce_max3A_762 = tpu.scan <max>, %masked_cumsum3A_759 masked %reduce_max3A_761 : vector<16xf32>, vector<16xi1> -> vector<16xf32>
    %reduce_max3A_763 = vector.extract %reduce_max3A_762[15] : f32 from vector<16xf32>
    %broadcast_in_dim3A_764 = vector.broadcast %reduce_max3A_763 : f32 to vector<16xf32>
    %broadcast_in_dim3A_765 = arith.constant true
    %broadcast_in_dim3A_766 = vector.broadcast %broadcast_in_dim3A_765 : i1 to vector<16xi1>
    %masked_cumsum3A_767 = tpu.scan <sum>, %add3A_756 masked %broadcast_in_dim3A_766 : vector<16xf32>, vector<16xi1> -> vector<16xf32>
    %reduce_max3A_768 = arith.constant true
    %reduce_max3A_769 = vector.broadcast %reduce_max3A_768 : i1 to vector<16xi1>
    %reduce_max3A_770 = tpu.scan <max>, %masked_cumsum3A_767 masked %reduce_max3A_769 : vector<16xf32>, vector<16xi1> -> vector<16xf32>
    %reduce_max3A_771 = vector.extract %reduce_max3A_770[15] : f32 from vector<16xf32>
    %broadcast_in_dim3A_772 = vector.broadcast %reduce_max3A_771 : f32 to vector<16xf32>
    %convert_element_type3A = arith.sitofp %broadcast_in_dim3A_497 : vector<16xi32> to vector<16xf32>
    %scan3A_773 = arith.constant 0 : i32
    %scan3A_774 = arith.constant 0 : i32
    %scan3A_775 = arith.constant 560 : i32
    %scan3A_776 = arith.addi %scan3A_774, %scan3A_775 : i32
    %scan3A_777 = arith.constant 1 : i32
    scf.for %scan3A_1726 = %scan3A_774 to %scan3A_776 step %scan3A_777  : i32 {
      %jit3A_1727 = arith.constant 8 : i32
      %div3A_1728 = arith.divsi %scan3A_1726, %jit3A_1727 : i32
      %sign3A = arith.constant 0 : i32
      %sign3A_1729 = arith.cmpi sgt, %scan3A_1726, %sign3A : i32
      %sign3A_1730 = arith.extui %sign3A_1729 : i1 to i32
      %sign3A_1731 = arith.constant 0 : i32
      %sign3A_1732 = arith.cmpi slt, %scan3A_1726, %sign3A_1731 : i32
      %sign3A_1733 = arith.extui %sign3A_1732 : i1 to i32
      %sign3A_1734 = arith.subi %sign3A_1730, %sign3A_1733 : i32
      %sign3A_1735 = arith.constant 0 : i32
      %sign3A_1736 = arith.cmpi sgt, %jit3A_1727, %sign3A_1735 : i32
      %sign3A_1737 = arith.extui %sign3A_1736 : i1 to i32
      %sign3A_1738 = arith.constant 0 : i32
      %sign3A_1739 = arith.cmpi slt, %jit3A_1727, %sign3A_1738 : i32
      %sign3A_1740 = arith.extui %sign3A_1739 : i1 to i32
      %sign3A_1741 = arith.subi %sign3A_1737, %sign3A_1740 : i32
      %ne3A = arith.cmpi ne, %sign3A_1734, %sign3A_1741 : i32
      %rem3A = arith.remsi %scan3A_1726, %jit3A_1727 : i32
      %ne3A_1742 = arith.constant 0 : i32
      %ne3A_1743 = arith.cmpi ne, %rem3A, %ne3A_1742 : i32
      %and3A = arith.andi %ne3A, %ne3A_1743 : i1
      %sub3A_1744 = arith.constant 1 : i32
      %sub3A_1745 = arith.subi %div3A_1728, %sub3A_1744 : i32
      %select_n3A_1746 = arith.select %and3A, %sub3A_1745, %div3A_1728 : i32
      %jit3A_1747 = arith.constant 8 : i32
      %eq3A_1748 = arith.constant 0 : i32
      %eq3A_1749 = arith.cmpi eq, %jit3A_1747, %eq3A_1748 : i32
      %jit3A_1750 = arith.constant 1 : i32
      %select_n3A_1751 = arith.select %eq3A_1749, %jit3A_1750, %jit3A_1747 : i32
      %rem3A_1752 = arith.remsi %scan3A_1726, %select_n3A_1751 : i32
      %ne3A_1753 = arith.constant 0 : i32
      %ne3A_1754 = arith.cmpi ne, %rem3A_1752, %ne3A_1753 : i32
      %lt3A = arith.constant 0 : i32
      %lt3A_1755 = arith.cmpi slt, %rem3A_1752, %lt3A : i32
      %lt3A_1756 = arith.constant 0 : i32
      %lt3A_1757 = arith.cmpi slt, %select_n3A_1751, %lt3A_1756 : i32
      %ne3A_1758 = arith.xori %lt3A_1755, %lt3A_1757 : i1
      %and3A_1759 = arith.andi %ne3A_1758, %ne3A_1754 : i1
      %add3A_1760 = arith.addi %rem3A_1752, %select_n3A_1751 : i32
      %select_n3A_1761 = arith.select %and3A_1759, %add3A_1760, %rem3A_1752 : i32
      %mul3A_1762 = arith.constant 16 : i32
      %mul3A_1763 = arith.muli %mul3A_1762, %select_n3A_1761 : i32
      %get3A_1764 = arith.index_cast %select_n3A_1746 : i32 to index
      %get3A_1765 = arith.index_cast %mul3A_1763 : i32 to index
      %get3A_1766 = tpu.vector_load %arg5[%get3A_1764, %get3A_1765] {strides = array<i32>} : memref<70x128xf32, #tpu.memory_space<vmem>>, vector<16xf32>,
      %mul3A_1767 = arith.constant 1.600000e+01 : f32
      %mul3A_1768 = vector.broadcast %mul3A_1767 : f32 to vector<16xf32>
      %mul3A_1769 = arith.mulf %get3A_1766, %mul3A_1768 : vector<16xf32>
      %convert_element_type3A_1770 = arith.fptosi %mul3A_1769 : vector<16xf32> to vector<16xi32>
      %min3A_1771 = arith.constant 255 : i32
      %min3A_1772 = vector.broadcast %min3A_1771 : i32 to vector<16xi32>
      %min3A_1773 = arith.minsi %convert_element_type3A_1770, %min3A_1772 : vector<16xi32>
      %eq3A_1774 = arith.cmpi eq, %min3A_1773, %broadcast_in_dim3A_497 : vector<16xi32>
      %sub3A_1775 = arith.subf %mul3A_1769, %convert_element_type3A : vector<16xf32>
      %mul3A_1776 = arith.constant 2.560000e+02 : f32
      %mul3A_1777 = vector.broadcast %mul3A_1776 : f32 to vector<16xf32>
      %mul3A_1778 = arith.mulf %sub3A_1775, %mul3A_1777 : vector<16xf32>
      %jit3A_1779 = arith.constant 0.000000e+00 : f32
      %jit3A_1780 = arith.constant 2.550000e+02 : f32
      %max3A_1781 = vector.broadcast %jit3A_1779 : f32 to vector<16xf32>
      %max3A_1782 = arith.maximumf %max3A_1781, %mul3A_1778 : vector<16xf32>
      %min3A_1783 = vector.broadcast %jit3A_1780 : f32 to vector<16xf32>
      %min3A_1784 = arith.minimumf %min3A_1783, %max3A_1782 : vector<16xf32>
      %convert_element_type3A_1785 = arith.fptosi %min3A_1784 : vector<16xf32> to vector<16xi32>
      tpu.vector_store_idx %arg9[%convert_element_type3A_1785], %broadcast_in_dim3A_1 masked %eq3A_1774 {add = true} : memref<256xf32, #tpu.memory_space<vmem>>[vector<16xi32>], vector<16xf32>, vector<16xi1>
      tpu.vector_store_idx %arg10[%convert_element_type3A_1785], %get3A_1766 masked %eq3A_1774 {add = true} : memref<256xf32, #tpu.memory_space<vmem>>[vector<16xi32>], vector<16xf32>, vector<16xi1>
    }
    %scan3A_778 = arith.constant 560 : i32
    %sub3A = arith.subf %get3A_6, %broadcast_in_dim3A_764 : vector<16xf32>
    %max3A_779 = arith.constant 0.000000e+00 : f32
    %max3A_780 = vector.broadcast %max3A_779 : f32 to vector<16xf32>
    %max3A_781 = arith.maximumf %sub3A, %max3A_780 : vector<16xf32>
    %broadcast_in_dim3A_782 = arith.constant 0.000000e+00 : f32
    %broadcast_in_dim3A_783 = vector.broadcast %broadcast_in_dim3A_782 : f32 to vector<16xf32>
    %broadcast_in_dim3A_784 = arith.constant -1 : i32
    %broadcast_in_dim3A_785 = vector.broadcast %broadcast_in_dim3A_784 : i32 to vector<16xi32>
    %get3A_786 = arith.constant 240 : index
    %get3A_787 = tpu.vector_load %arg9[%get3A_786] {strides = array<i32>} : memref<256xf32, #tpu.memory_space<vmem>>, vector<16xf32>,
    %rev3A_788 = arith.constant 15 : i32
    %rev3A_789 = vector.broadcast %rev3A_788 : i32 to vector<16xi32>
    %rev3A_790 = tpu.iota {dimensions = array<i32: 0>} : vector<16xi32>
    %rev3A_791 = arith.subi %rev3A_789, %rev3A_790 : vector<16xi32>
    %rev3A_792 = tpu.dynamic_gather %get3A_787[%rev3A_791] in [0] : vector<16xf32>, vector<16xi32> -> vector<16xf32>
    %broadcast_in_dim3A_793 = arith.constant true
    %broadcast_in_dim3A_794 = vector.broadcast %broadcast_in_dim3A_793 : i1 to vector<16xi1>
    %masked_cumsum3A_795 = tpu.scan <sum>, %rev3A_792 masked %broadcast_in_dim3A_794 : vector<16xf32>, vector<16xi1> -> vector<16xf32>
    %rev3A_796 = arith.constant 15 : i32
    %rev3A_797 = vector.broadcast %rev3A_796 : i32 to vector<16xi32>
    %rev3A_798 = tpu.iota {dimensions = array<i32: 0>} : vector<16xi32>
    %rev3A_799 = arith.subi %rev3A_797, %rev3A_798 : vector<16xi32>
    %rev3A_800 = tpu.dynamic_gather %masked_cumsum3A_795[%rev3A_799] in [0] : vector<16xf32>, vector<16xi32> -> vector<16xf32>
    %add3A_801 = arith.addf %rev3A_800, %broadcast_in_dim3A_783 : vector<16xf32>
    %ge3A_802 = arith.cmpf oge, %add3A_801, %max3A_781 : vector<16xf32>
    %add3A_803 = arith.constant 240 : i32
    %add3A_804 = vector.broadcast %add3A_803 : i32 to vector<16xi32>
    %add3A_805 = arith.addi %add3A_804, %iota3A : vector<16xi32>
    %jit3A_806 = arith.constant -1 : i32
    %broadcast_in_dim3A_807 = vector.broadcast %jit3A_806 : i32 to vector<16xi32>
    %select_n3A_808 = arith.select %ge3A_802, %add3A_805, %broadcast_in_dim3A_807 : vector<16xi1>, vector<16xi32>
    %max3A_809 = arith.maxsi %broadcast_in_dim3A_785, %select_n3A_808 : vector<16xi32>
    %reduce_max3A_810 = arith.constant true
    %reduce_max3A_811 = vector.broadcast %reduce_max3A_810 : i1 to vector<16xi1>
    %reduce_max3A_812 = tpu.scan <max>, %add3A_801 masked %reduce_max3A_811 : vector<16xf32>, vector<16xi1> -> vector<16xf32>
    %reduce_max3A_813 = vector.extract %reduce_max3A_812[15] : f32 from vector<16xf32>
    %broadcast_in_dim3A_814 = vector.broadcast %reduce_max3A_813 : f32 to vector<16xf32>
    %get3A_815 = arith.constant 224 : index
    %get3A_816 = tpu.vector_load %arg9[%get3A_815] {strides = array<i32>} : memref<256xf32, #tpu.memory_space<vmem>>, vector<16xf32>,
    %rev3A_817 = arith.constant 15 : i32
    %rev3A_818 = vector.broadcast %rev3A_817 : i32 to vector<16xi32>
    %rev3A_819 = tpu.iota {dimensions = array<i32: 0>} : vector<16xi32>
    %rev3A_820 = arith.subi %rev3A_818, %rev3A_819 : vector<16xi32>
    %rev3A_821 = tpu.dynamic_gather %get3A_816[%rev3A_820] in [0] : vector<16xf32>, vector<16xi32> -> vector<16xf32>
    %broadcast_in_dim3A_822 = arith.constant true
    %broadcast_in_dim3A_823 = vector.broadcast %broadcast_in_dim3A_822 : i1 to vector<16xi1>
    %masked_cumsum3A_824 = tpu.scan <sum>, %rev3A_821 masked %broadcast_in_dim3A_823 : vector<16xf32>, vector<16xi1> -> vector<16xf32>
    %rev3A_825 = arith.constant 15 : i32
    %rev3A_826 = vector.broadcast %rev3A_825 : i32 to vector<16xi32>
    %rev3A_827 = tpu.iota {dimensions = array<i32: 0>} : vector<16xi32>
    %rev3A_828 = arith.subi %rev3A_826, %rev3A_827 : vector<16xi32>
    %rev3A_829 = tpu.dynamic_gather %masked_cumsum3A_824[%rev3A_828] in [0] : vector<16xf32>, vector<16xi32> -> vector<16xf32>
    %add3A_830 = arith.addf %rev3A_829, %broadcast_in_dim3A_814 : vector<16xf32>
    %ge3A_831 = arith.cmpf oge, %add3A_830, %max3A_781 : vector<16xf32>
    %add3A_832 = arith.constant 224 : i32
    %add3A_833 = vector.broadcast %add3A_832 : i32 to vector<16xi32>
    %add3A_834 = arith.addi %add3A_833, %iota3A : vector<16xi32>
    %jit3A_835 = arith.constant -1 : i32
    %broadcast_in_dim3A_836 = vector.broadcast %jit3A_835 : i32 to vector<16xi32>
    %select_n3A_837 = arith.select %ge3A_831, %add3A_834, %broadcast_in_dim3A_836 : vector<16xi1>, vector<16xi32>
    %max3A_838 = arith.maxsi %max3A_809, %select_n3A_837 : vector<16xi32>
    %reduce_max3A_839 = arith.constant true
    %reduce_max3A_840 = vector.broadcast %reduce_max3A_839 : i1 to vector<16xi1>
    %reduce_max3A_841 = tpu.scan <max>, %add3A_830 masked %reduce_max3A_840 : vector<16xf32>, vector<16xi1> -> vector<16xf32>
    %reduce_max3A_842 = vector.extract %reduce_max3A_841[15] : f32 from vector<16xf32>
    %broadcast_in_dim3A_843 = vector.broadcast %reduce_max3A_842 : f32 to vector<16xf32>
    %get3A_844 = arith.constant 208 : index
    %get3A_845 = tpu.vector_load %arg9[%get3A_844] {strides = array<i32>} : memref<256xf32, #tpu.memory_space<vmem>>, vector<16xf32>,
    %rev3A_846 = arith.constant 15 : i32
    %rev3A_847 = vector.broadcast %rev3A_846 : i32 to vector<16xi32>
    %rev3A_848 = tpu.iota {dimensions = array<i32: 0>} : vector<16xi32>
    %rev3A_849 = arith.subi %rev3A_847, %rev3A_848 : vector<16xi32>
    %rev3A_850 = tpu.dynamic_gather %get3A_845[%rev3A_849] in [0] : vector<16xf32>, vector<16xi32> -> vector<16xf32>
    %broadcast_in_dim3A_851 = arith.constant true
    %broadcast_in_dim3A_852 = vector.broadcast %broadcast_in_dim3A_851 : i1 to vector<16xi1>
    %masked_cumsum3A_853 = tpu.scan <sum>, %rev3A_850 masked %broadcast_in_dim3A_852 : vector<16xf32>, vector<16xi1> -> vector<16xf32>
    %rev3A_854 = arith.constant 15 : i32
    %rev3A_855 = vector.broadcast %rev3A_854 : i32 to vector<16xi32>
    %rev3A_856 = tpu.iota {dimensions = array<i32: 0>} : vector<16xi32>
    %rev3A_857 = arith.subi %rev3A_855, %rev3A_856 : vector<16xi32>
    %rev3A_858 = tpu.dynamic_gather %masked_cumsum3A_853[%rev3A_857] in [0] : vector<16xf32>, vector<16xi32> -> vector<16xf32>
    %add3A_859 = arith.addf %rev3A_858, %broadcast_in_dim3A_843 : vector<16xf32>
    %ge3A_860 = arith.cmpf oge, %add3A_859, %max3A_781 : vector<16xf32>
    %add3A_861 = arith.constant 208 : i32
    %add3A_862 = vector.broadcast %add3A_861 : i32 to vector<16xi32>
    %add3A_863 = arith.addi %add3A_862, %iota3A : vector<16xi32>
    %jit3A_864 = arith.constant -1 : i32
    %broadcast_in_dim3A_865 = vector.broadcast %jit3A_864 : i32 to vector<16xi32>
    %select_n3A_866 = arith.select %ge3A_860, %add3A_863, %broadcast_in_dim3A_865 : vector<16xi1>, vector<16xi32>
    %max3A_867 = arith.maxsi %max3A_838, %select_n3A_866 : vector<16xi32>
    %reduce_max3A_868 = arith.constant true
    %reduce_max3A_869 = vector.broadcast %reduce_max3A_868 : i1 to vector<16xi1>
    %reduce_max3A_870 = tpu.scan <max>, %add3A_859 masked %reduce_max3A_869 : vector<16xf32>, vector<16xi1> -> vector<16xf32>
    %reduce_max3A_871 = vector.extract %reduce_max3A_870[15] : f32 from vector<16xf32>
    %broadcast_in_dim3A_872 = vector.broadcast %reduce_max3A_871 : f32 to vector<16xf32>
    %get3A_873 = arith.constant 192 : index
    %get3A_874 = tpu.vector_load %arg9[%get3A_873] {strides = array<i32>} : memref<256xf32, #tpu.memory_space<vmem>>, vector<16xf32>,
    %rev3A_875 = arith.constant 15 : i32
    %rev3A_876 = vector.broadcast %rev3A_875 : i32 to vector<16xi32>
    %rev3A_877 = tpu.iota {dimensions = array<i32: 0>} : vector<16xi32>
    %rev3A_878 = arith.subi %rev3A_876, %rev3A_877 : vector<16xi32>
    %rev3A_879 = tpu.dynamic_gather %get3A_874[%rev3A_878] in [0] : vector<16xf32>, vector<16xi32> -> vector<16xf32>
    %broadcast_in_dim3A_880 = arith.constant true
    %broadcast_in_dim3A_881 = vector.broadcast %broadcast_in_dim3A_880 : i1 to vector<16xi1>
    %masked_cumsum3A_882 = tpu.scan <sum>, %rev3A_879 masked %broadcast_in_dim3A_881 : vector<16xf32>, vector<16xi1> -> vector<16xf32>
    %rev3A_883 = arith.constant 15 : i32
    %rev3A_884 = vector.broadcast %rev3A_883 : i32 to vector<16xi32>
    %rev3A_885 = tpu.iota {dimensions = array<i32: 0>} : vector<16xi32>
    %rev3A_886 = arith.subi %rev3A_884, %rev3A_885 : vector<16xi32>
    %rev3A_887 = tpu.dynamic_gather %masked_cumsum3A_882[%rev3A_886] in [0] : vector<16xf32>, vector<16xi32> -> vector<16xf32>
    %add3A_888 = arith.addf %rev3A_887, %broadcast_in_dim3A_872 : vector<16xf32>
    %ge3A_889 = arith.cmpf oge, %add3A_888, %max3A_781 : vector<16xf32>
    %add3A_890 = arith.constant 192 : i32
    %add3A_891 = vector.broadcast %add3A_890 : i32 to vector<16xi32>
    %add3A_892 = arith.addi %add3A_891, %iota3A : vector<16xi32>
    %jit3A_893 = arith.constant -1 : i32
    %broadcast_in_dim3A_894 = vector.broadcast %jit3A_893 : i32 to vector<16xi32>
    %select_n3A_895 = arith.select %ge3A_889, %add3A_892, %broadcast_in_dim3A_894 : vector<16xi1>, vector<16xi32>
    %max3A_896 = arith.maxsi %max3A_867, %select_n3A_895 : vector<16xi32>
    %reduce_max3A_897 = arith.constant true
    %reduce_max3A_898 = vector.broadcast %reduce_max3A_897 : i1 to vector<16xi1>
    %reduce_max3A_899 = tpu.scan <max>, %add3A_888 masked %reduce_max3A_898 : vector<16xf32>, vector<16xi1> -> vector<16xf32>
    %reduce_max3A_900 = vector.extract %reduce_max3A_899[15] : f32 from vector<16xf32>
    %broadcast_in_dim3A_901 = vector.broadcast %reduce_max3A_900 : f32 to vector<16xf32>
    %get3A_902 = arith.constant 176 : index
    %get3A_903 = tpu.vector_load %arg9[%get3A_902] {strides = array<i32>} : memref<256xf32, #tpu.memory_space<vmem>>, vector<16xf32>,
    %rev3A_904 = arith.constant 15 : i32
    %rev3A_905 = vector.broadcast %rev3A_904 : i32 to vector<16xi32>
    %rev3A_906 = tpu.iota {dimensions = array<i32: 0>} : vector<16xi32>
    %rev3A_907 = arith.subi %rev3A_905, %rev3A_906 : vector<16xi32>
    %rev3A_908 = tpu.dynamic_gather %get3A_903[%rev3A_907] in [0] : vector<16xf32>, vector<16xi32> -> vector<16xf32>
    %broadcast_in_dim3A_909 = arith.constant true
    %broadcast_in_dim3A_910 = vector.broadcast %broadcast_in_dim3A_909 : i1 to vector<16xi1>
    %masked_cumsum3A_911 = tpu.scan <sum>, %rev3A_908 masked %broadcast_in_dim3A_910 : vector<16xf32>, vector<16xi1> -> vector<16xf32>
    %rev3A_912 = arith.constant 15 : i32
    %rev3A_913 = vector.broadcast %rev3A_912 : i32 to vector<16xi32>
    %rev3A_914 = tpu.iota {dimensions = array<i32: 0>} : vector<16xi32>
    %rev3A_915 = arith.subi %rev3A_913, %rev3A_914 : vector<16xi32>
    %rev3A_916 = tpu.dynamic_gather %masked_cumsum3A_911[%rev3A_915] in [0] : vector<16xf32>, vector<16xi32> -> vector<16xf32>
    %add3A_917 = arith.addf %rev3A_916, %broadcast_in_dim3A_901 : vector<16xf32>
    %ge3A_918 = arith.cmpf oge, %add3A_917, %max3A_781 : vector<16xf32>
    %add3A_919 = arith.constant 176 : i32
    %add3A_920 = vector.broadcast %add3A_919 : i32 to vector<16xi32>
    %add3A_921 = arith.addi %add3A_920, %iota3A : vector<16xi32>
    %jit3A_922 = arith.constant -1 : i32
    %broadcast_in_dim3A_923 = vector.broadcast %jit3A_922 : i32 to vector<16xi32>
    %select_n3A_924 = arith.select %ge3A_918, %add3A_921, %broadcast_in_dim3A_923 : vector<16xi1>, vector<16xi32>
    %max3A_925 = arith.maxsi %max3A_896, %select_n3A_924 : vector<16xi32>
    %reduce_max3A_926 = arith.constant true
    %reduce_max3A_927 = vector.broadcast %reduce_max3A_926 : i1 to vector<16xi1>
    %reduce_max3A_928 = tpu.scan <max>, %add3A_917 masked %reduce_max3A_927 : vector<16xf32>, vector<16xi1> -> vector<16xf32>
    %reduce_max3A_929 = vector.extract %reduce_max3A_928[15] : f32 from vector<16xf32>
    %broadcast_in_dim3A_930 = vector.broadcast %reduce_max3A_929 : f32 to vector<16xf32>
    %get3A_931 = arith.constant 160 : index
    %get3A_932 = tpu.vector_load %arg9[%get3A_931] {strides = array<i32>} : memref<256xf32, #tpu.memory_space<vmem>>, vector<16xf32>,
    %rev3A_933 = arith.constant 15 : i32
    %rev3A_934 = vector.broadcast %rev3A_933 : i32 to vector<16xi32>
    %rev3A_935 = tpu.iota {dimensions = array<i32: 0>} : vector<16xi32>
    %rev3A_936 = arith.subi %rev3A_934, %rev3A_935 : vector<16xi32>
    %rev3A_937 = tpu.dynamic_gather %get3A_932[%rev3A_936] in [0] : vector<16xf32>, vector<16xi32> -> vector<16xf32>
    %broadcast_in_dim3A_938 = arith.constant true
    %broadcast_in_dim3A_939 = vector.broadcast %broadcast_in_dim3A_938 : i1 to vector<16xi1>
    %masked_cumsum3A_940 = tpu.scan <sum>, %rev3A_937 masked %broadcast_in_dim3A_939 : vector<16xf32>, vector<16xi1> -> vector<16xf32>
    %rev3A_941 = arith.constant 15 : i32
    %rev3A_942 = vector.broadcast %rev3A_941 : i32 to vector<16xi32>
    %rev3A_943 = tpu.iota {dimensions = array<i32: 0>} : vector<16xi32>
    %rev3A_944 = arith.subi %rev3A_942, %rev3A_943 : vector<16xi32>
    %rev3A_945 = tpu.dynamic_gather %masked_cumsum3A_940[%rev3A_944] in [0] : vector<16xf32>, vector<16xi32> -> vector<16xf32>
    %add3A_946 = arith.addf %rev3A_945, %broadcast_in_dim3A_930 : vector<16xf32>
    %ge3A_947 = arith.cmpf oge, %add3A_946, %max3A_781 : vector<16xf32>
    %add3A_948 = arith.constant 160 : i32
    %add3A_949 = vector.broadcast %add3A_948 : i32 to vector<16xi32>
    %add3A_950 = arith.addi %add3A_949, %iota3A : vector<16xi32>
    %jit3A_951 = arith.constant -1 : i32
    %broadcast_in_dim3A_952 = vector.broadcast %jit3A_951 : i32 to vector<16xi32>
    %select_n3A_953 = arith.select %ge3A_947, %add3A_950, %broadcast_in_dim3A_952 : vector<16xi1>, vector<16xi32>
    %max3A_954 = arith.maxsi %max3A_925, %select_n3A_953 : vector<16xi32>
    %reduce_max3A_955 = arith.constant true
    %reduce_max3A_956 = vector.broadcast %reduce_max3A_955 : i1 to vector<16xi1>
    %reduce_max3A_957 = tpu.scan <max>, %add3A_946 masked %reduce_max3A_956 : vector<16xf32>, vector<16xi1> -> vector<16xf32>
    %reduce_max3A_958 = vector.extract %reduce_max3A_957[15] : f32 from vector<16xf32>
    %broadcast_in_dim3A_959 = vector.broadcast %reduce_max3A_958 : f32 to vector<16xf32>
    %get3A_960 = arith.constant 144 : index
    %get3A_961 = tpu.vector_load %arg9[%get3A_960] {strides = array<i32>} : memref<256xf32, #tpu.memory_space<vmem>>, vector<16xf32>,
    %rev3A_962 = arith.constant 15 : i32
    %rev3A_963 = vector.broadcast %rev3A_962 : i32 to vector<16xi32>
    %rev3A_964 = tpu.iota {dimensions = array<i32: 0>} : vector<16xi32>
    %rev3A_965 = arith.subi %rev3A_963, %rev3A_964 : vector<16xi32>
    %rev3A_966 = tpu.dynamic_gather %get3A_961[%rev3A_965] in [0] : vector<16xf32>, vector<16xi32> -> vector<16xf32>
    %broadcast_in_dim3A_967 = arith.constant true
    %broadcast_in_dim3A_968 = vector.broadcast %broadcast_in_dim3A_967 : i1 to vector<16xi1>
    %masked_cumsum3A_969 = tpu.scan <sum>, %rev3A_966 masked %broadcast_in_dim3A_968 : vector<16xf32>, vector<16xi1> -> vector<16xf32>
    %rev3A_970 = arith.constant 15 : i32
    %rev3A_971 = vector.broadcast %rev3A_970 : i32 to vector<16xi32>
    %rev3A_972 = tpu.iota {dimensions = array<i32: 0>} : vector<16xi32>
    %rev3A_973 = arith.subi %rev3A_971, %rev3A_972 : vector<16xi32>
    %rev3A_974 = tpu.dynamic_gather %masked_cumsum3A_969[%rev3A_973] in [0] : vector<16xf32>, vector<16xi32> -> vector<16xf32>
    %add3A_975 = arith.addf %rev3A_974, %broadcast_in_dim3A_959 : vector<16xf32>
    %ge3A_976 = arith.cmpf oge, %add3A_975, %max3A_781 : vector<16xf32>
    %add3A_977 = arith.constant 144 : i32
    %add3A_978 = vector.broadcast %add3A_977 : i32 to vector<16xi32>
    %add3A_979 = arith.addi %add3A_978, %iota3A : vector<16xi32>
    %jit3A_980 = arith.constant -1 : i32
    %broadcast_in_dim3A_981 = vector.broadcast %jit3A_980 : i32 to vector<16xi32>
    %select_n3A_982 = arith.select %ge3A_976, %add3A_979, %broadcast_in_dim3A_981 : vector<16xi1>, vector<16xi32>
    %max3A_983 = arith.maxsi %max3A_954, %select_n3A_982 : vector<16xi32>
    %reduce_max3A_984 = arith.constant true
    %reduce_max3A_985 = vector.broadcast %reduce_max3A_984 : i1 to vector<16xi1>
    %reduce_max3A_986 = tpu.scan <max>, %add3A_975 masked %reduce_max3A_985 : vector<16xf32>, vector<16xi1> -> vector<16xf32>
    %reduce_max3A_987 = vector.extract %reduce_max3A_986[15] : f32 from vector<16xf32>
    %broadcast_in_dim3A_988 = vector.broadcast %reduce_max3A_987 : f32 to vector<16xf32>
    %get3A_989 = arith.constant 128 : index
    %get3A_990 = tpu.vector_load %arg9[%get3A_989] {strides = array<i32>} : memref<256xf32, #tpu.memory_space<vmem>>, vector<16xf32>,
    %rev3A_991 = arith.constant 15 : i32
    %rev3A_992 = vector.broadcast %rev3A_991 : i32 to vector<16xi32>
    %rev3A_993 = tpu.iota {dimensions = array<i32: 0>} : vector<16xi32>
    %rev3A_994 = arith.subi %rev3A_992, %rev3A_993 : vector<16xi32>
    %rev3A_995 = tpu.dynamic_gather %get3A_990[%rev3A_994] in [0] : vector<16xf32>, vector<16xi32> -> vector<16xf32>
    %broadcast_in_dim3A_996 = arith.constant true
    %broadcast_in_dim3A_997 = vector.broadcast %broadcast_in_dim3A_996 : i1 to vector<16xi1>
    %masked_cumsum3A_998 = tpu.scan <sum>, %rev3A_995 masked %broadcast_in_dim3A_997 : vector<16xf32>, vector<16xi1> -> vector<16xf32>
    %rev3A_999 = arith.constant 15 : i32
    %rev3A_1000 = vector.broadcast %rev3A_999 : i32 to vector<16xi32>
    %rev3A_1001 = tpu.iota {dimensions = array<i32: 0>} : vector<16xi32>
    %rev3A_1002 = arith.subi %rev3A_1000, %rev3A_1001 : vector<16xi32>
    %rev3A_1003 = tpu.dynamic_gather %masked_cumsum3A_998[%rev3A_1002] in [0] : vector<16xf32>, vector<16xi32> -> vector<16xf32>
    %add3A_1004 = arith.addf %rev3A_1003, %broadcast_in_dim3A_988 : vector<16xf32>
    %ge3A_1005 = arith.cmpf oge, %add3A_1004, %max3A_781 : vector<16xf32>
    %add3A_1006 = arith.constant 128 : i32
    %add3A_1007 = vector.broadcast %add3A_1006 : i32 to vector<16xi32>
    %add3A_1008 = arith.addi %add3A_1007, %iota3A : vector<16xi32>
    %jit3A_1009 = arith.constant -1 : i32
    %broadcast_in_dim3A_1010 = vector.broadcast %jit3A_1009 : i32 to vector<16xi32>
    %select_n3A_1011 = arith.select %ge3A_1005, %add3A_1008, %broadcast_in_dim3A_1010 : vector<16xi1>, vector<16xi32>
    %max3A_1012 = arith.maxsi %max3A_983, %select_n3A_1011 : vector<16xi32>
    %reduce_max3A_1013 = arith.constant true
    %reduce_max3A_1014 = vector.broadcast %reduce_max3A_1013 : i1 to vector<16xi1>
    %reduce_max3A_1015 = tpu.scan <max>, %add3A_1004 masked %reduce_max3A_1014 : vector<16xf32>, vector<16xi1> -> vector<16xf32>
    %reduce_max3A_1016 = vector.extract %reduce_max3A_1015[15] : f32 from vector<16xf32>
    %broadcast_in_dim3A_1017 = vector.broadcast %reduce_max3A_1016 : f32 to vector<16xf32>
    %get3A_1018 = arith.constant 112 : index
    %get3A_1019 = tpu.vector_load %arg9[%get3A_1018] {strides = array<i32>} : memref<256xf32, #tpu.memory_space<vmem>>, vector<16xf32>,
    %rev3A_1020 = arith.constant 15 : i32
    %rev3A_1021 = vector.broadcast %rev3A_1020 : i32 to vector<16xi32>
    %rev3A_1022 = tpu.iota {dimensions = array<i32: 0>} : vector<16xi32>
    %rev3A_1023 = arith.subi %rev3A_1021, %rev3A_1022 : vector<16xi32>
    %rev3A_1024 = tpu.dynamic_gather %get3A_1019[%rev3A_1023] in [0] : vector<16xf32>, vector<16xi32> -> vector<16xf32>
    %broadcast_in_dim3A_1025 = arith.constant true
    %broadcast_in_dim3A_1026 = vector.broadcast %broadcast_in_dim3A_1025 : i1 to vector<16xi1>
    %masked_cumsum3A_1027 = tpu.scan <sum>, %rev3A_1024 masked %broadcast_in_dim3A_1026 : vector<16xf32>, vector<16xi1> -> vector<16xf32>
    %rev3A_1028 = arith.constant 15 : i32
    %rev3A_1029 = vector.broadcast %rev3A_1028 : i32 to vector<16xi32>
    %rev3A_1030 = tpu.iota {dimensions = array<i32: 0>} : vector<16xi32>
    %rev3A_1031 = arith.subi %rev3A_1029, %rev3A_1030 : vector<16xi32>
    %rev3A_1032 = tpu.dynamic_gather %masked_cumsum3A_1027[%rev3A_1031] in [0] : vector<16xf32>, vector<16xi32> -> vector<16xf32>
    %add3A_1033 = arith.addf %rev3A_1032, %broadcast_in_dim3A_1017 : vector<16xf32>
    %ge3A_1034 = arith.cmpf oge, %add3A_1033, %max3A_781 : vector<16xf32>
    %add3A_1035 = arith.constant 112 : i32
    %add3A_1036 = vector.broadcast %add3A_1035 : i32 to vector<16xi32>
    %add3A_1037 = arith.addi %add3A_1036, %iota3A : vector<16xi32>
    %jit3A_1038 = arith.constant -1 : i32
    %broadcast_in_dim3A_1039 = vector.broadcast %jit3A_1038 : i32 to vector<16xi32>
    %select_n3A_1040 = arith.select %ge3A_1034, %add3A_1037, %broadcast_in_dim3A_1039 : vector<16xi1>, vector<16xi32>
    %max3A_1041 = arith.maxsi %max3A_1012, %select_n3A_1040 : vector<16xi32>
    %reduce_max3A_1042 = arith.constant true
    %reduce_max3A_1043 = vector.broadcast %reduce_max3A_1042 : i1 to vector<16xi1>
    %reduce_max3A_1044 = tpu.scan <max>, %add3A_1033 masked %reduce_max3A_1043 : vector<16xf32>, vector<16xi1> -> vector<16xf32>
    %reduce_max3A_1045 = vector.extract %reduce_max3A_1044[15] : f32 from vector<16xf32>
    %broadcast_in_dim3A_1046 = vector.broadcast %reduce_max3A_1045 : f32 to vector<16xf32>
    %get3A_1047 = arith.constant 96 : index
    %get3A_1048 = tpu.vector_load %arg9[%get3A_1047] {strides = array<i32>} : memref<256xf32, #tpu.memory_space<vmem>>, vector<16xf32>,
    %rev3A_1049 = arith.constant 15 : i32
    %rev3A_1050 = vector.broadcast %rev3A_1049 : i32 to vector<16xi32>
    %rev3A_1051 = tpu.iota {dimensions = array<i32: 0>} : vector<16xi32>
    %rev3A_1052 = arith.subi %rev3A_1050, %rev3A_1051 : vector<16xi32>
    %rev3A_1053 = tpu.dynamic_gather %get3A_1048[%rev3A_1052] in [0] : vector<16xf32>, vector<16xi32> -> vector<16xf32>
    %broadcast_in_dim3A_1054 = arith.constant true
    %broadcast_in_dim3A_1055 = vector.broadcast %broadcast_in_dim3A_1054 : i1 to vector<16xi1>
    %masked_cumsum3A_1056 = tpu.scan <sum>, %rev3A_1053 masked %broadcast_in_dim3A_1055 : vector<16xf32>, vector<16xi1> -> vector<16xf32>
    %rev3A_1057 = arith.constant 15 : i32
    %rev3A_1058 = vector.broadcast %rev3A_1057 : i32 to vector<16xi32>
    %rev3A_1059 = tpu.iota {dimensions = array<i32: 0>} : vector<16xi32>
    %rev3A_1060 = arith.subi %rev3A_1058, %rev3A_1059 : vector<16xi32>
    %rev3A_1061 = tpu.dynamic_gather %masked_cumsum3A_1056[%rev3A_1060] in [0] : vector<16xf32>, vector<16xi32> -> vector<16xf32>
    %add3A_1062 = arith.addf %rev3A_1061, %broadcast_in_dim3A_1046 : vector<16xf32>
    %ge3A_1063 = arith.cmpf oge, %add3A_1062, %max3A_781 : vector<16xf32>
    %add3A_1064 = arith.constant 96 : i32
    %add3A_1065 = vector.broadcast %add3A_1064 : i32 to vector<16xi32>
    %add3A_1066 = arith.addi %add3A_1065, %iota3A : vector<16xi32>
    %jit3A_1067 = arith.constant -1 : i32
    %broadcast_in_dim3A_1068 = vector.broadcast %jit3A_1067 : i32 to vector<16xi32>
    %select_n3A_1069 = arith.select %ge3A_1063, %add3A_1066, %broadcast_in_dim3A_1068 : vector<16xi1>, vector<16xi32>
    %max3A_1070 = arith.maxsi %max3A_1041, %select_n3A_1069 : vector<16xi32>
    %reduce_max3A_1071 = arith.constant true
    %reduce_max3A_1072 = vector.broadcast %reduce_max3A_1071 : i1 to vector<16xi1>
    %reduce_max3A_1073 = tpu.scan <max>, %add3A_1062 masked %reduce_max3A_1072 : vector<16xf32>, vector<16xi1> -> vector<16xf32>
    %reduce_max3A_1074 = vector.extract %reduce_max3A_1073[15] : f32 from vector<16xf32>
    %broadcast_in_dim3A_1075 = vector.broadcast %reduce_max3A_1074 : f32 to vector<16xf32>
    %get3A_1076 = arith.constant 80 : index
    %get3A_1077 = tpu.vector_load %arg9[%get3A_1076] {strides = array<i32>} : memref<256xf32, #tpu.memory_space<vmem>>, vector<16xf32>,
    %rev3A_1078 = arith.constant 15 : i32
    %rev3A_1079 = vector.broadcast %rev3A_1078 : i32 to vector<16xi32>
    %rev3A_1080 = tpu.iota {dimensions = array<i32: 0>} : vector<16xi32>
    %rev3A_1081 = arith.subi %rev3A_1079, %rev3A_1080 : vector<16xi32>
    %rev3A_1082 = tpu.dynamic_gather %get3A_1077[%rev3A_1081] in [0] : vector<16xf32>, vector<16xi32> -> vector<16xf32>
    %broadcast_in_dim3A_1083 = arith.constant true
    %broadcast_in_dim3A_1084 = vector.broadcast %broadcast_in_dim3A_1083 : i1 to vector<16xi1>
    %masked_cumsum3A_1085 = tpu.scan <sum>, %rev3A_1082 masked %broadcast_in_dim3A_1084 : vector<16xf32>, vector<16xi1> -> vector<16xf32>
    %rev3A_1086 = arith.constant 15 : i32
    %rev3A_1087 = vector.broadcast %rev3A_1086 : i32 to vector<16xi32>
    %rev3A_1088 = tpu.iota {dimensions = array<i32: 0>} : vector<16xi32>
    %rev3A_1089 = arith.subi %rev3A_1087, %rev3A_1088 : vector<16xi32>
    %rev3A_1090 = tpu.dynamic_gather %masked_cumsum3A_1085[%rev3A_1089] in [0] : vector<16xf32>, vector<16xi32> -> vector<16xf32>
    %add3A_1091 = arith.addf %rev3A_1090, %broadcast_in_dim3A_1075 : vector<16xf32>
    %ge3A_1092 = arith.cmpf oge, %add3A_1091, %max3A_781 : vector<16xf32>
    %add3A_1093 = arith.constant 80 : i32
    %add3A_1094 = vector.broadcast %add3A_1093 : i32 to vector<16xi32>
    %add3A_1095 = arith.addi %add3A_1094, %iota3A : vector<16xi32>
    %jit3A_1096 = arith.constant -1 : i32
    %broadcast_in_dim3A_1097 = vector.broadcast %jit3A_1096 : i32 to vector<16xi32>
    %select_n3A_1098 = arith.select %ge3A_1092, %add3A_1095, %broadcast_in_dim3A_1097 : vector<16xi1>, vector<16xi32>
    %max3A_1099 = arith.maxsi %max3A_1070, %select_n3A_1098 : vector<16xi32>
    %reduce_max3A_1100 = arith.constant true
    %reduce_max3A_1101 = vector.broadcast %reduce_max3A_1100 : i1 to vector<16xi1>
    %reduce_max3A_1102 = tpu.scan <max>, %add3A_1091 masked %reduce_max3A_1101 : vector<16xf32>, vector<16xi1> -> vector<16xf32>
    %reduce_max3A_1103 = vector.extract %reduce_max3A_1102[15] : f32 from vector<16xf32>
    %broadcast_in_dim3A_1104 = vector.broadcast %reduce_max3A_1103 : f32 to vector<16xf32>
    %get3A_1105 = arith.constant 64 : index
    %get3A_1106 = tpu.vector_load %arg9[%get3A_1105] {strides = array<i32>} : memref<256xf32, #tpu.memory_space<vmem>>, vector<16xf32>,
    %rev3A_1107 = arith.constant 15 : i32
    %rev3A_1108 = vector.broadcast %rev3A_1107 : i32 to vector<16xi32>
    %rev3A_1109 = tpu.iota {dimensions = array<i32: 0>} : vector<16xi32>
    %rev3A_1110 = arith.subi %rev3A_1108, %rev3A_1109 : vector<16xi32>
    %rev3A_1111 = tpu.dynamic_gather %get3A_1106[%rev3A_1110] in [0] : vector<16xf32>, vector<16xi32> -> vector<16xf32>
    %broadcast_in_dim3A_1112 = arith.constant true
    %broadcast_in_dim3A_1113 = vector.broadcast %broadcast_in_dim3A_1112 : i1 to vector<16xi1>
    %masked_cumsum3A_1114 = tpu.scan <sum>, %rev3A_1111 masked %broadcast_in_dim3A_1113 : vector<16xf32>, vector<16xi1> -> vector<16xf32>
    %rev3A_1115 = arith.constant 15 : i32
    %rev3A_1116 = vector.broadcast %rev3A_1115 : i32 to vector<16xi32>
    %rev3A_1117 = tpu.iota {dimensions = array<i32: 0>} : vector<16xi32>
    %rev3A_1118 = arith.subi %rev3A_1116, %rev3A_1117 : vector<16xi32>
    %rev3A_1119 = tpu.dynamic_gather %masked_cumsum3A_1114[%rev3A_1118] in [0] : vector<16xf32>, vector<16xi32> -> vector<16xf32>
    %add3A_1120 = arith.addf %rev3A_1119, %broadcast_in_dim3A_1104 : vector<16xf32>
    %ge3A_1121 = arith.cmpf oge, %add3A_1120, %max3A_781 : vector<16xf32>
    %add3A_1122 = arith.constant 64 : i32
    %add3A_1123 = vector.broadcast %add3A_1122 : i32 to vector<16xi32>
    %add3A_1124 = arith.addi %add3A_1123, %iota3A : vector<16xi32>
    %jit3A_1125 = arith.constant -1 : i32
    %broadcast_in_dim3A_1126 = vector.broadcast %jit3A_1125 : i32 to vector<16xi32>
    %select_n3A_1127 = arith.select %ge3A_1121, %add3A_1124, %broadcast_in_dim3A_1126 : vector<16xi1>, vector<16xi32>
    %max3A_1128 = arith.maxsi %max3A_1099, %select_n3A_1127 : vector<16xi32>
    %reduce_max3A_1129 = arith.constant true
    %reduce_max3A_1130 = vector.broadcast %reduce_max3A_1129 : i1 to vector<16xi1>
    %reduce_max3A_1131 = tpu.scan <max>, %add3A_1120 masked %reduce_max3A_1130 : vector<16xf32>, vector<16xi1> -> vector<16xf32>
    %reduce_max3A_1132 = vector.extract %reduce_max3A_1131[15] : f32 from vector<16xf32>
    %broadcast_in_dim3A_1133 = vector.broadcast %reduce_max3A_1132 : f32 to vector<16xf32>
    %get3A_1134 = arith.constant 48 : index
    %get3A_1135 = tpu.vector_load %arg9[%get3A_1134] {strides = array<i32>} : memref<256xf32, #tpu.memory_space<vmem>>, vector<16xf32>,
    %rev3A_1136 = arith.constant 15 : i32
    %rev3A_1137 = vector.broadcast %rev3A_1136 : i32 to vector<16xi32>
    %rev3A_1138 = tpu.iota {dimensions = array<i32: 0>} : vector<16xi32>
    %rev3A_1139 = arith.subi %rev3A_1137, %rev3A_1138 : vector<16xi32>
    %rev3A_1140 = tpu.dynamic_gather %get3A_1135[%rev3A_1139] in [0] : vector<16xf32>, vector<16xi32> -> vector<16xf32>
    %broadcast_in_dim3A_1141 = arith.constant true
    %broadcast_in_dim3A_1142 = vector.broadcast %broadcast_in_dim3A_1141 : i1 to vector<16xi1>
    %masked_cumsum3A_1143 = tpu.scan <sum>, %rev3A_1140 masked %broadcast_in_dim3A_1142 : vector<16xf32>, vector<16xi1> -> vector<16xf32>
    %rev3A_1144 = arith.constant 15 : i32
    %rev3A_1145 = vector.broadcast %rev3A_1144 : i32 to vector<16xi32>
    %rev3A_1146 = tpu.iota {dimensions = array<i32: 0>} : vector<16xi32>
    %rev3A_1147 = arith.subi %rev3A_1145, %rev3A_1146 : vector<16xi32>
    %rev3A_1148 = tpu.dynamic_gather %masked_cumsum3A_1143[%rev3A_1147] in [0] : vector<16xf32>, vector<16xi32> -> vector<16xf32>
    %add3A_1149 = arith.addf %rev3A_1148, %broadcast_in_dim3A_1133 : vector<16xf32>
    %ge3A_1150 = arith.cmpf oge, %add3A_1149, %max3A_781 : vector<16xf32>
    %add3A_1151 = arith.constant 48 : i32
    %add3A_1152 = vector.broadcast %add3A_1151 : i32 to vector<16xi32>
    %add3A_1153 = arith.addi %add3A_1152, %iota3A : vector<16xi32>
    %jit3A_1154 = arith.constant -1 : i32
    %broadcast_in_dim3A_1155 = vector.broadcast %jit3A_1154 : i32 to vector<16xi32>
    %select_n3A_1156 = arith.select %ge3A_1150, %add3A_1153, %broadcast_in_dim3A_1155 : vector<16xi1>, vector<16xi32>
    %max3A_1157 = arith.maxsi %max3A_1128, %select_n3A_1156 : vector<16xi32>
    %reduce_max3A_1158 = arith.constant true
    %reduce_max3A_1159 = vector.broadcast %reduce_max3A_1158 : i1 to vector<16xi1>
    %reduce_max3A_1160 = tpu.scan <max>, %add3A_1149 masked %reduce_max3A_1159 : vector<16xf32>, vector<16xi1> -> vector<16xf32>
    %reduce_max3A_1161 = vector.extract %reduce_max3A_1160[15] : f32 from vector<16xf32>
    %broadcast_in_dim3A_1162 = vector.broadcast %reduce_max3A_1161 : f32 to vector<16xf32>
    %get3A_1163 = arith.constant 32 : index
    %get3A_1164 = tpu.vector_load %arg9[%get3A_1163] {strides = array<i32>} : memref<256xf32, #tpu.memory_space<vmem>>, vector<16xf32>,
    %rev3A_1165 = arith.constant 15 : i32
    %rev3A_1166 = vector.broadcast %rev3A_1165 : i32 to vector<16xi32>
    %rev3A_1167 = tpu.iota {dimensions = array<i32: 0>} : vector<16xi32>
    %rev3A_1168 = arith.subi %rev3A_1166, %rev3A_1167 : vector<16xi32>
    %rev3A_1169 = tpu.dynamic_gather %get3A_1164[%rev3A_1168] in [0] : vector<16xf32>, vector<16xi32> -> vector<16xf32>
    %broadcast_in_dim3A_1170 = arith.constant true
    %broadcast_in_dim3A_1171 = vector.broadcast %broadcast_in_dim3A_1170 : i1 to vector<16xi1>
    %masked_cumsum3A_1172 = tpu.scan <sum>, %rev3A_1169 masked %broadcast_in_dim3A_1171 : vector<16xf32>, vector<16xi1> -> vector<16xf32>
    %rev3A_1173 = arith.constant 15 : i32
    %rev3A_1174 = vector.broadcast %rev3A_1173 : i32 to vector<16xi32>
    %rev3A_1175 = tpu.iota {dimensions = array<i32: 0>} : vector<16xi32>
    %rev3A_1176 = arith.subi %rev3A_1174, %rev3A_1175 : vector<16xi32>
    %rev3A_1177 = tpu.dynamic_gather %masked_cumsum3A_1172[%rev3A_1176] in [0] : vector<16xf32>, vector<16xi32> -> vector<16xf32>
    %add3A_1178 = arith.addf %rev3A_1177, %broadcast_in_dim3A_1162 : vector<16xf32>
    %ge3A_1179 = arith.cmpf oge, %add3A_1178, %max3A_781 : vector<16xf32>
    %add3A_1180 = arith.constant 32 : i32
    %add3A_1181 = vector.broadcast %add3A_1180 : i32 to vector<16xi32>
    %add3A_1182 = arith.addi %add3A_1181, %iota3A : vector<16xi32>
    %jit3A_1183 = arith.constant -1 : i32
    %broadcast_in_dim3A_1184 = vector.broadcast %jit3A_1183 : i32 to vector<16xi32>
    %select_n3A_1185 = arith.select %ge3A_1179, %add3A_1182, %broadcast_in_dim3A_1184 : vector<16xi1>, vector<16xi32>
    %max3A_1186 = arith.maxsi %max3A_1157, %select_n3A_1185 : vector<16xi32>
    %reduce_max3A_1187 = arith.constant true
    %reduce_max3A_1188 = vector.broadcast %reduce_max3A_1187 : i1 to vector<16xi1>
    %reduce_max3A_1189 = tpu.scan <max>, %add3A_1178 masked %reduce_max3A_1188 : vector<16xf32>, vector<16xi1> -> vector<16xf32>
    %reduce_max3A_1190 = vector.extract %reduce_max3A_1189[15] : f32 from vector<16xf32>
    %broadcast_in_dim3A_1191 = vector.broadcast %reduce_max3A_1190 : f32 to vector<16xf32>
    %get3A_1192 = arith.constant 16 : index
    %get3A_1193 = tpu.vector_load %arg9[%get3A_1192] {strides = array<i32>} : memref<256xf32, #tpu.memory_space<vmem>>, vector<16xf32>,
    %rev3A_1194 = arith.constant 15 : i32
    %rev3A_1195 = vector.broadcast %rev3A_1194 : i32 to vector<16xi32>
    %rev3A_1196 = tpu.iota {dimensions = array<i32: 0>} : vector<16xi32>
    %rev3A_1197 = arith.subi %rev3A_1195, %rev3A_1196 : vector<16xi32>
    %rev3A_1198 = tpu.dynamic_gather %get3A_1193[%rev3A_1197] in [0] : vector<16xf32>, vector<16xi32> -> vector<16xf32>
    %broadcast_in_dim3A_1199 = arith.constant true
    %broadcast_in_dim3A_1200 = vector.broadcast %broadcast_in_dim3A_1199 : i1 to vector<16xi1>
    %masked_cumsum3A_1201 = tpu.scan <sum>, %rev3A_1198 masked %broadcast_in_dim3A_1200 : vector<16xf32>, vector<16xi1> -> vector<16xf32>
    %rev3A_1202 = arith.constant 15 : i32
    %rev3A_1203 = vector.broadcast %rev3A_1202 : i32 to vector<16xi32>
    %rev3A_1204 = tpu.iota {dimensions = array<i32: 0>} : vector<16xi32>
    %rev3A_1205 = arith.subi %rev3A_1203, %rev3A_1204 : vector<16xi32>
    %rev3A_1206 = tpu.dynamic_gather %masked_cumsum3A_1201[%rev3A_1205] in [0] : vector<16xf32>, vector<16xi32> -> vector<16xf32>
    %add3A_1207 = arith.addf %rev3A_1206, %broadcast_in_dim3A_1191 : vector<16xf32>
    %ge3A_1208 = arith.cmpf oge, %add3A_1207, %max3A_781 : vector<16xf32>
    %add3A_1209 = arith.constant 16 : i32
    %add3A_1210 = vector.broadcast %add3A_1209 : i32 to vector<16xi32>
    %add3A_1211 = arith.addi %add3A_1210, %iota3A : vector<16xi32>
    %jit3A_1212 = arith.constant -1 : i32
    %broadcast_in_dim3A_1213 = vector.broadcast %jit3A_1212 : i32 to vector<16xi32>
    %select_n3A_1214 = arith.select %ge3A_1208, %add3A_1211, %broadcast_in_dim3A_1213 : vector<16xi1>, vector<16xi32>
    %max3A_1215 = arith.maxsi %max3A_1186, %select_n3A_1214 : vector<16xi32>
    %reduce_max3A_1216 = arith.constant true
    %reduce_max3A_1217 = vector.broadcast %reduce_max3A_1216 : i1 to vector<16xi1>
    %reduce_max3A_1218 = tpu.scan <max>, %add3A_1207 masked %reduce_max3A_1217 : vector<16xf32>, vector<16xi1> -> vector<16xf32>
    %reduce_max3A_1219 = vector.extract %reduce_max3A_1218[15] : f32 from vector<16xf32>
    %broadcast_in_dim3A_1220 = vector.broadcast %reduce_max3A_1219 : f32 to vector<16xf32>
    %get3A_1221 = arith.constant 0 : index
    %get3A_1222 = tpu.vector_load %arg9[%get3A_1221] {strides = array<i32>} : memref<256xf32, #tpu.memory_space<vmem>>, vector<16xf32>,
    %rev3A_1223 = arith.constant 15 : i32
    %rev3A_1224 = vector.broadcast %rev3A_1223 : i32 to vector<16xi32>
    %rev3A_1225 = tpu.iota {dimensions = array<i32: 0>} : vector<16xi32>
    %rev3A_1226 = arith.subi %rev3A_1224, %rev3A_1225 : vector<16xi32>
    %rev3A_1227 = tpu.dynamic_gather %get3A_1222[%rev3A_1226] in [0] : vector<16xf32>, vector<16xi32> -> vector<16xf32>
    %broadcast_in_dim3A_1228 = arith.constant true
    %broadcast_in_dim3A_1229 = vector.broadcast %broadcast_in_dim3A_1228 : i1 to vector<16xi1>
    %masked_cumsum3A_1230 = tpu.scan <sum>, %rev3A_1227 masked %broadcast_in_dim3A_1229 : vector<16xf32>, vector<16xi1> -> vector<16xf32>
    %rev3A_1231 = arith.constant 15 : i32
    %rev3A_1232 = vector.broadcast %rev3A_1231 : i32 to vector<16xi32>
    %rev3A_1233 = tpu.iota {dimensions = array<i32: 0>} : vector<16xi32>
    %rev3A_1234 = arith.subi %rev3A_1232, %rev3A_1233 : vector<16xi32>
    %rev3A_1235 = tpu.dynamic_gather %masked_cumsum3A_1230[%rev3A_1234] in [0] : vector<16xf32>, vector<16xi32> -> vector<16xf32>
    %add3A_1236 = arith.addf %rev3A_1235, %broadcast_in_dim3A_1220 : vector<16xf32>
    %ge3A_1237 = arith.cmpf oge, %add3A_1236, %max3A_781 : vector<16xf32>
    %add3A_1238 = arith.constant 0 : i32
    %add3A_1239 = vector.broadcast %add3A_1238 : i32 to vector<16xi32>
    %add3A_1240 = arith.addi %add3A_1239, %iota3A : vector<16xi32>
    %jit3A_1241 = arith.constant -1 : i32
    %broadcast_in_dim3A_1242 = vector.broadcast %jit3A_1241 : i32 to vector<16xi32>
    %select_n3A_1243 = arith.select %ge3A_1237, %add3A_1240, %broadcast_in_dim3A_1242 : vector<16xi1>, vector<16xi32>
    %max3A_1244 = arith.maxsi %max3A_1215, %select_n3A_1243 : vector<16xi32>
    %reduce_max3A_1245 = arith.constant true
    %reduce_max3A_1246 = vector.broadcast %reduce_max3A_1245 : i1 to vector<16xi1>
    %reduce_max3A_1247 = tpu.scan <max>, %add3A_1236 masked %reduce_max3A_1246 : vector<16xf32>, vector<16xi1> -> vector<16xf32>
    %reduce_max3A_1248 = vector.extract %reduce_max3A_1247[15] : f32 from vector<16xf32>
    %broadcast_in_dim3A_1249 = vector.broadcast %reduce_max3A_1248 : f32 to vector<16xf32>
    %reduce_max3A_1250 = arith.constant true
    %reduce_max3A_1251 = vector.broadcast %reduce_max3A_1250 : i1 to vector<16xi1>
    %reduce_max3A_1252 = arith.constant -2147483648 : i32
    %reduce_max3A_1253 = vector.broadcast %reduce_max3A_1252 : i32 to vector<16xi32>
    %reduce_max3A_1254 = arith.xori %max3A_1244, %reduce_max3A_1253 : vector<16xi32>
    %reduce_max3A_1255 = tpu.scan <max>, %reduce_max3A_1254 masked %reduce_max3A_1251 : vector<16xi32>, vector<16xi1> -> vector<16xi32>
    %reduce_max3A_1256 = arith.xori %reduce_max3A_1255, %reduce_max3A_1253 : vector<16xi32>
    %reduce_max3A_1257 = vector.extract %reduce_max3A_1256[15] : i32 from vector<16xi32>
    %broadcast_in_dim3A_1258 = vector.broadcast %reduce_max3A_1257 : i32 to vector<16xi32>
    %broadcast_in_dim3A_1259 = arith.constant 0.000000e+00 : f32
    %broadcast_in_dim3A_1260 = vector.broadcast %broadcast_in_dim3A_1259 : f32 to vector<16xf32>
    %broadcast_in_dim3A_1261 = arith.constant 0.000000e+00 : f32
    %broadcast_in_dim3A_1262 = vector.broadcast %broadcast_in_dim3A_1261 : f32 to vector<16xf32>
    %broadcast_in_dim3A_1263 = arith.constant 0.000000e+00 : f32
    %broadcast_in_dim3A_1264 = vector.broadcast %broadcast_in_dim3A_1263 : f32 to vector<16xf32>
    %broadcast_in_dim3A_1265 = arith.constant 0.000000e+00 : f32
    %broadcast_in_dim3A_1266 = vector.broadcast %broadcast_in_dim3A_1265 : f32 to vector<16xf32>
    %add3A_1267 = arith.constant 0 : i32
    %add3A_1268 = vector.broadcast %add3A_1267 : i32 to vector<16xi32>
    %add3A_1269 = arith.addi %add3A_1268, %iota3A : vector<16xi32>
    %gt3A_1270 = arith.cmpi sgt, %add3A_1269, %broadcast_in_dim3A_1258 : vector<16xi32>
    %eq3A = arith.cmpi eq, %add3A_1269, %broadcast_in_dim3A_1258 : vector<16xi32>
    %get3A_1271 = arith.constant 0 : index
    %get3A_1272 = tpu.vector_load %arg9[%get3A_1271] {strides = array<i32>} : memref<256xf32, #tpu.memory_space<vmem>>, vector<16xf32>,
    %get3A_1273 = arith.constant 0 : index
    %get3A_1274 = tpu.vector_load %arg10[%get3A_1273] {strides = array<i32>} : memref<256xf32, #tpu.memory_space<vmem>>, vector<16xf32>,
    %jit3A_1275 = arith.constant 0.000000e+00 : f32
    %broadcast_in_dim3A_1276 = vector.broadcast %jit3A_1275 : f32 to vector<16xf32>
    %select_n3A_1277 = arith.select %gt3A_1270, %get3A_1272, %broadcast_in_dim3A_1276 : vector<16xi1>, vector<16xf32>
    %add3A_1278 = arith.addf %broadcast_in_dim3A_1260, %select_n3A_1277 : vector<16xf32>
    %jit3A_1279 = arith.constant 0.000000e+00 : f32
    %broadcast_in_dim3A_1280 = vector.broadcast %jit3A_1279 : f32 to vector<16xf32>
    %select_n3A_1281 = arith.select %gt3A_1270, %get3A_1274, %broadcast_in_dim3A_1280 : vector<16xi1>, vector<16xf32>
    %add3A_1282 = arith.addf %broadcast_in_dim3A_1262, %select_n3A_1281 : vector<16xf32>
    %jit3A_1283 = arith.constant 0.000000e+00 : f32
    %broadcast_in_dim3A_1284 = vector.broadcast %jit3A_1283 : f32 to vector<16xf32>
    %select_n3A_1285 = arith.select %eq3A, %get3A_1272, %broadcast_in_dim3A_1284 : vector<16xi1>, vector<16xf32>
    %add3A_1286 = arith.addf %broadcast_in_dim3A_1264, %select_n3A_1285 : vector<16xf32>
    %jit3A_1287 = arith.constant 0.000000e+00 : f32
    %broadcast_in_dim3A_1288 = vector.broadcast %jit3A_1287 : f32 to vector<16xf32>
    %select_n3A_1289 = arith.select %eq3A, %get3A_1274, %broadcast_in_dim3A_1288 : vector<16xi1>, vector<16xf32>
    %add3A_1290 = arith.addf %broadcast_in_dim3A_1266, %select_n3A_1289 : vector<16xf32>
    %add3A_1291 = arith.constant 16 : i32
    %add3A_1292 = vector.broadcast %add3A_1291 : i32 to vector<16xi32>
    %add3A_1293 = arith.addi %add3A_1292, %iota3A : vector<16xi32>
    %gt3A_1294 = arith.cmpi sgt, %add3A_1293, %broadcast_in_dim3A_1258 : vector<16xi32>
    %eq3A_1295 = arith.cmpi eq, %add3A_1293, %broadcast_in_dim3A_1258 : vector<16xi32>
    %get3A_1296 = arith.constant 16 : index
    %get3A_1297 = tpu.vector_load %arg9[%get3A_1296] {strides = array<i32>} : memref<256xf32, #tpu.memory_space<vmem>>, vector<16xf32>,
    %get3A_1298 = arith.constant 16 : index
    %get3A_1299 = tpu.vector_load %arg10[%get3A_1298] {strides = array<i32>} : memref<256xf32, #tpu.memory_space<vmem>>, vector<16xf32>,
    %jit3A_1300 = arith.constant 0.000000e+00 : f32
    %broadcast_in_dim3A_1301 = vector.broadcast %jit3A_1300 : f32 to vector<16xf32>
    %select_n3A_1302 = arith.select %gt3A_1294, %get3A_1297, %broadcast_in_dim3A_1301 : vector<16xi1>, vector<16xf32>
    %add3A_1303 = arith.addf %add3A_1278, %select_n3A_1302 : vector<16xf32>
    %jit3A_1304 = arith.constant 0.000000e+00 : f32
    %broadcast_in_dim3A_1305 = vector.broadcast %jit3A_1304 : f32 to vector<16xf32>
    %select_n3A_1306 = arith.select %gt3A_1294, %get3A_1299, %broadcast_in_dim3A_1305 : vector<16xi1>, vector<16xf32>
    %add3A_1307 = arith.addf %add3A_1282, %select_n3A_1306 : vector<16xf32>
    %jit3A_1308 = arith.constant 0.000000e+00 : f32
    %broadcast_in_dim3A_1309 = vector.broadcast %jit3A_1308 : f32 to vector<16xf32>
    %select_n3A_1310 = arith.select %eq3A_1295, %get3A_1297, %broadcast_in_dim3A_1309 : vector<16xi1>, vector<16xf32>
    %add3A_1311 = arith.addf %add3A_1286, %select_n3A_1310 : vector<16xf32>
    %jit3A_1312 = arith.constant 0.000000e+00 : f32
    %broadcast_in_dim3A_1313 = vector.broadcast %jit3A_1312 : f32 to vector<16xf32>
    %select_n3A_1314 = arith.select %eq3A_1295, %get3A_1299, %broadcast_in_dim3A_1313 : vector<16xi1>, vector<16xf32>
    %add3A_1315 = arith.addf %add3A_1290, %select_n3A_1314 : vector<16xf32>
    %add3A_1316 = arith.constant 32 : i32
    %add3A_1317 = vector.broadcast %add3A_1316 : i32 to vector<16xi32>
    %add3A_1318 = arith.addi %add3A_1317, %iota3A : vector<16xi32>
    %gt3A_1319 = arith.cmpi sgt, %add3A_1318, %broadcast_in_dim3A_1258 : vector<16xi32>
    %eq3A_1320 = arith.cmpi eq, %add3A_1318, %broadcast_in_dim3A_1258 : vector<16xi32>
    %get3A_1321 = arith.constant 32 : index
    %get3A_1322 = tpu.vector_load %arg9[%get3A_1321] {strides = array<i32>} : memref<256xf32, #tpu.memory_space<vmem>>, vector<16xf32>,
    %get3A_1323 = arith.constant 32 : index
    %get3A_1324 = tpu.vector_load %arg10[%get3A_1323] {strides = array<i32>} : memref<256xf32, #tpu.memory_space<vmem>>, vector<16xf32>,
    %jit3A_1325 = arith.constant 0.000000e+00 : f32
    %broadcast_in_dim3A_1326 = vector.broadcast %jit3A_1325 : f32 to vector<16xf32>
    %select_n3A_1327 = arith.select %gt3A_1319, %get3A_1322, %broadcast_in_dim3A_1326 : vector<16xi1>, vector<16xf32>
    %add3A_1328 = arith.addf %add3A_1303, %select_n3A_1327 : vector<16xf32>
    %jit3A_1329 = arith.constant 0.000000e+00 : f32
    %broadcast_in_dim3A_1330 = vector.broadcast %jit3A_1329 : f32 to vector<16xf32>
    %select_n3A_1331 = arith.select %gt3A_1319, %get3A_1324, %broadcast_in_dim3A_1330 : vector<16xi1>, vector<16xf32>
    %add3A_1332 = arith.addf %add3A_1307, %select_n3A_1331 : vector<16xf32>
    %jit3A_1333 = arith.constant 0.000000e+00 : f32
    %broadcast_in_dim3A_1334 = vector.broadcast %jit3A_1333 : f32 to vector<16xf32>
    %select_n3A_1335 = arith.select %eq3A_1320, %get3A_1322, %broadcast_in_dim3A_1334 : vector<16xi1>, vector<16xf32>
    %add3A_1336 = arith.addf %add3A_1311, %select_n3A_1335 : vector<16xf32>
    %jit3A_1337 = arith.constant 0.000000e+00 : f32
    %broadcast_in_dim3A_1338 = vector.broadcast %jit3A_1337 : f32 to vector<16xf32>
    %select_n3A_1339 = arith.select %eq3A_1320, %get3A_1324, %broadcast_in_dim3A_1338 : vector<16xi1>, vector<16xf32>
    %add3A_1340 = arith.addf %add3A_1315, %select_n3A_1339 : vector<16xf32>
    %add3A_1341 = arith.constant 48 : i32
    %add3A_1342 = vector.broadcast %add3A_1341 : i32 to vector<16xi32>
    %add3A_1343 = arith.addi %add3A_1342, %iota3A : vector<16xi32>
    %gt3A_1344 = arith.cmpi sgt, %add3A_1343, %broadcast_in_dim3A_1258 : vector<16xi32>
    %eq3A_1345 = arith.cmpi eq, %add3A_1343, %broadcast_in_dim3A_1258 : vector<16xi32>
    %get3A_1346 = arith.constant 48 : index
    %get3A_1347 = tpu.vector_load %arg9[%get3A_1346] {strides = array<i32>} : memref<256xf32, #tpu.memory_space<vmem>>, vector<16xf32>,
    %get3A_1348 = arith.constant 48 : index
    %get3A_1349 = tpu.vector_load %arg10[%get3A_1348] {strides = array<i32>} : memref<256xf32, #tpu.memory_space<vmem>>, vector<16xf32>,
    %jit3A_1350 = arith.constant 0.000000e+00 : f32
    %broadcast_in_dim3A_1351 = vector.broadcast %jit3A_1350 : f32 to vector<16xf32>
    %select_n3A_1352 = arith.select %gt3A_1344, %get3A_1347, %broadcast_in_dim3A_1351 : vector<16xi1>, vector<16xf32>
    %add3A_1353 = arith.addf %add3A_1328, %select_n3A_1352 : vector<16xf32>
    %jit3A_1354 = arith.constant 0.000000e+00 : f32
    %broadcast_in_dim3A_1355 = vector.broadcast %jit3A_1354 : f32 to vector<16xf32>
    %select_n3A_1356 = arith.select %gt3A_1344, %get3A_1349, %broadcast_in_dim3A_1355 : vector<16xi1>, vector<16xf32>
    %add3A_1357 = arith.addf %add3A_1332, %select_n3A_1356 : vector<16xf32>
    %jit3A_1358 = arith.constant 0.000000e+00 : f32
    %broadcast_in_dim3A_1359 = vector.broadcast %jit3A_1358 : f32 to vector<16xf32>
    %select_n3A_1360 = arith.select %eq3A_1345, %get3A_1347, %broadcast_in_dim3A_1359 : vector<16xi1>, vector<16xf32>
    %add3A_1361 = arith.addf %add3A_1336, %select_n3A_1360 : vector<16xf32>
    %jit3A_1362 = arith.constant 0.000000e+00 : f32
    %broadcast_in_dim3A_1363 = vector.broadcast %jit3A_1362 : f32 to vector<16xf32>
    %select_n3A_1364 = arith.select %eq3A_1345, %get3A_1349, %broadcast_in_dim3A_1363 : vector<16xi1>, vector<16xf32>
    %add3A_1365 = arith.addf %add3A_1340, %select_n3A_1364 : vector<16xf32>
    %add3A_1366 = arith.constant 64 : i32
    %add3A_1367 = vector.broadcast %add3A_1366 : i32 to vector<16xi32>
    %add3A_1368 = arith.addi %add3A_1367, %iota3A : vector<16xi32>
    %gt3A_1369 = arith.cmpi sgt, %add3A_1368, %broadcast_in_dim3A_1258 : vector<16xi32>
    %eq3A_1370 = arith.cmpi eq, %add3A_1368, %broadcast_in_dim3A_1258 : vector<16xi32>
    %get3A_1371 = arith.constant 64 : index
    %get3A_1372 = tpu.vector_load %arg9[%get3A_1371] {strides = array<i32>} : memref<256xf32, #tpu.memory_space<vmem>>, vector<16xf32>,
    %get3A_1373 = arith.constant 64 : index
    %get3A_1374 = tpu.vector_load %arg10[%get3A_1373] {strides = array<i32>} : memref<256xf32, #tpu.memory_space<vmem>>, vector<16xf32>,
    %jit3A_1375 = arith.constant 0.000000e+00 : f32
    %broadcast_in_dim3A_1376 = vector.broadcast %jit3A_1375 : f32 to vector<16xf32>
    %select_n3A_1377 = arith.select %gt3A_1369, %get3A_1372, %broadcast_in_dim3A_1376 : vector<16xi1>, vector<16xf32>
    %add3A_1378 = arith.addf %add3A_1353, %select_n3A_1377 : vector<16xf32>
    %jit3A_1379 = arith.constant 0.000000e+00 : f32
    %broadcast_in_dim3A_1380 = vector.broadcast %jit3A_1379 : f32 to vector<16xf32>
    %select_n3A_1381 = arith.select %gt3A_1369, %get3A_1374, %broadcast_in_dim3A_1380 : vector<16xi1>, vector<16xf32>
    %add3A_1382 = arith.addf %add3A_1357, %select_n3A_1381 : vector<16xf32>
    %jit3A_1383 = arith.constant 0.000000e+00 : f32
    %broadcast_in_dim3A_1384 = vector.broadcast %jit3A_1383 : f32 to vector<16xf32>
    %select_n3A_1385 = arith.select %eq3A_1370, %get3A_1372, %broadcast_in_dim3A_1384 : vector<16xi1>, vector<16xf32>
    %add3A_1386 = arith.addf %add3A_1361, %select_n3A_1385 : vector<16xf32>
    %jit3A_1387 = arith.constant 0.000000e+00 : f32
    %broadcast_in_dim3A_1388 = vector.broadcast %jit3A_1387 : f32 to vector<16xf32>
    %select_n3A_1389 = arith.select %eq3A_1370, %get3A_1374, %broadcast_in_dim3A_1388 : vector<16xi1>, vector<16xf32>
    %add3A_1390 = arith.addf %add3A_1365, %select_n3A_1389 : vector<16xf32>
    %add3A_1391 = arith.constant 80 : i32
    %add3A_1392 = vector.broadcast %add3A_1391 : i32 to vector<16xi32>
    %add3A_1393 = arith.addi %add3A_1392, %iota3A : vector<16xi32>
    %gt3A_1394 = arith.cmpi sgt, %add3A_1393, %broadcast_in_dim3A_1258 : vector<16xi32>
    %eq3A_1395 = arith.cmpi eq, %add3A_1393, %broadcast_in_dim3A_1258 : vector<16xi32>
    %get3A_1396 = arith.constant 80 : index
    %get3A_1397 = tpu.vector_load %arg9[%get3A_1396] {strides = array<i32>} : memref<256xf32, #tpu.memory_space<vmem>>, vector<16xf32>,
    %get3A_1398 = arith.constant 80 : index
    %get3A_1399 = tpu.vector_load %arg10[%get3A_1398] {strides = array<i32>} : memref<256xf32, #tpu.memory_space<vmem>>, vector<16xf32>,
    %jit3A_1400 = arith.constant 0.000000e+00 : f32
    %broadcast_in_dim3A_1401 = vector.broadcast %jit3A_1400 : f32 to vector<16xf32>
    %select_n3A_1402 = arith.select %gt3A_1394, %get3A_1397, %broadcast_in_dim3A_1401 : vector<16xi1>, vector<16xf32>
    %add3A_1403 = arith.addf %add3A_1378, %select_n3A_1402 : vector<16xf32>
    %jit3A_1404 = arith.constant 0.000000e+00 : f32
    %broadcast_in_dim3A_1405 = vector.broadcast %jit3A_1404 : f32 to vector<16xf32>
    %select_n3A_1406 = arith.select %gt3A_1394, %get3A_1399, %broadcast_in_dim3A_1405 : vector<16xi1>, vector<16xf32>
    %add3A_1407 = arith.addf %add3A_1382, %select_n3A_1406 : vector<16xf32>
    %jit3A_1408 = arith.constant 0.000000e+00 : f32
    %broadcast_in_dim3A_1409 = vector.broadcast %jit3A_1408 : f32 to vector<16xf32>
    %select_n3A_1410 = arith.select %eq3A_1395, %get3A_1397, %broadcast_in_dim3A_1409 : vector<16xi1>, vector<16xf32>
    %add3A_1411 = arith.addf %add3A_1386, %select_n3A_1410 : vector<16xf32>
    %jit3A_1412 = arith.constant 0.000000e+00 : f32
    %broadcast_in_dim3A_1413 = vector.broadcast %jit3A_1412 : f32 to vector<16xf32>
    %select_n3A_1414 = arith.select %eq3A_1395, %get3A_1399, %broadcast_in_dim3A_1413 : vector<16xi1>, vector<16xf32>
    %add3A_1415 = arith.addf %add3A_1390, %select_n3A_1414 : vector<16xf32>
    %add3A_1416 = arith.constant 96 : i32
    %add3A_1417 = vector.broadcast %add3A_1416 : i32 to vector<16xi32>
    %add3A_1418 = arith.addi %add3A_1417, %iota3A : vector<16xi32>
    %gt3A_1419 = arith.cmpi sgt, %add3A_1418, %broadcast_in_dim3A_1258 : vector<16xi32>
    %eq3A_1420 = arith.cmpi eq, %add3A_1418, %broadcast_in_dim3A_1258 : vector<16xi32>
    %get3A_1421 = arith.constant 96 : index
    %get3A_1422 = tpu.vector_load %arg9[%get3A_1421] {strides = array<i32>} : memref<256xf32, #tpu.memory_space<vmem>>, vector<16xf32>,
    %get3A_1423 = arith.constant 96 : index
    %get3A_1424 = tpu.vector_load %arg10[%get3A_1423] {strides = array<i32>} : memref<256xf32, #tpu.memory_space<vmem>>, vector<16xf32>,
    %jit3A_1425 = arith.constant 0.000000e+00 : f32
    %broadcast_in_dim3A_1426 = vector.broadcast %jit3A_1425 : f32 to vector<16xf32>
    %select_n3A_1427 = arith.select %gt3A_1419, %get3A_1422, %broadcast_in_dim3A_1426 : vector<16xi1>, vector<16xf32>
    %add3A_1428 = arith.addf %add3A_1403, %select_n3A_1427 : vector<16xf32>
    %jit3A_1429 = arith.constant 0.000000e+00 : f32
    %broadcast_in_dim3A_1430 = vector.broadcast %jit3A_1429 : f32 to vector<16xf32>
    %select_n3A_1431 = arith.select %gt3A_1419, %get3A_1424, %broadcast_in_dim3A_1430 : vector<16xi1>, vector<16xf32>
    %add3A_1432 = arith.addf %add3A_1407, %select_n3A_1431 : vector<16xf32>
    %jit3A_1433 = arith.constant 0.000000e+00 : f32
    %broadcast_in_dim3A_1434 = vector.broadcast %jit3A_1433 : f32 to vector<16xf32>
    %select_n3A_1435 = arith.select %eq3A_1420, %get3A_1422, %broadcast_in_dim3A_1434 : vector<16xi1>, vector<16xf32>
    %add3A_1436 = arith.addf %add3A_1411, %select_n3A_1435 : vector<16xf32>
    %jit3A_1437 = arith.constant 0.000000e+00 : f32
    %broadcast_in_dim3A_1438 = vector.broadcast %jit3A_1437 : f32 to vector<16xf32>
    %select_n3A_1439 = arith.select %eq3A_1420, %get3A_1424, %broadcast_in_dim3A_1438 : vector<16xi1>, vector<16xf32>
    %add3A_1440 = arith.addf %add3A_1415, %select_n3A_1439 : vector<16xf32>
    %add3A_1441 = arith.constant 112 : i32
    %add3A_1442 = vector.broadcast %add3A_1441 : i32 to vector<16xi32>
    %add3A_1443 = arith.addi %add3A_1442, %iota3A : vector<16xi32>
    %gt3A_1444 = arith.cmpi sgt, %add3A_1443, %broadcast_in_dim3A_1258 : vector<16xi32>
    %eq3A_1445 = arith.cmpi eq, %add3A_1443, %broadcast_in_dim3A_1258 : vector<16xi32>
    %get3A_1446 = arith.constant 112 : index
    %get3A_1447 = tpu.vector_load %arg9[%get3A_1446] {strides = array<i32>} : memref<256xf32, #tpu.memory_space<vmem>>, vector<16xf32>,
    %get3A_1448 = arith.constant 112 : index
    %get3A_1449 = tpu.vector_load %arg10[%get3A_1448] {strides = array<i32>} : memref<256xf32, #tpu.memory_space<vmem>>, vector<16xf32>,
    %jit3A_1450 = arith.constant 0.000000e+00 : f32
    %broadcast_in_dim3A_1451 = vector.broadcast %jit3A_1450 : f32 to vector<16xf32>
    %select_n3A_1452 = arith.select %gt3A_1444, %get3A_1447, %broadcast_in_dim3A_1451 : vector<16xi1>, vector<16xf32>
    %add3A_1453 = arith.addf %add3A_1428, %select_n3A_1452 : vector<16xf32>
    %jit3A_1454 = arith.constant 0.000000e+00 : f32
    %broadcast_in_dim3A_1455 = vector.broadcast %jit3A_1454 : f32 to vector<16xf32>
    %select_n3A_1456 = arith.select %gt3A_1444, %get3A_1449, %broadcast_in_dim3A_1455 : vector<16xi1>, vector<16xf32>
    %add3A_1457 = arith.addf %add3A_1432, %select_n3A_1456 : vector<16xf32>
    %jit3A_1458 = arith.constant 0.000000e+00 : f32
    %broadcast_in_dim3A_1459 = vector.broadcast %jit3A_1458 : f32 to vector<16xf32>
    %select_n3A_1460 = arith.select %eq3A_1445, %get3A_1447, %broadcast_in_dim3A_1459 : vector<16xi1>, vector<16xf32>
    %add3A_1461 = arith.addf %add3A_1436, %select_n3A_1460 : vector<16xf32>
    %jit3A_1462 = arith.constant 0.000000e+00 : f32
    %broadcast_in_dim3A_1463 = vector.broadcast %jit3A_1462 : f32 to vector<16xf32>
    %select_n3A_1464 = arith.select %eq3A_1445, %get3A_1449, %broadcast_in_dim3A_1463 : vector<16xi1>, vector<16xf32>
    %add3A_1465 = arith.addf %add3A_1440, %select_n3A_1464 : vector<16xf32>
    %add3A_1466 = arith.constant 128 : i32
    %add3A_1467 = vector.broadcast %add3A_1466 : i32 to vector<16xi32>
    %add3A_1468 = arith.addi %add3A_1467, %iota3A : vector<16xi32>
    %gt3A_1469 = arith.cmpi sgt, %add3A_1468, %broadcast_in_dim3A_1258 : vector<16xi32>
    %eq3A_1470 = arith.cmpi eq, %add3A_1468, %broadcast_in_dim3A_1258 : vector<16xi32>
    %get3A_1471 = arith.constant 128 : index
    %get3A_1472 = tpu.vector_load %arg9[%get3A_1471] {strides = array<i32>} : memref<256xf32, #tpu.memory_space<vmem>>, vector<16xf32>,
    %get3A_1473 = arith.constant 128 : index
    %get3A_1474 = tpu.vector_load %arg10[%get3A_1473] {strides = array<i32>} : memref<256xf32, #tpu.memory_space<vmem>>, vector<16xf32>,
    %jit3A_1475 = arith.constant 0.000000e+00 : f32
    %broadcast_in_dim3A_1476 = vector.broadcast %jit3A_1475 : f32 to vector<16xf32>
    %select_n3A_1477 = arith.select %gt3A_1469, %get3A_1472, %broadcast_in_dim3A_1476 : vector<16xi1>, vector<16xf32>
    %add3A_1478 = arith.addf %add3A_1453, %select_n3A_1477 : vector<16xf32>
    %jit3A_1479 = arith.constant 0.000000e+00 : f32
    %broadcast_in_dim3A_1480 = vector.broadcast %jit3A_1479 : f32 to vector<16xf32>
    %select_n3A_1481 = arith.select %gt3A_1469, %get3A_1474, %broadcast_in_dim3A_1480 : vector<16xi1>, vector<16xf32>
    %add3A_1482 = arith.addf %add3A_1457, %select_n3A_1481 : vector<16xf32>
    %jit3A_1483 = arith.constant 0.000000e+00 : f32
    %broadcast_in_dim3A_1484 = vector.broadcast %jit3A_1483 : f32 to vector<16xf32>
    %select_n3A_1485 = arith.select %eq3A_1470, %get3A_1472, %broadcast_in_dim3A_1484 : vector<16xi1>, vector<16xf32>
    %add3A_1486 = arith.addf %add3A_1461, %select_n3A_1485 : vector<16xf32>
    %jit3A_1487 = arith.constant 0.000000e+00 : f32
    %broadcast_in_dim3A_1488 = vector.broadcast %jit3A_1487 : f32 to vector<16xf32>
    %select_n3A_1489 = arith.select %eq3A_1470, %get3A_1474, %broadcast_in_dim3A_1488 : vector<16xi1>, vector<16xf32>
    %add3A_1490 = arith.addf %add3A_1465, %select_n3A_1489 : vector<16xf32>
    %add3A_1491 = arith.constant 144 : i32
    %add3A_1492 = vector.broadcast %add3A_1491 : i32 to vector<16xi32>
    %add3A_1493 = arith.addi %add3A_1492, %iota3A : vector<16xi32>
    %gt3A_1494 = arith.cmpi sgt, %add3A_1493, %broadcast_in_dim3A_1258 : vector<16xi32>
    %eq3A_1495 = arith.cmpi eq, %add3A_1493, %broadcast_in_dim3A_1258 : vector<16xi32>
    %get3A_1496 = arith.constant 144 : index
    %get3A_1497 = tpu.vector_load %arg9[%get3A_1496] {strides = array<i32>} : memref<256xf32, #tpu.memory_space<vmem>>, vector<16xf32>,
    %get3A_1498 = arith.constant 144 : index
    %get3A_1499 = tpu.vector_load %arg10[%get3A_1498] {strides = array<i32>} : memref<256xf32, #tpu.memory_space<vmem>>, vector<16xf32>,
    %jit3A_1500 = arith.constant 0.000000e+00 : f32
    %broadcast_in_dim3A_1501 = vector.broadcast %jit3A_1500 : f32 to vector<16xf32>
    %select_n3A_1502 = arith.select %gt3A_1494, %get3A_1497, %broadcast_in_dim3A_1501 : vector<16xi1>, vector<16xf32>
    %add3A_1503 = arith.addf %add3A_1478, %select_n3A_1502 : vector<16xf32>
    %jit3A_1504 = arith.constant 0.000000e+00 : f32
    %broadcast_in_dim3A_1505 = vector.broadcast %jit3A_1504 : f32 to vector<16xf32>
    %select_n3A_1506 = arith.select %gt3A_1494, %get3A_1499, %broadcast_in_dim3A_1505 : vector<16xi1>, vector<16xf32>
    %add3A_1507 = arith.addf %add3A_1482, %select_n3A_1506 : vector<16xf32>
    %jit3A_1508 = arith.constant 0.000000e+00 : f32
    %broadcast_in_dim3A_1509 = vector.broadcast %jit3A_1508 : f32 to vector<16xf32>
    %select_n3A_1510 = arith.select %eq3A_1495, %get3A_1497, %broadcast_in_dim3A_1509 : vector<16xi1>, vector<16xf32>
    %add3A_1511 = arith.addf %add3A_1486, %select_n3A_1510 : vector<16xf32>
    %jit3A_1512 = arith.constant 0.000000e+00 : f32
    %broadcast_in_dim3A_1513 = vector.broadcast %jit3A_1512 : f32 to vector<16xf32>
    %select_n3A_1514 = arith.select %eq3A_1495, %get3A_1499, %broadcast_in_dim3A_1513 : vector<16xi1>, vector<16xf32>
    %add3A_1515 = arith.addf %add3A_1490, %select_n3A_1514 : vector<16xf32>
    %add3A_1516 = arith.constant 160 : i32
    %add3A_1517 = vector.broadcast %add3A_1516 : i32 to vector<16xi32>
    %add3A_1518 = arith.addi %add3A_1517, %iota3A : vector<16xi32>
    %gt3A_1519 = arith.cmpi sgt, %add3A_1518, %broadcast_in_dim3A_1258 : vector<16xi32>
    %eq3A_1520 = arith.cmpi eq, %add3A_1518, %broadcast_in_dim3A_1258 : vector<16xi32>
    %get3A_1521 = arith.constant 160 : index
    %get3A_1522 = tpu.vector_load %arg9[%get3A_1521] {strides = array<i32>} : memref<256xf32, #tpu.memory_space<vmem>>, vector<16xf32>,
    %get3A_1523 = arith.constant 160 : index
    %get3A_1524 = tpu.vector_load %arg10[%get3A_1523] {strides = array<i32>} : memref<256xf32, #tpu.memory_space<vmem>>, vector<16xf32>,
    %jit3A_1525 = arith.constant 0.000000e+00 : f32
    %broadcast_in_dim3A_1526 = vector.broadcast %jit3A_1525 : f32 to vector<16xf32>
    %select_n3A_1527 = arith.select %gt3A_1519, %get3A_1522, %broadcast_in_dim3A_1526 : vector<16xi1>, vector<16xf32>
    %add3A_1528 = arith.addf %add3A_1503, %select_n3A_1527 : vector<16xf32>
    %jit3A_1529 = arith.constant 0.000000e+00 : f32
    %broadcast_in_dim3A_1530 = vector.broadcast %jit3A_1529 : f32 to vector<16xf32>
    %select_n3A_1531 = arith.select %gt3A_1519, %get3A_1524, %broadcast_in_dim3A_1530 : vector<16xi1>, vector<16xf32>
    %add3A_1532 = arith.addf %add3A_1507, %select_n3A_1531 : vector<16xf32>
    %jit3A_1533 = arith.constant 0.000000e+00 : f32
    %broadcast_in_dim3A_1534 = vector.broadcast %jit3A_1533 : f32 to vector<16xf32>
    %select_n3A_1535 = arith.select %eq3A_1520, %get3A_1522, %broadcast_in_dim3A_1534 : vector<16xi1>, vector<16xf32>
    %add3A_1536 = arith.addf %add3A_1511, %select_n3A_1535 : vector<16xf32>
    %jit3A_1537 = arith.constant 0.000000e+00 : f32
    %broadcast_in_dim3A_1538 = vector.broadcast %jit3A_1537 : f32 to vector<16xf32>
    %select_n3A_1539 = arith.select %eq3A_1520, %get3A_1524, %broadcast_in_dim3A_1538 : vector<16xi1>, vector<16xf32>
    %add3A_1540 = arith.addf %add3A_1515, %select_n3A_1539 : vector<16xf32>
    %add3A_1541 = arith.constant 176 : i32
    %add3A_1542 = vector.broadcast %add3A_1541 : i32 to vector<16xi32>
    %add3A_1543 = arith.addi %add3A_1542, %iota3A : vector<16xi32>
    %gt3A_1544 = arith.cmpi sgt, %add3A_1543, %broadcast_in_dim3A_1258 : vector<16xi32>
    %eq3A_1545 = arith.cmpi eq, %add3A_1543, %broadcast_in_dim3A_1258 : vector<16xi32>
    %get3A_1546 = arith.constant 176 : index
    %get3A_1547 = tpu.vector_load %arg9[%get3A_1546] {strides = array<i32>} : memref<256xf32, #tpu.memory_space<vmem>>, vector<16xf32>,
    %get3A_1548 = arith.constant 176 : index
    %get3A_1549 = tpu.vector_load %arg10[%get3A_1548] {strides = array<i32>} : memref<256xf32, #tpu.memory_space<vmem>>, vector<16xf32>,
    %jit3A_1550 = arith.constant 0.000000e+00 : f32
    %broadcast_in_dim3A_1551 = vector.broadcast %jit3A_1550 : f32 to vector<16xf32>
    %select_n3A_1552 = arith.select %gt3A_1544, %get3A_1547, %broadcast_in_dim3A_1551 : vector<16xi1>, vector<16xf32>
    %add3A_1553 = arith.addf %add3A_1528, %select_n3A_1552 : vector<16xf32>
    %jit3A_1554 = arith.constant 0.000000e+00 : f32
    %broadcast_in_dim3A_1555 = vector.broadcast %jit3A_1554 : f32 to vector<16xf32>
    %select_n3A_1556 = arith.select %gt3A_1544, %get3A_1549, %broadcast_in_dim3A_1555 : vector<16xi1>, vector<16xf32>
    %add3A_1557 = arith.addf %add3A_1532, %select_n3A_1556 : vector<16xf32>
    %jit3A_1558 = arith.constant 0.000000e+00 : f32
    %broadcast_in_dim3A_1559 = vector.broadcast %jit3A_1558 : f32 to vector<16xf32>
    %select_n3A_1560 = arith.select %eq3A_1545, %get3A_1547, %broadcast_in_dim3A_1559 : vector<16xi1>, vector<16xf32>
    %add3A_1561 = arith.addf %add3A_1536, %select_n3A_1560 : vector<16xf32>
    %jit3A_1562 = arith.constant 0.000000e+00 : f32
    %broadcast_in_dim3A_1563 = vector.broadcast %jit3A_1562 : f32 to vector<16xf32>
    %select_n3A_1564 = arith.select %eq3A_1545, %get3A_1549, %broadcast_in_dim3A_1563 : vector<16xi1>, vector<16xf32>
    %add3A_1565 = arith.addf %add3A_1540, %select_n3A_1564 : vector<16xf32>
    %add3A_1566 = arith.constant 192 : i32
    %add3A_1567 = vector.broadcast %add3A_1566 : i32 to vector<16xi32>
    %add3A_1568 = arith.addi %add3A_1567, %iota3A : vector<16xi32>
    %gt3A_1569 = arith.cmpi sgt, %add3A_1568, %broadcast_in_dim3A_1258 : vector<16xi32>
    %eq3A_1570 = arith.cmpi eq, %add3A_1568, %broadcast_in_dim3A_1258 : vector<16xi32>
    %get3A_1571 = arith.constant 192 : index
    %get3A_1572 = tpu.vector_load %arg9[%get3A_1571] {strides = array<i32>} : memref<256xf32, #tpu.memory_space<vmem>>, vector<16xf32>,
    %get3A_1573 = arith.constant 192 : index
    %get3A_1574 = tpu.vector_load %arg10[%get3A_1573] {strides = array<i32>} : memref<256xf32, #tpu.memory_space<vmem>>, vector<16xf32>,
    %jit3A_1575 = arith.constant 0.000000e+00 : f32
    %broadcast_in_dim3A_1576 = vector.broadcast %jit3A_1575 : f32 to vector<16xf32>
    %select_n3A_1577 = arith.select %gt3A_1569, %get3A_1572, %broadcast_in_dim3A_1576 : vector<16xi1>, vector<16xf32>
    %add3A_1578 = arith.addf %add3A_1553, %select_n3A_1577 : vector<16xf32>
    %jit3A_1579 = arith.constant 0.000000e+00 : f32
    %broadcast_in_dim3A_1580 = vector.broadcast %jit3A_1579 : f32 to vector<16xf32>
    %select_n3A_1581 = arith.select %gt3A_1569, %get3A_1574, %broadcast_in_dim3A_1580 : vector<16xi1>, vector<16xf32>
    %add3A_1582 = arith.addf %add3A_1557, %select_n3A_1581 : vector<16xf32>
    %jit3A_1583 = arith.constant 0.000000e+00 : f32
    %broadcast_in_dim3A_1584 = vector.broadcast %jit3A_1583 : f32 to vector<16xf32>
    %select_n3A_1585 = arith.select %eq3A_1570, %get3A_1572, %broadcast_in_dim3A_1584 : vector<16xi1>, vector<16xf32>
    %add3A_1586 = arith.addf %add3A_1561, %select_n3A_1585 : vector<16xf32>
    %jit3A_1587 = arith.constant 0.000000e+00 : f32
    %broadcast_in_dim3A_1588 = vector.broadcast %jit3A_1587 : f32 to vector<16xf32>
    %select_n3A_1589 = arith.select %eq3A_1570, %get3A_1574, %broadcast_in_dim3A_1588 : vector<16xi1>, vector<16xf32>
    %add3A_1590 = arith.addf %add3A_1565, %select_n3A_1589 : vector<16xf32>
    %add3A_1591 = arith.constant 208 : i32
    %add3A_1592 = vector.broadcast %add3A_1591 : i32 to vector<16xi32>
    %add3A_1593 = arith.addi %add3A_1592, %iota3A : vector<16xi32>
    %gt3A_1594 = arith.cmpi sgt, %add3A_1593, %broadcast_in_dim3A_1258 : vector<16xi32>
    %eq3A_1595 = arith.cmpi eq, %add3A_1593, %broadcast_in_dim3A_1258 : vector<16xi32>
    %get3A_1596 = arith.constant 208 : index
    %get3A_1597 = tpu.vector_load %arg9[%get3A_1596] {strides = array<i32>} : memref<256xf32, #tpu.memory_space<vmem>>, vector<16xf32>,
    %get3A_1598 = arith.constant 208 : index
    %get3A_1599 = tpu.vector_load %arg10[%get3A_1598] {strides = array<i32>} : memref<256xf32, #tpu.memory_space<vmem>>, vector<16xf32>,
    %jit3A_1600 = arith.constant 0.000000e+00 : f32
    %broadcast_in_dim3A_1601 = vector.broadcast %jit3A_1600 : f32 to vector<16xf32>
    %select_n3A_1602 = arith.select %gt3A_1594, %get3A_1597, %broadcast_in_dim3A_1601 : vector<16xi1>, vector<16xf32>
    %add3A_1603 = arith.addf %add3A_1578, %select_n3A_1602 : vector<16xf32>
    %jit3A_1604 = arith.constant 0.000000e+00 : f32
    %broadcast_in_dim3A_1605 = vector.broadcast %jit3A_1604 : f32 to vector<16xf32>
    %select_n3A_1606 = arith.select %gt3A_1594, %get3A_1599, %broadcast_in_dim3A_1605 : vector<16xi1>, vector<16xf32>
    %add3A_1607 = arith.addf %add3A_1582, %select_n3A_1606 : vector<16xf32>
    %jit3A_1608 = arith.constant 0.000000e+00 : f32
    %broadcast_in_dim3A_1609 = vector.broadcast %jit3A_1608 : f32 to vector<16xf32>
    %select_n3A_1610 = arith.select %eq3A_1595, %get3A_1597, %broadcast_in_dim3A_1609 : vector<16xi1>, vector<16xf32>
    %add3A_1611 = arith.addf %add3A_1586, %select_n3A_1610 : vector<16xf32>
    %jit3A_1612 = arith.constant 0.000000e+00 : f32
    %broadcast_in_dim3A_1613 = vector.broadcast %jit3A_1612 : f32 to vector<16xf32>
    %select_n3A_1614 = arith.select %eq3A_1595, %get3A_1599, %broadcast_in_dim3A_1613 : vector<16xi1>, vector<16xf32>
    %add3A_1615 = arith.addf %add3A_1590, %select_n3A_1614 : vector<16xf32>
    %add3A_1616 = arith.constant 224 : i32
    %add3A_1617 = vector.broadcast %add3A_1616 : i32 to vector<16xi32>
    %add3A_1618 = arith.addi %add3A_1617, %iota3A : vector<16xi32>
    %gt3A_1619 = arith.cmpi sgt, %add3A_1618, %broadcast_in_dim3A_1258 : vector<16xi32>
    %eq3A_1620 = arith.cmpi eq, %add3A_1618, %broadcast_in_dim3A_1258 : vector<16xi32>
    %get3A_1621 = arith.constant 224 : index
    %get3A_1622 = tpu.vector_load %arg9[%get3A_1621] {strides = array<i32>} : memref<256xf32, #tpu.memory_space<vmem>>, vector<16xf32>,
    %get3A_1623 = arith.constant 224 : index
    %get3A_1624 = tpu.vector_load %arg10[%get3A_1623] {strides = array<i32>} : memref<256xf32, #tpu.memory_space<vmem>>, vector<16xf32>,
    %jit3A_1625 = arith.constant 0.000000e+00 : f32
    %broadcast_in_dim3A_1626 = vector.broadcast %jit3A_1625 : f32 to vector<16xf32>
    %select_n3A_1627 = arith.select %gt3A_1619, %get3A_1622, %broadcast_in_dim3A_1626 : vector<16xi1>, vector<16xf32>
    %add3A_1628 = arith.addf %add3A_1603, %select_n3A_1627 : vector<16xf32>
    %jit3A_1629 = arith.constant 0.000000e+00 : f32
    %broadcast_in_dim3A_1630 = vector.broadcast %jit3A_1629 : f32 to vector<16xf32>
    %select_n3A_1631 = arith.select %gt3A_1619, %get3A_1624, %broadcast_in_dim3A_1630 : vector<16xi1>, vector<16xf32>
    %add3A_1632 = arith.addf %add3A_1607, %select_n3A_1631 : vector<16xf32>
    %jit3A_1633 = arith.constant 0.000000e+00 : f32
    %broadcast_in_dim3A_1634 = vector.broadcast %jit3A_1633 : f32 to vector<16xf32>
    %select_n3A_1635 = arith.select %eq3A_1620, %get3A_1622, %broadcast_in_dim3A_1634 : vector<16xi1>, vector<16xf32>
    %add3A_1636 = arith.addf %add3A_1611, %select_n3A_1635 : vector<16xf32>
    %jit3A_1637 = arith.constant 0.000000e+00 : f32
    %broadcast_in_dim3A_1638 = vector.broadcast %jit3A_1637 : f32 to vector<16xf32>
    %select_n3A_1639 = arith.select %eq3A_1620, %get3A_1624, %broadcast_in_dim3A_1638 : vector<16xi1>, vector<16xf32>
    %add3A_1640 = arith.addf %add3A_1615, %select_n3A_1639 : vector<16xf32>
    %add3A_1641 = arith.constant 240 : i32
    %add3A_1642 = vector.broadcast %add3A_1641 : i32 to vector<16xi32>
    %add3A_1643 = arith.addi %add3A_1642, %iota3A : vector<16xi32>
    %gt3A_1644 = arith.cmpi sgt, %add3A_1643, %broadcast_in_dim3A_1258 : vector<16xi32>
    %eq3A_1645 = arith.cmpi eq, %add3A_1643, %broadcast_in_dim3A_1258 : vector<16xi32>
    %get3A_1646 = arith.constant 240 : index
    %get3A_1647 = tpu.vector_load %arg9[%get3A_1646] {strides = array<i32>} : memref<256xf32, #tpu.memory_space<vmem>>, vector<16xf32>,
    %get3A_1648 = arith.constant 240 : index
    %get3A_1649 = tpu.vector_load %arg10[%get3A_1648] {strides = array<i32>} : memref<256xf32, #tpu.memory_space<vmem>>, vector<16xf32>,
    %jit3A_1650 = arith.constant 0.000000e+00 : f32
    %broadcast_in_dim3A_1651 = vector.broadcast %jit3A_1650 : f32 to vector<16xf32>
    %select_n3A_1652 = arith.select %gt3A_1644, %get3A_1647, %broadcast_in_dim3A_1651 : vector<16xi1>, vector<16xf32>
    %add3A_1653 = arith.addf %add3A_1628, %select_n3A_1652 : vector<16xf32>
    %jit3A_1654 = arith.constant 0.000000e+00 : f32
    %broadcast_in_dim3A_1655 = vector.broadcast %jit3A_1654 : f32 to vector<16xf32>
    %select_n3A_1656 = arith.select %gt3A_1644, %get3A_1649, %broadcast_in_dim3A_1655 : vector<16xi1>, vector<16xf32>
    %add3A_1657 = arith.addf %add3A_1632, %select_n3A_1656 : vector<16xf32>
    %jit3A_1658 = arith.constant 0.000000e+00 : f32
    %broadcast_in_dim3A_1659 = vector.broadcast %jit3A_1658 : f32 to vector<16xf32>
    %select_n3A_1660 = arith.select %eq3A_1645, %get3A_1647, %broadcast_in_dim3A_1659 : vector<16xi1>, vector<16xf32>
    %add3A_1661 = arith.addf %add3A_1636, %select_n3A_1660 : vector<16xf32>
    %jit3A_1662 = arith.constant 0.000000e+00 : f32
    %broadcast_in_dim3A_1663 = vector.broadcast %jit3A_1662 : f32 to vector<16xf32>
    %select_n3A_1664 = arith.select %eq3A_1645, %get3A_1649, %broadcast_in_dim3A_1663 : vector<16xi1>, vector<16xf32>
    %add3A_1665 = arith.addf %add3A_1640, %select_n3A_1664 : vector<16xf32>
    %broadcast_in_dim3A_1666 = arith.constant true
    %broadcast_in_dim3A_1667 = vector.broadcast %broadcast_in_dim3A_1666 : i1 to vector<16xi1>
    %masked_cumsum3A_1668 = tpu.scan <sum>, %add3A_1653 masked %broadcast_in_dim3A_1667 : vector<16xf32>, vector<16xi1> -> vector<16xf32>
    %reduce_max3A_1669 = arith.constant true
    %reduce_max3A_1670 = vector.broadcast %reduce_max3A_1669 : i1 to vector<16xi1>
    %reduce_max3A_1671 = tpu.scan <max>, %masked_cumsum3A_1668 masked %reduce_max3A_1670 : vector<16xf32>, vector<16xi1> -> vector<16xf32>
    %reduce_max3A_1672 = vector.extract %reduce_max3A_1671[15] : f32 from vector<16xf32>
    %broadcast_in_dim3A_1673 = vector.broadcast %reduce_max3A_1672 : f32 to vector<16xf32>
    %broadcast_in_dim3A_1674 = arith.constant true
    %broadcast_in_dim3A_1675 = vector.broadcast %broadcast_in_dim3A_1674 : i1 to vector<16xi1>
    %masked_cumsum3A_1676 = tpu.scan <sum>, %add3A_1657 masked %broadcast_in_dim3A_1675 : vector<16xf32>, vector<16xi1> -> vector<16xf32>
    %reduce_max3A_1677 = arith.constant true
    %reduce_max3A_1678 = vector.broadcast %reduce_max3A_1677 : i1 to vector<16xi1>
    %reduce_max3A_1679 = tpu.scan <max>, %masked_cumsum3A_1676 masked %reduce_max3A_1678 : vector<16xf32>, vector<16xi1> -> vector<16xf32>
    %reduce_max3A_1680 = vector.extract %reduce_max3A_1679[15] : f32 from vector<16xf32>
    %broadcast_in_dim3A_1681 = vector.broadcast %reduce_max3A_1680 : f32 to vector<16xf32>
    %broadcast_in_dim3A_1682 = arith.constant true
    %broadcast_in_dim3A_1683 = vector.broadcast %broadcast_in_dim3A_1682 : i1 to vector<16xi1>
    %masked_cumsum3A_1684 = tpu.scan <sum>, %add3A_1661 masked %broadcast_in_dim3A_1683 : vector<16xf32>, vector<16xi1> -> vector<16xf32>
    %reduce_max3A_1685 = arith.constant true
    %reduce_max3A_1686 = vector.broadcast %reduce_max3A_1685 : i1 to vector<16xi1>
    %reduce_max3A_1687 = tpu.scan <max>, %masked_cumsum3A_1684 masked %reduce_max3A_1686 : vector<16xf32>, vector<16xi1> -> vector<16xf32>
    %reduce_max3A_1688 = vector.extract %reduce_max3A_1687[15] : f32 from vector<16xf32>
    %broadcast_in_dim3A_1689 = vector.broadcast %reduce_max3A_1688 : f32 to vector<16xf32>
    %broadcast_in_dim3A_1690 = arith.constant true
    %broadcast_in_dim3A_1691 = vector.broadcast %broadcast_in_dim3A_1690 : i1 to vector<16xi1>
    %masked_cumsum3A_1692 = tpu.scan <sum>, %add3A_1665 masked %broadcast_in_dim3A_1691 : vector<16xf32>, vector<16xi1> -> vector<16xf32>
    %reduce_max3A_1693 = arith.constant true
    %reduce_max3A_1694 = vector.broadcast %reduce_max3A_1693 : i1 to vector<16xi1>
    %reduce_max3A_1695 = tpu.scan <max>, %masked_cumsum3A_1692 masked %reduce_max3A_1694 : vector<16xf32>, vector<16xi1> -> vector<16xf32>
    %reduce_max3A_1696 = vector.extract %reduce_max3A_1695[15] : f32 from vector<16xf32>
    %broadcast_in_dim3A_1697 = vector.broadcast %reduce_max3A_1696 : f32 to vector<16xf32>
    %max3A_1698 = arith.constant 1.000000e+00 : f32
    %max3A_1699 = vector.broadcast %max3A_1698 : f32 to vector<16xf32>
    %max3A_1700 = arith.maximumf %broadcast_in_dim3A_1689, %max3A_1699 : vector<16xf32>
    %div3A = arith.divf %broadcast_in_dim3A_1697, %max3A_1700 : vector<16xf32>
    %sub3A_1701 = arith.subf %get3A_6, %broadcast_in_dim3A_764 : vector<16xf32>
    %sub3A_1702 = arith.subf %sub3A_1701, %broadcast_in_dim3A_1673 : vector<16xf32>
    %max3A_1703 = arith.constant 0.000000e+00 : f32
    %max3A_1704 = vector.broadcast %max3A_1703 : f32 to vector<16xf32>
    %max3A_1705 = arith.maximumf %sub3A_1702, %max3A_1704 : vector<16xf32>
    %add3A_1706 = arith.addf %broadcast_in_dim3A_772, %broadcast_in_dim3A_1681 : vector<16xf32>
    %mul3A_1707 = arith.mulf %max3A_1705, %div3A : vector<16xf32>
    %add3A_1708 = arith.addf %add3A_1706, %mul3A_1707 : vector<16xf32>
    %gt3A_1709 = arith.constant 5.000000e-01 : f32
    %gt3A_1710 = vector.broadcast %gt3A_1709 : f32 to vector<16xf32>
    %gt3A_1711 = arith.cmpf ogt, %get3A_6, %gt3A_1710 : vector<16xf32>
    %jit3A_1712 = arith.constant 0.000000e+00 : f32
    %broadcast_in_dim3A_1713 = vector.broadcast %jit3A_1712 : f32 to vector<16xf32>
    %select_n3A_1714 = arith.select %gt3A_1711, %add3A_1708, %broadcast_in_dim3A_1713 : vector<16xi1>, vector<16xf32>
    %min3A = arith.minimumf %get3A_6, %broadcast_in_dim3A_25 : vector<16xf32>
    %eq3A_1715 = arith.constant 0 : i32
    %eq3A_1716 = vector.broadcast %eq3A_1715 : i32 to vector<16xi32>
    %eq3A_1717 = arith.cmpi eq, %iota3A, %eq3A_1716 : vector<16xi32>
    %eq3A_1718 = arith.constant 1 : i32
    %eq3A_1719 = vector.broadcast %eq3A_1718 : i32 to vector<16xi32>
    %eq3A_1720 = arith.cmpi eq, %iota3A, %eq3A_1719 : vector<16xi32>
    %jit3A_1721 = arith.constant 0.000000e+00 : f32
    %broadcast_in_dim3A_1722 = vector.broadcast %jit3A_1721 : f32 to vector<16xf32>
    %select_n3A_1723 = arith.select %eq3A_1720, %min3A, %broadcast_in_dim3A_1722 : vector<16xi1>, vector<16xf32>
    %select_n3A_1724 = arith.select %eq3A_1717, %select_n3A_1714, %select_n3A_1723 : vector<16xi1>, vector<16xf32>
    %swap3A = arith.constant 0 : index
    %swap3A_1725 = tpu.vector_load %arg11[%swap3A] {strides = array<i32>} : memref<16xf32, #tpu.memory_space<vmem>>, vector<16xf32>,
    tpu.vector_store %arg11[%swap3A], %select_n3A_1724 {strides = array<i32>} : memref<16xf32, #tpu.memory_space<vmem>>, vector<16xf32>,
    %run_scoped3A = arith.constant 0 : i32
    "tpu.region"() ({
      %run_scoped3A_1726 = tpu.sem_alloc : memref<!tpu.dma_semaphore, #tpu.memory_space<semaphore_mem>>
      %dma_start3A = arith.constant 0 : i32
      %dma_start3A_1727 = tpu.memref_slice %arg4[%add3A, %run_scoped3A, %dma_start3A] : memref<32x1x16xf32, #tpu.memory_space<hbm>> -> memref<1x1x16xf32, #tpu.memory_space<hbm>>
      %dma_start3A_1728 = tpu.memref_squeeze %dma_start3A_1727 : memref<1x1x16xf32, #tpu.memory_space<hbm>> -> memref<16xf32, #tpu.memory_space<hbm>>
      %dma_start3A_1729 = arith.constant 0 : i32
      %dma_start3A_1730 = tpu.memref_slice %arg4[%add3A, %run_scoped3A, %dma_start3A_1729] : memref<32x1x16xf32, #tpu.memory_space<hbm>> -> memref<1x1x16xf32, #tpu.memory_space<hbm>>
      %dma_start3A_1731 = tpu.memref_squeeze %dma_start3A_1730 : memref<1x1x16xf32, #tpu.memory_space<hbm>> -> memref<16xf32, #tpu.memory_space<hbm>>
      tpu.enqueue_dma source(%arg11 : memref<16xf32, #tpu.memory_space<vmem>>) target(%dma_start3A_1731 : memref<16xf32, #tpu.memory_space<hbm>>) target_semaphore(%run_scoped3A_1726 : memref<!tpu.dma_semaphore, #tpu.memory_space<semaphore_mem>>)
      %dma_wait3A = arith.constant 0 : i32
      %dma_wait3A_1732 = tpu.memref_slice %arg4[%add3A, %run_scoped3A, %dma_wait3A] : memref<32x1x16xf32, #tpu.memory_space<hbm>> -> memref<1x1x16xf32, #tpu.memory_space<hbm>>
      %dma_wait3A_1733 = tpu.memref_squeeze %dma_wait3A_1732 : memref<1x1x16xf32, #tpu.memory_space<hbm>> -> memref<16xf32, #tpu.memory_space<hbm>>
      %dma_wait3A_1734 = arith.constant 0 : i32
      %dma_wait3A_1735 = tpu.memref_slice %arg4[%add3A, %run_scoped3A, %dma_wait3A_1734] : memref<32x1x16xf32, #tpu.memory_space<hbm>> -> memref<1x1x16xf32, #tpu.memory_space<hbm>>
      %dma_wait3A_1736 = tpu.memref_squeeze %dma_wait3A_1735 : memref<1x1x16xf32, #tpu.memory_space<hbm>> -> memref<16xf32, #tpu.memory_space<hbm>>
      tpu.wait_dma2 semaphore(%run_scoped3A_1726 : memref<!tpu.dma_semaphore, #tpu.memory_space<semaphore_mem>>) src(%arg11 : memref<16xf32, #tpu.memory_space<vmem>>) dst(%dma_wait3A_1736 : memref<16xf32, #tpu.memory_space<hbm>>)
      tpu.yield
    }) : () -> ()
    return
  }
}

module attributes {stable_mosaic.version = 14 : i64} {
  func.func @_body_tc(%arg0: i32, %arg1: memref<32x10x5xf32, #tpu.memory_space<smem>>, %arg2: memref<4x70x128xf32, #tpu.memory_space<vmem>>, %arg3: memref<1x4x70x128xf32, #tpu.memory_space<vmem>>, %arg4: memref<1x21x70x128xf32, #tpu.memory_space<vmem>>, %arg5: memref<1x2x16xf32, #tpu.memory_space<smem>>, %arg6: memref<1x70x128xf32, #tpu.memory_space<vmem>>) attributes {dimension_semantics = [#tpu.dimension_semantics<parallel>], iteration_bounds = array<i64: 32>, scalar_prefetch = 0 : i64, scratch_operands = 0 : i64, tpu.core_type = #tpu.core_type<tc>, window_params = [{transform_indices = @transform_0, window_bounds = array<i64: 32, 10, 5>}, {pipeline_mode = #tpu.pipeline_mode<synchronous>, transform_indices = @transform_1, window_bounds = array<i64: 4, 70, 128>}, {transform_indices = @transform_2, window_bounds = array<i64: 1, 4, 70, 128>}, {transform_indices = @transform_3, window_bounds = array<i64: 1, 21, 70, 128>}, {transform_indices = @transform_4, window_bounds = array<i64: 1, 2, 16>}, {transform_indices = @transform_5, window_bounds = array<i64: 1, 70, 128>}]} {
    %get3A = arith.constant 0 : index
    %get3A_0 = arith.constant 0 : index
    %get3A_1 = arith.constant 0 : index
    %get3A_2 = vector.load %arg2[%get3A, %get3A_0, %get3A_1] : memref<4x70x128xf32, #tpu.memory_space<vmem>>, vector<1x70x128xf32>
    %get3A_3 = vector.shape_cast %get3A_2 : vector<1x70x128xf32> to vector<70x128xf32>
    %get3A_4 = arith.constant 1 : index
    %get3A_5 = arith.constant 0 : index
    %get3A_6 = arith.constant 0 : index
    %get3A_7 = vector.load %arg2[%get3A_4, %get3A_5, %get3A_6] : memref<4x70x128xf32, #tpu.memory_space<vmem>>, vector<1x70x128xf32>
    %get3A_8 = vector.shape_cast %get3A_7 : vector<1x70x128xf32> to vector<70x128xf32>
    %get3A_9 = arith.constant 2 : index
    %get3A_10 = arith.constant 0 : index
    %get3A_11 = arith.constant 0 : index
    %get3A_12 = vector.load %arg2[%get3A_9, %get3A_10, %get3A_11] : memref<4x70x128xf32, #tpu.memory_space<vmem>>, vector<1x70x128xf32>
    %get3A_13 = vector.shape_cast %get3A_12 : vector<1x70x128xf32> to vector<70x128xf32>
    %get3A_14 = arith.constant 3 : index
    %get3A_15 = arith.constant 0 : index
    %get3A_16 = arith.constant 0 : index
    %get3A_17 = vector.load %arg2[%get3A_14, %get3A_15, %get3A_16] : memref<4x70x128xf32, #tpu.memory_space<vmem>>, vector<1x70x128xf32>
    %get3A_18 = vector.shape_cast %get3A_17 : vector<1x70x128xf32> to vector<70x128xf32>
    %add3A = arith.addf %get3A_3, %get3A_13 : vector<70x128xf32>
    %add3A_19 = arith.addf %get3A_8, %get3A_18 : vector<70x128xf32>
    %mul3A = arith.mulf %get3A_13, %get3A_18 : vector<70x128xf32>
    %iota3A = tpu.iota {dimensions = array<i32: 0>} : vector<70x128xi32>
    %mul3A_20 = arith.constant 128 : i32
    %mul3A_21 = vector.broadcast %mul3A_20 : i32 to vector<70x128xi32>
    %mul3A_22 = arith.muli %iota3A, %mul3A_21 : vector<70x128xi32>
    %iota3A_23 = tpu.iota {dimensions = array<i32: 1>} : vector<70x128xi32>
    %add3A_24 = arith.addi %mul3A_22, %iota3A_23 : vector<70x128xi32>
    %lt3A = arith.constant 8732 : i32
    %lt3A_25 = vector.broadcast %lt3A : i32 to vector<70x128xi32>
    %lt3A_26 = arith.cmpi slt, %add3A_24, %lt3A_25 : vector<70x128xi32>
    %broadcast_in_dim3A = arith.constant -1.000000e+00 : f32
    %broadcast_in_dim3A_27 = vector.broadcast %broadcast_in_dim3A : f32 to vector<70x128xf32>
    %broadcast_in_dim3A_28 = arith.constant 0 : i32
    %broadcast_in_dim3A_29 = vector.broadcast %broadcast_in_dim3A_28 : i32 to vector<70x128xi32>
    %broadcast_in_dim3A_30 = arith.constant false
    %broadcast_in_dim3A_31 = vector.broadcast %broadcast_in_dim3A_30 : i1 to vector<70x128xi1>
    %broadcast_in_dim3A_32 = arith.constant 0 : i32
    %broadcast_in_dim3A_33 = vector.broadcast %broadcast_in_dim3A_32 : i32 to vector<70x128xi32>
    %get3A_34 = arith.index_cast %arg0 : i32 to index
    %get3A_35 = arith.constant 0 : index
    %get3A_36 = arith.constant 0 : index
    %get3A_37 = memref.load %arg1[%get3A_34, %get3A_35, %get3A_36] : memref<32x10x5xf32, #tpu.memory_space<smem>>
    %get3A_38 = arith.index_cast %arg0 : i32 to index
    %get3A_39 = arith.constant 0 : index
    %get3A_40 = arith.constant 1 : index
    %get3A_41 = memref.load %arg1[%get3A_38, %get3A_39, %get3A_40] : memref<32x10x5xf32, #tpu.memory_space<smem>>
    %get3A_42 = arith.index_cast %arg0 : i32 to index
    %get3A_43 = arith.constant 0 : index
    %get3A_44 = arith.constant 2 : index
    %get3A_45 = memref.load %arg1[%get3A_42, %get3A_43, %get3A_44] : memref<32x10x5xf32, #tpu.memory_space<smem>>
    %get3A_46 = arith.index_cast %arg0 : i32 to index
    %get3A_47 = arith.constant 0 : index
    %get3A_48 = arith.constant 3 : index
    %get3A_49 = memref.load %arg1[%get3A_46, %get3A_47, %get3A_48] : memref<32x10x5xf32, #tpu.memory_space<smem>>
    %get3A_50 = arith.index_cast %arg0 : i32 to index
    %get3A_51 = arith.constant 0 : index
    %get3A_52 = arith.constant 4 : index
    %get3A_53 = memref.load %arg1[%get3A_50, %get3A_51, %get3A_52] : memref<32x10x5xf32, #tpu.memory_space<smem>>
    %sub3A = arith.subf %get3A_45, %get3A_37 : f32
    %sub3A_54 = arith.subf %get3A_49, %get3A_41 : f32
    %min3A = vector.broadcast %get3A_45 : f32 to vector<70x128xf32>
    %min3A_55 = arith.minimumf %min3A, %add3A : vector<70x128xf32>
    %max3A = vector.broadcast %get3A_37 : f32 to vector<70x128xf32>
    %max3A_56 = arith.maximumf %max3A, %get3A_3 : vector<70x128xf32>
    %sub3A_57 = arith.subf %min3A_55, %max3A_56 : vector<70x128xf32>
    %max3A_58 = arith.constant 0.000000e+00 : f32
    %max3A_59 = vector.broadcast %max3A_58 : f32 to vector<70x128xf32>
    %max3A_60 = arith.maximumf %sub3A_57, %max3A_59 : vector<70x128xf32>
    %min3A_61 = vector.broadcast %get3A_49 : f32 to vector<70x128xf32>
    %min3A_62 = arith.minimumf %min3A_61, %add3A_19 : vector<70x128xf32>
    %max3A_63 = vector.broadcast %get3A_41 : f32 to vector<70x128xf32>
    %max3A_64 = arith.maximumf %max3A_63, %get3A_8 : vector<70x128xf32>
    %sub3A_65 = arith.subf %min3A_62, %max3A_64 : vector<70x128xf32>
    %max3A_66 = arith.constant 0.000000e+00 : f32
    %max3A_67 = vector.broadcast %max3A_66 : f32 to vector<70x128xf32>
    %max3A_68 = arith.maximumf %sub3A_65, %max3A_67 : vector<70x128xf32>
    %mul3A_69 = arith.mulf %max3A_60, %max3A_68 : vector<70x128xf32>
    %mul3A_70 = arith.mulf %sub3A, %sub3A_54 : f32
    %add3A_71 = vector.broadcast %mul3A_70 : f32 to vector<70x128xf32>
    %add3A_72 = arith.addf %add3A_71, %mul3A : vector<70x128xf32>
    %sub3A_73 = arith.subf %add3A_72, %mul3A_69 : vector<70x128xf32>
    %div3A = arith.divf %mul3A_69, %sub3A_73 : vector<70x128xf32>
    %gt3A = arith.cmpf ogt, %div3A, %broadcast_in_dim3A_27 : vector<70x128xf32>
    %select_n3A = arith.select %gt3A, %div3A, %broadcast_in_dim3A_27 : vector<70x128xi1>, vector<70x128xf32>
    %jit3A = arith.constant 0 : i32
    %broadcast_in_dim3A_74 = vector.broadcast %jit3A : i32 to vector<70x128xi32>
    %select_n3A_75 = arith.select %gt3A, %broadcast_in_dim3A_74, %broadcast_in_dim3A_29 : vector<70x128xi1>, vector<70x128xi32>
    %reduce_max3A = vector.shape_cast %div3A : vector<70x128xf32> to vector<1x70x128xf32>
    %reduce_max3A_76 = arith.constant dense<0xFF800000> : vector<1xf32>
    %reduce_max3A_77 = vector.multi_reduction <maximumf>, %reduce_max3A, %reduce_max3A_76 [1, 2] : vector<1x70x128xf32> to vector<1xf32>
    %reduce_max3A_78 = vector.shape_cast %reduce_max3A_77 : vector<1xf32> to vector<1x1x1xf32>
    %reduce_max3A_79 = vector.extract %reduce_max3A_78[0, 0, 0] : f32 from vector<1x1x1xf32>
    %broadcast_in_dim3A_80 = vector.broadcast %reduce_max3A_79 : f32 to vector<1x1xf32>
    %eq3A = vector.broadcast %broadcast_in_dim3A_80 : vector<1x1xf32> to vector<70x128xf32>
    %eq3A_81 = arith.cmpf oeq, %div3A, %eq3A : vector<70x128xf32>
    %jit3A_82 = arith.constant 8960 : i32
    %broadcast_in_dim3A_83 = vector.broadcast %jit3A_82 : i32 to vector<70x128xi32>
    %select_n3A_84 = arith.select %eq3A_81, %add3A_24, %broadcast_in_dim3A_83 : vector<70x128xi1>, vector<70x128xi32>
    %reduce_min3A = vector.shape_cast %select_n3A_84 : vector<70x128xi32> to vector<1x70x128xi32>
    %reduce_min3A_85 = arith.constant dense<2147483647> : vector<1xi32>
    %reduce_min3A_86 = vector.multi_reduction <minsi>, %reduce_min3A, %reduce_min3A_85 [1, 2] : vector<1x70x128xi32> to vector<1xi32>
    %reduce_min3A_87 = vector.shape_cast %reduce_min3A_86 : vector<1xi32> to vector<1x1x1xi32>
    %reduce_min3A_88 = vector.extract %reduce_min3A_87[0, 0, 0] : i32 from vector<1x1x1xi32>
    %broadcast_in_dim3A_89 = vector.broadcast %reduce_min3A_88 : i32 to vector<1x1xi32>
    %eq3A_90 = vector.broadcast %broadcast_in_dim3A_89 : vector<1x1xi32> to vector<70x128xi32>
    %eq3A_91 = arith.cmpi eq, %add3A_24, %eq3A_90 : vector<70x128xi32>
    %or3A = arith.ori %broadcast_in_dim3A_31, %eq3A_91 : vector<70x128xi1>
    %jit3A_92 = arith.constant 0 : i32
    %broadcast_in_dim3A_93 = vector.broadcast %jit3A_92 : i32 to vector<70x128xi32>
    %select_n3A_94 = arith.select %eq3A_91, %broadcast_in_dim3A_93, %broadcast_in_dim3A_33 : vector<70x128xi1>, vector<70x128xi32>
    %get3A_95 = arith.index_cast %arg0 : i32 to index
    %get3A_96 = arith.constant 1 : index
    %get3A_97 = arith.constant 0 : index
    %get3A_98 = memref.load %arg1[%get3A_95, %get3A_96, %get3A_97] : memref<32x10x5xf32, #tpu.memory_space<smem>>
    %get3A_99 = arith.index_cast %arg0 : i32 to index
    %get3A_100 = arith.constant 1 : index
    %get3A_101 = arith.constant 1 : index
    %get3A_102 = memref.load %arg1[%get3A_99, %get3A_100, %get3A_101] : memref<32x10x5xf32, #tpu.memory_space<smem>>
    %get3A_103 = arith.index_cast %arg0 : i32 to index
    %get3A_104 = arith.constant 1 : index
    %get3A_105 = arith.constant 2 : index
    %get3A_106 = memref.load %arg1[%get3A_103, %get3A_104, %get3A_105] : memref<32x10x5xf32, #tpu.memory_space<smem>>
    %get3A_107 = arith.index_cast %arg0 : i32 to index
    %get3A_108 = arith.constant 1 : index
    %get3A_109 = arith.constant 3 : index
    %get3A_110 = memref.load %arg1[%get3A_107, %get3A_108, %get3A_109] : memref<32x10x5xf32, #tpu.memory_space<smem>>
    %get3A_111 = arith.index_cast %arg0 : i32 to index
    %get3A_112 = arith.constant 1 : index
    %get3A_113 = arith.constant 4 : index
    %get3A_114 = memref.load %arg1[%get3A_111, %get3A_112, %get3A_113] : memref<32x10x5xf32, #tpu.memory_space<smem>>
    %sub3A_115 = arith.subf %get3A_106, %get3A_98 : f32
    %sub3A_116 = arith.subf %get3A_110, %get3A_102 : f32
    %min3A_117 = vector.broadcast %get3A_106 : f32 to vector<70x128xf32>
    %min3A_118 = arith.minimumf %min3A_117, %add3A : vector<70x128xf32>
    %max3A_119 = vector.broadcast %get3A_98 : f32 to vector<70x128xf32>
    %max3A_120 = arith.maximumf %max3A_119, %get3A_3 : vector<70x128xf32>
    %sub3A_121 = arith.subf %min3A_118, %max3A_120 : vector<70x128xf32>
    %max3A_122 = arith.constant 0.000000e+00 : f32
    %max3A_123 = vector.broadcast %max3A_122 : f32 to vector<70x128xf32>
    %max3A_124 = arith.maximumf %sub3A_121, %max3A_123 : vector<70x128xf32>
    %min3A_125 = vector.broadcast %get3A_110 : f32 to vector<70x128xf32>
    %min3A_126 = arith.minimumf %min3A_125, %add3A_19 : vector<70x128xf32>
    %max3A_127 = vector.broadcast %get3A_102 : f32 to vector<70x128xf32>
    %max3A_128 = arith.maximumf %max3A_127, %get3A_8 : vector<70x128xf32>
    %sub3A_129 = arith.subf %min3A_126, %max3A_128 : vector<70x128xf32>
    %max3A_130 = arith.constant 0.000000e+00 : f32
    %max3A_131 = vector.broadcast %max3A_130 : f32 to vector<70x128xf32>
    %max3A_132 = arith.maximumf %sub3A_129, %max3A_131 : vector<70x128xf32>
    %mul3A_133 = arith.mulf %max3A_124, %max3A_132 : vector<70x128xf32>
    %mul3A_134 = arith.mulf %sub3A_115, %sub3A_116 : f32
    %add3A_135 = vector.broadcast %mul3A_134 : f32 to vector<70x128xf32>
    %add3A_136 = arith.addf %add3A_135, %mul3A : vector<70x128xf32>
    %sub3A_137 = arith.subf %add3A_136, %mul3A_133 : vector<70x128xf32>
    %div3A_138 = arith.divf %mul3A_133, %sub3A_137 : vector<70x128xf32>
    %gt3A_139 = arith.cmpf ogt, %div3A_138, %select_n3A : vector<70x128xf32>
    %select_n3A_140 = arith.select %gt3A_139, %div3A_138, %select_n3A : vector<70x128xi1>, vector<70x128xf32>
    %jit3A_141 = arith.constant 1 : i32
    %broadcast_in_dim3A_142 = vector.broadcast %jit3A_141 : i32 to vector<70x128xi32>
    %select_n3A_143 = arith.select %gt3A_139, %broadcast_in_dim3A_142, %select_n3A_75 : vector<70x128xi1>, vector<70x128xi32>
    %reduce_max3A_144 = vector.shape_cast %div3A_138 : vector<70x128xf32> to vector<1x70x128xf32>
    %reduce_max3A_145 = arith.constant dense<0xFF800000> : vector<1xf32>
    %reduce_max3A_146 = vector.multi_reduction <maximumf>, %reduce_max3A_144, %reduce_max3A_145 [1, 2] : vector<1x70x128xf32> to vector<1xf32>
    %reduce_max3A_147 = vector.shape_cast %reduce_max3A_146 : vector<1xf32> to vector<1x1x1xf32>
    %reduce_max3A_148 = vector.extract %reduce_max3A_147[0, 0, 0] : f32 from vector<1x1x1xf32>
    %broadcast_in_dim3A_149 = vector.broadcast %reduce_max3A_148 : f32 to vector<1x1xf32>
    %eq3A_150 = vector.broadcast %broadcast_in_dim3A_149 : vector<1x1xf32> to vector<70x128xf32>
    %eq3A_151 = arith.cmpf oeq, %div3A_138, %eq3A_150 : vector<70x128xf32>
    %jit3A_152 = arith.constant 8960 : i32
    %broadcast_in_dim3A_153 = vector.broadcast %jit3A_152 : i32 to vector<70x128xi32>
    %select_n3A_154 = arith.select %eq3A_151, %add3A_24, %broadcast_in_dim3A_153 : vector<70x128xi1>, vector<70x128xi32>
    %reduce_min3A_155 = vector.shape_cast %select_n3A_154 : vector<70x128xi32> to vector<1x70x128xi32>
    %reduce_min3A_156 = arith.constant dense<2147483647> : vector<1xi32>
    %reduce_min3A_157 = vector.multi_reduction <minsi>, %reduce_min3A_155, %reduce_min3A_156 [1, 2] : vector<1x70x128xi32> to vector<1xi32>
    %reduce_min3A_158 = vector.shape_cast %reduce_min3A_157 : vector<1xi32> to vector<1x1x1xi32>
    %reduce_min3A_159 = vector.extract %reduce_min3A_158[0, 0, 0] : i32 from vector<1x1x1xi32>
    %broadcast_in_dim3A_160 = vector.broadcast %reduce_min3A_159 : i32 to vector<1x1xi32>
    %eq3A_161 = vector.broadcast %broadcast_in_dim3A_160 : vector<1x1xi32> to vector<70x128xi32>
    %eq3A_162 = arith.cmpi eq, %add3A_24, %eq3A_161 : vector<70x128xi32>
    %or3A_163 = arith.ori %or3A, %eq3A_162 : vector<70x128xi1>
    %jit3A_164 = arith.constant 1 : i32
    %broadcast_in_dim3A_165 = vector.broadcast %jit3A_164 : i32 to vector<70x128xi32>
    %select_n3A_166 = arith.select %eq3A_162, %broadcast_in_dim3A_165, %select_n3A_94 : vector<70x128xi1>, vector<70x128xi32>
    %get3A_167 = arith.index_cast %arg0 : i32 to index
    %get3A_168 = arith.constant 2 : index
    %get3A_169 = arith.constant 0 : index
    %get3A_170 = memref.load %arg1[%get3A_167, %get3A_168, %get3A_169] : memref<32x10x5xf32, #tpu.memory_space<smem>>
    %get3A_171 = arith.index_cast %arg0 : i32 to index
    %get3A_172 = arith.constant 2 : index
    %get3A_173 = arith.constant 1 : index
    %get3A_174 = memref.load %arg1[%get3A_171, %get3A_172, %get3A_173] : memref<32x10x5xf32, #tpu.memory_space<smem>>
    %get3A_175 = arith.index_cast %arg0 : i32 to index
    %get3A_176 = arith.constant 2 : index
    %get3A_177 = arith.constant 2 : index
    %get3A_178 = memref.load %arg1[%get3A_175, %get3A_176, %get3A_177] : memref<32x10x5xf32, #tpu.memory_space<smem>>
    %get3A_179 = arith.index_cast %arg0 : i32 to index
    %get3A_180 = arith.constant 2 : index
    %get3A_181 = arith.constant 3 : index
    %get3A_182 = memref.load %arg1[%get3A_179, %get3A_180, %get3A_181] : memref<32x10x5xf32, #tpu.memory_space<smem>>
    %get3A_183 = arith.index_cast %arg0 : i32 to index
    %get3A_184 = arith.constant 2 : index
    %get3A_185 = arith.constant 4 : index
    %get3A_186 = memref.load %arg1[%get3A_183, %get3A_184, %get3A_185] : memref<32x10x5xf32, #tpu.memory_space<smem>>
    %sub3A_187 = arith.subf %get3A_178, %get3A_170 : f32
    %sub3A_188 = arith.subf %get3A_182, %get3A_174 : f32
    %min3A_189 = vector.broadcast %get3A_178 : f32 to vector<70x128xf32>
    %min3A_190 = arith.minimumf %min3A_189, %add3A : vector<70x128xf32>
    %max3A_191 = vector.broadcast %get3A_170 : f32 to vector<70x128xf32>
    %max3A_192 = arith.maximumf %max3A_191, %get3A_3 : vector<70x128xf32>
    %sub3A_193 = arith.subf %min3A_190, %max3A_192 : vector<70x128xf32>
    %max3A_194 = arith.constant 0.000000e+00 : f32
    %max3A_195 = vector.broadcast %max3A_194 : f32 to vector<70x128xf32>
    %max3A_196 = arith.maximumf %sub3A_193, %max3A_195 : vector<70x128xf32>
    %min3A_197 = vector.broadcast %get3A_182 : f32 to vector<70x128xf32>
    %min3A_198 = arith.minimumf %min3A_197, %add3A_19 : vector<70x128xf32>
    %max3A_199 = vector.broadcast %get3A_174 : f32 to vector<70x128xf32>
    %max3A_200 = arith.maximumf %max3A_199, %get3A_8 : vector<70x128xf32>
    %sub3A_201 = arith.subf %min3A_198, %max3A_200 : vector<70x128xf32>
    %max3A_202 = arith.constant 0.000000e+00 : f32
    %max3A_203 = vector.broadcast %max3A_202 : f32 to vector<70x128xf32>
    %max3A_204 = arith.maximumf %sub3A_201, %max3A_203 : vector<70x128xf32>
    %mul3A_205 = arith.mulf %max3A_196, %max3A_204 : vector<70x128xf32>
    %mul3A_206 = arith.mulf %sub3A_187, %sub3A_188 : f32
    %add3A_207 = vector.broadcast %mul3A_206 : f32 to vector<70x128xf32>
    %add3A_208 = arith.addf %add3A_207, %mul3A : vector<70x128xf32>
    %sub3A_209 = arith.subf %add3A_208, %mul3A_205 : vector<70x128xf32>
    %div3A_210 = arith.divf %mul3A_205, %sub3A_209 : vector<70x128xf32>
    %gt3A_211 = arith.cmpf ogt, %div3A_210, %select_n3A_140 : vector<70x128xf32>
    %select_n3A_212 = arith.select %gt3A_211, %div3A_210, %select_n3A_140 : vector<70x128xi1>, vector<70x128xf32>
    %jit3A_213 = arith.constant 2 : i32
    %broadcast_in_dim3A_214 = vector.broadcast %jit3A_213 : i32 to vector<70x128xi32>
    %select_n3A_215 = arith.select %gt3A_211, %broadcast_in_dim3A_214, %select_n3A_143 : vector<70x128xi1>, vector<70x128xi32>
    %reduce_max3A_216 = vector.shape_cast %div3A_210 : vector<70x128xf32> to vector<1x70x128xf32>
    %reduce_max3A_217 = arith.constant dense<0xFF800000> : vector<1xf32>
    %reduce_max3A_218 = vector.multi_reduction <maximumf>, %reduce_max3A_216, %reduce_max3A_217 [1, 2] : vector<1x70x128xf32> to vector<1xf32>
    %reduce_max3A_219 = vector.shape_cast %reduce_max3A_218 : vector<1xf32> to vector<1x1x1xf32>
    %reduce_max3A_220 = vector.extract %reduce_max3A_219[0, 0, 0] : f32 from vector<1x1x1xf32>
    %broadcast_in_dim3A_221 = vector.broadcast %reduce_max3A_220 : f32 to vector<1x1xf32>
    %eq3A_222 = vector.broadcast %broadcast_in_dim3A_221 : vector<1x1xf32> to vector<70x128xf32>
    %eq3A_223 = arith.cmpf oeq, %div3A_210, %eq3A_222 : vector<70x128xf32>
    %jit3A_224 = arith.constant 8960 : i32
    %broadcast_in_dim3A_225 = vector.broadcast %jit3A_224 : i32 to vector<70x128xi32>
    %select_n3A_226 = arith.select %eq3A_223, %add3A_24, %broadcast_in_dim3A_225 : vector<70x128xi1>, vector<70x128xi32>
    %reduce_min3A_227 = vector.shape_cast %select_n3A_226 : vector<70x128xi32> to vector<1x70x128xi32>
    %reduce_min3A_228 = arith.constant dense<2147483647> : vector<1xi32>
    %reduce_min3A_229 = vector.multi_reduction <minsi>, %reduce_min3A_227, %reduce_min3A_228 [1, 2] : vector<1x70x128xi32> to vector<1xi32>
    %reduce_min3A_230 = vector.shape_cast %reduce_min3A_229 : vector<1xi32> to vector<1x1x1xi32>
    %reduce_min3A_231 = vector.extract %reduce_min3A_230[0, 0, 0] : i32 from vector<1x1x1xi32>
    %broadcast_in_dim3A_232 = vector.broadcast %reduce_min3A_231 : i32 to vector<1x1xi32>
    %eq3A_233 = vector.broadcast %broadcast_in_dim3A_232 : vector<1x1xi32> to vector<70x128xi32>
    %eq3A_234 = arith.cmpi eq, %add3A_24, %eq3A_233 : vector<70x128xi32>
    %or3A_235 = arith.ori %or3A_163, %eq3A_234 : vector<70x128xi1>
    %jit3A_236 = arith.constant 2 : i32
    %broadcast_in_dim3A_237 = vector.broadcast %jit3A_236 : i32 to vector<70x128xi32>
    %select_n3A_238 = arith.select %eq3A_234, %broadcast_in_dim3A_237, %select_n3A_166 : vector<70x128xi1>, vector<70x128xi32>
    %get3A_239 = arith.index_cast %arg0 : i32 to index
    %get3A_240 = arith.constant 3 : index
    %get3A_241 = arith.constant 0 : index
    %get3A_242 = memref.load %arg1[%get3A_239, %get3A_240, %get3A_241] : memref<32x10x5xf32, #tpu.memory_space<smem>>
    %get3A_243 = arith.index_cast %arg0 : i32 to index
    %get3A_244 = arith.constant 3 : index
    %get3A_245 = arith.constant 1 : index
    %get3A_246 = memref.load %arg1[%get3A_243, %get3A_244, %get3A_245] : memref<32x10x5xf32, #tpu.memory_space<smem>>
    %get3A_247 = arith.index_cast %arg0 : i32 to index
    %get3A_248 = arith.constant 3 : index
    %get3A_249 = arith.constant 2 : index
    %get3A_250 = memref.load %arg1[%get3A_247, %get3A_248, %get3A_249] : memref<32x10x5xf32, #tpu.memory_space<smem>>
    %get3A_251 = arith.index_cast %arg0 : i32 to index
    %get3A_252 = arith.constant 3 : index
    %get3A_253 = arith.constant 3 : index
    %get3A_254 = memref.load %arg1[%get3A_251, %get3A_252, %get3A_253] : memref<32x10x5xf32, #tpu.memory_space<smem>>
    %get3A_255 = arith.index_cast %arg0 : i32 to index
    %get3A_256 = arith.constant 3 : index
    %get3A_257 = arith.constant 4 : index
    %get3A_258 = memref.load %arg1[%get3A_255, %get3A_256, %get3A_257] : memref<32x10x5xf32, #tpu.memory_space<smem>>
    %sub3A_259 = arith.subf %get3A_250, %get3A_242 : f32
    %sub3A_260 = arith.subf %get3A_254, %get3A_246 : f32
    %min3A_261 = vector.broadcast %get3A_250 : f32 to vector<70x128xf32>
    %min3A_262 = arith.minimumf %min3A_261, %add3A : vector<70x128xf32>
    %max3A_263 = vector.broadcast %get3A_242 : f32 to vector<70x128xf32>
    %max3A_264 = arith.maximumf %max3A_263, %get3A_3 : vector<70x128xf32>
    %sub3A_265 = arith.subf %min3A_262, %max3A_264 : vector<70x128xf32>
    %max3A_266 = arith.constant 0.000000e+00 : f32
    %max3A_267 = vector.broadcast %max3A_266 : f32 to vector<70x128xf32>
    %max3A_268 = arith.maximumf %sub3A_265, %max3A_267 : vector<70x128xf32>
    %min3A_269 = vector.broadcast %get3A_254 : f32 to vector<70x128xf32>
    %min3A_270 = arith.minimumf %min3A_269, %add3A_19 : vector<70x128xf32>
    %max3A_271 = vector.broadcast %get3A_246 : f32 to vector<70x128xf32>
    %max3A_272 = arith.maximumf %max3A_271, %get3A_8 : vector<70x128xf32>
    %sub3A_273 = arith.subf %min3A_270, %max3A_272 : vector<70x128xf32>
    %max3A_274 = arith.constant 0.000000e+00 : f32
    %max3A_275 = vector.broadcast %max3A_274 : f32 to vector<70x128xf32>
    %max3A_276 = arith.maximumf %sub3A_273, %max3A_275 : vector<70x128xf32>
    %mul3A_277 = arith.mulf %max3A_268, %max3A_276 : vector<70x128xf32>
    %mul3A_278 = arith.mulf %sub3A_259, %sub3A_260 : f32
    %add3A_279 = vector.broadcast %mul3A_278 : f32 to vector<70x128xf32>
    %add3A_280 = arith.addf %add3A_279, %mul3A : vector<70x128xf32>
    %sub3A_281 = arith.subf %add3A_280, %mul3A_277 : vector<70x128xf32>
    %div3A_282 = arith.divf %mul3A_277, %sub3A_281 : vector<70x128xf32>
    %gt3A_283 = arith.cmpf ogt, %div3A_282, %select_n3A_212 : vector<70x128xf32>
    %select_n3A_284 = arith.select %gt3A_283, %div3A_282, %select_n3A_212 : vector<70x128xi1>, vector<70x128xf32>
    %jit3A_285 = arith.constant 3 : i32
    %broadcast_in_dim3A_286 = vector.broadcast %jit3A_285 : i32 to vector<70x128xi32>
    %select_n3A_287 = arith.select %gt3A_283, %broadcast_in_dim3A_286, %select_n3A_215 : vector<70x128xi1>, vector<70x128xi32>
    %reduce_max3A_288 = vector.shape_cast %div3A_282 : vector<70x128xf32> to vector<1x70x128xf32>
    %reduce_max3A_289 = arith.constant dense<0xFF800000> : vector<1xf32>
    %reduce_max3A_290 = vector.multi_reduction <maximumf>, %reduce_max3A_288, %reduce_max3A_289 [1, 2] : vector<1x70x128xf32> to vector<1xf32>
    %reduce_max3A_291 = vector.shape_cast %reduce_max3A_290 : vector<1xf32> to vector<1x1x1xf32>
    %reduce_max3A_292 = vector.extract %reduce_max3A_291[0, 0, 0] : f32 from vector<1x1x1xf32>
    %broadcast_in_dim3A_293 = vector.broadcast %reduce_max3A_292 : f32 to vector<1x1xf32>
    %eq3A_294 = vector.broadcast %broadcast_in_dim3A_293 : vector<1x1xf32> to vector<70x128xf32>
    %eq3A_295 = arith.cmpf oeq, %div3A_282, %eq3A_294 : vector<70x128xf32>
    %jit3A_296 = arith.constant 8960 : i32
    %broadcast_in_dim3A_297 = vector.broadcast %jit3A_296 : i32 to vector<70x128xi32>
    %select_n3A_298 = arith.select %eq3A_295, %add3A_24, %broadcast_in_dim3A_297 : vector<70x128xi1>, vector<70x128xi32>
    %reduce_min3A_299 = vector.shape_cast %select_n3A_298 : vector<70x128xi32> to vector<1x70x128xi32>
    %reduce_min3A_300 = arith.constant dense<2147483647> : vector<1xi32>
    %reduce_min3A_301 = vector.multi_reduction <minsi>, %reduce_min3A_299, %reduce_min3A_300 [1, 2] : vector<1x70x128xi32> to vector<1xi32>
    %reduce_min3A_302 = vector.shape_cast %reduce_min3A_301 : vector<1xi32> to vector<1x1x1xi32>
    %reduce_min3A_303 = vector.extract %reduce_min3A_302[0, 0, 0] : i32 from vector<1x1x1xi32>
    %broadcast_in_dim3A_304 = vector.broadcast %reduce_min3A_303 : i32 to vector<1x1xi32>
    %eq3A_305 = vector.broadcast %broadcast_in_dim3A_304 : vector<1x1xi32> to vector<70x128xi32>
    %eq3A_306 = arith.cmpi eq, %add3A_24, %eq3A_305 : vector<70x128xi32>
    %or3A_307 = arith.ori %or3A_235, %eq3A_306 : vector<70x128xi1>
    %jit3A_308 = arith.constant 3 : i32
    %broadcast_in_dim3A_309 = vector.broadcast %jit3A_308 : i32 to vector<70x128xi32>
    %select_n3A_310 = arith.select %eq3A_306, %broadcast_in_dim3A_309, %select_n3A_238 : vector<70x128xi1>, vector<70x128xi32>
    %get3A_311 = arith.index_cast %arg0 : i32 to index
    %get3A_312 = arith.constant 4 : index
    %get3A_313 = arith.constant 0 : index
    %get3A_314 = memref.load %arg1[%get3A_311, %get3A_312, %get3A_313] : memref<32x10x5xf32, #tpu.memory_space<smem>>
    %get3A_315 = arith.index_cast %arg0 : i32 to index
    %get3A_316 = arith.constant 4 : index
    %get3A_317 = arith.constant 1 : index
    %get3A_318 = memref.load %arg1[%get3A_315, %get3A_316, %get3A_317] : memref<32x10x5xf32, #tpu.memory_space<smem>>
    %get3A_319 = arith.index_cast %arg0 : i32 to index
    %get3A_320 = arith.constant 4 : index
    %get3A_321 = arith.constant 2 : index
    %get3A_322 = memref.load %arg1[%get3A_319, %get3A_320, %get3A_321] : memref<32x10x5xf32, #tpu.memory_space<smem>>
    %get3A_323 = arith.index_cast %arg0 : i32 to index
    %get3A_324 = arith.constant 4 : index
    %get3A_325 = arith.constant 3 : index
    %get3A_326 = memref.load %arg1[%get3A_323, %get3A_324, %get3A_325] : memref<32x10x5xf32, #tpu.memory_space<smem>>
    %get3A_327 = arith.index_cast %arg0 : i32 to index
    %get3A_328 = arith.constant 4 : index
    %get3A_329 = arith.constant 4 : index
    %get3A_330 = memref.load %arg1[%get3A_327, %get3A_328, %get3A_329] : memref<32x10x5xf32, #tpu.memory_space<smem>>
    %sub3A_331 = arith.subf %get3A_322, %get3A_314 : f32
    %sub3A_332 = arith.subf %get3A_326, %get3A_318 : f32
    %min3A_333 = vector.broadcast %get3A_322 : f32 to vector<70x128xf32>
    %min3A_334 = arith.minimumf %min3A_333, %add3A : vector<70x128xf32>
    %max3A_335 = vector.broadcast %get3A_314 : f32 to vector<70x128xf32>
    %max3A_336 = arith.maximumf %max3A_335, %get3A_3 : vector<70x128xf32>
    %sub3A_337 = arith.subf %min3A_334, %max3A_336 : vector<70x128xf32>
    %max3A_338 = arith.constant 0.000000e+00 : f32
    %max3A_339 = vector.broadcast %max3A_338 : f32 to vector<70x128xf32>
    %max3A_340 = arith.maximumf %sub3A_337, %max3A_339 : vector<70x128xf32>
    %min3A_341 = vector.broadcast %get3A_326 : f32 to vector<70x128xf32>
    %min3A_342 = arith.minimumf %min3A_341, %add3A_19 : vector<70x128xf32>
    %max3A_343 = vector.broadcast %get3A_318 : f32 to vector<70x128xf32>
    %max3A_344 = arith.maximumf %max3A_343, %get3A_8 : vector<70x128xf32>
    %sub3A_345 = arith.subf %min3A_342, %max3A_344 : vector<70x128xf32>
    %max3A_346 = arith.constant 0.000000e+00 : f32
    %max3A_347 = vector.broadcast %max3A_346 : f32 to vector<70x128xf32>
    %max3A_348 = arith.maximumf %sub3A_345, %max3A_347 : vector<70x128xf32>
    %mul3A_349 = arith.mulf %max3A_340, %max3A_348 : vector<70x128xf32>
    %mul3A_350 = arith.mulf %sub3A_331, %sub3A_332 : f32
    %add3A_351 = vector.broadcast %mul3A_350 : f32 to vector<70x128xf32>
    %add3A_352 = arith.addf %add3A_351, %mul3A : vector<70x128xf32>
    %sub3A_353 = arith.subf %add3A_352, %mul3A_349 : vector<70x128xf32>
    %div3A_354 = arith.divf %mul3A_349, %sub3A_353 : vector<70x128xf32>
    %gt3A_355 = arith.cmpf ogt, %div3A_354, %select_n3A_284 : vector<70x128xf32>
    %select_n3A_356 = arith.select %gt3A_355, %div3A_354, %select_n3A_284 : vector<70x128xi1>, vector<70x128xf32>
    %jit3A_357 = arith.constant 4 : i32
    %broadcast_in_dim3A_358 = vector.broadcast %jit3A_357 : i32 to vector<70x128xi32>
    %select_n3A_359 = arith.select %gt3A_355, %broadcast_in_dim3A_358, %select_n3A_287 : vector<70x128xi1>, vector<70x128xi32>
    %reduce_max3A_360 = vector.shape_cast %div3A_354 : vector<70x128xf32> to vector<1x70x128xf32>
    %reduce_max3A_361 = arith.constant dense<0xFF800000> : vector<1xf32>
    %reduce_max3A_362 = vector.multi_reduction <maximumf>, %reduce_max3A_360, %reduce_max3A_361 [1, 2] : vector<1x70x128xf32> to vector<1xf32>
    %reduce_max3A_363 = vector.shape_cast %reduce_max3A_362 : vector<1xf32> to vector<1x1x1xf32>
    %reduce_max3A_364 = vector.extract %reduce_max3A_363[0, 0, 0] : f32 from vector<1x1x1xf32>
    %broadcast_in_dim3A_365 = vector.broadcast %reduce_max3A_364 : f32 to vector<1x1xf32>
    %eq3A_366 = vector.broadcast %broadcast_in_dim3A_365 : vector<1x1xf32> to vector<70x128xf32>
    %eq3A_367 = arith.cmpf oeq, %div3A_354, %eq3A_366 : vector<70x128xf32>
    %jit3A_368 = arith.constant 8960 : i32
    %broadcast_in_dim3A_369 = vector.broadcast %jit3A_368 : i32 to vector<70x128xi32>
    %select_n3A_370 = arith.select %eq3A_367, %add3A_24, %broadcast_in_dim3A_369 : vector<70x128xi1>, vector<70x128xi32>
    %reduce_min3A_371 = vector.shape_cast %select_n3A_370 : vector<70x128xi32> to vector<1x70x128xi32>
    %reduce_min3A_372 = arith.constant dense<2147483647> : vector<1xi32>
    %reduce_min3A_373 = vector.multi_reduction <minsi>, %reduce_min3A_371, %reduce_min3A_372 [1, 2] : vector<1x70x128xi32> to vector<1xi32>
    %reduce_min3A_374 = vector.shape_cast %reduce_min3A_373 : vector<1xi32> to vector<1x1x1xi32>
    %reduce_min3A_375 = vector.extract %reduce_min3A_374[0, 0, 0] : i32 from vector<1x1x1xi32>
    %broadcast_in_dim3A_376 = vector.broadcast %reduce_min3A_375 : i32 to vector<1x1xi32>
    %eq3A_377 = vector.broadcast %broadcast_in_dim3A_376 : vector<1x1xi32> to vector<70x128xi32>
    %eq3A_378 = arith.cmpi eq, %add3A_24, %eq3A_377 : vector<70x128xi32>
    %or3A_379 = arith.ori %or3A_307, %eq3A_378 : vector<70x128xi1>
    %jit3A_380 = arith.constant 4 : i32
    %broadcast_in_dim3A_381 = vector.broadcast %jit3A_380 : i32 to vector<70x128xi32>
    %select_n3A_382 = arith.select %eq3A_378, %broadcast_in_dim3A_381, %select_n3A_310 : vector<70x128xi1>, vector<70x128xi32>
    %get3A_383 = arith.index_cast %arg0 : i32 to index
    %get3A_384 = arith.constant 5 : index
    %get3A_385 = arith.constant 0 : index
    %get3A_386 = memref.load %arg1[%get3A_383, %get3A_384, %get3A_385] : memref<32x10x5xf32, #tpu.memory_space<smem>>
    %get3A_387 = arith.index_cast %arg0 : i32 to index
    %get3A_388 = arith.constant 5 : index
    %get3A_389 = arith.constant 1 : index
    %get3A_390 = memref.load %arg1[%get3A_387, %get3A_388, %get3A_389] : memref<32x10x5xf32, #tpu.memory_space<smem>>
    %get3A_391 = arith.index_cast %arg0 : i32 to index
    %get3A_392 = arith.constant 5 : index
    %get3A_393 = arith.constant 2 : index
    %get3A_394 = memref.load %arg1[%get3A_391, %get3A_392, %get3A_393] : memref<32x10x5xf32, #tpu.memory_space<smem>>
    %get3A_395 = arith.index_cast %arg0 : i32 to index
    %get3A_396 = arith.constant 5 : index
    %get3A_397 = arith.constant 3 : index
    %get3A_398 = memref.load %arg1[%get3A_395, %get3A_396, %get3A_397] : memref<32x10x5xf32, #tpu.memory_space<smem>>
    %get3A_399 = arith.index_cast %arg0 : i32 to index
    %get3A_400 = arith.constant 5 : index
    %get3A_401 = arith.constant 4 : index
    %get3A_402 = memref.load %arg1[%get3A_399, %get3A_400, %get3A_401] : memref<32x10x5xf32, #tpu.memory_space<smem>>
    %sub3A_403 = arith.subf %get3A_394, %get3A_386 : f32
    %sub3A_404 = arith.subf %get3A_398, %get3A_390 : f32
    %min3A_405 = vector.broadcast %get3A_394 : f32 to vector<70x128xf32>
    %min3A_406 = arith.minimumf %min3A_405, %add3A : vector<70x128xf32>
    %max3A_407 = vector.broadcast %get3A_386 : f32 to vector<70x128xf32>
    %max3A_408 = arith.maximumf %max3A_407, %get3A_3 : vector<70x128xf32>
    %sub3A_409 = arith.subf %min3A_406, %max3A_408 : vector<70x128xf32>
    %max3A_410 = arith.constant 0.000000e+00 : f32
    %max3A_411 = vector.broadcast %max3A_410 : f32 to vector<70x128xf32>
    %max3A_412 = arith.maximumf %sub3A_409, %max3A_411 : vector<70x128xf32>
    %min3A_413 = vector.broadcast %get3A_398 : f32 to vector<70x128xf32>
    %min3A_414 = arith.minimumf %min3A_413, %add3A_19 : vector<70x128xf32>
    %max3A_415 = vector.broadcast %get3A_390 : f32 to vector<70x128xf32>
    %max3A_416 = arith.maximumf %max3A_415, %get3A_8 : vector<70x128xf32>
    %sub3A_417 = arith.subf %min3A_414, %max3A_416 : vector<70x128xf32>
    %max3A_418 = arith.constant 0.000000e+00 : f32
    %max3A_419 = vector.broadcast %max3A_418 : f32 to vector<70x128xf32>
    %max3A_420 = arith.maximumf %sub3A_417, %max3A_419 : vector<70x128xf32>
    %mul3A_421 = arith.mulf %max3A_412, %max3A_420 : vector<70x128xf32>
    %mul3A_422 = arith.mulf %sub3A_403, %sub3A_404 : f32
    %add3A_423 = vector.broadcast %mul3A_422 : f32 to vector<70x128xf32>
    %add3A_424 = arith.addf %add3A_423, %mul3A : vector<70x128xf32>
    %sub3A_425 = arith.subf %add3A_424, %mul3A_421 : vector<70x128xf32>
    %div3A_426 = arith.divf %mul3A_421, %sub3A_425 : vector<70x128xf32>
    %gt3A_427 = arith.cmpf ogt, %div3A_426, %select_n3A_356 : vector<70x128xf32>
    %select_n3A_428 = arith.select %gt3A_427, %div3A_426, %select_n3A_356 : vector<70x128xi1>, vector<70x128xf32>
    %jit3A_429 = arith.constant 5 : i32
    %broadcast_in_dim3A_430 = vector.broadcast %jit3A_429 : i32 to vector<70x128xi32>
    %select_n3A_431 = arith.select %gt3A_427, %broadcast_in_dim3A_430, %select_n3A_359 : vector<70x128xi1>, vector<70x128xi32>
    %reduce_max3A_432 = vector.shape_cast %div3A_426 : vector<70x128xf32> to vector<1x70x128xf32>
    %reduce_max3A_433 = arith.constant dense<0xFF800000> : vector<1xf32>
    %reduce_max3A_434 = vector.multi_reduction <maximumf>, %reduce_max3A_432, %reduce_max3A_433 [1, 2] : vector<1x70x128xf32> to vector<1xf32>
    %reduce_max3A_435 = vector.shape_cast %reduce_max3A_434 : vector<1xf32> to vector<1x1x1xf32>
    %reduce_max3A_436 = vector.extract %reduce_max3A_435[0, 0, 0] : f32 from vector<1x1x1xf32>
    %broadcast_in_dim3A_437 = vector.broadcast %reduce_max3A_436 : f32 to vector<1x1xf32>
    %eq3A_438 = vector.broadcast %broadcast_in_dim3A_437 : vector<1x1xf32> to vector<70x128xf32>
    %eq3A_439 = arith.cmpf oeq, %div3A_426, %eq3A_438 : vector<70x128xf32>
    %jit3A_440 = arith.constant 8960 : i32
    %broadcast_in_dim3A_441 = vector.broadcast %jit3A_440 : i32 to vector<70x128xi32>
    %select_n3A_442 = arith.select %eq3A_439, %add3A_24, %broadcast_in_dim3A_441 : vector<70x128xi1>, vector<70x128xi32>
    %reduce_min3A_443 = vector.shape_cast %select_n3A_442 : vector<70x128xi32> to vector<1x70x128xi32>
    %reduce_min3A_444 = arith.constant dense<2147483647> : vector<1xi32>
    %reduce_min3A_445 = vector.multi_reduction <minsi>, %reduce_min3A_443, %reduce_min3A_444 [1, 2] : vector<1x70x128xi32> to vector<1xi32>
    %reduce_min3A_446 = vector.shape_cast %reduce_min3A_445 : vector<1xi32> to vector<1x1x1xi32>
    %reduce_min3A_447 = vector.extract %reduce_min3A_446[0, 0, 0] : i32 from vector<1x1x1xi32>
    %broadcast_in_dim3A_448 = vector.broadcast %reduce_min3A_447 : i32 to vector<1x1xi32>
    %eq3A_449 = vector.broadcast %broadcast_in_dim3A_448 : vector<1x1xi32> to vector<70x128xi32>
    %eq3A_450 = arith.cmpi eq, %add3A_24, %eq3A_449 : vector<70x128xi32>
    %or3A_451 = arith.ori %or3A_379, %eq3A_450 : vector<70x128xi1>
    %jit3A_452 = arith.constant 5 : i32
    %broadcast_in_dim3A_453 = vector.broadcast %jit3A_452 : i32 to vector<70x128xi32>
    %select_n3A_454 = arith.select %eq3A_450, %broadcast_in_dim3A_453, %select_n3A_382 : vector<70x128xi1>, vector<70x128xi32>
    %get3A_455 = arith.index_cast %arg0 : i32 to index
    %get3A_456 = arith.constant 6 : index
    %get3A_457 = arith.constant 0 : index
    %get3A_458 = memref.load %arg1[%get3A_455, %get3A_456, %get3A_457] : memref<32x10x5xf32, #tpu.memory_space<smem>>
    %get3A_459 = arith.index_cast %arg0 : i32 to index
    %get3A_460 = arith.constant 6 : index
    %get3A_461 = arith.constant 1 : index
    %get3A_462 = memref.load %arg1[%get3A_459, %get3A_460, %get3A_461] : memref<32x10x5xf32, #tpu.memory_space<smem>>
    %get3A_463 = arith.index_cast %arg0 : i32 to index
    %get3A_464 = arith.constant 6 : index
    %get3A_465 = arith.constant 2 : index
    %get3A_466 = memref.load %arg1[%get3A_463, %get3A_464, %get3A_465] : memref<32x10x5xf32, #tpu.memory_space<smem>>
    %get3A_467 = arith.index_cast %arg0 : i32 to index
    %get3A_468 = arith.constant 6 : index
    %get3A_469 = arith.constant 3 : index
    %get3A_470 = memref.load %arg1[%get3A_467, %get3A_468, %get3A_469] : memref<32x10x5xf32, #tpu.memory_space<smem>>
    %get3A_471 = arith.index_cast %arg0 : i32 to index
    %get3A_472 = arith.constant 6 : index
    %get3A_473 = arith.constant 4 : index
    %get3A_474 = memref.load %arg1[%get3A_471, %get3A_472, %get3A_473] : memref<32x10x5xf32, #tpu.memory_space<smem>>
    %sub3A_475 = arith.subf %get3A_466, %get3A_458 : f32
    %sub3A_476 = arith.subf %get3A_470, %get3A_462 : f32
    %min3A_477 = vector.broadcast %get3A_466 : f32 to vector<70x128xf32>
    %min3A_478 = arith.minimumf %min3A_477, %add3A : vector<70x128xf32>
    %max3A_479 = vector.broadcast %get3A_458 : f32 to vector<70x128xf32>
    %max3A_480 = arith.maximumf %max3A_479, %get3A_3 : vector<70x128xf32>
    %sub3A_481 = arith.subf %min3A_478, %max3A_480 : vector<70x128xf32>
    %max3A_482 = arith.constant 0.000000e+00 : f32
    %max3A_483 = vector.broadcast %max3A_482 : f32 to vector<70x128xf32>
    %max3A_484 = arith.maximumf %sub3A_481, %max3A_483 : vector<70x128xf32>
    %min3A_485 = vector.broadcast %get3A_470 : f32 to vector<70x128xf32>
    %min3A_486 = arith.minimumf %min3A_485, %add3A_19 : vector<70x128xf32>
    %max3A_487 = vector.broadcast %get3A_462 : f32 to vector<70x128xf32>
    %max3A_488 = arith.maximumf %max3A_487, %get3A_8 : vector<70x128xf32>
    %sub3A_489 = arith.subf %min3A_486, %max3A_488 : vector<70x128xf32>
    %max3A_490 = arith.constant 0.000000e+00 : f32
    %max3A_491 = vector.broadcast %max3A_490 : f32 to vector<70x128xf32>
    %max3A_492 = arith.maximumf %sub3A_489, %max3A_491 : vector<70x128xf32>
    %mul3A_493 = arith.mulf %max3A_484, %max3A_492 : vector<70x128xf32>
    %mul3A_494 = arith.mulf %sub3A_475, %sub3A_476 : f32
    %add3A_495 = vector.broadcast %mul3A_494 : f32 to vector<70x128xf32>
    %add3A_496 = arith.addf %add3A_495, %mul3A : vector<70x128xf32>
    %sub3A_497 = arith.subf %add3A_496, %mul3A_493 : vector<70x128xf32>
    %div3A_498 = arith.divf %mul3A_493, %sub3A_497 : vector<70x128xf32>
    %gt3A_499 = arith.cmpf ogt, %div3A_498, %select_n3A_428 : vector<70x128xf32>
    %select_n3A_500 = arith.select %gt3A_499, %div3A_498, %select_n3A_428 : vector<70x128xi1>, vector<70x128xf32>
    %jit3A_501 = arith.constant 6 : i32
    %broadcast_in_dim3A_502 = vector.broadcast %jit3A_501 : i32 to vector<70x128xi32>
    %select_n3A_503 = arith.select %gt3A_499, %broadcast_in_dim3A_502, %select_n3A_431 : vector<70x128xi1>, vector<70x128xi32>
    %reduce_max3A_504 = vector.shape_cast %div3A_498 : vector<70x128xf32> to vector<1x70x128xf32>
    %reduce_max3A_505 = arith.constant dense<0xFF800000> : vector<1xf32>
    %reduce_max3A_506 = vector.multi_reduction <maximumf>, %reduce_max3A_504, %reduce_max3A_505 [1, 2] : vector<1x70x128xf32> to vector<1xf32>
    %reduce_max3A_507 = vector.shape_cast %reduce_max3A_506 : vector<1xf32> to vector<1x1x1xf32>
    %reduce_max3A_508 = vector.extract %reduce_max3A_507[0, 0, 0] : f32 from vector<1x1x1xf32>
    %broadcast_in_dim3A_509 = vector.broadcast %reduce_max3A_508 : f32 to vector<1x1xf32>
    %eq3A_510 = vector.broadcast %broadcast_in_dim3A_509 : vector<1x1xf32> to vector<70x128xf32>
    %eq3A_511 = arith.cmpf oeq, %div3A_498, %eq3A_510 : vector<70x128xf32>
    %jit3A_512 = arith.constant 8960 : i32
    %broadcast_in_dim3A_513 = vector.broadcast %jit3A_512 : i32 to vector<70x128xi32>
    %select_n3A_514 = arith.select %eq3A_511, %add3A_24, %broadcast_in_dim3A_513 : vector<70x128xi1>, vector<70x128xi32>
    %reduce_min3A_515 = vector.shape_cast %select_n3A_514 : vector<70x128xi32> to vector<1x70x128xi32>
    %reduce_min3A_516 = arith.constant dense<2147483647> : vector<1xi32>
    %reduce_min3A_517 = vector.multi_reduction <minsi>, %reduce_min3A_515, %reduce_min3A_516 [1, 2] : vector<1x70x128xi32> to vector<1xi32>
    %reduce_min3A_518 = vector.shape_cast %reduce_min3A_517 : vector<1xi32> to vector<1x1x1xi32>
    %reduce_min3A_519 = vector.extract %reduce_min3A_518[0, 0, 0] : i32 from vector<1x1x1xi32>
    %broadcast_in_dim3A_520 = vector.broadcast %reduce_min3A_519 : i32 to vector<1x1xi32>
    %eq3A_521 = vector.broadcast %broadcast_in_dim3A_520 : vector<1x1xi32> to vector<70x128xi32>
    %eq3A_522 = arith.cmpi eq, %add3A_24, %eq3A_521 : vector<70x128xi32>
    %or3A_523 = arith.ori %or3A_451, %eq3A_522 : vector<70x128xi1>
    %jit3A_524 = arith.constant 6 : i32
    %broadcast_in_dim3A_525 = vector.broadcast %jit3A_524 : i32 to vector<70x128xi32>
    %select_n3A_526 = arith.select %eq3A_522, %broadcast_in_dim3A_525, %select_n3A_454 : vector<70x128xi1>, vector<70x128xi32>
    %get3A_527 = arith.index_cast %arg0 : i32 to index
    %get3A_528 = arith.constant 7 : index
    %get3A_529 = arith.constant 0 : index
    %get3A_530 = memref.load %arg1[%get3A_527, %get3A_528, %get3A_529] : memref<32x10x5xf32, #tpu.memory_space<smem>>
    %get3A_531 = arith.index_cast %arg0 : i32 to index
    %get3A_532 = arith.constant 7 : index
    %get3A_533 = arith.constant 1 : index
    %get3A_534 = memref.load %arg1[%get3A_531, %get3A_532, %get3A_533] : memref<32x10x5xf32, #tpu.memory_space<smem>>
    %get3A_535 = arith.index_cast %arg0 : i32 to index
    %get3A_536 = arith.constant 7 : index
    %get3A_537 = arith.constant 2 : index
    %get3A_538 = memref.load %arg1[%get3A_535, %get3A_536, %get3A_537] : memref<32x10x5xf32, #tpu.memory_space<smem>>
    %get3A_539 = arith.index_cast %arg0 : i32 to index
    %get3A_540 = arith.constant 7 : index
    %get3A_541 = arith.constant 3 : index
    %get3A_542 = memref.load %arg1[%get3A_539, %get3A_540, %get3A_541] : memref<32x10x5xf32, #tpu.memory_space<smem>>
    %get3A_543 = arith.index_cast %arg0 : i32 to index
    %get3A_544 = arith.constant 7 : index
    %get3A_545 = arith.constant 4 : index
    %get3A_546 = memref.load %arg1[%get3A_543, %get3A_544, %get3A_545] : memref<32x10x5xf32, #tpu.memory_space<smem>>
    %sub3A_547 = arith.subf %get3A_538, %get3A_530 : f32
    %sub3A_548 = arith.subf %get3A_542, %get3A_534 : f32
    %min3A_549 = vector.broadcast %get3A_538 : f32 to vector<70x128xf32>
    %min3A_550 = arith.minimumf %min3A_549, %add3A : vector<70x128xf32>
    %max3A_551 = vector.broadcast %get3A_530 : f32 to vector<70x128xf32>
    %max3A_552 = arith.maximumf %max3A_551, %get3A_3 : vector<70x128xf32>
    %sub3A_553 = arith.subf %min3A_550, %max3A_552 : vector<70x128xf32>
    %max3A_554 = arith.constant 0.000000e+00 : f32
    %max3A_555 = vector.broadcast %max3A_554 : f32 to vector<70x128xf32>
    %max3A_556 = arith.maximumf %sub3A_553, %max3A_555 : vector<70x128xf32>
    %min3A_557 = vector.broadcast %get3A_542 : f32 to vector<70x128xf32>
    %min3A_558 = arith.minimumf %min3A_557, %add3A_19 : vector<70x128xf32>
    %max3A_559 = vector.broadcast %get3A_534 : f32 to vector<70x128xf32>
    %max3A_560 = arith.maximumf %max3A_559, %get3A_8 : vector<70x128xf32>
    %sub3A_561 = arith.subf %min3A_558, %max3A_560 : vector<70x128xf32>
    %max3A_562 = arith.constant 0.000000e+00 : f32
    %max3A_563 = vector.broadcast %max3A_562 : f32 to vector<70x128xf32>
    %max3A_564 = arith.maximumf %sub3A_561, %max3A_563 : vector<70x128xf32>
    %mul3A_565 = arith.mulf %max3A_556, %max3A_564 : vector<70x128xf32>
    %mul3A_566 = arith.mulf %sub3A_547, %sub3A_548 : f32
    %add3A_567 = vector.broadcast %mul3A_566 : f32 to vector<70x128xf32>
    %add3A_568 = arith.addf %add3A_567, %mul3A : vector<70x128xf32>
    %sub3A_569 = arith.subf %add3A_568, %mul3A_565 : vector<70x128xf32>
    %div3A_570 = arith.divf %mul3A_565, %sub3A_569 : vector<70x128xf32>
    %gt3A_571 = arith.cmpf ogt, %div3A_570, %select_n3A_500 : vector<70x128xf32>
    %select_n3A_572 = arith.select %gt3A_571, %div3A_570, %select_n3A_500 : vector<70x128xi1>, vector<70x128xf32>
    %jit3A_573 = arith.constant 7 : i32
    %broadcast_in_dim3A_574 = vector.broadcast %jit3A_573 : i32 to vector<70x128xi32>
    %select_n3A_575 = arith.select %gt3A_571, %broadcast_in_dim3A_574, %select_n3A_503 : vector<70x128xi1>, vector<70x128xi32>
    %reduce_max3A_576 = vector.shape_cast %div3A_570 : vector<70x128xf32> to vector<1x70x128xf32>
    %reduce_max3A_577 = arith.constant dense<0xFF800000> : vector<1xf32>
    %reduce_max3A_578 = vector.multi_reduction <maximumf>, %reduce_max3A_576, %reduce_max3A_577 [1, 2] : vector<1x70x128xf32> to vector<1xf32>
    %reduce_max3A_579 = vector.shape_cast %reduce_max3A_578 : vector<1xf32> to vector<1x1x1xf32>
    %reduce_max3A_580 = vector.extract %reduce_max3A_579[0, 0, 0] : f32 from vector<1x1x1xf32>
    %broadcast_in_dim3A_581 = vector.broadcast %reduce_max3A_580 : f32 to vector<1x1xf32>
    %eq3A_582 = vector.broadcast %broadcast_in_dim3A_581 : vector<1x1xf32> to vector<70x128xf32>
    %eq3A_583 = arith.cmpf oeq, %div3A_570, %eq3A_582 : vector<70x128xf32>
    %jit3A_584 = arith.constant 8960 : i32
    %broadcast_in_dim3A_585 = vector.broadcast %jit3A_584 : i32 to vector<70x128xi32>
    %select_n3A_586 = arith.select %eq3A_583, %add3A_24, %broadcast_in_dim3A_585 : vector<70x128xi1>, vector<70x128xi32>
    %reduce_min3A_587 = vector.shape_cast %select_n3A_586 : vector<70x128xi32> to vector<1x70x128xi32>
    %reduce_min3A_588 = arith.constant dense<2147483647> : vector<1xi32>
    %reduce_min3A_589 = vector.multi_reduction <minsi>, %reduce_min3A_587, %reduce_min3A_588 [1, 2] : vector<1x70x128xi32> to vector<1xi32>
    %reduce_min3A_590 = vector.shape_cast %reduce_min3A_589 : vector<1xi32> to vector<1x1x1xi32>
    %reduce_min3A_591 = vector.extract %reduce_min3A_590[0, 0, 0] : i32 from vector<1x1x1xi32>
    %broadcast_in_dim3A_592 = vector.broadcast %reduce_min3A_591 : i32 to vector<1x1xi32>
    %eq3A_593 = vector.broadcast %broadcast_in_dim3A_592 : vector<1x1xi32> to vector<70x128xi32>
    %eq3A_594 = arith.cmpi eq, %add3A_24, %eq3A_593 : vector<70x128xi32>
    %or3A_595 = arith.ori %or3A_523, %eq3A_594 : vector<70x128xi1>
    %jit3A_596 = arith.constant 7 : i32
    %broadcast_in_dim3A_597 = vector.broadcast %jit3A_596 : i32 to vector<70x128xi32>
    %select_n3A_598 = arith.select %eq3A_594, %broadcast_in_dim3A_597, %select_n3A_526 : vector<70x128xi1>, vector<70x128xi32>
    %get3A_599 = arith.index_cast %arg0 : i32 to index
    %get3A_600 = arith.constant 8 : index
    %get3A_601 = arith.constant 0 : index
    %get3A_602 = memref.load %arg1[%get3A_599, %get3A_600, %get3A_601] : memref<32x10x5xf32, #tpu.memory_space<smem>>
    %get3A_603 = arith.index_cast %arg0 : i32 to index
    %get3A_604 = arith.constant 8 : index
    %get3A_605 = arith.constant 1 : index
    %get3A_606 = memref.load %arg1[%get3A_603, %get3A_604, %get3A_605] : memref<32x10x5xf32, #tpu.memory_space<smem>>
    %get3A_607 = arith.index_cast %arg0 : i32 to index
    %get3A_608 = arith.constant 8 : index
    %get3A_609 = arith.constant 2 : index
    %get3A_610 = memref.load %arg1[%get3A_607, %get3A_608, %get3A_609] : memref<32x10x5xf32, #tpu.memory_space<smem>>
    %get3A_611 = arith.index_cast %arg0 : i32 to index
    %get3A_612 = arith.constant 8 : index
    %get3A_613 = arith.constant 3 : index
    %get3A_614 = memref.load %arg1[%get3A_611, %get3A_612, %get3A_613] : memref<32x10x5xf32, #tpu.memory_space<smem>>
    %get3A_615 = arith.index_cast %arg0 : i32 to index
    %get3A_616 = arith.constant 8 : index
    %get3A_617 = arith.constant 4 : index
    %get3A_618 = memref.load %arg1[%get3A_615, %get3A_616, %get3A_617] : memref<32x10x5xf32, #tpu.memory_space<smem>>
    %sub3A_619 = arith.subf %get3A_610, %get3A_602 : f32
    %sub3A_620 = arith.subf %get3A_614, %get3A_606 : f32
    %min3A_621 = vector.broadcast %get3A_610 : f32 to vector<70x128xf32>
    %min3A_622 = arith.minimumf %min3A_621, %add3A : vector<70x128xf32>
    %max3A_623 = vector.broadcast %get3A_602 : f32 to vector<70x128xf32>
    %max3A_624 = arith.maximumf %max3A_623, %get3A_3 : vector<70x128xf32>
    %sub3A_625 = arith.subf %min3A_622, %max3A_624 : vector<70x128xf32>
    %max3A_626 = arith.constant 0.000000e+00 : f32
    %max3A_627 = vector.broadcast %max3A_626 : f32 to vector<70x128xf32>
    %max3A_628 = arith.maximumf %sub3A_625, %max3A_627 : vector<70x128xf32>
    %min3A_629 = vector.broadcast %get3A_614 : f32 to vector<70x128xf32>
    %min3A_630 = arith.minimumf %min3A_629, %add3A_19 : vector<70x128xf32>
    %max3A_631 = vector.broadcast %get3A_606 : f32 to vector<70x128xf32>
    %max3A_632 = arith.maximumf %max3A_631, %get3A_8 : vector<70x128xf32>
    %sub3A_633 = arith.subf %min3A_630, %max3A_632 : vector<70x128xf32>
    %max3A_634 = arith.constant 0.000000e+00 : f32
    %max3A_635 = vector.broadcast %max3A_634 : f32 to vector<70x128xf32>
    %max3A_636 = arith.maximumf %sub3A_633, %max3A_635 : vector<70x128xf32>
    %mul3A_637 = arith.mulf %max3A_628, %max3A_636 : vector<70x128xf32>
    %mul3A_638 = arith.mulf %sub3A_619, %sub3A_620 : f32
    %add3A_639 = vector.broadcast %mul3A_638 : f32 to vector<70x128xf32>
    %add3A_640 = arith.addf %add3A_639, %mul3A : vector<70x128xf32>
    %sub3A_641 = arith.subf %add3A_640, %mul3A_637 : vector<70x128xf32>
    %div3A_642 = arith.divf %mul3A_637, %sub3A_641 : vector<70x128xf32>
    %gt3A_643 = arith.cmpf ogt, %div3A_642, %select_n3A_572 : vector<70x128xf32>
    %select_n3A_644 = arith.select %gt3A_643, %div3A_642, %select_n3A_572 : vector<70x128xi1>, vector<70x128xf32>
    %jit3A_645 = arith.constant 8 : i32
    %broadcast_in_dim3A_646 = vector.broadcast %jit3A_645 : i32 to vector<70x128xi32>
    %select_n3A_647 = arith.select %gt3A_643, %broadcast_in_dim3A_646, %select_n3A_575 : vector<70x128xi1>, vector<70x128xi32>
    %reduce_max3A_648 = vector.shape_cast %div3A_642 : vector<70x128xf32> to vector<1x70x128xf32>
    %reduce_max3A_649 = arith.constant dense<0xFF800000> : vector<1xf32>
    %reduce_max3A_650 = vector.multi_reduction <maximumf>, %reduce_max3A_648, %reduce_max3A_649 [1, 2] : vector<1x70x128xf32> to vector<1xf32>
    %reduce_max3A_651 = vector.shape_cast %reduce_max3A_650 : vector<1xf32> to vector<1x1x1xf32>
    %reduce_max3A_652 = vector.extract %reduce_max3A_651[0, 0, 0] : f32 from vector<1x1x1xf32>
    %broadcast_in_dim3A_653 = vector.broadcast %reduce_max3A_652 : f32 to vector<1x1xf32>
    %eq3A_654 = vector.broadcast %broadcast_in_dim3A_653 : vector<1x1xf32> to vector<70x128xf32>
    %eq3A_655 = arith.cmpf oeq, %div3A_642, %eq3A_654 : vector<70x128xf32>
    %jit3A_656 = arith.constant 8960 : i32
    %broadcast_in_dim3A_657 = vector.broadcast %jit3A_656 : i32 to vector<70x128xi32>
    %select_n3A_658 = arith.select %eq3A_655, %add3A_24, %broadcast_in_dim3A_657 : vector<70x128xi1>, vector<70x128xi32>
    %reduce_min3A_659 = vector.shape_cast %select_n3A_658 : vector<70x128xi32> to vector<1x70x128xi32>
    %reduce_min3A_660 = arith.constant dense<2147483647> : vector<1xi32>
    %reduce_min3A_661 = vector.multi_reduction <minsi>, %reduce_min3A_659, %reduce_min3A_660 [1, 2] : vector<1x70x128xi32> to vector<1xi32>
    %reduce_min3A_662 = vector.shape_cast %reduce_min3A_661 : vector<1xi32> to vector<1x1x1xi32>
    %reduce_min3A_663 = vector.extract %reduce_min3A_662[0, 0, 0] : i32 from vector<1x1x1xi32>
    %broadcast_in_dim3A_664 = vector.broadcast %reduce_min3A_663 : i32 to vector<1x1xi32>
    %eq3A_665 = vector.broadcast %broadcast_in_dim3A_664 : vector<1x1xi32> to vector<70x128xi32>
    %eq3A_666 = arith.cmpi eq, %add3A_24, %eq3A_665 : vector<70x128xi32>
    %or3A_667 = arith.ori %or3A_595, %eq3A_666 : vector<70x128xi1>
    %jit3A_668 = arith.constant 8 : i32
    %broadcast_in_dim3A_669 = vector.broadcast %jit3A_668 : i32 to vector<70x128xi32>
    %select_n3A_670 = arith.select %eq3A_666, %broadcast_in_dim3A_669, %select_n3A_598 : vector<70x128xi1>, vector<70x128xi32>
    %get3A_671 = arith.index_cast %arg0 : i32 to index
    %get3A_672 = arith.constant 9 : index
    %get3A_673 = arith.constant 0 : index
    %get3A_674 = memref.load %arg1[%get3A_671, %get3A_672, %get3A_673] : memref<32x10x5xf32, #tpu.memory_space<smem>>
    %get3A_675 = arith.index_cast %arg0 : i32 to index
    %get3A_676 = arith.constant 9 : index
    %get3A_677 = arith.constant 1 : index
    %get3A_678 = memref.load %arg1[%get3A_675, %get3A_676, %get3A_677] : memref<32x10x5xf32, #tpu.memory_space<smem>>
    %get3A_679 = arith.index_cast %arg0 : i32 to index
    %get3A_680 = arith.constant 9 : index
    %get3A_681 = arith.constant 2 : index
    %get3A_682 = memref.load %arg1[%get3A_679, %get3A_680, %get3A_681] : memref<32x10x5xf32, #tpu.memory_space<smem>>
    %get3A_683 = arith.index_cast %arg0 : i32 to index
    %get3A_684 = arith.constant 9 : index
    %get3A_685 = arith.constant 3 : index
    %get3A_686 = memref.load %arg1[%get3A_683, %get3A_684, %get3A_685] : memref<32x10x5xf32, #tpu.memory_space<smem>>
    %get3A_687 = arith.index_cast %arg0 : i32 to index
    %get3A_688 = arith.constant 9 : index
    %get3A_689 = arith.constant 4 : index
    %get3A_690 = memref.load %arg1[%get3A_687, %get3A_688, %get3A_689] : memref<32x10x5xf32, #tpu.memory_space<smem>>
    %sub3A_691 = arith.subf %get3A_682, %get3A_674 : f32
    %sub3A_692 = arith.subf %get3A_686, %get3A_678 : f32
    %min3A_693 = vector.broadcast %get3A_682 : f32 to vector<70x128xf32>
    %min3A_694 = arith.minimumf %min3A_693, %add3A : vector<70x128xf32>
    %max3A_695 = vector.broadcast %get3A_674 : f32 to vector<70x128xf32>
    %max3A_696 = arith.maximumf %max3A_695, %get3A_3 : vector<70x128xf32>
    %sub3A_697 = arith.subf %min3A_694, %max3A_696 : vector<70x128xf32>
    %max3A_698 = arith.constant 0.000000e+00 : f32
    %max3A_699 = vector.broadcast %max3A_698 : f32 to vector<70x128xf32>
    %max3A_700 = arith.maximumf %sub3A_697, %max3A_699 : vector<70x128xf32>
    %min3A_701 = vector.broadcast %get3A_686 : f32 to vector<70x128xf32>
    %min3A_702 = arith.minimumf %min3A_701, %add3A_19 : vector<70x128xf32>
    %max3A_703 = vector.broadcast %get3A_678 : f32 to vector<70x128xf32>
    %max3A_704 = arith.maximumf %max3A_703, %get3A_8 : vector<70x128xf32>
    %sub3A_705 = arith.subf %min3A_702, %max3A_704 : vector<70x128xf32>
    %max3A_706 = arith.constant 0.000000e+00 : f32
    %max3A_707 = vector.broadcast %max3A_706 : f32 to vector<70x128xf32>
    %max3A_708 = arith.maximumf %sub3A_705, %max3A_707 : vector<70x128xf32>
    %mul3A_709 = arith.mulf %max3A_700, %max3A_708 : vector<70x128xf32>
    %mul3A_710 = arith.mulf %sub3A_691, %sub3A_692 : f32
    %add3A_711 = vector.broadcast %mul3A_710 : f32 to vector<70x128xf32>
    %add3A_712 = arith.addf %add3A_711, %mul3A : vector<70x128xf32>
    %sub3A_713 = arith.subf %add3A_712, %mul3A_709 : vector<70x128xf32>
    %div3A_714 = arith.divf %mul3A_709, %sub3A_713 : vector<70x128xf32>
    %gt3A_715 = arith.cmpf ogt, %div3A_714, %select_n3A_644 : vector<70x128xf32>
    %select_n3A_716 = arith.select %gt3A_715, %div3A_714, %select_n3A_644 : vector<70x128xi1>, vector<70x128xf32>
    %jit3A_717 = arith.constant 9 : i32
    %broadcast_in_dim3A_718 = vector.broadcast %jit3A_717 : i32 to vector<70x128xi32>
    %select_n3A_719 = arith.select %gt3A_715, %broadcast_in_dim3A_718, %select_n3A_647 : vector<70x128xi1>, vector<70x128xi32>
    %reduce_max3A_720 = vector.shape_cast %div3A_714 : vector<70x128xf32> to vector<1x70x128xf32>
    %reduce_max3A_721 = arith.constant dense<0xFF800000> : vector<1xf32>
    %reduce_max3A_722 = vector.multi_reduction <maximumf>, %reduce_max3A_720, %reduce_max3A_721 [1, 2] : vector<1x70x128xf32> to vector<1xf32>
    %reduce_max3A_723 = vector.shape_cast %reduce_max3A_722 : vector<1xf32> to vector<1x1x1xf32>
    %reduce_max3A_724 = vector.extract %reduce_max3A_723[0, 0, 0] : f32 from vector<1x1x1xf32>
    %broadcast_in_dim3A_725 = vector.broadcast %reduce_max3A_724 : f32 to vector<1x1xf32>
    %eq3A_726 = vector.broadcast %broadcast_in_dim3A_725 : vector<1x1xf32> to vector<70x128xf32>
    %eq3A_727 = arith.cmpf oeq, %div3A_714, %eq3A_726 : vector<70x128xf32>
    %jit3A_728 = arith.constant 8960 : i32
    %broadcast_in_dim3A_729 = vector.broadcast %jit3A_728 : i32 to vector<70x128xi32>
    %select_n3A_730 = arith.select %eq3A_727, %add3A_24, %broadcast_in_dim3A_729 : vector<70x128xi1>, vector<70x128xi32>
    %reduce_min3A_731 = vector.shape_cast %select_n3A_730 : vector<70x128xi32> to vector<1x70x128xi32>
    %reduce_min3A_732 = arith.constant dense<2147483647> : vector<1xi32>
    %reduce_min3A_733 = vector.multi_reduction <minsi>, %reduce_min3A_731, %reduce_min3A_732 [1, 2] : vector<1x70x128xi32> to vector<1xi32>
    %reduce_min3A_734 = vector.shape_cast %reduce_min3A_733 : vector<1xi32> to vector<1x1x1xi32>
    %reduce_min3A_735 = vector.extract %reduce_min3A_734[0, 0, 0] : i32 from vector<1x1x1xi32>
    %broadcast_in_dim3A_736 = vector.broadcast %reduce_min3A_735 : i32 to vector<1x1xi32>
    %eq3A_737 = vector.broadcast %broadcast_in_dim3A_736 : vector<1x1xi32> to vector<70x128xi32>
    %eq3A_738 = arith.cmpi eq, %add3A_24, %eq3A_737 : vector<70x128xi32>
    %or3A_739 = arith.ori %or3A_667, %eq3A_738 : vector<70x128xi1>
    %jit3A_740 = arith.constant 9 : i32
    %broadcast_in_dim3A_741 = vector.broadcast %jit3A_740 : i32 to vector<70x128xi32>
    %select_n3A_742 = arith.select %eq3A_738, %broadcast_in_dim3A_741, %select_n3A_670 : vector<70x128xi1>, vector<70x128xi32>
    %gt3A_743 = arith.constant 5.000000e-01 : f32
    %gt3A_744 = vector.broadcast %gt3A_743 : f32 to vector<70x128xf32>
    %gt3A_745 = arith.cmpf ogt, %select_n3A_716, %gt3A_744 : vector<70x128xf32>
    %or3A_746 = arith.ori %gt3A_745, %or3A_739 : vector<70x128xi1>
    %convert_element_type3A = arith.extui %or3A_746 : vector<70x128xi1> to vector<70x128xi32>
    %convert_element_type3A_747 = arith.sitofp %convert_element_type3A : vector<70x128xi32> to vector<70x128xf32>
    %select_n3A_748 = arith.select %gt3A_745, %select_n3A_719, %select_n3A_742 : vector<70x128xi1>, vector<70x128xi32>
    %broadcast_in_dim3A_749 = arith.constant 0.000000e+00 : f32
    %broadcast_in_dim3A_750 = vector.broadcast %broadcast_in_dim3A_749 : f32 to vector<70x128xf32>
    %broadcast_in_dim3A_751 = arith.constant 0.000000e+00 : f32
    %broadcast_in_dim3A_752 = vector.broadcast %broadcast_in_dim3A_751 : f32 to vector<70x128xf32>
    %broadcast_in_dim3A_753 = arith.constant 1.000000e+00 : f32
    %broadcast_in_dim3A_754 = vector.broadcast %broadcast_in_dim3A_753 : f32 to vector<70x128xf32>
    %broadcast_in_dim3A_755 = arith.constant 1.000000e+00 : f32
    %broadcast_in_dim3A_756 = vector.broadcast %broadcast_in_dim3A_755 : f32 to vector<70x128xf32>
    %broadcast_in_dim3A_757 = arith.constant 0.000000e+00 : f32
    %broadcast_in_dim3A_758 = vector.broadcast %broadcast_in_dim3A_757 : f32 to vector<70x128xf32>
    %eq3A_759 = arith.constant 0 : i32
    %eq3A_760 = vector.broadcast %eq3A_759 : i32 to vector<70x128xi32>
    %eq3A_761 = arith.cmpi eq, %select_n3A_748, %eq3A_760 : vector<70x128xi32>
    %broadcast_in_dim3A_762 = vector.broadcast %get3A_37 : f32 to vector<70x128xf32>
    %select_n3A_763 = arith.select %eq3A_761, %broadcast_in_dim3A_762, %broadcast_in_dim3A_750 : vector<70x128xi1>, vector<70x128xf32>
    %broadcast_in_dim3A_764 = vector.broadcast %get3A_41 : f32 to vector<70x128xf32>
    %select_n3A_765 = arith.select %eq3A_761, %broadcast_in_dim3A_764, %broadcast_in_dim3A_752 : vector<70x128xi1>, vector<70x128xf32>
    %broadcast_in_dim3A_766 = vector.broadcast %sub3A : f32 to vector<70x128xf32>
    %select_n3A_767 = arith.select %eq3A_761, %broadcast_in_dim3A_766, %broadcast_in_dim3A_754 : vector<70x128xi1>, vector<70x128xf32>
    %broadcast_in_dim3A_768 = vector.broadcast %sub3A_54 : f32 to vector<70x128xf32>
    %select_n3A_769 = arith.select %eq3A_761, %broadcast_in_dim3A_768, %broadcast_in_dim3A_756 : vector<70x128xi1>, vector<70x128xf32>
    %broadcast_in_dim3A_770 = vector.broadcast %get3A_53 : f32 to vector<70x128xf32>
    %select_n3A_771 = arith.select %eq3A_761, %broadcast_in_dim3A_770, %broadcast_in_dim3A_758 : vector<70x128xi1>, vector<70x128xf32>
    %eq3A_772 = arith.constant 1 : i32
    %eq3A_773 = vector.broadcast %eq3A_772 : i32 to vector<70x128xi32>
    %eq3A_774 = arith.cmpi eq, %select_n3A_748, %eq3A_773 : vector<70x128xi32>
    %broadcast_in_dim3A_775 = vector.broadcast %get3A_98 : f32 to vector<70x128xf32>
    %select_n3A_776 = arith.select %eq3A_774, %broadcast_in_dim3A_775, %select_n3A_763 : vector<70x128xi1>, vector<70x128xf32>
    %broadcast_in_dim3A_777 = vector.broadcast %get3A_102 : f32 to vector<70x128xf32>
    %select_n3A_778 = arith.select %eq3A_774, %broadcast_in_dim3A_777, %select_n3A_765 : vector<70x128xi1>, vector<70x128xf32>
    %broadcast_in_dim3A_779 = vector.broadcast %sub3A_115 : f32 to vector<70x128xf32>
    %select_n3A_780 = arith.select %eq3A_774, %broadcast_in_dim3A_779, %select_n3A_767 : vector<70x128xi1>, vector<70x128xf32>
    %broadcast_in_dim3A_781 = vector.broadcast %sub3A_116 : f32 to vector<70x128xf32>
    %select_n3A_782 = arith.select %eq3A_774, %broadcast_in_dim3A_781, %select_n3A_769 : vector<70x128xi1>, vector<70x128xf32>
    %broadcast_in_dim3A_783 = vector.broadcast %get3A_114 : f32 to vector<70x128xf32>
    %select_n3A_784 = arith.select %eq3A_774, %broadcast_in_dim3A_783, %select_n3A_771 : vector<70x128xi1>, vector<70x128xf32>
    %eq3A_785 = arith.constant 2 : i32
    %eq3A_786 = vector.broadcast %eq3A_785 : i32 to vector<70x128xi32>
    %eq3A_787 = arith.cmpi eq, %select_n3A_748, %eq3A_786 : vector<70x128xi32>
    %broadcast_in_dim3A_788 = vector.broadcast %get3A_170 : f32 to vector<70x128xf32>
    %select_n3A_789 = arith.select %eq3A_787, %broadcast_in_dim3A_788, %select_n3A_776 : vector<70x128xi1>, vector<70x128xf32>
    %broadcast_in_dim3A_790 = vector.broadcast %get3A_174 : f32 to vector<70x128xf32>
    %select_n3A_791 = arith.select %eq3A_787, %broadcast_in_dim3A_790, %select_n3A_778 : vector<70x128xi1>, vector<70x128xf32>
    %broadcast_in_dim3A_792 = vector.broadcast %sub3A_187 : f32 to vector<70x128xf32>
    %select_n3A_793 = arith.select %eq3A_787, %broadcast_in_dim3A_792, %select_n3A_780 : vector<70x128xi1>, vector<70x128xf32>
    %broadcast_in_dim3A_794 = vector.broadcast %sub3A_188 : f32 to vector<70x128xf32>
    %select_n3A_795 = arith.select %eq3A_787, %broadcast_in_dim3A_794, %select_n3A_782 : vector<70x128xi1>, vector<70x128xf32>
    %broadcast_in_dim3A_796 = vector.broadcast %get3A_186 : f32 to vector<70x128xf32>
    %select_n3A_797 = arith.select %eq3A_787, %broadcast_in_dim3A_796, %select_n3A_784 : vector<70x128xi1>, vector<70x128xf32>
    %eq3A_798 = arith.constant 3 : i32
    %eq3A_799 = vector.broadcast %eq3A_798 : i32 to vector<70x128xi32>
    %eq3A_800 = arith.cmpi eq, %select_n3A_748, %eq3A_799 : vector<70x128xi32>
    %broadcast_in_dim3A_801 = vector.broadcast %get3A_242 : f32 to vector<70x128xf32>
    %select_n3A_802 = arith.select %eq3A_800, %broadcast_in_dim3A_801, %select_n3A_789 : vector<70x128xi1>, vector<70x128xf32>
    %broadcast_in_dim3A_803 = vector.broadcast %get3A_246 : f32 to vector<70x128xf32>
    %select_n3A_804 = arith.select %eq3A_800, %broadcast_in_dim3A_803, %select_n3A_791 : vector<70x128xi1>, vector<70x128xf32>
    %broadcast_in_dim3A_805 = vector.broadcast %sub3A_259 : f32 to vector<70x128xf32>
    %select_n3A_806 = arith.select %eq3A_800, %broadcast_in_dim3A_805, %select_n3A_793 : vector<70x128xi1>, vector<70x128xf32>
    %broadcast_in_dim3A_807 = vector.broadcast %sub3A_260 : f32 to vector<70x128xf32>
    %select_n3A_808 = arith.select %eq3A_800, %broadcast_in_dim3A_807, %select_n3A_795 : vector<70x128xi1>, vector<70x128xf32>
    %broadcast_in_dim3A_809 = vector.broadcast %get3A_258 : f32 to vector<70x128xf32>
    %select_n3A_810 = arith.select %eq3A_800, %broadcast_in_dim3A_809, %select_n3A_797 : vector<70x128xi1>, vector<70x128xf32>
    %eq3A_811 = arith.constant 4 : i32
    %eq3A_812 = vector.broadcast %eq3A_811 : i32 to vector<70x128xi32>
    %eq3A_813 = arith.cmpi eq, %select_n3A_748, %eq3A_812 : vector<70x128xi32>
    %broadcast_in_dim3A_814 = vector.broadcast %get3A_314 : f32 to vector<70x128xf32>
    %select_n3A_815 = arith.select %eq3A_813, %broadcast_in_dim3A_814, %select_n3A_802 : vector<70x128xi1>, vector<70x128xf32>
    %broadcast_in_dim3A_816 = vector.broadcast %get3A_318 : f32 to vector<70x128xf32>
    %select_n3A_817 = arith.select %eq3A_813, %broadcast_in_dim3A_816, %select_n3A_804 : vector<70x128xi1>, vector<70x128xf32>
    %broadcast_in_dim3A_818 = vector.broadcast %sub3A_331 : f32 to vector<70x128xf32>
    %select_n3A_819 = arith.select %eq3A_813, %broadcast_in_dim3A_818, %select_n3A_806 : vector<70x128xi1>, vector<70x128xf32>
    %broadcast_in_dim3A_820 = vector.broadcast %sub3A_332 : f32 to vector<70x128xf32>
    %select_n3A_821 = arith.select %eq3A_813, %broadcast_in_dim3A_820, %select_n3A_808 : vector<70x128xi1>, vector<70x128xf32>
    %broadcast_in_dim3A_822 = vector.broadcast %get3A_330 : f32 to vector<70x128xf32>
    %select_n3A_823 = arith.select %eq3A_813, %broadcast_in_dim3A_822, %select_n3A_810 : vector<70x128xi1>, vector<70x128xf32>
    %eq3A_824 = arith.constant 5 : i32
    %eq3A_825 = vector.broadcast %eq3A_824 : i32 to vector<70x128xi32>
    %eq3A_826 = arith.cmpi eq, %select_n3A_748, %eq3A_825 : vector<70x128xi32>
    %broadcast_in_dim3A_827 = vector.broadcast %get3A_386 : f32 to vector<70x128xf32>
    %select_n3A_828 = arith.select %eq3A_826, %broadcast_in_dim3A_827, %select_n3A_815 : vector<70x128xi1>, vector<70x128xf32>
    %broadcast_in_dim3A_829 = vector.broadcast %get3A_390 : f32 to vector<70x128xf32>
    %select_n3A_830 = arith.select %eq3A_826, %broadcast_in_dim3A_829, %select_n3A_817 : vector<70x128xi1>, vector<70x128xf32>
    %broadcast_in_dim3A_831 = vector.broadcast %sub3A_403 : f32 to vector<70x128xf32>
    %select_n3A_832 = arith.select %eq3A_826, %broadcast_in_dim3A_831, %select_n3A_819 : vector<70x128xi1>, vector<70x128xf32>
    %broadcast_in_dim3A_833 = vector.broadcast %sub3A_404 : f32 to vector<70x128xf32>
    %select_n3A_834 = arith.select %eq3A_826, %broadcast_in_dim3A_833, %select_n3A_821 : vector<70x128xi1>, vector<70x128xf32>
    %broadcast_in_dim3A_835 = vector.broadcast %get3A_402 : f32 to vector<70x128xf32>
    %select_n3A_836 = arith.select %eq3A_826, %broadcast_in_dim3A_835, %select_n3A_823 : vector<70x128xi1>, vector<70x128xf32>
    %eq3A_837 = arith.constant 6 : i32
    %eq3A_838 = vector.broadcast %eq3A_837 : i32 to vector<70x128xi32>
    %eq3A_839 = arith.cmpi eq, %select_n3A_748, %eq3A_838 : vector<70x128xi32>
    %broadcast_in_dim3A_840 = vector.broadcast %get3A_458 : f32 to vector<70x128xf32>
    %select_n3A_841 = arith.select %eq3A_839, %broadcast_in_dim3A_840, %select_n3A_828 : vector<70x128xi1>, vector<70x128xf32>
    %broadcast_in_dim3A_842 = vector.broadcast %get3A_462 : f32 to vector<70x128xf32>
    %select_n3A_843 = arith.select %eq3A_839, %broadcast_in_dim3A_842, %select_n3A_830 : vector<70x128xi1>, vector<70x128xf32>
    %broadcast_in_dim3A_844 = vector.broadcast %sub3A_475 : f32 to vector<70x128xf32>
    %select_n3A_845 = arith.select %eq3A_839, %broadcast_in_dim3A_844, %select_n3A_832 : vector<70x128xi1>, vector<70x128xf32>
    %broadcast_in_dim3A_846 = vector.broadcast %sub3A_476 : f32 to vector<70x128xf32>
    %select_n3A_847 = arith.select %eq3A_839, %broadcast_in_dim3A_846, %select_n3A_834 : vector<70x128xi1>, vector<70x128xf32>
    %broadcast_in_dim3A_848 = vector.broadcast %get3A_474 : f32 to vector<70x128xf32>
    %select_n3A_849 = arith.select %eq3A_839, %broadcast_in_dim3A_848, %select_n3A_836 : vector<70x128xi1>, vector<70x128xf32>
    %eq3A_850 = arith.constant 7 : i32
    %eq3A_851 = vector.broadcast %eq3A_850 : i32 to vector<70x128xi32>
    %eq3A_852 = arith.cmpi eq, %select_n3A_748, %eq3A_851 : vector<70x128xi32>
    %broadcast_in_dim3A_853 = vector.broadcast %get3A_530 : f32 to vector<70x128xf32>
    %select_n3A_854 = arith.select %eq3A_852, %broadcast_in_dim3A_853, %select_n3A_841 : vector<70x128xi1>, vector<70x128xf32>
    %broadcast_in_dim3A_855 = vector.broadcast %get3A_534 : f32 to vector<70x128xf32>
    %select_n3A_856 = arith.select %eq3A_852, %broadcast_in_dim3A_855, %select_n3A_843 : vector<70x128xi1>, vector<70x128xf32>
    %broadcast_in_dim3A_857 = vector.broadcast %sub3A_547 : f32 to vector<70x128xf32>
    %select_n3A_858 = arith.select %eq3A_852, %broadcast_in_dim3A_857, %select_n3A_845 : vector<70x128xi1>, vector<70x128xf32>
    %broadcast_in_dim3A_859 = vector.broadcast %sub3A_548 : f32 to vector<70x128xf32>
    %select_n3A_860 = arith.select %eq3A_852, %broadcast_in_dim3A_859, %select_n3A_847 : vector<70x128xi1>, vector<70x128xf32>
    %broadcast_in_dim3A_861 = vector.broadcast %get3A_546 : f32 to vector<70x128xf32>
    %select_n3A_862 = arith.select %eq3A_852, %broadcast_in_dim3A_861, %select_n3A_849 : vector<70x128xi1>, vector<70x128xf32>
    %eq3A_863 = arith.constant 8 : i32
    %eq3A_864 = vector.broadcast %eq3A_863 : i32 to vector<70x128xi32>
    %eq3A_865 = arith.cmpi eq, %select_n3A_748, %eq3A_864 : vector<70x128xi32>
    %broadcast_in_dim3A_866 = vector.broadcast %get3A_602 : f32 to vector<70x128xf32>
    %select_n3A_867 = arith.select %eq3A_865, %broadcast_in_dim3A_866, %select_n3A_854 : vector<70x128xi1>, vector<70x128xf32>
    %broadcast_in_dim3A_868 = vector.broadcast %get3A_606 : f32 to vector<70x128xf32>
    %select_n3A_869 = arith.select %eq3A_865, %broadcast_in_dim3A_868, %select_n3A_856 : vector<70x128xi1>, vector<70x128xf32>
    %broadcast_in_dim3A_870 = vector.broadcast %sub3A_619 : f32 to vector<70x128xf32>
    %select_n3A_871 = arith.select %eq3A_865, %broadcast_in_dim3A_870, %select_n3A_858 : vector<70x128xi1>, vector<70x128xf32>
    %broadcast_in_dim3A_872 = vector.broadcast %sub3A_620 : f32 to vector<70x128xf32>
    %select_n3A_873 = arith.select %eq3A_865, %broadcast_in_dim3A_872, %select_n3A_860 : vector<70x128xi1>, vector<70x128xf32>
    %broadcast_in_dim3A_874 = vector.broadcast %get3A_618 : f32 to vector<70x128xf32>
    %select_n3A_875 = arith.select %eq3A_865, %broadcast_in_dim3A_874, %select_n3A_862 : vector<70x128xi1>, vector<70x128xf32>
    %eq3A_876 = arith.constant 9 : i32
    %eq3A_877 = vector.broadcast %eq3A_876 : i32 to vector<70x128xi32>
    %eq3A_878 = arith.cmpi eq, %select_n3A_748, %eq3A_877 : vector<70x128xi32>
    %broadcast_in_dim3A_879 = vector.broadcast %get3A_674 : f32 to vector<70x128xf32>
    %select_n3A_880 = arith.select %eq3A_878, %broadcast_in_dim3A_879, %select_n3A_867 : vector<70x128xi1>, vector<70x128xf32>
    %broadcast_in_dim3A_881 = vector.broadcast %get3A_678 : f32 to vector<70x128xf32>
    %select_n3A_882 = arith.select %eq3A_878, %broadcast_in_dim3A_881, %select_n3A_869 : vector<70x128xi1>, vector<70x128xf32>
    %broadcast_in_dim3A_883 = vector.broadcast %sub3A_691 : f32 to vector<70x128xf32>
    %select_n3A_884 = arith.select %eq3A_878, %broadcast_in_dim3A_883, %select_n3A_871 : vector<70x128xi1>, vector<70x128xf32>
    %broadcast_in_dim3A_885 = vector.broadcast %sub3A_692 : f32 to vector<70x128xf32>
    %select_n3A_886 = arith.select %eq3A_878, %broadcast_in_dim3A_885, %select_n3A_873 : vector<70x128xi1>, vector<70x128xf32>
    %broadcast_in_dim3A_887 = vector.broadcast %get3A_690 : f32 to vector<70x128xf32>
    %select_n3A_888 = arith.select %eq3A_878, %broadcast_in_dim3A_887, %select_n3A_875 : vector<70x128xi1>, vector<70x128xf32>
    %sub3A_889 = arith.subf %select_n3A_880, %get3A_3 : vector<70x128xf32>
    %div3A_890 = arith.divf %sub3A_889, %get3A_13 : vector<70x128xf32>
    %sub3A_891 = arith.subf %select_n3A_882, %get3A_8 : vector<70x128xf32>
    %div3A_892 = arith.divf %sub3A_891, %get3A_18 : vector<70x128xf32>
    %log3A = math.log %select_n3A_884 : vector<70x128xf32>
    %log3A_893 = math.log %get3A_13 : vector<70x128xf32>
    %sub3A_894 = arith.subf %log3A, %log3A_893 : vector<70x128xf32>
    %log3A_895 = math.log %select_n3A_886 : vector<70x128xf32>
    %log3A_896 = math.log %get3A_18 : vector<70x128xf32>
    %sub3A_897 = arith.subf %log3A_895, %log3A_896 : vector<70x128xf32>
    %get3A_898 = arith.constant 0 : index
    %get3A_899 = arith.constant 0 : index
    %get3A_900 = arith.constant 0 : index
    %get3A_901 = arith.constant 0 : index
    %get3A_902 = vector.load %arg3[%get3A_898, %get3A_899, %get3A_900, %get3A_901] : memref<1x4x70x128xf32, #tpu.memory_space<vmem>>, vector<1x1x70x128xf32>
    %get3A_903 = vector.shape_cast %get3A_902 : vector<1x1x70x128xf32> to vector<70x128xf32>
    %sub3A_904 = arith.subf %get3A_903, %div3A_890 : vector<70x128xf32>
    %mul3A_905 = arith.mulf %sub3A_904, %convert_element_type3A_747 : vector<70x128xf32>
    %abs3A = math.absf %mul3A_905 : vector<70x128xf32>
    %lt3A_906 = arith.constant 1.000000e+00 : f32
    %lt3A_907 = vector.broadcast %lt3A_906 : f32 to vector<70x128xf32>
    %lt3A_908 = arith.cmpf olt, %abs3A, %lt3A_907 : vector<70x128xf32>
    %mul3A_909 = arith.constant 5.000000e-01 : f32
    %mul3A_910 = vector.broadcast %mul3A_909 : f32 to vector<70x128xf32>
    %mul3A_911 = arith.mulf %mul3A_910, %abs3A : vector<70x128xf32>
    %mul3A_912 = arith.mulf %mul3A_911, %abs3A : vector<70x128xf32>
    %sub3A_913 = arith.constant 5.000000e-01 : f32
    %sub3A_914 = vector.broadcast %sub3A_913 : f32 to vector<70x128xf32>
    %sub3A_915 = arith.subf %abs3A, %sub3A_914 : vector<70x128xf32>
    %select_n3A_916 = arith.select %lt3A_908, %mul3A_912, %sub3A_915 : vector<70x128xi1>, vector<70x128xf32>
    %reduce_sum3A = vector.shape_cast %select_n3A_916 : vector<70x128xf32> to vector<1x70x128xf32>
    %reduce_sum3A_917 = arith.constant dense<0.000000e+00> : vector<1xf32>
    %reduce_sum3A_918 = vector.multi_reduction <add>, %reduce_sum3A, %reduce_sum3A_917 [1, 2] : vector<1x70x128xf32> to vector<1xf32>
    %reduce_sum3A_919 = vector.shape_cast %reduce_sum3A_918 : vector<1xf32> to vector<1x1x1xf32>
    %reduce_sum3A_920 = vector.extract %reduce_sum3A_919[0, 0, 0] : f32 from vector<1x1x1xf32>
    %add3A_921 = arith.constant 0.000000e+00 : f32
    %add3A_922 = arith.addf %add3A_921, %reduce_sum3A_920 : f32
    %get3A_923 = arith.constant 0 : index
    %get3A_924 = arith.constant 1 : index
    %get3A_925 = arith.constant 0 : index
    %get3A_926 = arith.constant 0 : index
    %get3A_927 = vector.load %arg3[%get3A_923, %get3A_924, %get3A_925, %get3A_926] : memref<1x4x70x128xf32, #tpu.memory_space<vmem>>, vector<1x1x70x128xf32>
    %get3A_928 = vector.shape_cast %get3A_927 : vector<1x1x70x128xf32> to vector<70x128xf32>
    %sub3A_929 = arith.subf %get3A_928, %div3A_892 : vector<70x128xf32>
    %mul3A_930 = arith.mulf %sub3A_929, %convert_element_type3A_747 : vector<70x128xf32>
    %abs3A_931 = math.absf %mul3A_930 : vector<70x128xf32>
    %lt3A_932 = arith.constant 1.000000e+00 : f32
    %lt3A_933 = vector.broadcast %lt3A_932 : f32 to vector<70x128xf32>
    %lt3A_934 = arith.cmpf olt, %abs3A_931, %lt3A_933 : vector<70x128xf32>
    %mul3A_935 = arith.constant 5.000000e-01 : f32
    %mul3A_936 = vector.broadcast %mul3A_935 : f32 to vector<70x128xf32>
    %mul3A_937 = arith.mulf %mul3A_936, %abs3A_931 : vector<70x128xf32>
    %mul3A_938 = arith.mulf %mul3A_937, %abs3A_931 : vector<70x128xf32>
    %sub3A_939 = arith.constant 5.000000e-01 : f32
    %sub3A_940 = vector.broadcast %sub3A_939 : f32 to vector<70x128xf32>
    %sub3A_941 = arith.subf %abs3A_931, %sub3A_940 : vector<70x128xf32>
    %select_n3A_942 = arith.select %lt3A_934, %mul3A_938, %sub3A_941 : vector<70x128xi1>, vector<70x128xf32>
    %reduce_sum3A_943 = vector.shape_cast %select_n3A_942 : vector<70x128xf32> to vector<1x70x128xf32>
    %reduce_sum3A_944 = arith.constant dense<0.000000e+00> : vector<1xf32>
    %reduce_sum3A_945 = vector.multi_reduction <add>, %reduce_sum3A_943, %reduce_sum3A_944 [1, 2] : vector<1x70x128xf32> to vector<1xf32>
    %reduce_sum3A_946 = vector.shape_cast %reduce_sum3A_945 : vector<1xf32> to vector<1x1x1xf32>
    %reduce_sum3A_947 = vector.extract %reduce_sum3A_946[0, 0, 0] : f32 from vector<1x1x1xf32>
    %add3A_948 = arith.addf %add3A_922, %reduce_sum3A_947 : f32
    %get3A_949 = arith.constant 0 : index
    %get3A_950 = arith.constant 2 : index
    %get3A_951 = arith.constant 0 : index
    %get3A_952 = arith.constant 0 : index
    %get3A_953 = vector.load %arg3[%get3A_949, %get3A_950, %get3A_951, %get3A_952] : memref<1x4x70x128xf32, #tpu.memory_space<vmem>>, vector<1x1x70x128xf32>
    %get3A_954 = vector.shape_cast %get3A_953 : vector<1x1x70x128xf32> to vector<70x128xf32>
    %sub3A_955 = arith.subf %get3A_954, %sub3A_894 : vector<70x128xf32>
    %mul3A_956 = arith.mulf %sub3A_955, %convert_element_type3A_747 : vector<70x128xf32>
    %abs3A_957 = math.absf %mul3A_956 : vector<70x128xf32>
    %lt3A_958 = arith.constant 1.000000e+00 : f32
    %lt3A_959 = vector.broadcast %lt3A_958 : f32 to vector<70x128xf32>
    %lt3A_960 = arith.cmpf olt, %abs3A_957, %lt3A_959 : vector<70x128xf32>
    %mul3A_961 = arith.constant 5.000000e-01 : f32
    %mul3A_962 = vector.broadcast %mul3A_961 : f32 to vector<70x128xf32>
    %mul3A_963 = arith.mulf %mul3A_962, %abs3A_957 : vector<70x128xf32>
    %mul3A_964 = arith.mulf %mul3A_963, %abs3A_957 : vector<70x128xf32>
    %sub3A_965 = arith.constant 5.000000e-01 : f32
    %sub3A_966 = vector.broadcast %sub3A_965 : f32 to vector<70x128xf32>
    %sub3A_967 = arith.subf %abs3A_957, %sub3A_966 : vector<70x128xf32>
    %select_n3A_968 = arith.select %lt3A_960, %mul3A_964, %sub3A_967 : vector<70x128xi1>, vector<70x128xf32>
    %reduce_sum3A_969 = vector.shape_cast %select_n3A_968 : vector<70x128xf32> to vector<1x70x128xf32>
    %reduce_sum3A_970 = arith.constant dense<0.000000e+00> : vector<1xf32>
    %reduce_sum3A_971 = vector.multi_reduction <add>, %reduce_sum3A_969, %reduce_sum3A_970 [1, 2] : vector<1x70x128xf32> to vector<1xf32>
    %reduce_sum3A_972 = vector.shape_cast %reduce_sum3A_971 : vector<1xf32> to vector<1x1x1xf32>
    %reduce_sum3A_973 = vector.extract %reduce_sum3A_972[0, 0, 0] : f32 from vector<1x1x1xf32>
    %add3A_974 = arith.addf %add3A_948, %reduce_sum3A_973 : f32
    %get3A_975 = arith.constant 0 : index
    %get3A_976 = arith.constant 3 : index
    %get3A_977 = arith.constant 0 : index
    %get3A_978 = arith.constant 0 : index
    %get3A_979 = vector.load %arg3[%get3A_975, %get3A_976, %get3A_977, %get3A_978] : memref<1x4x70x128xf32, #tpu.memory_space<vmem>>, vector<1x1x70x128xf32>
    %get3A_980 = vector.shape_cast %get3A_979 : vector<1x1x70x128xf32> to vector<70x128xf32>
    %sub3A_981 = arith.subf %get3A_980, %sub3A_897 : vector<70x128xf32>
    %mul3A_982 = arith.mulf %sub3A_981, %convert_element_type3A_747 : vector<70x128xf32>
    %abs3A_983 = math.absf %mul3A_982 : vector<70x128xf32>
    %lt3A_984 = arith.constant 1.000000e+00 : f32
    %lt3A_985 = vector.broadcast %lt3A_984 : f32 to vector<70x128xf32>
    %lt3A_986 = arith.cmpf olt, %abs3A_983, %lt3A_985 : vector<70x128xf32>
    %mul3A_987 = arith.constant 5.000000e-01 : f32
    %mul3A_988 = vector.broadcast %mul3A_987 : f32 to vector<70x128xf32>
    %mul3A_989 = arith.mulf %mul3A_988, %abs3A_983 : vector<70x128xf32>
    %mul3A_990 = arith.mulf %mul3A_989, %abs3A_983 : vector<70x128xf32>
    %sub3A_991 = arith.constant 5.000000e-01 : f32
    %sub3A_992 = vector.broadcast %sub3A_991 : f32 to vector<70x128xf32>
    %sub3A_993 = arith.subf %abs3A_983, %sub3A_992 : vector<70x128xf32>
    %select_n3A_994 = arith.select %lt3A_986, %mul3A_990, %sub3A_993 : vector<70x128xi1>, vector<70x128xf32>
    %reduce_sum3A_995 = vector.shape_cast %select_n3A_994 : vector<70x128xf32> to vector<1x70x128xf32>
    %reduce_sum3A_996 = arith.constant dense<0.000000e+00> : vector<1xf32>
    %reduce_sum3A_997 = vector.multi_reduction <add>, %reduce_sum3A_995, %reduce_sum3A_996 [1, 2] : vector<1x70x128xf32> to vector<1xf32>
    %reduce_sum3A_998 = vector.shape_cast %reduce_sum3A_997 : vector<1xf32> to vector<1x1x1xf32>
    %reduce_sum3A_999 = vector.extract %reduce_sum3A_998[0, 0, 0] : f32 from vector<1x1x1xf32>
    %add3A_1000 = arith.addf %add3A_974, %reduce_sum3A_999 : f32
    %reduce_sum3A_1001 = vector.shape_cast %convert_element_type3A_747 : vector<70x128xf32> to vector<1x70x128xf32>
    %reduce_sum3A_1002 = arith.constant dense<0.000000e+00> : vector<1xf32>
    %reduce_sum3A_1003 = vector.multi_reduction <add>, %reduce_sum3A_1001, %reduce_sum3A_1002 [1, 2] : vector<1x70x128xf32> to vector<1xf32>
    %reduce_sum3A_1004 = vector.shape_cast %reduce_sum3A_1003 : vector<1xf32> to vector<1x1x1xf32>
    %reduce_sum3A_1005 = vector.extract %reduce_sum3A_1004[0, 0, 0] : f32 from vector<1x1x1xf32>
    %mul3A_1006 = arith.constant 3.000000e+00 : f32
    %mul3A_1007 = arith.mulf %mul3A_1006, %reduce_sum3A_1005 : f32
    %min3A_1008 = arith.constant 8.731000e+03 : f32
    %min3A_1009 = arith.minimumf %mul3A_1007, %min3A_1008 : f32
    %jit3A_1010 = arith.constant 0.000000e+00 : f32
    %broadcast_in_dim3A_1011 = vector.broadcast %jit3A_1010 : f32 to vector<70x128xf32>
    %select_n3A_1012 = arith.select %or3A_746, %select_n3A_888, %broadcast_in_dim3A_1011 : vector<70x128xi1>, vector<70x128xf32>
    %convert_element_type3A_1013 = arith.fptosi %select_n3A_1012 : vector<70x128xf32> to vector<70x128xi32>
    %get3A_1014 = arith.constant 0 : index
    %get3A_1015 = arith.constant 0 : index
    %get3A_1016 = arith.constant 0 : index
    %get3A_1017 = arith.constant 0 : index
    %get3A_1018 = vector.load %arg4[%get3A_1014, %get3A_1015, %get3A_1016, %get3A_1017] : memref<1x21x70x128xf32, #tpu.memory_space<vmem>>, vector<1x1x70x128xf32>
    %get3A_1019 = vector.shape_cast %get3A_1018 : vector<1x1x70x128xf32> to vector<70x128xf32>
    %exp3A = math.exp %get3A_1019 : vector<70x128xf32>
    %eq3A_1020 = arith.constant 0 : i32
    %eq3A_1021 = vector.broadcast %eq3A_1020 : i32 to vector<70x128xi32>
    %eq3A_1022 = arith.cmpi eq, %convert_element_type3A_1013, %eq3A_1021 : vector<70x128xi32>
    %jit3A_1023 = arith.constant 0.000000e+00 : f32
    %broadcast_in_dim3A_1024 = vector.broadcast %jit3A_1023 : f32 to vector<70x128xf32>
    %select_n3A_1025 = arith.select %eq3A_1022, %get3A_1019, %broadcast_in_dim3A_1024 : vector<70x128xi1>, vector<70x128xf32>
    %get3A_1026 = arith.constant 0 : index
    %get3A_1027 = arith.constant 1 : index
    %get3A_1028 = arith.constant 0 : index
    %get3A_1029 = arith.constant 0 : index
    %get3A_1030 = vector.load %arg4[%get3A_1026, %get3A_1027, %get3A_1028, %get3A_1029] : memref<1x21x70x128xf32, #tpu.memory_space<vmem>>, vector<1x1x70x128xf32>
    %get3A_1031 = vector.shape_cast %get3A_1030 : vector<1x1x70x128xf32> to vector<70x128xf32>
    %exp3A_1032 = math.exp %get3A_1031 : vector<70x128xf32>
    %add3A_1033 = arith.addf %exp3A, %exp3A_1032 : vector<70x128xf32>
    %eq3A_1034 = arith.constant 1 : i32
    %eq3A_1035 = vector.broadcast %eq3A_1034 : i32 to vector<70x128xi32>
    %eq3A_1036 = arith.cmpi eq, %convert_element_type3A_1013, %eq3A_1035 : vector<70x128xi32>
    %jit3A_1037 = arith.constant 0.000000e+00 : f32
    %broadcast_in_dim3A_1038 = vector.broadcast %jit3A_1037 : f32 to vector<70x128xf32>
    %select_n3A_1039 = arith.select %eq3A_1036, %get3A_1031, %broadcast_in_dim3A_1038 : vector<70x128xi1>, vector<70x128xf32>
    %add3A_1040 = arith.addf %select_n3A_1025, %select_n3A_1039 : vector<70x128xf32>
    %get3A_1041 = arith.constant 0 : index
    %get3A_1042 = arith.constant 2 : index
    %get3A_1043 = arith.constant 0 : index
    %get3A_1044 = arith.constant 0 : index
    %get3A_1045 = vector.load %arg4[%get3A_1041, %get3A_1042, %get3A_1043, %get3A_1044] : memref<1x21x70x128xf32, #tpu.memory_space<vmem>>, vector<1x1x70x128xf32>
    %get3A_1046 = vector.shape_cast %get3A_1045 : vector<1x1x70x128xf32> to vector<70x128xf32>
    %exp3A_1047 = math.exp %get3A_1046 : vector<70x128xf32>
    %add3A_1048 = arith.addf %add3A_1033, %exp3A_1047 : vector<70x128xf32>
    %eq3A_1049 = arith.constant 2 : i32
    %eq3A_1050 = vector.broadcast %eq3A_1049 : i32 to vector<70x128xi32>
    %eq3A_1051 = arith.cmpi eq, %convert_element_type3A_1013, %eq3A_1050 : vector<70x128xi32>
    %jit3A_1052 = arith.constant 0.000000e+00 : f32
    %broadcast_in_dim3A_1053 = vector.broadcast %jit3A_1052 : f32 to vector<70x128xf32>
    %select_n3A_1054 = arith.select %eq3A_1051, %get3A_1046, %broadcast_in_dim3A_1053 : vector<70x128xi1>, vector<70x128xf32>
    %add3A_1055 = arith.addf %add3A_1040, %select_n3A_1054 : vector<70x128xf32>
    %get3A_1056 = arith.constant 0 : index
    %get3A_1057 = arith.constant 3 : index
    %get3A_1058 = arith.constant 0 : index
    %get3A_1059 = arith.constant 0 : index
    %get3A_1060 = vector.load %arg4[%get3A_1056, %get3A_1057, %get3A_1058, %get3A_1059] : memref<1x21x70x128xf32, #tpu.memory_space<vmem>>, vector<1x1x70x128xf32>
    %get3A_1061 = vector.shape_cast %get3A_1060 : vector<1x1x70x128xf32> to vector<70x128xf32>
    %exp3A_1062 = math.exp %get3A_1061 : vector<70x128xf32>
    %add3A_1063 = arith.addf %add3A_1048, %exp3A_1062 : vector<70x128xf32>
    %eq3A_1064 = arith.constant 3 : i32
    %eq3A_1065 = vector.broadcast %eq3A_1064 : i32 to vector<70x128xi32>
    %eq3A_1066 = arith.cmpi eq, %convert_element_type3A_1013, %eq3A_1065 : vector<70x128xi32>
    %jit3A_1067 = arith.constant 0.000000e+00 : f32
    %broadcast_in_dim3A_1068 = vector.broadcast %jit3A_1067 : f32 to vector<70x128xf32>
    %select_n3A_1069 = arith.select %eq3A_1066, %get3A_1061, %broadcast_in_dim3A_1068 : vector<70x128xi1>, vector<70x128xf32>
    %add3A_1070 = arith.addf %add3A_1055, %select_n3A_1069 : vector<70x128xf32>
    %get3A_1071 = arith.constant 0 : index
    %get3A_1072 = arith.constant 4 : index
    %get3A_1073 = arith.constant 0 : index
    %get3A_1074 = arith.constant 0 : index
    %get3A_1075 = vector.load %arg4[%get3A_1071, %get3A_1072, %get3A_1073, %get3A_1074] : memref<1x21x70x128xf32, #tpu.memory_space<vmem>>, vector<1x1x70x128xf32>
    %get3A_1076 = vector.shape_cast %get3A_1075 : vector<1x1x70x128xf32> to vector<70x128xf32>
    %exp3A_1077 = math.exp %get3A_1076 : vector<70x128xf32>
    %add3A_1078 = arith.addf %add3A_1063, %exp3A_1077 : vector<70x128xf32>
    %eq3A_1079 = arith.constant 4 : i32
    %eq3A_1080 = vector.broadcast %eq3A_1079 : i32 to vector<70x128xi32>
    %eq3A_1081 = arith.cmpi eq, %convert_element_type3A_1013, %eq3A_1080 : vector<70x128xi32>
    %jit3A_1082 = arith.constant 0.000000e+00 : f32
    %broadcast_in_dim3A_1083 = vector.broadcast %jit3A_1082 : f32 to vector<70x128xf32>
    %select_n3A_1084 = arith.select %eq3A_1081, %get3A_1076, %broadcast_in_dim3A_1083 : vector<70x128xi1>, vector<70x128xf32>
    %add3A_1085 = arith.addf %add3A_1070, %select_n3A_1084 : vector<70x128xf32>
    %get3A_1086 = arith.constant 0 : index
    %get3A_1087 = arith.constant 5 : index
    %get3A_1088 = arith.constant 0 : index
    %get3A_1089 = arith.constant 0 : index
    %get3A_1090 = vector.load %arg4[%get3A_1086, %get3A_1087, %get3A_1088, %get3A_1089] : memref<1x21x70x128xf32, #tpu.memory_space<vmem>>, vector<1x1x70x128xf32>
    %get3A_1091 = vector.shape_cast %get3A_1090 : vector<1x1x70x128xf32> to vector<70x128xf32>
    %exp3A_1092 = math.exp %get3A_1091 : vector<70x128xf32>
    %add3A_1093 = arith.addf %add3A_1078, %exp3A_1092 : vector<70x128xf32>
    %eq3A_1094 = arith.constant 5 : i32
    %eq3A_1095 = vector.broadcast %eq3A_1094 : i32 to vector<70x128xi32>
    %eq3A_1096 = arith.cmpi eq, %convert_element_type3A_1013, %eq3A_1095 : vector<70x128xi32>
    %jit3A_1097 = arith.constant 0.000000e+00 : f32
    %broadcast_in_dim3A_1098 = vector.broadcast %jit3A_1097 : f32 to vector<70x128xf32>
    %select_n3A_1099 = arith.select %eq3A_1096, %get3A_1091, %broadcast_in_dim3A_1098 : vector<70x128xi1>, vector<70x128xf32>
    %add3A_1100 = arith.addf %add3A_1085, %select_n3A_1099 : vector<70x128xf32>
    %get3A_1101 = arith.constant 0 : index
    %get3A_1102 = arith.constant 6 : index
    %get3A_1103 = arith.constant 0 : index
    %get3A_1104 = arith.constant 0 : index
    %get3A_1105 = vector.load %arg4[%get3A_1101, %get3A_1102, %get3A_1103, %get3A_1104] : memref<1x21x70x128xf32, #tpu.memory_space<vmem>>, vector<1x1x70x128xf32>
    %get3A_1106 = vector.shape_cast %get3A_1105 : vector<1x1x70x128xf32> to vector<70x128xf32>
    %exp3A_1107 = math.exp %get3A_1106 : vector<70x128xf32>
    %add3A_1108 = arith.addf %add3A_1093, %exp3A_1107 : vector<70x128xf32>
    %eq3A_1109 = arith.constant 6 : i32
    %eq3A_1110 = vector.broadcast %eq3A_1109 : i32 to vector<70x128xi32>
    %eq3A_1111 = arith.cmpi eq, %convert_element_type3A_1013, %eq3A_1110 : vector<70x128xi32>
    %jit3A_1112 = arith.constant 0.000000e+00 : f32
    %broadcast_in_dim3A_1113 = vector.broadcast %jit3A_1112 : f32 to vector<70x128xf32>
    %select_n3A_1114 = arith.select %eq3A_1111, %get3A_1106, %broadcast_in_dim3A_1113 : vector<70x128xi1>, vector<70x128xf32>
    %add3A_1115 = arith.addf %add3A_1100, %select_n3A_1114 : vector<70x128xf32>
    %get3A_1116 = arith.constant 0 : index
    %get3A_1117 = arith.constant 7 : index
    %get3A_1118 = arith.constant 0 : index
    %get3A_1119 = arith.constant 0 : index
    %get3A_1120 = vector.load %arg4[%get3A_1116, %get3A_1117, %get3A_1118, %get3A_1119] : memref<1x21x70x128xf32, #tpu.memory_space<vmem>>, vector<1x1x70x128xf32>
    %get3A_1121 = vector.shape_cast %get3A_1120 : vector<1x1x70x128xf32> to vector<70x128xf32>
    %exp3A_1122 = math.exp %get3A_1121 : vector<70x128xf32>
    %add3A_1123 = arith.addf %add3A_1108, %exp3A_1122 : vector<70x128xf32>
    %eq3A_1124 = arith.constant 7 : i32
    %eq3A_1125 = vector.broadcast %eq3A_1124 : i32 to vector<70x128xi32>
    %eq3A_1126 = arith.cmpi eq, %convert_element_type3A_1013, %eq3A_1125 : vector<70x128xi32>
    %jit3A_1127 = arith.constant 0.000000e+00 : f32
    %broadcast_in_dim3A_1128 = vector.broadcast %jit3A_1127 : f32 to vector<70x128xf32>
    %select_n3A_1129 = arith.select %eq3A_1126, %get3A_1121, %broadcast_in_dim3A_1128 : vector<70x128xi1>, vector<70x128xf32>
    %add3A_1130 = arith.addf %add3A_1115, %select_n3A_1129 : vector<70x128xf32>
    %get3A_1131 = arith.constant 0 : index
    %get3A_1132 = arith.constant 8 : index
    %get3A_1133 = arith.constant 0 : index
    %get3A_1134 = arith.constant 0 : index
    %get3A_1135 = vector.load %arg4[%get3A_1131, %get3A_1132, %get3A_1133, %get3A_1134] : memref<1x21x70x128xf32, #tpu.memory_space<vmem>>, vector<1x1x70x128xf32>
    %get3A_1136 = vector.shape_cast %get3A_1135 : vector<1x1x70x128xf32> to vector<70x128xf32>
    %exp3A_1137 = math.exp %get3A_1136 : vector<70x128xf32>
    %add3A_1138 = arith.addf %add3A_1123, %exp3A_1137 : vector<70x128xf32>
    %eq3A_1139 = arith.constant 8 : i32
    %eq3A_1140 = vector.broadcast %eq3A_1139 : i32 to vector<70x128xi32>
    %eq3A_1141 = arith.cmpi eq, %convert_element_type3A_1013, %eq3A_1140 : vector<70x128xi32>
    %jit3A_1142 = arith.constant 0.000000e+00 : f32
    %broadcast_in_dim3A_1143 = vector.broadcast %jit3A_1142 : f32 to vector<70x128xf32>
    %select_n3A_1144 = arith.select %eq3A_1141, %get3A_1136, %broadcast_in_dim3A_1143 : vector<70x128xi1>, vector<70x128xf32>
    %add3A_1145 = arith.addf %add3A_1130, %select_n3A_1144 : vector<70x128xf32>
    %get3A_1146 = arith.constant 0 : index
    %get3A_1147 = arith.constant 9 : index
    %get3A_1148 = arith.constant 0 : index
    %get3A_1149 = arith.constant 0 : index
    %get3A_1150 = vector.load %arg4[%get3A_1146, %get3A_1147, %get3A_1148, %get3A_1149] : memref<1x21x70x128xf32, #tpu.memory_space<vmem>>, vector<1x1x70x128xf32>
    %get3A_1151 = vector.shape_cast %get3A_1150 : vector<1x1x70x128xf32> to vector<70x128xf32>
    %exp3A_1152 = math.exp %get3A_1151 : vector<70x128xf32>
    %add3A_1153 = arith.addf %add3A_1138, %exp3A_1152 : vector<70x128xf32>
    %eq3A_1154 = arith.constant 9 : i32
    %eq3A_1155 = vector.broadcast %eq3A_1154 : i32 to vector<70x128xi32>
    %eq3A_1156 = arith.cmpi eq, %convert_element_type3A_1013, %eq3A_1155 : vector<70x128xi32>
    %jit3A_1157 = arith.constant 0.000000e+00 : f32
    %broadcast_in_dim3A_1158 = vector.broadcast %jit3A_1157 : f32 to vector<70x128xf32>
    %select_n3A_1159 = arith.select %eq3A_1156, %get3A_1151, %broadcast_in_dim3A_1158 : vector<70x128xi1>, vector<70x128xf32>
    %add3A_1160 = arith.addf %add3A_1145, %select_n3A_1159 : vector<70x128xf32>
    %get3A_1161 = arith.constant 0 : index
    %get3A_1162 = arith.constant 10 : index
    %get3A_1163 = arith.constant 0 : index
    %get3A_1164 = arith.constant 0 : index
    %get3A_1165 = vector.load %arg4[%get3A_1161, %get3A_1162, %get3A_1163, %get3A_1164] : memref<1x21x70x128xf32, #tpu.memory_space<vmem>>, vector<1x1x70x128xf32>
    %get3A_1166 = vector.shape_cast %get3A_1165 : vector<1x1x70x128xf32> to vector<70x128xf32>
    %exp3A_1167 = math.exp %get3A_1166 : vector<70x128xf32>
    %add3A_1168 = arith.addf %add3A_1153, %exp3A_1167 : vector<70x128xf32>
    %eq3A_1169 = arith.constant 10 : i32
    %eq3A_1170 = vector.broadcast %eq3A_1169 : i32 to vector<70x128xi32>
    %eq3A_1171 = arith.cmpi eq, %convert_element_type3A_1013, %eq3A_1170 : vector<70x128xi32>
    %jit3A_1172 = arith.constant 0.000000e+00 : f32
    %broadcast_in_dim3A_1173 = vector.broadcast %jit3A_1172 : f32 to vector<70x128xf32>
    %select_n3A_1174 = arith.select %eq3A_1171, %get3A_1166, %broadcast_in_dim3A_1173 : vector<70x128xi1>, vector<70x128xf32>
    %add3A_1175 = arith.addf %add3A_1160, %select_n3A_1174 : vector<70x128xf32>
    %get3A_1176 = arith.constant 0 : index
    %get3A_1177 = arith.constant 11 : index
    %get3A_1178 = arith.constant 0 : index
    %get3A_1179 = arith.constant 0 : index
    %get3A_1180 = vector.load %arg4[%get3A_1176, %get3A_1177, %get3A_1178, %get3A_1179] : memref<1x21x70x128xf32, #tpu.memory_space<vmem>>, vector<1x1x70x128xf32>
    %get3A_1181 = vector.shape_cast %get3A_1180 : vector<1x1x70x128xf32> to vector<70x128xf32>
    %exp3A_1182 = math.exp %get3A_1181 : vector<70x128xf32>
    %add3A_1183 = arith.addf %add3A_1168, %exp3A_1182 : vector<70x128xf32>
    %eq3A_1184 = arith.constant 11 : i32
    %eq3A_1185 = vector.broadcast %eq3A_1184 : i32 to vector<70x128xi32>
    %eq3A_1186 = arith.cmpi eq, %convert_element_type3A_1013, %eq3A_1185 : vector<70x128xi32>
    %jit3A_1187 = arith.constant 0.000000e+00 : f32
    %broadcast_in_dim3A_1188 = vector.broadcast %jit3A_1187 : f32 to vector<70x128xf32>
    %select_n3A_1189 = arith.select %eq3A_1186, %get3A_1181, %broadcast_in_dim3A_1188 : vector<70x128xi1>, vector<70x128xf32>
    %add3A_1190 = arith.addf %add3A_1175, %select_n3A_1189 : vector<70x128xf32>
    %get3A_1191 = arith.constant 0 : index
    %get3A_1192 = arith.constant 12 : index
    %get3A_1193 = arith.constant 0 : index
    %get3A_1194 = arith.constant 0 : index
    %get3A_1195 = vector.load %arg4[%get3A_1191, %get3A_1192, %get3A_1193, %get3A_1194] : memref<1x21x70x128xf32, #tpu.memory_space<vmem>>, vector<1x1x70x128xf32>
    %get3A_1196 = vector.shape_cast %get3A_1195 : vector<1x1x70x128xf32> to vector<70x128xf32>
    %exp3A_1197 = math.exp %get3A_1196 : vector<70x128xf32>
    %add3A_1198 = arith.addf %add3A_1183, %exp3A_1197 : vector<70x128xf32>
    %eq3A_1199 = arith.constant 12 : i32
    %eq3A_1200 = vector.broadcast %eq3A_1199 : i32 to vector<70x128xi32>
    %eq3A_1201 = arith.cmpi eq, %convert_element_type3A_1013, %eq3A_1200 : vector<70x128xi32>
    %jit3A_1202 = arith.constant 0.000000e+00 : f32
    %broadcast_in_dim3A_1203 = vector.broadcast %jit3A_1202 : f32 to vector<70x128xf32>
    %select_n3A_1204 = arith.select %eq3A_1201, %get3A_1196, %broadcast_in_dim3A_1203 : vector<70x128xi1>, vector<70x128xf32>
    %add3A_1205 = arith.addf %add3A_1190, %select_n3A_1204 : vector<70x128xf32>
    %get3A_1206 = arith.constant 0 : index
    %get3A_1207 = arith.constant 13 : index
    %get3A_1208 = arith.constant 0 : index
    %get3A_1209 = arith.constant 0 : index
    %get3A_1210 = vector.load %arg4[%get3A_1206, %get3A_1207, %get3A_1208, %get3A_1209] : memref<1x21x70x128xf32, #tpu.memory_space<vmem>>, vector<1x1x70x128xf32>
    %get3A_1211 = vector.shape_cast %get3A_1210 : vector<1x1x70x128xf32> to vector<70x128xf32>
    %exp3A_1212 = math.exp %get3A_1211 : vector<70x128xf32>
    %add3A_1213 = arith.addf %add3A_1198, %exp3A_1212 : vector<70x128xf32>
    %eq3A_1214 = arith.constant 13 : i32
    %eq3A_1215 = vector.broadcast %eq3A_1214 : i32 to vector<70x128xi32>
    %eq3A_1216 = arith.cmpi eq, %convert_element_type3A_1013, %eq3A_1215 : vector<70x128xi32>
    %jit3A_1217 = arith.constant 0.000000e+00 : f32
    %broadcast_in_dim3A_1218 = vector.broadcast %jit3A_1217 : f32 to vector<70x128xf32>
    %select_n3A_1219 = arith.select %eq3A_1216, %get3A_1211, %broadcast_in_dim3A_1218 : vector<70x128xi1>, vector<70x128xf32>
    %add3A_1220 = arith.addf %add3A_1205, %select_n3A_1219 : vector<70x128xf32>
    %get3A_1221 = arith.constant 0 : index
    %get3A_1222 = arith.constant 14 : index
    %get3A_1223 = arith.constant 0 : index
    %get3A_1224 = arith.constant 0 : index
    %get3A_1225 = vector.load %arg4[%get3A_1221, %get3A_1222, %get3A_1223, %get3A_1224] : memref<1x21x70x128xf32, #tpu.memory_space<vmem>>, vector<1x1x70x128xf32>
    %get3A_1226 = vector.shape_cast %get3A_1225 : vector<1x1x70x128xf32> to vector<70x128xf32>
    %exp3A_1227 = math.exp %get3A_1226 : vector<70x128xf32>
    %add3A_1228 = arith.addf %add3A_1213, %exp3A_1227 : vector<70x128xf32>
    %eq3A_1229 = arith.constant 14 : i32
    %eq3A_1230 = vector.broadcast %eq3A_1229 : i32 to vector<70x128xi32>
    %eq3A_1231 = arith.cmpi eq, %convert_element_type3A_1013, %eq3A_1230 : vector<70x128xi32>
    %jit3A_1232 = arith.constant 0.000000e+00 : f32
    %broadcast_in_dim3A_1233 = vector.broadcast %jit3A_1232 : f32 to vector<70x128xf32>
    %select_n3A_1234 = arith.select %eq3A_1231, %get3A_1226, %broadcast_in_dim3A_1233 : vector<70x128xi1>, vector<70x128xf32>
    %add3A_1235 = arith.addf %add3A_1220, %select_n3A_1234 : vector<70x128xf32>
    %get3A_1236 = arith.constant 0 : index
    %get3A_1237 = arith.constant 15 : index
    %get3A_1238 = arith.constant 0 : index
    %get3A_1239 = arith.constant 0 : index
    %get3A_1240 = vector.load %arg4[%get3A_1236, %get3A_1237, %get3A_1238, %get3A_1239] : memref<1x21x70x128xf32, #tpu.memory_space<vmem>>, vector<1x1x70x128xf32>
    %get3A_1241 = vector.shape_cast %get3A_1240 : vector<1x1x70x128xf32> to vector<70x128xf32>
    %exp3A_1242 = math.exp %get3A_1241 : vector<70x128xf32>
    %add3A_1243 = arith.addf %add3A_1228, %exp3A_1242 : vector<70x128xf32>
    %eq3A_1244 = arith.constant 15 : i32
    %eq3A_1245 = vector.broadcast %eq3A_1244 : i32 to vector<70x128xi32>
    %eq3A_1246 = arith.cmpi eq, %convert_element_type3A_1013, %eq3A_1245 : vector<70x128xi32>
    %jit3A_1247 = arith.constant 0.000000e+00 : f32
    %broadcast_in_dim3A_1248 = vector.broadcast %jit3A_1247 : f32 to vector<70x128xf32>
    %select_n3A_1249 = arith.select %eq3A_1246, %get3A_1241, %broadcast_in_dim3A_1248 : vector<70x128xi1>, vector<70x128xf32>
    %add3A_1250 = arith.addf %add3A_1235, %select_n3A_1249 : vector<70x128xf32>
    %get3A_1251 = arith.constant 0 : index
    %get3A_1252 = arith.constant 16 : index
    %get3A_1253 = arith.constant 0 : index
    %get3A_1254 = arith.constant 0 : index
    %get3A_1255 = vector.load %arg4[%get3A_1251, %get3A_1252, %get3A_1253, %get3A_1254] : memref<1x21x70x128xf32, #tpu.memory_space<vmem>>, vector<1x1x70x128xf32>
    %get3A_1256 = vector.shape_cast %get3A_1255 : vector<1x1x70x128xf32> to vector<70x128xf32>
    %exp3A_1257 = math.exp %get3A_1256 : vector<70x128xf32>
    %add3A_1258 = arith.addf %add3A_1243, %exp3A_1257 : vector<70x128xf32>
    %eq3A_1259 = arith.constant 16 : i32
    %eq3A_1260 = vector.broadcast %eq3A_1259 : i32 to vector<70x128xi32>
    %eq3A_1261 = arith.cmpi eq, %convert_element_type3A_1013, %eq3A_1260 : vector<70x128xi32>
    %jit3A_1262 = arith.constant 0.000000e+00 : f32
    %broadcast_in_dim3A_1263 = vector.broadcast %jit3A_1262 : f32 to vector<70x128xf32>
    %select_n3A_1264 = arith.select %eq3A_1261, %get3A_1256, %broadcast_in_dim3A_1263 : vector<70x128xi1>, vector<70x128xf32>
    %add3A_1265 = arith.addf %add3A_1250, %select_n3A_1264 : vector<70x128xf32>
    %get3A_1266 = arith.constant 0 : index
    %get3A_1267 = arith.constant 17 : index
    %get3A_1268 = arith.constant 0 : index
    %get3A_1269 = arith.constant 0 : index
    %get3A_1270 = vector.load %arg4[%get3A_1266, %get3A_1267, %get3A_1268, %get3A_1269] : memref<1x21x70x128xf32, #tpu.memory_space<vmem>>, vector<1x1x70x128xf32>
    %get3A_1271 = vector.shape_cast %get3A_1270 : vector<1x1x70x128xf32> to vector<70x128xf32>
    %exp3A_1272 = math.exp %get3A_1271 : vector<70x128xf32>
    %add3A_1273 = arith.addf %add3A_1258, %exp3A_1272 : vector<70x128xf32>
    %eq3A_1274 = arith.constant 17 : i32
    %eq3A_1275 = vector.broadcast %eq3A_1274 : i32 to vector<70x128xi32>
    %eq3A_1276 = arith.cmpi eq, %convert_element_type3A_1013, %eq3A_1275 : vector<70x128xi32>
    %jit3A_1277 = arith.constant 0.000000e+00 : f32
    %broadcast_in_dim3A_1278 = vector.broadcast %jit3A_1277 : f32 to vector<70x128xf32>
    %select_n3A_1279 = arith.select %eq3A_1276, %get3A_1271, %broadcast_in_dim3A_1278 : vector<70x128xi1>, vector<70x128xf32>
    %add3A_1280 = arith.addf %add3A_1265, %select_n3A_1279 : vector<70x128xf32>
    %get3A_1281 = arith.constant 0 : index
    %get3A_1282 = arith.constant 18 : index
    %get3A_1283 = arith.constant 0 : index
    %get3A_1284 = arith.constant 0 : index
    %get3A_1285 = vector.load %arg4[%get3A_1281, %get3A_1282, %get3A_1283, %get3A_1284] : memref<1x21x70x128xf32, #tpu.memory_space<vmem>>, vector<1x1x70x128xf32>
    %get3A_1286 = vector.shape_cast %get3A_1285 : vector<1x1x70x128xf32> to vector<70x128xf32>
    %exp3A_1287 = math.exp %get3A_1286 : vector<70x128xf32>
    %add3A_1288 = arith.addf %add3A_1273, %exp3A_1287 : vector<70x128xf32>
    %eq3A_1289 = arith.constant 18 : i32
    %eq3A_1290 = vector.broadcast %eq3A_1289 : i32 to vector<70x128xi32>
    %eq3A_1291 = arith.cmpi eq, %convert_element_type3A_1013, %eq3A_1290 : vector<70x128xi32>
    %jit3A_1292 = arith.constant 0.000000e+00 : f32
    %broadcast_in_dim3A_1293 = vector.broadcast %jit3A_1292 : f32 to vector<70x128xf32>
    %select_n3A_1294 = arith.select %eq3A_1291, %get3A_1286, %broadcast_in_dim3A_1293 : vector<70x128xi1>, vector<70x128xf32>
    %add3A_1295 = arith.addf %add3A_1280, %select_n3A_1294 : vector<70x128xf32>
    %get3A_1296 = arith.constant 0 : index
    %get3A_1297 = arith.constant 19 : index
    %get3A_1298 = arith.constant 0 : index
    %get3A_1299 = arith.constant 0 : index
    %get3A_1300 = vector.load %arg4[%get3A_1296, %get3A_1297, %get3A_1298, %get3A_1299] : memref<1x21x70x128xf32, #tpu.memory_space<vmem>>, vector<1x1x70x128xf32>
    %get3A_1301 = vector.shape_cast %get3A_1300 : vector<1x1x70x128xf32> to vector<70x128xf32>
    %exp3A_1302 = math.exp %get3A_1301 : vector<70x128xf32>
    %add3A_1303 = arith.addf %add3A_1288, %exp3A_1302 : vector<70x128xf32>
    %eq3A_1304 = arith.constant 19 : i32
    %eq3A_1305 = vector.broadcast %eq3A_1304 : i32 to vector<70x128xi32>
    %eq3A_1306 = arith.cmpi eq, %convert_element_type3A_1013, %eq3A_1305 : vector<70x128xi32>
    %jit3A_1307 = arith.constant 0.000000e+00 : f32
    %broadcast_in_dim3A_1308 = vector.broadcast %jit3A_1307 : f32 to vector<70x128xf32>
    %select_n3A_1309 = arith.select %eq3A_1306, %get3A_1301, %broadcast_in_dim3A_1308 : vector<70x128xi1>, vector<70x128xf32>
    %add3A_1310 = arith.addf %add3A_1295, %select_n3A_1309 : vector<70x128xf32>
    %get3A_1311 = arith.constant 0 : index
    %get3A_1312 = arith.constant 20 : index
    %get3A_1313 = arith.constant 0 : index
    %get3A_1314 = arith.constant 0 : index
    %get3A_1315 = vector.load %arg4[%get3A_1311, %get3A_1312, %get3A_1313, %get3A_1314] : memref<1x21x70x128xf32, #tpu.memory_space<vmem>>, vector<1x1x70x128xf32>
    %get3A_1316 = vector.shape_cast %get3A_1315 : vector<1x1x70x128xf32> to vector<70x128xf32>
    %exp3A_1317 = math.exp %get3A_1316 : vector<70x128xf32>
    %add3A_1318 = arith.addf %add3A_1303, %exp3A_1317 : vector<70x128xf32>
    %eq3A_1319 = arith.constant 20 : i32
    %eq3A_1320 = vector.broadcast %eq3A_1319 : i32 to vector<70x128xi32>
    %eq3A_1321 = arith.cmpi eq, %convert_element_type3A_1013, %eq3A_1320 : vector<70x128xi32>
    %jit3A_1322 = arith.constant 0.000000e+00 : f32
    %broadcast_in_dim3A_1323 = vector.broadcast %jit3A_1322 : f32 to vector<70x128xf32>
    %select_n3A_1324 = arith.select %eq3A_1321, %get3A_1316, %broadcast_in_dim3A_1323 : vector<70x128xi1>, vector<70x128xf32>
    %add3A_1325 = arith.addf %add3A_1310, %select_n3A_1324 : vector<70x128xf32>
    %log3A_1326 = math.log %add3A_1318 : vector<70x128xf32>
    %sub3A_1327 = arith.subf %log3A_1326, %add3A_1325 : vector<70x128xf32>
    %mul3A_1328 = arith.mulf %sub3A_1327, %convert_element_type3A_747 : vector<70x128xf32>
    %reduce_sum3A_1329 = vector.shape_cast %mul3A_1328 : vector<70x128xf32> to vector<1x70x128xf32>
    %reduce_sum3A_1330 = arith.constant dense<0.000000e+00> : vector<1xf32>
    %reduce_sum3A_1331 = vector.multi_reduction <add>, %reduce_sum3A_1329, %reduce_sum3A_1330 [1, 2] : vector<1x70x128xf32> to vector<1xf32>
    %reduce_sum3A_1332 = vector.shape_cast %reduce_sum3A_1331 : vector<1xf32> to vector<1x1x1xf32>
    %reduce_sum3A_1333 = vector.extract %reduce_sum3A_1332[0, 0, 0] : f32 from vector<1x1x1xf32>
    %sub3A_1334 = arith.subf %log3A_1326, %get3A_1019 : vector<70x128xf32>
    %sub3A_1335 = arith.constant 1.000000e+00 : f32
    %sub3A_1336 = vector.broadcast %sub3A_1335 : f32 to vector<70x128xf32>
    %sub3A_1337 = arith.subf %sub3A_1336, %convert_element_type3A_747 : vector<70x128xf32>
    %mul3A_1338 = arith.mulf %sub3A_1334, %sub3A_1337 : vector<70x128xf32>
    %jit3A_1339 = arith.constant 0.000000e+00 : f32
    %broadcast_in_dim3A_1340 = vector.broadcast %jit3A_1339 : f32 to vector<70x128xf32>
    %select_n3A_1341 = arith.select %lt3A_26, %mul3A_1338, %broadcast_in_dim3A_1340 : vector<70x128xi1>, vector<70x128xf32>
    %swap3A = arith.constant 0 : index
    %swap3A_1342 = arith.constant 0 : index
    %swap3A_1343 = arith.constant 0 : index
    %swap3A_1344 = vector.load %arg6[%swap3A, %swap3A_1342, %swap3A_1343] : memref<1x70x128xf32, #tpu.memory_space<vmem>>, vector<1x70x128xf32>
    %swap3A_1345 = vector.shape_cast %swap3A_1344 : vector<1x70x128xf32> to vector<70x128xf32>
    %swap3A_1346 = vector.shape_cast %select_n3A_1341 : vector<70x128xf32> to vector<1x70x128xf32>
    tpu.vector_store %arg6[%swap3A, %swap3A_1342, %swap3A_1343], %swap3A_1346 {strides = array<i32>} : memref<1x70x128xf32, #tpu.memory_space<vmem>>, vector<1x70x128xf32>,
    %swap3A_1347 = arith.constant 0 : index
    %swap3A_1348 = arith.constant 0 : index
    %swap3A_1349 = arith.constant 0 : index
    %swap3A_1350 = memref.load %arg5[%swap3A_1347, %swap3A_1348, %swap3A_1349] : memref<1x2x16xf32, #tpu.memory_space<smem>>
    memref.store %add3A_1000, %arg5[%swap3A_1347, %swap3A_1348, %swap3A_1349] : memref<1x2x16xf32, #tpu.memory_space<smem>>
    %swap3A_1351 = arith.constant 0 : index
    %swap3A_1352 = arith.constant 0 : index
    %swap3A_1353 = arith.constant 1 : index
    %swap3A_1354 = memref.load %arg5[%swap3A_1351, %swap3A_1352, %swap3A_1353] : memref<1x2x16xf32, #tpu.memory_space<smem>>
    memref.store %reduce_sum3A_1333, %arg5[%swap3A_1351, %swap3A_1352, %swap3A_1353] : memref<1x2x16xf32, #tpu.memory_space<smem>>
    %swap3A_1355 = arith.constant 0 : index
    %swap3A_1356 = arith.constant 0 : index
    %swap3A_1357 = arith.constant 2 : index
    %swap3A_1358 = memref.load %arg5[%swap3A_1355, %swap3A_1356, %swap3A_1357] : memref<1x2x16xf32, #tpu.memory_space<smem>>
    memref.store %reduce_sum3A_1005, %arg5[%swap3A_1355, %swap3A_1356, %swap3A_1357] : memref<1x2x16xf32, #tpu.memory_space<smem>>
    %swap3A_1359 = arith.constant 0 : index
    %swap3A_1360 = arith.constant 0 : index
    %swap3A_1361 = arith.constant 3 : index
    %swap3A_1362 = memref.load %arg5[%swap3A_1359, %swap3A_1360, %swap3A_1361] : memref<1x2x16xf32, #tpu.memory_space<smem>>
    memref.store %min3A_1009, %arg5[%swap3A_1359, %swap3A_1360, %swap3A_1361] : memref<1x2x16xf32, #tpu.memory_space<smem>>
    %swap3A_1363 = arith.constant 0.000000e+00 : f32
    %swap3A_1364 = arith.constant 0 : index
    %swap3A_1365 = arith.constant 0 : index
    %swap3A_1366 = arith.constant 4 : index
    %swap3A_1367 = memref.load %arg5[%swap3A_1364, %swap3A_1365, %swap3A_1366] : memref<1x2x16xf32, #tpu.memory_space<smem>>
    memref.store %swap3A_1363, %arg5[%swap3A_1364, %swap3A_1365, %swap3A_1366] : memref<1x2x16xf32, #tpu.memory_space<smem>>
    %swap3A_1368 = arith.constant 0.000000e+00 : f32
    %swap3A_1369 = arith.constant 0 : index
    %swap3A_1370 = arith.constant 0 : index
    %swap3A_1371 = arith.constant 5 : index
    %swap3A_1372 = memref.load %arg5[%swap3A_1369, %swap3A_1370, %swap3A_1371] : memref<1x2x16xf32, #tpu.memory_space<smem>>
    memref.store %swap3A_1368, %arg5[%swap3A_1369, %swap3A_1370, %swap3A_1371] : memref<1x2x16xf32, #tpu.memory_space<smem>>
    %swap3A_1373 = arith.constant 0.000000e+00 : f32
    %swap3A_1374 = arith.constant 0 : index
    %swap3A_1375 = arith.constant 0 : index
    %swap3A_1376 = arith.constant 6 : index
    %swap3A_1377 = memref.load %arg5[%swap3A_1374, %swap3A_1375, %swap3A_1376] : memref<1x2x16xf32, #tpu.memory_space<smem>>
    memref.store %swap3A_1373, %arg5[%swap3A_1374, %swap3A_1375, %swap3A_1376] : memref<1x2x16xf32, #tpu.memory_space<smem>>
    %swap3A_1378 = arith.constant 0.000000e+00 : f32
    %swap3A_1379 = arith.constant 0 : index
    %swap3A_1380 = arith.constant 0 : index
    %swap3A_1381 = arith.constant 7 : index
    %swap3A_1382 = memref.load %arg5[%swap3A_1379, %swap3A_1380, %swap3A_1381] : memref<1x2x16xf32, #tpu.memory_space<smem>>
    memref.store %swap3A_1378, %arg5[%swap3A_1379, %swap3A_1380, %swap3A_1381] : memref<1x2x16xf32, #tpu.memory_space<smem>>
    %swap3A_1383 = arith.constant 0.000000e+00 : f32
    %swap3A_1384 = arith.constant 0 : index
    %swap3A_1385 = arith.constant 0 : index
    %swap3A_1386 = arith.constant 8 : index
    %swap3A_1387 = memref.load %arg5[%swap3A_1384, %swap3A_1385, %swap3A_1386] : memref<1x2x16xf32, #tpu.memory_space<smem>>
    memref.store %swap3A_1383, %arg5[%swap3A_1384, %swap3A_1385, %swap3A_1386] : memref<1x2x16xf32, #tpu.memory_space<smem>>
    %swap3A_1388 = arith.constant 0.000000e+00 : f32
    %swap3A_1389 = arith.constant 0 : index
    %swap3A_1390 = arith.constant 0 : index
    %swap3A_1391 = arith.constant 9 : index
    %swap3A_1392 = memref.load %arg5[%swap3A_1389, %swap3A_1390, %swap3A_1391] : memref<1x2x16xf32, #tpu.memory_space<smem>>
    memref.store %swap3A_1388, %arg5[%swap3A_1389, %swap3A_1390, %swap3A_1391] : memref<1x2x16xf32, #tpu.memory_space<smem>>
    %swap3A_1393 = arith.constant 0.000000e+00 : f32
    %swap3A_1394 = arith.constant 0 : index
    %swap3A_1395 = arith.constant 0 : index
    %swap3A_1396 = arith.constant 10 : index
    %swap3A_1397 = memref.load %arg5[%swap3A_1394, %swap3A_1395, %swap3A_1396] : memref<1x2x16xf32, #tpu.memory_space<smem>>
    memref.store %swap3A_1393, %arg5[%swap3A_1394, %swap3A_1395, %swap3A_1396] : memref<1x2x16xf32, #tpu.memory_space<smem>>
    %swap3A_1398 = arith.constant 0.000000e+00 : f32
    %swap3A_1399 = arith.constant 0 : index
    %swap3A_1400 = arith.constant 0 : index
    %swap3A_1401 = arith.constant 11 : index
    %swap3A_1402 = memref.load %arg5[%swap3A_1399, %swap3A_1400, %swap3A_1401] : memref<1x2x16xf32, #tpu.memory_space<smem>>
    memref.store %swap3A_1398, %arg5[%swap3A_1399, %swap3A_1400, %swap3A_1401] : memref<1x2x16xf32, #tpu.memory_space<smem>>
    %swap3A_1403 = arith.constant 0.000000e+00 : f32
    %swap3A_1404 = arith.constant 0 : index
    %swap3A_1405 = arith.constant 0 : index
    %swap3A_1406 = arith.constant 12 : index
    %swap3A_1407 = memref.load %arg5[%swap3A_1404, %swap3A_1405, %swap3A_1406] : memref<1x2x16xf32, #tpu.memory_space<smem>>
    memref.store %swap3A_1403, %arg5[%swap3A_1404, %swap3A_1405, %swap3A_1406] : memref<1x2x16xf32, #tpu.memory_space<smem>>
    %swap3A_1408 = arith.constant 0.000000e+00 : f32
    %swap3A_1409 = arith.constant 0 : index
    %swap3A_1410 = arith.constant 0 : index
    %swap3A_1411 = arith.constant 13 : index
    %swap3A_1412 = memref.load %arg5[%swap3A_1409, %swap3A_1410, %swap3A_1411] : memref<1x2x16xf32, #tpu.memory_space<smem>>
    memref.store %swap3A_1408, %arg5[%swap3A_1409, %swap3A_1410, %swap3A_1411] : memref<1x2x16xf32, #tpu.memory_space<smem>>
    %swap3A_1413 = arith.constant 0.000000e+00 : f32
    %swap3A_1414 = arith.constant 0 : index
    %swap3A_1415 = arith.constant 0 : index
    %swap3A_1416 = arith.constant 14 : index
    %swap3A_1417 = memref.load %arg5[%swap3A_1414, %swap3A_1415, %swap3A_1416] : memref<1x2x16xf32, #tpu.memory_space<smem>>
    memref.store %swap3A_1413, %arg5[%swap3A_1414, %swap3A_1415, %swap3A_1416] : memref<1x2x16xf32, #tpu.memory_space<smem>>
    %swap3A_1418 = arith.constant 0.000000e+00 : f32
    %swap3A_1419 = arith.constant 0 : index
    %swap3A_1420 = arith.constant 0 : index
    %swap3A_1421 = arith.constant 15 : index
    %swap3A_1422 = memref.load %arg5[%swap3A_1419, %swap3A_1420, %swap3A_1421] : memref<1x2x16xf32, #tpu.memory_space<smem>>
    memref.store %swap3A_1418, %arg5[%swap3A_1419, %swap3A_1420, %swap3A_1421] : memref<1x2x16xf32, #tpu.memory_space<smem>>
    %swap3A_1423 = arith.constant 0 : index
    %swap3A_1424 = arith.constant 1 : index
    %swap3A_1425 = arith.constant 0 : index
    %swap3A_1426 = memref.load %arg5[%swap3A_1423, %swap3A_1424, %swap3A_1425] : memref<1x2x16xf32, #tpu.memory_space<smem>>
    memref.store %min3A_1009, %arg5[%swap3A_1423, %swap3A_1424, %swap3A_1425] : memref<1x2x16xf32, #tpu.memory_space<smem>>
    %swap3A_1427 = arith.constant 0 : index
    %swap3A_1428 = arith.constant 1 : index
    %swap3A_1429 = arith.constant 1 : index
    %swap3A_1430 = memref.load %arg5[%swap3A_1427, %swap3A_1428, %swap3A_1429] : memref<1x2x16xf32, #tpu.memory_space<smem>>
    memref.store %min3A_1009, %arg5[%swap3A_1427, %swap3A_1428, %swap3A_1429] : memref<1x2x16xf32, #tpu.memory_space<smem>>
    %swap3A_1431 = arith.constant 0 : index
    %swap3A_1432 = arith.constant 1 : index
    %swap3A_1433 = arith.constant 2 : index
    %swap3A_1434 = memref.load %arg5[%swap3A_1431, %swap3A_1432, %swap3A_1433] : memref<1x2x16xf32, #tpu.memory_space<smem>>
    memref.store %min3A_1009, %arg5[%swap3A_1431, %swap3A_1432, %swap3A_1433] : memref<1x2x16xf32, #tpu.memory_space<smem>>
    %swap3A_1435 = arith.constant 0 : index
    %swap3A_1436 = arith.constant 1 : index
    %swap3A_1437 = arith.constant 3 : index
    %swap3A_1438 = memref.load %arg5[%swap3A_1435, %swap3A_1436, %swap3A_1437] : memref<1x2x16xf32, #tpu.memory_space<smem>>
    memref.store %min3A_1009, %arg5[%swap3A_1435, %swap3A_1436, %swap3A_1437] : memref<1x2x16xf32, #tpu.memory_space<smem>>
    %swap3A_1439 = arith.constant 0 : index
    %swap3A_1440 = arith.constant 1 : index
    %swap3A_1441 = arith.constant 4 : index
    %swap3A_1442 = memref.load %arg5[%swap3A_1439, %swap3A_1440, %swap3A_1441] : memref<1x2x16xf32, #tpu.memory_space<smem>>
    memref.store %min3A_1009, %arg5[%swap3A_1439, %swap3A_1440, %swap3A_1441] : memref<1x2x16xf32, #tpu.memory_space<smem>>
    %swap3A_1443 = arith.constant 0 : index
    %swap3A_1444 = arith.constant 1 : index
    %swap3A_1445 = arith.constant 5 : index
    %swap3A_1446 = memref.load %arg5[%swap3A_1443, %swap3A_1444, %swap3A_1445] : memref<1x2x16xf32, #tpu.memory_space<smem>>
    memref.store %min3A_1009, %arg5[%swap3A_1443, %swap3A_1444, %swap3A_1445] : memref<1x2x16xf32, #tpu.memory_space<smem>>
    %swap3A_1447 = arith.constant 0 : index
    %swap3A_1448 = arith.constant 1 : index
    %swap3A_1449 = arith.constant 6 : index
    %swap3A_1450 = memref.load %arg5[%swap3A_1447, %swap3A_1448, %swap3A_1449] : memref<1x2x16xf32, #tpu.memory_space<smem>>
    memref.store %min3A_1009, %arg5[%swap3A_1447, %swap3A_1448, %swap3A_1449] : memref<1x2x16xf32, #tpu.memory_space<smem>>
    %swap3A_1451 = arith.constant 0 : index
    %swap3A_1452 = arith.constant 1 : index
    %swap3A_1453 = arith.constant 7 : index
    %swap3A_1454 = memref.load %arg5[%swap3A_1451, %swap3A_1452, %swap3A_1453] : memref<1x2x16xf32, #tpu.memory_space<smem>>
    memref.store %min3A_1009, %arg5[%swap3A_1451, %swap3A_1452, %swap3A_1453] : memref<1x2x16xf32, #tpu.memory_space<smem>>
    %swap3A_1455 = arith.constant 0 : index
    %swap3A_1456 = arith.constant 1 : index
    %swap3A_1457 = arith.constant 8 : index
    %swap3A_1458 = memref.load %arg5[%swap3A_1455, %swap3A_1456, %swap3A_1457] : memref<1x2x16xf32, #tpu.memory_space<smem>>
    memref.store %min3A_1009, %arg5[%swap3A_1455, %swap3A_1456, %swap3A_1457] : memref<1x2x16xf32, #tpu.memory_space<smem>>
    %swap3A_1459 = arith.constant 0 : index
    %swap3A_1460 = arith.constant 1 : index
    %swap3A_1461 = arith.constant 9 : index
    %swap3A_1462 = memref.load %arg5[%swap3A_1459, %swap3A_1460, %swap3A_1461] : memref<1x2x16xf32, #tpu.memory_space<smem>>
    memref.store %min3A_1009, %arg5[%swap3A_1459, %swap3A_1460, %swap3A_1461] : memref<1x2x16xf32, #tpu.memory_space<smem>>
    %swap3A_1463 = arith.constant 0 : index
    %swap3A_1464 = arith.constant 1 : index
    %swap3A_1465 = arith.constant 10 : index
    %swap3A_1466 = memref.load %arg5[%swap3A_1463, %swap3A_1464, %swap3A_1465] : memref<1x2x16xf32, #tpu.memory_space<smem>>
    memref.store %min3A_1009, %arg5[%swap3A_1463, %swap3A_1464, %swap3A_1465] : memref<1x2x16xf32, #tpu.memory_space<smem>>
    %swap3A_1467 = arith.constant 0 : index
    %swap3A_1468 = arith.constant 1 : index
    %swap3A_1469 = arith.constant 11 : index
    %swap3A_1470 = memref.load %arg5[%swap3A_1467, %swap3A_1468, %swap3A_1469] : memref<1x2x16xf32, #tpu.memory_space<smem>>
    memref.store %min3A_1009, %arg5[%swap3A_1467, %swap3A_1468, %swap3A_1469] : memref<1x2x16xf32, #tpu.memory_space<smem>>
    %swap3A_1471 = arith.constant 0 : index
    %swap3A_1472 = arith.constant 1 : index
    %swap3A_1473 = arith.constant 12 : index
    %swap3A_1474 = memref.load %arg5[%swap3A_1471, %swap3A_1472, %swap3A_1473] : memref<1x2x16xf32, #tpu.memory_space<smem>>
    memref.store %min3A_1009, %arg5[%swap3A_1471, %swap3A_1472, %swap3A_1473] : memref<1x2x16xf32, #tpu.memory_space<smem>>
    %swap3A_1475 = arith.constant 0 : index
    %swap3A_1476 = arith.constant 1 : index
    %swap3A_1477 = arith.constant 13 : index
    %swap3A_1478 = memref.load %arg5[%swap3A_1475, %swap3A_1476, %swap3A_1477] : memref<1x2x16xf32, #tpu.memory_space<smem>>
    memref.store %min3A_1009, %arg5[%swap3A_1475, %swap3A_1476, %swap3A_1477] : memref<1x2x16xf32, #tpu.memory_space<smem>>
    %swap3A_1479 = arith.constant 0 : index
    %swap3A_1480 = arith.constant 1 : index
    %swap3A_1481 = arith.constant 14 : index
    %swap3A_1482 = memref.load %arg5[%swap3A_1479, %swap3A_1480, %swap3A_1481] : memref<1x2x16xf32, #tpu.memory_space<smem>>
    memref.store %min3A_1009, %arg5[%swap3A_1479, %swap3A_1480, %swap3A_1481] : memref<1x2x16xf32, #tpu.memory_space<smem>>
    %swap3A_1483 = arith.constant 0 : index
    %swap3A_1484 = arith.constant 1 : index
    %swap3A_1485 = arith.constant 15 : index
    %swap3A_1486 = memref.load %arg5[%swap3A_1483, %swap3A_1484, %swap3A_1485] : memref<1x2x16xf32, #tpu.memory_space<smem>>
    memref.store %min3A_1009, %arg5[%swap3A_1483, %swap3A_1484, %swap3A_1485] : memref<1x2x16xf32, #tpu.memory_space<smem>>
    return
  }
  func.func @transform_0(%arg0: i32) -> (i32, i32, i32) {
    %c0_i32 = arith.constant 0 : i32
    %c0_i32_0 = arith.constant 0 : i32
    %c0_i32_1 = arith.constant 0 : i32
    %c0_i32_2 = arith.constant 0 : i32
    return %c0_i32, %c0_i32_0, %c0_i32_1 : i32, i32, i32
  }
  func.func @transform_1(%arg0: i32) -> (i32, i32, i32) {
    %c0_i32 = arith.constant 0 : i32
    %c0_i32_0 = arith.constant 0 : i32
    %c0_i32_1 = arith.constant 0 : i32
    %c0_i32_2 = arith.constant 0 : i32
    return %c0_i32, %c0_i32_0, %c0_i32_1 : i32, i32, i32
  }
  func.func @transform_2(%arg0: i32) -> (i32, i32, i32, i32) {
    %c0_i32 = arith.constant 0 : i32
    %c0_i32_0 = arith.constant 0 : i32
    %c0_i32_1 = arith.constant 0 : i32
    %c0_i32_2 = arith.constant 0 : i32
    return %arg0, %c0_i32, %c0_i32_0, %c0_i32_1 : i32, i32, i32, i32
  }
  func.func @transform_3(%arg0: i32) -> (i32, i32, i32, i32) {
    %c0_i32 = arith.constant 0 : i32
    %c0_i32_0 = arith.constant 0 : i32
    %c0_i32_1 = arith.constant 0 : i32
    %c0_i32_2 = arith.constant 0 : i32
    return %arg0, %c0_i32, %c0_i32_0, %c0_i32_1 : i32, i32, i32, i32
  }
  func.func @transform_4(%arg0: i32) -> (i32, i32, i32) {
    %c0_i32 = arith.constant 0 : i32
    %c0_i32_0 = arith.constant 0 : i32
    %c0_i32_1 = arith.constant 0 : i32
    return %arg0, %c0_i32, %c0_i32_0 : i32, i32, i32
  }
  func.func @transform_5(%arg0: i32) -> (i32, i32, i32) {
    %c0_i32 = arith.constant 0 : i32
    %c0_i32_0 = arith.constant 0 : i32
    %c0_i32_1 = arith.constant 0 : i32
    return %arg0, %c0_i32, %c0_i32_0 : i32, i32, i32
  }
}

</mosaic_0001>

<sc_bundles>
// kernel: kernel.4.cloned.1.call-start
scs
__scs_entry_jumppad:
0x0: {  	(pc) =	sbr.rel $0x88, $3  }
0x1: {  	(tag) =	ssettag $0x0;
	lr =	simm.s32 $0x1  }
0x2: {  	[smem:$0x3F9D] =	sst lr;
	_ =	strace $0xD0000000  }
0x3: {  	_ = 	snop  }
0x4: {  	_ = 	snop  }
0x5: {  	_ = 	snop  }
0x6: {  	_ = 	snop  }
0x7: {  	_ = 	snop  }
__scs_overlays_trampoline_lowered:
0x8: {  	[smem:$0x3FAC] =	sst s0  }
0x9: {  	[smem:$0x3FAD] =	sst s1  }
0xa: {  	[smem:$0x3FAE] =	sst s2  }
0xb: {  	[smem:$0x3FAF] =	sst s3  }
0xc: {  	[smem:$0x3FB0] =	sst s4  }
0xd: {  	[smem:$0x3FB1] =	sst s5  }
0xe: {  	[smem:$0x3FB2] =	sst s6  }
0xf: {  	[smem:$0x3FB3] =	sst s7  }
0x10: {  	[smem:$0x3FB4] =	sst s8  }
0x11: {  	[smem:$0x3FB5] =	sst s9;
	s0 =	simm.s32 @!p0 $0x0  }
0x12: {  	s1 =	sld [smem:$0x3F9B];
	s0 =	simm.s32 @p0 $0x1  }
0x13: {  	[smem:$0x3FB6] =	sst s0;
	s0 =	simm.s32 @!p1 $0x0  }
0x14: {  	s2 =	sld [smem:$0x3F9A];
	s0 =	simm.s32 @p1 $0x1  }
0x15: {  	[smem:$0x3FB7] =	sst s0;
	s0 =	simm.s32 @!p2 $0x0  }
0x16: {  	s3 =	sld [smem:$0x3FDB];
	s0 =	simm.s32 @p2 $0x1  }
0x17: {  	s4 =	simm.s32 $0x1BF5;
	[smem:$0x3FB9] =	sst s0  }
0x18: {  	s0 =	sld [smem:$0x3F9C];
	_ =	swait.ge [sflag:s4], $0x0  }
0x19: {  	s7 =	sld [smem:$0x3F9D]  }
0x1a: {  	s8 =	sadd.s32 $0xFFFFE003, lr  }
0x1b: {  	s9 =	sadd.s32 $0xFFFFFEF7, lr;
	s5 =	simm.s32 $0xFFFFFFFF;
	p2 =	slt.u32 s8, $0xFFFFF086  }
0x1c: {  	p1 =	slt.u32 s9, $0xF7A;
	s5 =	simm.s32 @!p2 $0x0  }
0x1d: {  	s5 =	simm.s32 @p1 $0x1;
	p0 =	seq.s32 s7, s2  }
0x1e: {  	s7 =	smul.u32 @!p0 $0xF7A, s2;
	p2 =	seq.s32 @!p0 s5, $0x0  }
0x1f: {  	s9 =	smul.u32 $0xF7A, s1;
	s8 =	simm.s32 @!p0 $0x1BF5;
	p2 =	por !p2, p0  }
0x20: {  	[sflag:s8] =	ssyncset.s32 @!p0 $0xFFFFF086;
	s6 =	sadd.s32 @!p0 s3, s7;
	s7 =	simm.s32 @!p0 $0x108  }
0x21: {  	s3 =	sadd.s32 s3, s9;
	s6 =	sadd.s32 @!p0 $0x88, s6;
	s7 =	simm.s32 @p2 $0x1082  }
0x22: {  	[simem:s7], [sflag:s8] =	dma.local @!p0 [hbm:s6], $0xF7A  }
0x23: {  	s9 =	sor.u32 $0xD0000000, s2;
	s6 =	simm.s32 $0x108;
	_ =	swait.ge @!p0 [sflag:s8], $0x0  }
0x24: {  	s3 =	sadd.s32 $0x88, s3;
	s6 =	simm.s32 @!p1 $0x1082;
	[sflag:s4] =	ssyncset.s32 $0xFFFFF086  }
0x25: {  	[simem:s6], [sflag:s4] =	dma.local [hbm:s3], $0xF7A  }
0x26: {  	[smem:$0x3F9D] =	sst s1;
	(tag) =	ssettag s2;
	_ =	strace s9  }
0x27: {  	s1 =	sld [smem:$0x3FAD]  }
0x28: {  	s2 =	sld [smem:$0x3FAE]  }
0x29: {  	s4 =	sld [smem:$0x3FB0]  }
0x2a: {  	p0 =	seq.s32 s5, $0x0;
	s5 =	sld [smem:$0x3FB1]  }
0x2b: {  	s6 =	sld [smem:$0x3FB2]  }
0x2c: {  	s7 =	sld [smem:$0x3FB3]  }
0x2d: {  	s3 =	simm.s32 $0x108;
	s8 =	sld [smem:$0x3FB4]  }
0x2e: {  	s3 =	simm.s32 @!p0 $0x1082;
	s9 =	sld [smem:$0x3FB5]  }
0x2f: {  	lr =	sadd.s32 s0, s3;
	s0 =	sld [smem:$0x3FAC]  }
0x30: {  	s3 =	sld [smem:$0x3FAF]  }
0x31: {  	[smem:$0x3FB8] =	sst s10  }
0x32: {  	s10 =	sld [smem:$0x3FB6];
	_ =	sdelay $0x3  }
0x33: {  	p0 =	seq.s32 s10, $0x1;
	s10 =	sld [smem:$0x3FB8];
	_ =	sdelay $0x3  }
0x34: {  	[smem:$0x3FB8] =	sst s10  }
0x35: {  	s10 =	sld [smem:$0x3FB7];
	_ =	sdelay $0x3  }
0x36: {  	p1 =	seq.s32 s10, $0x1;
	s10 =	sld [smem:$0x3FB8];
	_ =	sdelay $0x3  }
0x37: {  	[smem:$0x3FB8] =	sst s10  }
0x38: {  	s10 =	sld [smem:$0x3FB9]  }
0x39: {  	_ = 	snop;
	(pc) =	sbr.ind lr, $3  }
0x3a: {  	_ = 	snop  }
0x3b: {  	_ = 	snop  }
0x3c: {  	p2 =	seq.s32 s10, $0x1;
	s10 =	sld [smem:$0x3FB8]  }
0x3d: {  	_ =	shalt  }
0x3e: {  	_ =	shalt  }
0x3f: {  	_ =	shalt  }
0x40: {  	_ =	shalt  }
0x41: {  	_ =	shalt  }
0x42: {  	_ =	shalt  }
0x43: {  	_ =	shalt  }
0x44: {  	_ =	shalt  }
0x45: {  	_ =	shalt  }
0x46: {  	_ =	shalt  }
0x47: {  	_ =	shalt  }
0x48: {  	_ =	shalt  }
0x49: {  	_ =	shalt  }
0x4a: {  	_ =	shalt  }
0x4b: {  	_ =	shalt  }
0x4c: {  	_ =	shalt  }
0x4d: {  	_ =	shalt  }
0x4e: {  	_ =	shalt  }
0x4f: {  	_ =	shalt  }
0x50: {  	_ =	shalt  }
0x51: {  	_ =	shalt  }
0x52: {  	_ =	shalt  }
0x53: {  	_ =	shalt  }
0x54: {  	_ =	shalt  }
0x55: {  	_ =	shalt  }
0x56: {  	_ =	shalt  }
0x57: {  	_ =	shalt  }
0x58: {  	_ =	shalt  }
0x59: {  	_ =	shalt  }
0x5a: {  	_ =	shalt  }
0x5b: {  	_ =	shalt  }
0x5c: {  	_ =	shalt  }
0x5d: {  	_ =	shalt  }
0x5e: {  	_ =	shalt  }
0x5f: {  	_ =	shalt  }
0x60: {  	_ =	shalt  }
0x61: {  	_ =	shalt  }
0x62: {  	_ =	shalt  }
0x63: {  	_ =	shalt  }
0x64: {  	_ =	shalt  }
0x65: {  	_ =	shalt  }
0x66: {  	_ =	shalt  }
0x67: {  	_ =	shalt  }
0x68: {  	_ =	shalt  }
0x69: {  	_ =	shalt  }
0x6a: {  	_ =	shalt  }
0x6b: {  	_ =	shalt  }
0x6c: {  	_ =	shalt  }
0x6d: {  	_ =	shalt  }
0x6e: {  	_ =	shalt  }
0x6f: {  	_ =	shalt  }
0x70: {  	_ =	shalt  }
0x71: {  	_ =	shalt  }
0x72: {  	_ =	shalt  }
0x73: {  	_ =	shalt  }
0x74: {  	_ =	shalt  }
0x75: {  	_ =	shalt  }
0x76: {  	_ =	shalt  }
0x77: {  	_ =	shalt  }
0x78: {  	_ =	shalt  }
0x79: {  	_ =	shalt  }
0x7a: {  	_ =	shalt  }
0x7b: {  	_ =	shalt  }
0x7c: {  	_ =	shalt  }
0x7d: {  	_ =	shalt  }
0x7e: {  	_ =	shalt  }
0x7f: {  	_ =	shalt  }
0x80: {  	_ =	shalt  }
0x81: {  	_ =	shalt  }
0x82: {  	_ =	shalt  }
0x83: {  	_ =	shalt  }
0x84: {  	_ =	shalt  }
0x85: {  	_ =	shalt  }
0x86: {  	_ =	shalt  }
0x87: {  	_ =	shalt  }
.Lfunc_end0:
.L_simem_size_0:
called_computation_lowered:
.L_overlay_start_0:
0x88: {  	s2 =	sld [smem:$0x3FD9]  }
0x89: {  	s3 =	sld [smem:$0x3FFE];
	_ =	sdelay $0x1  }
0x8a: {  	s1 =	srdreg.scid  }
0x8b: {  	s0 =	sand.u32 $0x1, s1  }
0x8c: {  	s16 =	sshll.u32 s0, $0xA;
	s2 =	sadd.s32 s3, s2  }
0x8d: {  	s2 =	sadd.s32 s2, s16  }
0x8e: {  	[smem:$0x3FC4] =	sst s2  }
0x8f: {  	_ = 	snop  }
0x90: {  	(tm) =	ssettm $0x1  }
0x91: {  	s17 =	sld [smem:$0x3FFB];
	_ =	sdelay $0x3  }
0x92: {  	_ =	strace s17  }
0x93: {  	s2 =	sld [smem:$0x3FFC];
	_ =	sdelay $0x3  }
0x94: {  	_ =	strace s2  }
0x95: {  	s2 =	sld [smem:$0x3FFD];
	_ =	sdelay $0x3  }
0x96: {  	_ =	strace s2  }
0x97: {  	_ =	strace $0x8FFFFFFF  }
0x98: {  	s18 =	sld [smem:$0x3FDB];
	_ =	sdelay $0x1  }
0x99: {  	s19 =	simm.s32 $_scs_section_size  }
0x9a: {  	s4 =	simm.s32 $_size__tile_overlayer_lowered;
	s5 =	simm.s32 $_tile_overlayer_lowered  }
0x9b: {  	s22 =	simm.s32 $0x1BFF;
	s21 =	sshll.u32 s5, $0x1;
	s2 =	sadd.s32 s19, s18  }
0x9c: {  	s6 =	simm.s32 $0x0;
	s20 =	sshll.u32 s4, $0x1;
	s4 =	sadd.s32 s21, s2  }
0x9d: {  	[timem:s6], [sflag:s22] =	dma.local [hbm:s4], s20  }
0x9e: {  	_ =	swait.ge [sflag:s22], s20  }
0x9f: {  	s3 =	ssub.s32 $0x0, s20;
	[sflag:s22] =	ssyncset.done $0x0  }
0xa0: {  	[sflag:s22] =	ssyncadd.s32 s3;
	_ =	sdelay $0x1  }
0xa1: {  	s23 =	simm.s32 $0x1B8B  }
0xa2: {  	_ =	swait.ge [sflag:s23], $0x1  }
0xa3: {  	[sflag:s23] =	ssyncset.done $0x0  }
0xa4: {  	s25 =	simm.s32 $0x1B8E;
	s24 =	sld [smem:$0x3FFE];
	[sflag:s23] =	ssyncadd.s32 $0xFFFFFFFF  }
0xa5: {  	s26 =	simm.s32 $execute0_lowered;
	[smem:$0x3FD2] =	sst s25  }
0xa6: {  	s4 =	sshll.u32 s26, $0x1;
	_ =	strace $0x80000046;
	[dreg:$0x1] =	wrdreg $0xFFFFFFFF  }
0xa7: {  	s28 =	simm.s32 $_size_execute0_lowered;
	s2 =	sadd.s32 s2, s4;
	[dreg:$0x0] =	wrdreg $0x0  }
0xa8: {  	s4 =	sshll.u32 s28, $0x1;
	[dreg:$0x2] =	wrdreg s2  }
0xa9: {  	[dreg:$0x3] =	wrdreg s4  }
0xaa: {  	[dreg:$0x4] =	wrdreg $0xC0  }
0xab: {  	_ =	task [dreg:s6], $0x5FFFF  }
0xac: {  	[dreg:$0x1] =	wrdreg $0xFFFFFFFF  }
0xad: {  	[dreg:$0x0] =	wrdreg $0x60  }
0xae: {  	[dreg:$0x2] =	wrdreg s24  }
0xaf: {  	[dreg:$0x3] =	wrdreg $0x9  }
0xb0: {  	_ =	task.clear_ibuf [dreg:s6], $0x4FFFF;
	_ =	strace $0x90000046  }
0xb1: {  	s29 =	simm.s32 $0x9;
	_ =	strace $0x80000048  }
0xb2: {  	_ =	swait.ge [sflag:s29], $0x1  }
0xb3: {  	[sflag:s29] =	ssyncadd.s32 $0xFFFFFFFF  }
0xb4: {  	_ =	strace $0x90000048  }
0xb5: {  	_ =	sfence  }
0xb6: {  	s30 =	sld [smem:$0x0];
	_ =	sdelay $0x2  }
0xb7: {  	s31 =	sshll.u32 s1, $0xD;
	s1 =	sshrl.u32 s1, $0x2  }
0xb8: {  	s3 =	sand.u32 $0x4000, s31;
	s1 =	sadd.s32 s1, s30  }
0xb9: {  	s0 =	sor.u32 s3, s0;
	s1 =	sshll.u32 s1, $0x11  }
0xba: {  	s0 =	sor.u32 s1, s0  }
0xbb: {  	s0 =	sadd.s32 $0x8F2B, s0  }
0xbc: {  	[sflag:s0] =	ssyncadd.remote.s32 $0x1  }
0xbd: {  	_ =	sfence.sel $0xFFFF  }
0xbe: {  	[dreg:$0x0] =	wrdreg $0xFFFFFFFF;
	(pc) =	sbr.abs _section_cstart, $3  }
0xbf: {  	[dreg:$0x1] =	wrdreg $0xFFFFFFFF  }
0xc0: {  	_ =	task.clear_ibuf [dreg:s6], $0x2FFFF;
	_ =	strace $0x9FFFFFFF  }
0xc1: {  	(tm) =	ssettm $0x7FFFFFFF  }
tec
execute0_lowered:
.L_overlay_start_1:
0x0: {  	(tag) =	ssettag $0x1  }
0x1: {  	s1 =	srdreg.scid  }
0x2: {  	s8 =	rddreg [dreg:$0x0];
	s2 =	simm.s32 $0x0;
	v0 =	vlaneseq.u32;
	s6 =	simm.s32 $0x2500  }
0x3: {  	s0 =	stileid.u32;
	s7 =	simm.s32 $0x2600;
	[smem:$0x7FF] =	sst s2;
	v3 =	vor.u32 $0x80000010, v0;
	v61 =	vor.u32 $0x80000040, v0  }
0x4: {  	s9 =	sand.u32 $0x1, s1;
	s1 =	rddreg [dreg:$0x1];
	_ =	strace $0x80000047;
	[tilespmem:$0x1FF80] =	vst v3;
	v3 =	vor.u32 $0x80000020, v0  }
0x5: {  	s12 =	simm.s32 $0x2800;
	s3 =	sshll.u32 s0, $0x1;
	v60 =	vor.u32 $0x80000050, v0;
	[tilespmem:$0x1FF90] =	vst v3;
	v3 =	vor.u32 $0x80000030, v0  }
0x6: {  	s13 =	simm.s32 $0x2900;
	s14 =	simm.s32 $0x0;
	v59 =	vor.u32 $0x80000060, v0;
	s3 =	sor.u32 s9, s3;
	[tilespmem:$0x1FFA0] =	vst v3;
	v3 =	vor.u32 $0x800000A0, v0  }
0x7: {  	v58 =	vor.u32 $0x80000070, v0;
	s9 =	ssub.s32 $0x2, s9;
	s4 =	sshll.u32 s3, $0x5;
	s5 =	sshll.u32 s3, $0x4;
	[tilespmem:$0x1FFB0] =	vst v3;
	v3 =	vor.u32 $0x800000B0, v0  }
0x8: {  	v1 =	vimm.f32 $1.000000000e+00;
	v57 =	vor.u32 $0x80000080, v0;
	s10 =	smul.u32 $0x480, s3;
	s11 =	sshrl.u32 s9, $0x1;
	s4 =	sadd.s32 s4, s8;
	[tilespmem:$0x1FFC0] =	vst v3;
	v3 =	vor.u32 $0x800000C0, v0  }
0x9: {  	v15 =	vmul.u32 $0xFFFFFFFF, v0;
	v56 =	vor.u32 $0x80000090, v0;
	s5 =	sadd.s32 s5, s8;
	s9 =	ssub.s32 s9, s11;
	s11 =	simm.s32 $0x2700;
	[tilespmem:$0x1FFD0] =	vst v3;
	v3 =	vor.u32 $0x800000D0, v0  }
0xa: {  	v2 =	vimm.f32 $0.0e+00;
	vm0 =	vcmask $0x3F08;
	s3 =	sadd.s32 $0x9000, s4;
	s4 =	sadd.s32 $0x9400, s5;
	s5 =	simm.s32 $0x2400;
	[tilespmem:$0x1FFE0] =	vst v3;
	v3 =	vor.u32 $0x80000000, v0  }
0xb: {  	v63 =	vor.u32 $0x800000E0, v0;
	v19 =	vor.u32 $0x800000F0, v0;
	v15 =	vadd.s32 $0xF, v15;
	s8 =	sadd.s32 s8, s10;
	s9 =	smax.u32 s9, $0x1;
	s10 =	simm.s32 $0x1;
	[tilespmem:$0x1FFF0] =	vst v3  }
.LBB2_1:
0xc: {  	[tilespmem:s2], [sflag:$0x1] =	stream.linear.gather [hbm4b:s8+s2], $0x2300, $0x38;
	[tilespmem:$0x2980] =	vst v63  }
0xd: {  	_ =	swait.ge [sflag:s10], $0x2300  }
0xe: {  	[sflag:s10] =	ssyncset.done $0x0  }
0xf: {  	[sflag:s10] =	ssyncadd.s32 $0xFFFFDD00  }
0x10: {  	[tilespmem:s5], [sflag:$0x1] =	stream.linear.gather [hbm4b:s3+s2], $0x100, $0x38;
	[tilespmem:$0x2980] =	vst v63  }
0x11: {  	_ =	swait.ge [sflag:s10], $0x100  }
0x12: {  	[sflag:s10] =	ssyncset.done $0x0  }
0x13: {  	[sflag:s10] =	ssyncadd.s32 $0xFFFFFF00  }
0x14: {  	s15 =	simm.s32 $0x0;
	v20 =	vld [tilespmem:$0x2480]  }
.LBB2_2:
0x15: {  	p0 =	sne.s32 s15, $0x3C0  }
.Ltmp0:
0x16: {  	s16 =	sshra.s32 s15, $0x2;
	v23 =	vimm.f32 $0.0e+00;
	(pc) =	sbr.rel @p0 .LBB2_2-.Ltmp0, $4  }
0x17: {  	[tilespmem:s16+$0x2500] =	vst v23  }
0x18: {  	[tilespmem:s16+$0x2600] =	vst v23  }
0x19: {  	[tilespmem:s16+$0x2700] =	vst v23  }
0x1a: {  	s15 =	sadd.s32 $0x40, s15;
	[tilespmem:s16+$0x2800] =	vst v23  }
0x1b: {  	s15 =	simm.s32 $0x0  }
0x1c: {  	s16 =	sand.u32 $0xFE00, s15  }
0x1d: {  	s15 =	sand.u32 $0x70, s15;
	s16 =	sshrl.u32 s16, $0x2  }
0x1e: {  	s15 =	sor.u32 s15, s16  }
0x1f: {  	v21 =	vld [tilespmem:s15+$0x0];
	_ =	sdelay $0x4  }
0x20: {  	v22 =	vmul.f32 $1.600000000e+01, v21;
	_ =	sdelay $0x1  }
0x21: {  	v22 =	vtrunc.f32 v22  }
0x22: {  	v22 =	vcvt.f32.s32 v22;
	_ =	sdelay $0x1  }
0x23: {  	vm1 =	vlt.s32 v22, $0xFF  }
0x24: {  	v22 =	vnsel vm1, $0xFF, v22;
	_ =	sdelay $0x2  }
0x25: {  	s30 =	simm.s32 $0x40;
	vm1 =	vgt.f32 v21, $0.0e+00  }
0x26: {  	s31 =	sand.u32 $0xFE00, s30;
	s15 =	simm.s32 $0x10;
	v24 =	vsel vm1, $0x3F800000, v2  }
0x27: {  	s18 =	sshrl.u32 s31, $0x2;
	s16 =	simm.s32 $0x80;
	s17 =	sand.u32 $0x70, s15;
	v29 =	vadd.f32 v24, v23;
	[tilespmem:v22+s6+$0x0] =	vst.idx.add.f32.msk $0xffff, v1  }
.LBB2_4:
0x28: {  	p0 =	sne.s32 s16, $0x8BC0;
	s17 =	sor.u32 s17, s18;
	[tilespmem:v22+s7+$0x0] =	vst.idx.add.f32.msk $0xffff, v21  }
0x29: {  	v21 =	vld [tilespmem:s17+$0x0];
	_ =	sdelay $0x4  }
0x2a: {  	v22 =	vmul.f32 $1.600000000e+01, v21;
	vm1 =	vgt.f32 v21, $0.0e+00  }
0x2b: {  	v23 =	vsel vm1, $0x3F800000, v2  }
0x2c: {  	v22 =	vtrunc.f32 v22;
	v29 =	vadd.f32 v23, v29  }
0x2d: {  	v22 =	vcvt.f32.s32 v22;
	_ =	sdelay $0x1  }
0x2e: {  	vm1 =	vlt.s32 v22, $0xFF  }
0x2f: {  	v22 =	vnsel vm1, $0xFF, v22  }
.Ltmp1:
0x30: {  	(pc) =	sbr.rel @p0 .LBB2_4-.Ltmp1, $3  }
0x31: {  	_ =	sdelay $0x1  }
0x32: {  	s18 =	sand.u32 $0xFE00, s16;
	s15 =	sadd.s32 $0x10, s15  }
0x33: {  	s16 =	sadd.s32 $0x40, s16;
	s17 =	sand.u32 $0x70, s15;
	s18 =	sshrl.u32 s18, $0x2;
	[tilespmem:v22+s6+$0x0] =	vst.idx.add.f32.msk $0xffff, v1  }
0x34: {  	_ =	sdelay $0x3  }
0x35: {  	s15 =	sor.u32 s17, s18;
	[tilespmem:v22+s7+$0x0] =	vst.idx.add.f32.msk $0xffff, v21  }
0x36: {  	v34 =	vld [tilespmem:s15+$0x0];
	_ =	sdelay $0x4  }
0x37: {  	v21 =	vmul.f32 $1.600000000e+01, v34;
	_ =	sdelay $0x1  }
0x38: {  	v21 =	vtrunc.f32 v21  }
0x39: {  	v21 =	vcvt.f32.s32 v21;
	_ =	sdelay $0x1  }
0x3a: {  	vm1 =	vlt.s32 v21, $0xFF  }
0x3b: {  	v21 =	vnsel vm1, $0xFF, v21;
	_ =	sdelay $0x4  }
0x3c: {  	[tilespmem:v21+s6+$0x0] =	vst.idx.add.f32.msk $0xffff, v1  }
0x3d: {  	[tilespmem:v21+s7+$0x0] =	vst.idx.add.f32.msk $0xffff, v34  }
0x3e: {  	v21 =	vld [tilespmem:$0x25F0];
	_ =	sdelay $0x4  }
0x3f: {  	v22 =	vperm.xlane v21, v15;
	_ =	sdelay $0x1  }
0x40: {  	(xrf2) =	vadd.scan.msk.f32 $0xffff, v22;
	_ =	sdelay $0x2  }
0x41: {  	v22 =	vld [tilespmem:$0x25E0];
	_ =	sdelay $0x4  }
0x42: {  	v24 =	vperm.xlane v22, v15;
	_ =	sdelay $0x1  }
0x43: {  	v23, _, _ =	vpop (xrf2);
	(xrf2) =	vadd.scan.msk.f32 $0xffff, v24  }
0x44: {  	v36 =	vperm.xlane v23, v15;
	_ =	sdelay $0x1  }
0x45: {  	v23 =	vadd.f32 $0.0e+00, v36;
	_ =	sdelay $0x1  }
0x46: {  	(xrf0) =	vmax.scan.msk.f32 $0xffff, v23  }
0x47: {  	v23 =	vld [tilespmem:$0x25D0];
	_ =	sdelay $0x3  }
0x48: {  	v25, _, _ =	vpop (xrf2)  }
0x49: {  	v26 =	vperm.xlane v23, v15;
	v24, _, _ =	vpop (xrf0)  }
0x4a: {  	v25 =	vperm.xlane v25, v15;
	v24 =	vbroadcast v24, $0xF  }
0x4b: {  	(xrf2) =	vadd.scan.msk.f32 $0xffff, v26  }
0x4c: {  	v40 =	vadd.f32 v24, v25;
	_ =	sdelay $0x1  }
0x4d: {  	v24 =	vld [tilespmem:$0x25C0];
	(xrf0) =	vmax.scan.msk.f32 $0xffff, v40;
	_ =	sdelay $0x4  }
0x4e: {  	v27 =	vperm.xlane v24, v15  }
0x4f: {  	v25, _, _ =	vpop (xrf0)  }
0x50: {  	v26, _, _ =	vpop (xrf2);
	(xrf2) =	vadd.scan.msk.f32 $0xffff, v27  }
0x51: {  	v25 =	vbroadcast v25, $0xF;
	v26 =	vperm.xlane v26, v15;
	_ =	sdelay $0x1  }
0x52: {  	v41 =	vadd.f32 v25, v26  }
0x53: {  	v25 =	vld [tilespmem:$0x25B0]  }
0x54: {  	(xrf0) =	vmax.scan.msk.f32 $0xffff, v41;
	_ =	sdelay $0x3  }
0x55: {  	v28 =	vperm.xlane v25, v15  }
0x56: {  	v27, _, _ =	vpop (xrf2)  }
0x57: {  	(xrf2) =	vadd.scan.msk.f32 $0xffff, v28;
	v26, _, _ =	vpop (xrf0)  }
0x58: {  	v27 =	vperm.xlane v27, v15;
	v26 =	vbroadcast v26, $0xF;
	_ =	sdelay $0x1  }
0x59: {  	v42 =	vadd.f32 v26, v27  }
0x5a: {  	v26 =	vld [tilespmem:$0x25A0]  }
0x5b: {  	(xrf0) =	vmax.scan.msk.f32 $0xffff, v42;
	_ =	sdelay $0x3  }
0x5c: {  	v30 =	vperm.xlane v26, v15  }
0x5d: {  	v28, _, _ =	vpop (xrf2)  }
0x5e: {  	(xrf2) =	vadd.scan.msk.f32 $0xffff, v30;
	v27, _, _ =	vpop (xrf0)  }
0x5f: {  	v28 =	vperm.xlane v28, v15;
	v27 =	vbroadcast v27, $0xF;
	_ =	sdelay $0x1  }
0x60: {  	v43 =	vadd.f32 v27, v28  }
0x61: {  	v27 =	vld [tilespmem:$0x2590]  }
0x62: {  	(xrf0) =	vmax.scan.msk.f32 $0xffff, v43;
	_ =	sdelay $0x3  }
0x63: {  	v31 =	vperm.xlane v27, v15  }
0x64: {  	v30, _, _ =	vpop (xrf2)  }
0x65: {  	(xrf2) =	vadd.scan.msk.f32 $0xffff, v31;
	v28, _, _ =	vpop (xrf0)  }
0x66: {  	v30 =	vperm.xlane v30, v15;
	v28 =	vbroadcast v28, $0xF;
	_ =	sdelay $0x1  }
0x67: {  	v44 =	vadd.f32 v28, v30  }
0x68: {  	v28 =	vld [tilespmem:$0x2580]  }
0x69: {  	(xrf0) =	vmax.scan.msk.f32 $0xffff, v44;
	_ =	sdelay $0x3  }
0x6a: {  	v32 =	vperm.xlane v28, v15  }
0x6b: {  	v31, _, _ =	vpop (xrf2)  }
0x6c: {  	(xrf2) =	vadd.scan.msk.f32 $0xffff, v32;
	v30, _, _ =	vpop (xrf0)  }
0x6d: {  	v31 =	vperm.xlane v31, v15;
	v30 =	vbroadcast v30, $0xF;
	_ =	sdelay $0x1  }
0x6e: {  	v45 =	vadd.f32 v30, v31  }
0x6f: {  	v30 =	vld [tilespmem:$0x2570]  }
0x70: {  	(xrf0) =	vmax.scan.msk.f32 $0xffff, v45;
	_ =	sdelay $0x3  }
0x71: {  	v33 =	vperm.xlane v30, v15  }
0x72: {  	v32, _, _ =	vpop (xrf2)  }
0x73: {  	(xrf2) =	vadd.scan.msk.f32 $0xffff, v33;
	v31, _, _ =	vpop (xrf0)  }
0x74: {  	v32 =	vperm.xlane v32, v15;
	v31 =	vbroadcast v31, $0xF;
	_ =	sdelay $0x1  }
0x75: {  	v46 =	vadd.f32 v31, v32  }
0x76: {  	v31 =	vld [tilespmem:$0x2560]  }
0x77: {  	(xrf0) =	vmax.scan.msk.f32 $0xffff, v46;
	_ =	sdelay $0x3  }
0x78: {  	v35 =	vperm.xlane v31, v15  }
0x79: {  	v33, _, _ =	vpop (xrf2)  }
0x7a: {  	(xrf2) =	vadd.scan.msk.f32 $0xffff, v35;
	v51, _, _ =	vpop (xrf0)  }
0x7b: {  	v33 =	vperm.xlane v33, v15;
	v32 =	vbroadcast v51, $0xF;
	_ =	sdelay $0x1  }
0x7c: {  	v47 =	vadd.f32 v32, v33  }
0x7d: {  	v32 =	vld [tilespmem:$0x2550]  }
0x7e: {  	(xrf0) =	vmax.scan.msk.f32 $0xffff, v47;
	_ =	sdelay $0x3  }
0x7f: {  	v37 =	vperm.xlane v32, v15  }
0x80: {  	v35, _, _ =	vpop (xrf2)  }
0x81: {  	(xrf2) =	vadd.scan.msk.f32 $0xffff, v37;
	v52, _, _ =	vpop (xrf0)  }
0x82: {  	v35 =	vperm.xlane v35, v15;
	v33 =	vbroadcast v52, $0xF;
	_ =	sdelay $0x1  }
0x83: {  	v48 =	vadd.f32 v33, v35  }
0x84: {  	v33 =	vld [tilespmem:$0x2540]  }
0x85: {  	(xrf0) =	vmax.scan.msk.f32 $0xffff, v48;
	_ =	sdelay $0x3  }
0x86: {  	v38 =	vperm.xlane v33, v15  }
0x87: {  	v37, _, _ =	vpop (xrf2)  }
0x88: {  	(xrf2) =	vadd.scan.msk.f32 $0xffff, v38;
	v53, _, _ =	vpop (xrf0)  }
0x89: {  	v37 =	vperm.xlane v37, v15;
	v35 =	vbroadcast v53, $0xF;
	_ =	sdelay $0x1  }
0x8a: {  	v49 =	vadd.f32 v35, v37  }
0x8b: {  	v35 =	vld [tilespmem:$0x2530]  }
0x8c: {  	(xrf0) =	vmax.scan.msk.f32 $0xffff, v49;
	_ =	sdelay $0x3  }
0x8d: {  	v39 =	vperm.xlane v35, v15  }
0x8e: {  	v38, _, _ =	vpop (xrf2)  }
0x8f: {  	(xrf2) =	vadd.scan.msk.f32 $0xffff, v39;
	v54, _, _ =	vpop (xrf0)  }
0x90: {  	v38 =	vperm.xlane v38, v15;
	v37 =	vbroadcast v54, $0xF;
	_ =	sdelay $0x1  }
0x91: {  	v50 =	vadd.f32 v37, v38  }
0x92: {  	v37 =	vld [tilespmem:$0x2520]  }
0x93: {  	(xrf0) =	vmax.scan.msk.f32 $0xffff, v50;
	_ =	sdelay $0x3  }
0x94: {  	v51 =	vperm.xlane v37, v15  }
0x95: {  	v39, _, _ =	vpop (xrf2)  }
0x96: {  	(xrf2) =	vadd.scan.msk.f32 $0xffff, v51;
	v55, _, _ =	vpop (xrf0)  }
0x97: {  	v39 =	vperm.xlane v39, v15;
	v38 =	vbroadcast v55, $0xF;
	_ =	sdelay $0x1  }
0x98: {  	v51 =	vadd.f32 v38, v39  }
0x99: {  	v38 =	vld [tilespmem:$0x2510]  }
0x9a: {  	(xrf0) =	vmax.scan.msk.f32 $0xffff, v51;
	_ =	sdelay $0x3  }
0x9b: {  	v53 =	vperm.xlane v38, v15  }
0x9c: {  	v52, _, _ =	vpop (xrf2)  }
0x9d: {  	(xrf2) =	vadd.scan.msk.f32 $0xffff, v53;
	v62, _, _ =	vpop (xrf0)  }
0x9e: {  	v52 =	vperm.xlane v52, v15;
	v39 =	vbroadcast v62, $0xF;
	_ =	sdelay $0x1  }
0x9f: {  	v52 =	vadd.f32 v39, v52  }
0xa0: {  	v39 =	vld [tilespmem:$0x2500]  }
0xa1: {  	(xrf0) =	vmax.scan.msk.f32 $0xffff, v52;
	_ =	sdelay $0x3  }
0xa2: {  	v55 =	vperm.xlane v39, v15  }
0xa3: {  	v54, _, _ =	vpop (xrf2)  }
0xa4: {  	(xrf2) =	vadd.scan.msk.f32 $0xffff, v55;
	v4, _, _ =	vpop (xrf0)  }
0xa5: {  	v54 =	vperm.xlane v54, v15;
	v53 =	vbroadcast v4, $0xF;
	_ =	sdelay $0x1  }
0xa6: {  	v53 =	vadd.f32 v53, v54;
	_ =	sdelay $0x1  }
0xa7: {  	(xrf0) =	vmax.scan.msk.f32 $0xffff, v53;
	_ =	sdelay $0x4  }
0xa8: {  	v55, _, _ =	vpop (xrf2)  }
0xa9: {  	v5, _, _ =	vpop (xrf0)  }
0xaa: {  	v3 =	vld [tilespmem:$0x1FFF0];
	v55 =	vperm.xlane v55, v15;
	v54 =	vbroadcast v5, $0xF;
	_ =	sdelay $0x1  }
0xab: {  	v54 =	vadd.f32 v54, v55;
	_ =	sdelay $0x1  }
0xac: {  	vm1 =	vge.f32 v54, v20  }
0xad: {  	v6 =	vnsel vm1, $0x7FFFFFFF, v3;
	v3 =	vld [tilespmem:$0x1FF80];
	_ =	sdelay $0x3  }
0xae: {  	vm2 =	vge.f32 v53, v20  }
0xaf: {  	v7 =	vsel vm2, v3, v6;
	v3 =	vld [tilespmem:$0x1FF90];
	_ =	sdelay $0x3  }
0xb0: {  	vm1 =	vge.f32 v52, v20  }
0xb1: {  	v62 =	vsel vm1, v3, v7;
	v3 =	vld [tilespmem:$0x1FFA0];
	_ =	sdelay $0x3  }
0xb2: {  	vm2 =	vge.f32 v51, v20  }
0xb3: {  	vm1 =	vge.f32 v50, v20;
	v6 =	vsel vm2, v3, v62  }
0xb4: {  	vm2 =	vge.f32 v49, v20;
	v7 =	vsel vm1, v61, v6  }
0xb5: {  	v3 =	vld [tilespmem:$0x1FFB0];
	vm1 =	vge.f32 v48, v20;
	v52 =	vsel vm2, v60, v7  }
0xb6: {  	vm2 =	vge.f32 v47, v20;
	v53 =	vsel vm1, v59, v52  }
0xb7: {  	vm1 =	vge.f32 v46, v20;
	v54 =	vsel vm2, v58, v53  }
0xb8: {  	vm2 =	vge.f32 v45, v20;
	v55 =	vsel vm1, v57, v54  }
0xb9: {  	v17 =	vmov v56;
	vm1 =	vge.f32 v44, v20;
	v56 =	vsel vm2, v56, v55  }
0xba: {  	v16 =	vmov v57;
	v57 =	vsel vm1, v3, v56;
	v3 =	vld [tilespmem:$0x1FFC0];
	_ =	sdelay $0x3  }
0xbb: {  	vm2 =	vge.f32 v43, v20  }
0xbc: {  	v14 =	vmov v58;
	v58 =	vsel vm2, v3, v57;
	v3 =	vld [tilespmem:$0x1FFD0];
	_ =	sdelay $0x3  }
0xbd: {  	vm1 =	vge.f32 v42, v20  }
0xbe: {  	v13 =	vmov v59;
	v59 =	vsel vm1, v3, v58;
	v3 =	vld [tilespmem:$0x1FFE0];
	_ =	sdelay $0x3  }
0xbf: {  	vm2 =	vge.f32 v41, v20  }
0xc0: {  	v12 =	vmov v60;
	vm1 =	vge.f32 v40, v20;
	v60 =	vsel vm2, v3, v59  }
0xc1: {  	v11 =	vmov v61;
	vm2 =	vge.f32 v36, v20;
	v61 =	vsel vm1, v63, v60  }
0xc2: {  	v36 =	vsel vm2, v19, v61  }
0xc3: {  	(xrf0) =	vmax.scan.msk.u32 $0xffff, v36;
	_ =	sdelay $0x5  }
0xc4: {  	v36, _, _ =	vpop (xrf0)  }
0xc5: {  	(v2sf) =	vpush v36, $0xF;
	_ =	sdelay $0x8  }
0xc6: {  	s28 =	simm.s32 $0x0  }
0xc7: {  	s16 =	sand.u32 $0xFE00, s28  }
0xc8: {  	s15 =	sand.u32 $0x70, s28;
	s16 =	sshrl.u32 s16, $0x2  }
0xc9: {  	s15 =	sor.u32 s15, s16  }
0xca: {  	v57 =	vld [tilespmem:s15+$0x0];
	_ =	sdelay $0x1  }
0xcb: {  	s29 =	spop (v2sf)  }
0xcc: {  	s15 =	sxor.u32 $0x80000000, s29  }
0xcd: {  	v51 =	vld [tilespmem:$0x2660];
	v36 =	vmov s15  }
0xce: {  	v50 =	vld [tilespmem:$0x2670];
	v62 =	vmul.f32 $1.600000000e+01, v57;
	v58 =	vcvt.s32.f32 v36  }
0xcf: {  	v49 =	vld [tilespmem:$0x2680]  }
0xd0: {  	v18 =	vmov v63;
	v48 =	vld [tilespmem:$0x2690];
	v63 =	vsub.f32 v62, v58  }
0xd1: {  	v47 =	vld [tilespmem:$0x26A0]  }
0xd2: {  	v52 =	vld [tilespmem:$0x2650];
	v41 =	vtrunc.f32 v62;
	v42 =	vmul.f32 $2.560000000e+02, v63  }
0xd3: {  	v46 =	vld [tilespmem:$0x26B0];
	v41 =	vcvt.f32.s32 v41  }
0xd4: {  	v53 =	vld [tilespmem:$0x2640];
	v42 =	vmax.f32 v42, $0.0e+00  }
0xd5: {  	v45 =	vld [tilespmem:$0x26C0];
	vm1 =	vlt.s32 v41, $0xFF;
	v42 =	vmin.f32 v42, $2.550000000e+02  }
0xd6: {  	v54 =	vld [tilespmem:$0x2630];
	v41 =	vnsel vm1, $0xFF, v41;
	v42 =	vtrunc.f32 v42  }
0xd7: {  	v44 =	vld [tilespmem:$0x26D0];
	vm1 =	veq.s32 v41, v36;
	v59 =	vcvt.f32.s32 v42  }
0xd8: {  	v55 =	vld [tilespmem:$0x2620]  }
0xd9: {  	v56 =	vld [tilespmem:$0x2610]  }
0xda: {  	v40 =	vld [tilespmem:$0x2600]  }
0xdb: {  	s30 =	simm.s32 $0x40;
	vm2 =	vgt.f32 v34, $0.0e+00;
	v41 =	vld [tilespmem:$0x26F0]  }
0xdc: {  	s31 =	sand.u32 $0xFE00, s30;
	v34 =	vsel vm2, $0x3F800000, v2;
	s15 =	simm.s32 $0x10;
	v42 =	vld [tilespmem:$0x26E0]  }
0xdd: {  	s18 =	sshrl.u32 s31, $0x2;
	s16 =	simm.s32 $0x80;
	v43 =	vadd.f32 v34, v29;
	s17 =	sand.u32 $0x70, s15;
	[tilespmem:v59+s11+$0x0] =	vst.idx.add.f32.msk vm1, v1  }
.LBB2_6:
0xde: {  	p0 =	sne.s32 s16, $0x8BC0;
	s17 =	sor.u32 s17, s18;
	[tilespmem:v59+s12+$0x0] =	vst.idx.add.f32.msk vm1, v57  }
0xdf: {  	v57 =	vld [tilespmem:s17+$0x0];
	_ =	sdelay $0x4  }
0xe0: {  	v29 =	vmul.f32 $1.600000000e+01, v57;
	_ =	sdelay $0x1  }
0xe1: {  	v34 =	vsub.f32 v29, v58;
	_ =	sdelay $0x1  }
0xe2: {  	v29 =	vtrunc.f32 v29;
	v34 =	vmul.f32 $2.560000000e+02, v34  }
0xe3: {  	v29 =	vcvt.f32.s32 v29  }
0xe4: {  	v34 =	vmax.f32 v34, $0.0e+00  }
0xe5: {  	vm1 =	vlt.s32 v29, $0xFF;
	v34 =	vmin.f32 v34, $2.550000000e+02  }
0xe6: {  	v29 =	vnsel vm1, $0xFF, v29;
	v34 =	vtrunc.f32 v34  }
0xe7: {  	vm1 =	veq.s32 v29, v36;
	v59 =	vcvt.f32.s32 v34;
	_ =	sdelay $0x1  }
.Ltmp2:
0xe8: {  	(pc) =	sbr.rel @p0 .LBB2_6-.Ltmp2, $3  }
0xe9: {  	_ =	sdelay $0x1  }
0xea: {  	s18 =	sand.u32 $0xFE00, s16;
	s15 =	sadd.s32 $0x10, s15  }
0xeb: {  	s16 =	sadd.s32 $0x40, s16;
	s17 =	sand.u32 $0x70, s15;
	s18 =	sshrl.u32 s18, $0x2;
	[tilespmem:v59+s11+$0x0] =	vst.idx.add.f32.msk vm1, v1  }
0xec: {  	_ =	sdelay $0x4  }
0xed: {  	s15 =	sor.u32 s17, s18;
	[tilespmem:v59+s12+$0x0] =	vst.idx.add.f32.msk vm1, v57  }
0xee: {  	v57 =	vld [tilespmem:s15+$0x0];
	_ =	sdelay $0x4  }
0xef: {  	v29 =	vmul.f32 $1.600000000e+01, v57;
	_ =	sdelay $0x1  }
0xf0: {  	v4 =	vadd.f32 $0.0e+00, v39;
	v34 =	vsub.f32 v29, v58  }
0xf1: {  	vm2 =	vlt.s32 v36, v0;
	v5 =	vadd.f32 $0.0e+00, v40;
	v29 =	vtrunc.f32 v29  }
0xf2: {  	v40 =	vor.u32 $0x10, v0;
	v29 =	vcvt.f32.s32 v29;
	v34 =	vmul.f32 $2.560000000e+02, v34  }
0xf3: {  	v39 =	vor.u32 $0x20, v0;
	vm3 =	vlt.s32 v36, v40;
	v7 =	vnsel vm2, $0x0, v5  }
0xf4: {  	v38 =	vnsel vm3, $0x0, v38;
	vm1 =	vlt.s32 v29, $0xFF;
	v34 =	vmax.f32 v34, $0.0e+00  }
0xf5: {  	v8 =	vnsel vm3, $0x0, v56;
	v29 =	vnsel vm1, $0xFF, v29;
	v34 =	vmin.f32 v34, $2.550000000e+02  }
0xf6: {  	vm1 =	veq.s32 v29, v36;
	v29 =	vnsel vm2, $0x0, v4;
	vm2 =	vlt.s32 v36, v39  }
0xf7: {  	v34 =	vtrunc.f32 v34;
	v29 =	vadd.f32 v38, v29;
	v37 =	vnsel vm2, $0x0, v37  }
0xf8: {  	v38 =	vor.u32 $0x30, v0;
	v6 =	vcvt.f32.s32 v34;
	v34 =	vadd.f32 v8, v7  }
0xf9: {  	v9 =	vnsel vm2, $0x0, v55;
	vm2 =	vlt.s32 v36, v38;
	v29 =	vadd.f32 v29, v37  }
0xfa: {  	v35 =	vnsel vm2, $0x0, v35;
	v37 =	vor.u32 $0x40, v0;
	v34 =	vadd.f32 v34, v9  }
0xfb: {  	v10 =	vnsel vm2, $0x0, v54;
	vm2 =	vlt.s32 v36, v37;
	v29 =	vadd.f32 v29, v35  }
0xfc: {  	v33 =	vnsel vm2, $0x0, v33;
	v35 =	vor.u32 $0x50, v0;
	v34 =	vadd.f32 v34, v10  }
0xfd: {  	v54 =	vnsel vm2, $0x0, v53;
	vm2 =	vlt.s32 v36, v35;
	v29 =	vadd.f32 v29, v33  }
0xfe: {  	v32 =	vnsel vm2, $0x0, v32;
	v33 =	vadd.f32 v34, v54;
	v34 =	vor.u32 $0x60, v0  }
0xff: {  	v55 =	vnsel vm2, $0x0, v52;
	v29 =	vadd.f32 v29, v32;
	vm2 =	vlt.s32 v36, v34  }
0x100: {  	v32 =	vadd.f32 v33, v55;
	v31 =	vnsel vm2, $0x0, v31;
	v33 =	vor.u32 $0x70, v0  }
0x101: {  	v56 =	vnsel vm2, $0x0, v51;
	v29 =	vadd.f32 v29, v31;
	vm2 =	vlt.s32 v36, v33  }
0x102: {  	v31 =	vor.u32 $0x80, v0;
	v32 =	vadd.f32 v32, v56;
	v30 =	vnsel vm2, $0x0, v30  }
0x103: {  	v59 =	vnsel vm2, $0x0, v50;
	vm2 =	vlt.s32 v36, v31;
	v29 =	vadd.f32 v29, v30  }
0x104: {  	v28 =	vnsel vm2, $0x0, v28;
	v30 =	vor.u32 $0x90, v0;
	v32 =	vadd.f32 v32, v59  }
0x105: {  	v60 =	vnsel vm2, $0x0, v49;
	vm2 =	vlt.s32 v36, v30;
	v28 =	vadd.f32 v29, v28  }
0x106: {  	v27 =	vnsel vm2, $0x0, v27;
	v29 =	vor.u32 $0xA0, v0;
	v32 =	vadd.f32 v32, v60  }
0x107: {  	v61 =	vnsel vm2, $0x0, v48;
	vm2 =	vlt.s32 v36, v29;
	v27 =	vadd.f32 v28, v27  }
0x108: {  	v26 =	vnsel vm2, $0x0, v26;
	v28 =	vor.u32 $0xB0, v0;
	v32 =	vadd.f32 v32, v61  }
0x109: {  	v62 =	vnsel vm2, $0x0, v47;
	vm2 =	vlt.s32 v36, v28;
	v26 =	vadd.f32 v27, v26  }
0x10a: {  	v25 =	vnsel vm2, $0x0, v25;
	v27 =	vor.u32 $0xC0, v0;
	v32 =	vadd.f32 v32, v62  }
0x10b: {  	v63 =	vnsel vm2, $0x0, v46;
	vm2 =	vlt.s32 v36, v27;
	v25 =	vadd.f32 v26, v25  }
0x10c: {  	v24 =	vnsel vm2, $0x0, v24;
	v26 =	vor.u32 $0xD0, v0;
	v32 =	vadd.f32 v32, v63  }
0x10d: {  	v4 =	vnsel vm2, $0x0, v45;
	vm2 =	vlt.s32 v36, v26;
	v24 =	vadd.f32 v25, v24  }
0x10e: {  	[tilespmem:v6+s11+$0x0] =	vst.idx.add.f32.msk vm1, v1;
	v23 =	vnsel vm2, $0x0, v23;
	v25 =	vor.u32 $0xE0, v0;
	v32 =	vadd.f32 v32, v4  }
0x10f: {  	[tilespmem:v6+s12+$0x0] =	vst.idx.add.f32.msk vm1, v57;
	v6 =	vnsel vm2, $0x0, v44;
	vm1 =	vlt.s32 v36, v25;
	v5 =	vadd.f32 v24, v23  }
0x110: {  	v22 =	vnsel vm1, $0x0, v22;
	v24 =	vor.u32 $0xF0, v0;
	v23 =	vld [tilespmem:$0x27F0];
	v32 =	vadd.f32 v32, v6  }
0x111: {  	v42 =	vnsel vm1, $0x0, v42;
	vm1 =	vlt.s32 v36, v24;
	v22 =	vadd.f32 v5, v22  }
0x112: {  	v21 =	vnsel vm1, $0x0, v21;
	v32 =	vadd.f32 v32, v42  }
0x113: {  	v7 =	vnsel vm1, $0x0, v41;
	v21 =	vadd.f32 v22, v21  }
0x114: {  	(xrf2) =	vadd.scan.msk.f32 $0xffff, v43;
	v22 =	vadd.f32 v32, v7  }
0x115: {  	v8 =	vperm.xlane v23, v15;
	(xrf2) =	vadd.scan.msk.f32 $0xffff, v21  }
0x116: {  	(xrf2) =	vadd.scan.msk.f32 $0xffff, v22  }
0x117: {  	(xrf2) =	vadd.scan.msk.f32 $0xffff, v8;
	_ =	sdelay $0x2  }
0x118: {  	v32 =	vld [tilespmem:$0x27E0];
	_ =	sdelay $0x3  }
0x119: {  	v9, _, _ =	vpop (xrf2)  }
0x11a: {  	v47 =	vperm.xlane v32, v15;
	v10, _, _ =	vpop (xrf2)  }
0x11b: {  	v45, _, _ =	vpop (xrf2)  }
0x11c: {  	(xrf2) =	vadd.scan.msk.f32 $0xffff, v47;
	v46, _, _ =	vpop (xrf2)  }
0x11d: {  	(xrf0) =	vmax.scan.msk.f32 $0xffff, v9;
	v49 =	vperm.xlane v46, v15  }
0x11e: {  	(xrf0) =	vmax.scan.msk.f32 $0xffff, v10  }
0x11f: {  	(xrf0) =	vmax.scan.msk.f32 $0xffff, v45;
	v48 =	vadd.f32 $0.0e+00, v49  }
0x120: {  	v36 =	vld [tilespmem:$0x27D0]  }
0x121: {  	(xrf0) =	vmax.scan.msk.f32 $0xffff, v48;
	_ =	sdelay $0x1  }
0x122: {  	v21, _, _ =	vpop (xrf0)  }
0x123: {  	v45, _, _ =	vpop (xrf0)  }
0x124: {  	v51 =	vperm.xlane v36, v15;
	v22, _, _ =	vpop (xrf0)  }
0x125: {  	v42, _, _ =	vpop (xrf2)  }
0x126: {  	(xrf2) =	vadd.scan.msk.f32 $0xffff, v51;
	v50, _, _ =	vpop (xrf0)  }
0x127: {  	v42 =	vperm.xlane v42, v15;
	v41 =	vbroadcast v50, $0xF;
	_ =	sdelay $0x1  }
0x128: {  	v51 =	vadd.f32 v41, v42  }
0x129: {  	v41 =	vld [tilespmem:$0x27C0]  }
0x12a: {  	(xrf0) =	vmax.scan.msk.f32 $0xffff, v51;
	_ =	sdelay $0x3  }
0x12b: {  	v53 =	vperm.xlane v41, v15  }
0x12c: {  	v43, _, _ =	vpop (xrf2)  }
0x12d: {  	(xrf2) =	vadd.scan.msk.f32 $0xffff, v53;
	v52, _, _ =	vpop (xrf0)  }
0x12e: {  	v43 =	vperm.xlane v43, v15;
	v42 =	vbroadcast v52, $0xF;
	_ =	sdelay $0x1  }
0x12f: {  	v52 =	vadd.f32 v42, v43  }
0x130: {  	v42 =	vld [tilespmem:$0x27B0]  }
0x131: {  	(xrf0) =	vmax.scan.msk.f32 $0xffff, v52;
	_ =	sdelay $0x3  }
0x132: {  	v55 =	vperm.xlane v42, v15  }
0x133: {  	v44, _, _ =	vpop (xrf2)  }
0x134: {  	(xrf2) =	vadd.scan.msk.f32 $0xffff, v55;
	v54, _, _ =	vpop (xrf0)  }
0x135: {  	v44 =	vperm.xlane v44, v15;
	v43 =	vbroadcast v54, $0xF;
	_ =	sdelay $0x1  }
0x136: {  	v54 =	vadd.f32 v43, v44  }
0x137: {  	v43 =	vld [tilespmem:$0x27A0]  }
0x138: {  	(xrf0) =	vmax.scan.msk.f32 $0xffff, v54;
	_ =	sdelay $0x3  }
0x139: {  	v57 =	vperm.xlane v43, v15  }
0x13a: {  	v46, _, _ =	vpop (xrf2)  }
0x13b: {  	(xrf2) =	vadd.scan.msk.f32 $0xffff, v57;
	v56, _, _ =	vpop (xrf0)  }
0x13c: {  	v46 =	vperm.xlane v46, v15;
	v44 =	vbroadcast v56, $0xF;
	_ =	sdelay $0x1  }
0x13d: {  	v55 =	vadd.f32 v44, v46  }
0x13e: {  	v44 =	vld [tilespmem:$0x2790]  }
0x13f: {  	(xrf0) =	vmax.scan.msk.f32 $0xffff, v55;
	_ =	sdelay $0x3  }
0x140: {  	v59 =	vperm.xlane v44, v15  }
0x141: {  	v47, _, _ =	vpop (xrf2)  }
0x142: {  	(xrf2) =	vadd.scan.msk.f32 $0xffff, v59;
	v58, _, _ =	vpop (xrf0)  }
0x143: {  	v47 =	vperm.xlane v47, v15;
	v46 =	vbroadcast v58, $0xF;
	_ =	sdelay $0x1  }
0x144: {  	v56 =	vadd.f32 v46, v47  }
0x145: {  	v46 =	vld [tilespmem:$0x2780]  }
0x146: {  	(xrf0) =	vmax.scan.msk.f32 $0xffff, v56;
	_ =	sdelay $0x3  }
0x147: {  	v61 =	vperm.xlane v46, v15  }
0x148: {  	v48, _, _ =	vpop (xrf2)  }
0x149: {  	(xrf2) =	vadd.scan.msk.f32 $0xffff, v61;
	v60, _, _ =	vpop (xrf0)  }
0x14a: {  	v48 =	vperm.xlane v48, v15;
	v47 =	vbroadcast v60, $0xF;
	_ =	sdelay $0x1  }
0x14b: {  	v57 =	vadd.f32 v47, v48  }
0x14c: {  	v47 =	vld [tilespmem:$0x2770]  }
0x14d: {  	(xrf0) =	vmax.scan.msk.f32 $0xffff, v57;
	_ =	sdelay $0x3  }
0x14e: {  	v63 =	vperm.xlane v47, v15  }
0x14f: {  	v50, _, _ =	vpop (xrf2)  }
0x150: {  	(xrf2) =	vadd.scan.msk.f32 $0xffff, v63;
	v62, _, _ =	vpop (xrf0)  }
0x151: {  	v50 =	vperm.xlane v50, v15;
	v48 =	vbroadcast v62, $0xF;
	_ =	sdelay $0x1  }
0x152: {  	v58 =	vadd.f32 v48, v50  }
0x153: {  	v48 =	vld [tilespmem:$0x2760]  }
0x154: {  	(xrf0) =	vmax.scan.msk.f32 $0xffff, v58;
	_ =	sdelay $0x3  }
0x155: {  	v5 =	vperm.xlane v48, v15  }
0x156: {  	v53, _, _ =	vpop (xrf2)  }
0x157: {  	(xrf2) =	vadd.scan.msk.f32 $0xffff, v5;
	v4, _, _ =	vpop (xrf0)  }
0x158: {  	v53 =	vperm.xlane v53, v15;
	v50 =	vbroadcast v4, $0xF;
	_ =	sdelay $0x1  }
0x159: {  	v59 =	vadd.f32 v50, v53  }
0x15a: {  	v50 =	vld [tilespmem:$0x2750]  }
0x15b: {  	(xrf0) =	vmax.scan.msk.f32 $0xffff, v59;
	_ =	sdelay $0x3  }
0x15c: {  	v61 =	vperm.xlane v50, v15  }
0x15d: {  	v60, _, _ =	vpop (xrf2)  }
0x15e: {  	(xrf2) =	vadd.scan.msk.f32 $0xffff, v61;
	v6, _, _ =	vpop (xrf0)  }
0x15f: {  	v60 =	vperm.xlane v60, v15;
	v53 =	vbroadcast v6, $0xF;
	_ =	sdelay $0x1  }
0x160: {  	v60 =	vadd.f32 v53, v60  }
0x161: {  	v53 =	vld [tilespmem:$0x2740]  }
0x162: {  	(xrf0) =	vmax.scan.msk.f32 $0xffff, v60;
	_ =	sdelay $0x3  }
0x163: {  	v63 =	vperm.xlane v53, v15  }
0x164: {  	v62, _, _ =	vpop (xrf2)  }
0x165: {  	(xrf2) =	vadd.scan.msk.f32 $0xffff, v63;
	v7, _, _ =	vpop (xrf0)  }
0x166: {  	v62 =	vperm.xlane v62, v15;
	v61 =	vbroadcast v7, $0xF;
	_ =	sdelay $0x1  }
0x167: {  	v61 =	vadd.f32 v61, v62  }
0x168: {  	v62 =	vld [tilespmem:$0x2730]  }
0x169: {  	(xrf0) =	vmax.scan.msk.f32 $0xffff, v61;
	_ =	sdelay $0x3  }
0x16a: {  	v4 =	vperm.xlane v62, v15  }
0x16b: {  	v3, _, _ =	vpop (xrf2)  }
0x16c: {  	(xrf2) =	vadd.scan.msk.f32 $0xffff, v4;
	v8, _, _ =	vpop (xrf0)  }
0x16d: {  	v3 =	vperm.xlane v3, v15;
	v63 =	vbroadcast v8, $0xF;
	_ =	sdelay $0x1  }
0x16e: {  	v3 =	vadd.f32 v63, v3  }
0x16f: {  	v4 =	vld [tilespmem:$0x2720]  }
0x170: {  	(xrf0) =	vmax.scan.msk.f32 $0xffff, v3;
	_ =	sdelay $0x3  }
0x171: {  	v6 =	vperm.xlane v4, v15  }
0x172: {  	v5, _, _ =	vpop (xrf2)  }
0x173: {  	(xrf2) =	vadd.scan.msk.f32 $0xffff, v6;
	v9, _, _ =	vpop (xrf0)  }
0x174: {  	v5 =	vperm.xlane v5, v15;
	v63 =	vbroadcast v9, $0xF;
	_ =	sdelay $0x1  }
0x175: {  	v5 =	vadd.f32 v63, v5  }
0x176: {  	v6 =	vld [tilespmem:$0x2710]  }
0x177: {  	(xrf0) =	vmax.scan.msk.f32 $0xffff, v5;
	_ =	sdelay $0x3  }
0x178: {  	v8 =	vperm.xlane v6, v15  }
0x179: {  	v7, _, _ =	vpop (xrf2)  }
0x17a: {  	(xrf2) =	vadd.scan.msk.f32 $0xffff, v8;
	v63, _, _ =	vpop (xrf0)  }
0x17b: {  	v7 =	vperm.xlane v7, v15;
	v63 =	vbroadcast v63, $0xF;
	_ =	sdelay $0x1  }
0x17c: {  	v7 =	vadd.f32 v63, v7  }
0x17d: {  	v8 =	vld [tilespmem:$0x2700]  }
0x17e: {  	(xrf0) =	vmax.scan.msk.f32 $0xffff, v7;
	_ =	sdelay $0x3  }
0x17f: {  	v10 =	vperm.xlane v8, v15  }
0x180: {  	v9, _, _ =	vpop (xrf2)  }
0x181: {  	(xrf2) =	vadd.scan.msk.f32 $0xffff, v10;
	v63, _, _ =	vpop (xrf0)  }
0x182: {  	v9 =	vperm.xlane v9, v15;
	v63 =	vbroadcast v63, $0xF;
	_ =	sdelay $0x1  }
0x183: {  	v9 =	vadd.f32 v63, v9;
	_ =	sdelay $0x1  }
0x184: {  	(xrf0) =	vmax.scan.msk.f32 $0xffff, v9;
	_ =	sdelay $0x4  }
0x185: {  	v45 =	vbroadcast v45, $0xF;
	v63, _, _ =	vpop (xrf2)  }
0x186: {  	v10, _, _ =	vpop (xrf0)  }
0x187: {  	v45 =	vsub.f32 v20, v45;
	v63 =	vperm.xlane v63, v15;
	v10 =	vbroadcast v10, $0xF;
	_ =	sdelay $0x1  }
0x188: {  	v10 =	vadd.f32 v10, v63;
	v63 =	vmax.f32 v45, $0.0e+00  }
0x189: {  	vm2 =	vge.f32 v9, v63;
	v9 =	vld [tilespmem:$0x1FFF0]  }
0x18a: {  	vm1 =	vge.f32 v10, v63;
	v10 =	vld [tilespmem:$0x1FF80];
	_ =	sdelay $0x3  }
0x18b: {  	v9 =	vnsel vm1, $0x7FFFFFFF, v9  }
0x18c: {  	vm1 =	vge.f32 v7, v63;
	v7 =	vsel vm2, v10, v9;
	v10 =	vld [tilespmem:$0x1FF90];
	_ =	sdelay $0x4  }
0x18d: {  	vm2 =	vge.f32 v5, v63;
	v5 =	vsel vm1, v10, v7;
	vm1 =	vge.f32 v3, v63;
	v3 =	vld [tilespmem:$0x1FFA0];
	_ =	sdelay $0x4  }
0x18e: {  	v3 =	vsel vm2, v3, v5  }
0x18f: {  	vm2 =	vge.f32 v61, v63;
	v3 =	vsel vm1, v11, v3  }
0x190: {  	v9 =	vld [tilespmem:$0x1FFB0];
	vm1 =	vge.f32 v60, v63;
	v3 =	vsel vm2, v12, v3  }
0x191: {  	v10 =	vld [tilespmem:$0x1FFC0];
	vm2 =	vge.f32 v59, v63;
	v3 =	vsel vm1, v13, v3  }
0x192: {  	v61 =	vmov v11;
	v11 =	vld [tilespmem:$0x1FFD0];
	vm1 =	vge.f32 v58, v63;
	v3 =	vsel vm2, v14, v3  }
0x193: {  	vm2 =	vge.f32 v57, v63;
	v3 =	vsel vm1, v16, v3  }
0x194: {  	vm1 =	vge.f32 v56, v63;
	v3 =	vsel vm2, v17, v3  }
0x195: {  	vm2 =	vge.f32 v55, v63;
	v3 =	vsel vm1, v9, v3  }
0x196: {  	vm1 =	vge.f32 v54, v63;
	v3 =	vsel vm2, v10, v3  }
0x197: {  	v3 =	vsel vm1, v11, v3;
	vm1 =	vge.f32 v51, v63;
	v51 =	vld [tilespmem:$0x1FFE0];
	_ =	sdelay $0x3  }
0x198: {  	vm2 =	vge.f32 v52, v63  }
0x199: {  	v3 =	vsel vm2, v51, v3  }
0x19a: {  	vm2 =	vge.f32 v49, v63;
	v3 =	vsel vm1, v18, v3  }
0x19b: {  	v3 =	vsel vm2, v19, v3  }
0x19c: {  	(xrf0) =	vmax.scan.msk.u32 $0xffff, v3;
	_ =	sdelay $0x5  }
0x19d: {  	v3, _, _ =	vpop (xrf0)  }
0x19e: {  	(v2sf) =	vpush v3, $0xF;
	_ =	sdelay $0xc  }
0x19f: {  	v3 =	vld [tilespmem:$0x2800];
	_ =	sdelay $0x1  }
0x1a0: {  	s31 =	spop (v2sf)  }
0x1a1: {  	s15 =	sxor.u32 $0x80000000, s31  }
0x1a2: {  	v52 =	vadd.f32 $0.0e+00, v8;
	v49 =	vmov s15  }
0x1a3: {  	v3 =	vadd.f32 $0.0e+00, v3;
	vm1 =	vlt.s32 v49, v0;
	vm2 =	veq.s32 v49, v0  }
0x1a4: {  	v5 =	vld [tilespmem:$0x2810];
	vm3 =	vlt.s32 v49, v40;
	vm4 =	vlt.s32 v49, v28;
	vm5 =	vlt.s32 v49, v27  }
0x1a5: {  	vm11 =	veq.s32 v49, v27;
	vm6 =	vlt.s32 v49, v26;
	vm12 =	veq.s32 v49, v26  }
0x1a6: {  	vm13 =	vlt.s32 v49, v25;
	vm7 =	veq.s32 v49, v25;
	vm14 =	vlt.s32 v49, v24  }
0x1a7: {  	vm15 =	veq.s32 v49, v24;
	v8 =	vnsel vm1, $0x0, v52;
	v54 =	vnsel vm1, $0x0, v3  }
0x1a8: {  	v9 =	vld [tilespmem:$0x2820];
	vm1 =	veq.s32 v49, v40;
	v55 =	vnsel vm3, $0x0, v6;
	v7 =	vnsel vm2, $0x0, v52  }
0x1a9: {  	v11 =	vnsel vm3, $0x0, v5;
	v3 =	vnsel vm2, $0x0, v3;
	vm2 =	veq.s32 v49, v38  }
0x1aa: {  	vm3 =	vlt.s32 v49, v29;
	v25 =	vnsel vm7, $0x0, v32;
	v8 =	vadd.f32 v55, v8  }
0x1ab: {  	v10 =	vadd.f32 v11, v54;
	v6 =	vnsel vm1, $0x0, v6;
	v5 =	vnsel vm1, $0x0, v5  }
0x1ac: {  	vm1 =	vlt.s32 v49, v39;
	v6 =	vadd.f32 v6, v7;
	v7 =	vld [tilespmem:$0x2830];
	v3 =	vadd.f32 v5, v3  }
0x1ad: {  	v51 =	vnsel vm1, $0x0, v4;
	v52 =	vnsel vm1, $0x0, v9;
	vm1 =	veq.s32 v49, v39  }
0x1ae: {  	v5 =	vadd.f32 v8, v51;
	v54 =	vadd.f32 v10, v52;
	v4 =	vnsel vm1, $0x0, v4  }
0x1af: {  	v55 =	vld [tilespmem:$0x2840];
	v9 =	vnsel vm1, $0x0, v9;
	vm1 =	vlt.s32 v49, v38;
	v4 =	vadd.f32 v6, v4  }
0x1b0: {  	v38 =	vnsel vm2, $0x0, v62;
	v3 =	vadd.f32 v3, v9;
	v9 =	vnsel vm1, $0x0, v62  }
0x1b1: {  	v39 =	vld [tilespmem:$0x2850];
	v5 =	vadd.f32 v5, v9;
	v4 =	vadd.f32 v4, v38;
	v11 =	vnsel vm1, $0x0, v7  }
0x1b2: {  	v7 =	vnsel vm2, $0x0, v7;
	vm1 =	vlt.s32 v49, v37;
	vm2 =	veq.s32 v49, v37  }
0x1b3: {  	v6 =	vadd.f32 v54, v11;
	v3 =	vadd.f32 v3, v7;
	v40 =	vnsel vm1, $0x0, v53  }
0x1b4: {  	v51 =	vnsel vm1, $0x0, v55;
	v52 =	vnsel vm2, $0x0, v53;
	v53 =	vnsel vm2, $0x0, v55  }
0x1b5: {  	vm1 =	vlt.s32 v49, v35;
	vm2 =	veq.s32 v49, v34;
	v5 =	vadd.f32 v5, v40  }
0x1b6: {  	v54 =	vld [tilespmem:$0x2860];
	v4 =	vadd.f32 v4, v52;
	v55 =	vnsel vm1, $0x0, v50;
	v62 =	vnsel vm1, $0x0, v39  }
0x1b7: {  	vm1 =	veq.s32 v49, v35;
	v6 =	vadd.f32 v6, v51;
	v3 =	vadd.f32 v3, v53  }
0x1b8: {  	v37 =	vnsel vm1, $0x0, v50;
	v9 =	vnsel vm1, $0x0, v39;
	vm1 =	vlt.s32 v49, v34  }
0x1b9: {  	v38 =	vld [tilespmem:$0x2870];
	v50 =	vnsel vm2, $0x0, v48;
	v5 =	vadd.f32 v5, v55;
	v4 =	vadd.f32 v4, v37  }
0x1ba: {  	v39 =	vnsel vm1, $0x0, v48;
	v6 =	vadd.f32 v6, v62;
	v3 =	vadd.f32 v3, v9  }
0x1bb: {  	v10 =	vld [tilespmem:$0x28A0];
	v5 =	vadd.f32 v5, v39;
	v40 =	vnsel vm1, $0x0, v54;
	v8 =	vnsel vm2, $0x0, v54  }
0x1bc: {  	v4 =	vadd.f32 v4, v50;
	vm1 =	vlt.s32 v49, v33;
	vm2 =	veq.s32 v49, v33  }
0x1bd: {  	v51 =	vld [tilespmem:$0x2880];
	v39 =	vnsel vm3, $0x0, v43;
	v50 =	vnsel vm5, $0x0, v41;
	v6 =	vadd.f32 v6, v40  }
0x1be: {  	v3 =	vadd.f32 v3, v8;
	v52 =	vnsel vm1, $0x0, v47;
	v53 =	vnsel vm1, $0x0, v38  }
0x1bf: {  	v54 =	vnsel vm2, $0x0, v47;
	v55 =	vnsel vm2, $0x0, v38;
	vm1 =	vlt.s32 v49, v31  }
0x1c0: {  	vm2 =	vlt.s32 v49, v30;
	v40 =	vnsel vm3, $0x0, v10;
	vm3 =	veq.s32 v49, v28  }
0x1c1: {  	v8 =	vld [tilespmem:$0x2890];
	v5 =	vadd.f32 v5, v52;
	v4 =	vadd.f32 v4, v54;
	v62 =	vnsel vm1, $0x0, v46  }
0x1c2: {  	v33 =	vnsel vm1, $0x0, v51;
	vm1 =	veq.s32 v49, v31;
	v35 =	vnsel vm2, $0x0, v44  }
0x1c3: {  	v28 =	vnsel vm3, $0x0, v42;
	v6 =	vadd.f32 v6, v53;
	v3 =	vadd.f32 v3, v55  }
0x1c4: {  	v34 =	vnsel vm1, $0x0, v46;
	v9 =	vnsel vm1, $0x0, v51;
	v5 =	vadd.f32 v5, v62  }
0x1c5: {  	vm1 =	veq.s32 v49, v30;
	v6 =	vadd.f32 v6, v33;
	v3 =	vadd.f32 v3, v9;
	v9 =	vld [tilespmem:$0x28B0]  }
0x1c6: {  	v48 =	vld [tilespmem:$0x28D0];
	v4 =	vadd.f32 v4, v34;
	v5 =	vadd.f32 v5, v35;
	v37 =	vnsel vm2, $0x0, v8  }
0x1c7: {  	v38 =	vnsel vm1, $0x0, v44;
	vm2 =	veq.s32 v49, v29;
	v29 =	vld [tilespmem:$0x28C0];
	v6 =	vadd.f32 v6, v37  }
0x1c8: {  	v52 =	vnsel vm11, $0x0, v41;
	v4 =	vadd.f32 v4, v38;
	v5 =	vadd.f32 v5, v39  }
0x1c9: {  	v46 =	vnsel vm4, $0x0, v42;
	v44 =	vnsel vm2, $0x0, v43;
	v6 =	vadd.f32 v6, v40  }
0x1ca: {  	v53 =	vld [tilespmem:$0x28E0];
	v4 =	vadd.f32 v4, v44;
	v5 =	vadd.f32 v5, v46;
	v47 =	vnsel vm4, $0x0, v9  }
0x1cb: {  	v54 =	vnsel vm6, $0x0, v36;
	v55 =	vnsel vm6, $0x0, v48;
	v6 =	vadd.f32 v6, v47  }
0x1cc: {  	v4 =	vadd.f32 v4, v28;
	v51 =	vnsel vm5, $0x0, v29;
	v5 =	vadd.f32 v5, v50  }
0x1cd: {  	v62 =	vld [tilespmem:$0x28F0];
	v34 =	vnsel vm13, $0x0, v32;
	v33 =	vnsel vm12, $0x0, v36;
	v6 =	vadd.f32 v6, v51  }
0x1ce: {  	v38 =	vnsel vm1, $0x0, v8;
	v4 =	vadd.f32 v4, v52;
	v5 =	vadd.f32 v5, v54  }
0x1cf: {  	v3 =	vadd.f32 v3, v38;
	v35 =	vnsel vm13, $0x0, v53;
	v6 =	vadd.f32 v6, v55  }
0x1d0: {  	v40 =	vnsel vm2, $0x0, v10;
	v4 =	vadd.f32 v4, v33;
	v5 =	vadd.f32 v5, v34  }
0x1d1: {  	v36 =	vnsel vm14, $0x0, v23;
	v3 =	vadd.f32 v3, v40;
	v6 =	vadd.f32 v6, v35  }
0x1d2: {  	v37 =	vnsel vm14, $0x0, v62;
	v4 =	vadd.f32 v4, v25;
	v5 =	vadd.f32 v5, v36  }
0x1d3: {  	v39 =	vnsel vm15, $0x0, v23;
	v41 =	vnsel vm3, $0x0, v9;
	v6 =	vadd.f32 v6, v37  }
0x1d4: {  	v3 =	vadd.f32 v3, v41;
	v4 =	vadd.f32 v4, v39;
	(xrf2) =	vadd.scan.msk.f32 $0xffff, v5  }
0x1d5: {  	v42 =	vnsel vm11, $0x0, v29;
	(xrf2) =	vadd.scan.msk.f32 $0xffff, v6  }
0x1d6: {  	v3 =	vadd.f32 v3, v42;
	(xrf2) =	vadd.scan.msk.f32 $0xffff, v4  }
0x1d7: {  	v43 =	vnsel vm12, $0x0, v48  }
0x1d8: {  	v3 =	vadd.f32 v3, v43  }
0x1d9: {  	v44 =	vnsel vm7, $0x0, v53  }
0x1da: {  	v3 =	vadd.f32 v3, v44  }
0x1db: {  	v48 =	vnsel vm15, $0x0, v62  }
0x1dc: {  	v3 =	vadd.f32 v3, v48;
	_ =	sdelay $0x1  }
0x1dd: {  	v46, _, _ =	vpop (xrf2);
	(xrf2) =	vadd.scan.msk.f32 $0xffff, v3  }
0x1de: {  	v47, _, _ =	vpop (xrf2);
	(xrf0) =	vmax.scan.msk.f32 $0xffff, v46  }
0x1df: {  	(xrf0) =	vmax.scan.msk.f32 $0xffff, v47;
	v49, _, _ =	vpop (xrf2)  }
0x1e0: {  	(xrf0) =	vmax.scan.msk.f32 $0xffff, v49;
	_ =	sdelay $0x3  }
0x1e1: {  	v3, _, _ =	vpop (xrf0)  }
0x1e2: {  	v50, _, _ =	vpop (xrf0)  }
0x1e3: {  	v51, _, _ =	vpop (xrf0)  }
0x1e4: {  	v5 =	vmax.f32 v51, $1.000000000e+00  }
0x1e5: {  	v5 =	vbroadcast v5, $0xF;
	_ =	sdelay $0x1  }
0x1e6: {  	v52, _, _ =	vpop (xrf2);
	(erf) = vrcp.f32 v5  }
0x1e7: {  	(xrf0) =	vmax.scan.msk.f32 $0xffff, v52;
	_ =	sdelay $0x5  }
0x1e8: {  	v3 =	vbroadcast v3, $0xF;
	v53, _, _ =	vpop (xrf0)  }
0x1e9: {  	v5 =	vbroadcast v53, $0xF  }
0x1ea: {  	v3 =	vsub.f32 v45, v3;
	v54 =	vpop (erf)  }
0x1eb: {  	v4 =	vadd.f32 v50, v22;
	v5 =	vmul.f32 v54, v5  }
0x1ec: {  	v3 =	vmax.f32 v3, $0.0e+00  }
0x1ed: {  	v4 =	vbroadcast v4, $0xF;
	v3 =	vmul.f32 v5, v3  }
0x1ee: {  	v55 =	vbroadcast v21, $0xF  }
0x1ef: {  	v3 =	vadd.f32 v3, v4  }
0x1f0: {  	vm1 =	vgt.f32 v20, $5.000000000e-01;
	v62 =	vmin.f32 v20, v55  }
0x1f1: {  	s14 =	sadd.s32 $0x1, s14;
	v4 =	vsel vm0, $0x0, v62;
	v3 =	vnsel vm1, $0x0, v3;
	vm1 =	vmmov $0x1  }
0x1f2: {  	p0 =	sne.s32 s14, s9;
	v3 =	vsel vm1, v3, v4  }
.Ltmp3:
0x1f3: {  	[tilespmem:$0x2900] =	vst v3;
	(pc) =	sbr.rel @p0 .LBB2_1-.Ltmp3, $4  }
0x1f4: {  	[hbm4b:s4+s2] =	stream.linear.scatter [tilespmem:s13], [sflag:$0x1], $0x80, $0x38;
	[tilespmem:$0x2980] =	vst v63  }
0x1f5: {  	_ =	swait.ge [sflag:s10], $0x80  }
0x1f6: {  	v60 =	vmov v12;
	[sflag:s10] =	ssyncset.done $0x0  }
0x1f7: {  	v59 =	vmovc v13;
	v58 =	vmovc v14;
	v57 =	vmov v16;
	v56 =	vmov v17;
	v63 =	vmov v18;
	[sflag:s10] =	ssyncadd.s32 $0xFFFFFF80  }
0x1f8: {  	_ =	sfence.sel $0x180000  }
0x1f9: {  	[bflag:$0x0] =	sbarrier.arrive $0xFFFF  }
0x1fa: {  	p0 =	sne.s32 s0, $0x0;
	_ =	strace $0x90000047  }
0x1fb: {  	s0 =	sadd.s32 @!p0 $0x100000, s1;
	[bflag:$0x2] =	sbarrier.arrive $0xFFFF  }
0x1fc: {  	[sflag:s0] =	ssyncadd.tile.s32 @!p0 $0x1;
	_ =	shalt  }
.Lfunc_end2:
_tile_overlayer_lowered:
.L_overlay_start_2:
0x1fd: {  	(tag) =	ssettag $0x2  }
0x1fe: {  	s0 =	rddreg [dreg:$0x0];
	s2 =	stileid.u32  }
0x1ff: {  	s1 =	rddreg [dreg:$0x1];
	p0 =	sne.s32 s2, $0x0  }
0x200: {  	s3 =	rddreg [dreg:$0x2];
	[bflag:$0x3] =	sbarrier.arrive $0xFFFF;
	s2 =	simm.s32 @!p0 $0x1C01  }
0x201: {  	[timem:s3], [sflag:s2] =	dma.local @!p0 [hbm:s0], s1  }
0x202: {  	s0 =	simm.s32 @!p0 $0x1  }
0x203: {  	_ =	swait.ge @!p0 [sflag:s0], s1  }
0x204: {  	s1 =	ssub.s32 @!p0 $0x0, s1;
	[sflag:s0] =	ssyncset.done @!p0 $0x0  }
0x205: {  	[sflag:s0] =	ssyncadd.s32 @!p0 s1  }
0x206: {  	[bflag:$0x3] =	sbarrier.arrive $0xFFFF  }
0x207: {  	_ =	shalt  }

</sc_bundles>
